<compile_context>
chip_gen: v7x
topology: tpu7x:2x2x1
jax: 0.10.2.dev20260603
libtpu: 0.0.44.dev20260713+nightly
codegen_flags: <defaults>
</compile_context>

<pallas_src>
import functools

import jax
import jax.numpy as jnp
from jax import lax
from jax.experimental import pallas as pl
from jax.experimental.pallas import tpu as pltpu
from jax.experimental.pallas import tpu_sc as plsc

N = 10000
E = 320000
D = 128
FQ = 96
NTILES = 16
EPT = E // NTILES
B = 80
CPT = EPT // B
RING = 4
MRING = RING + 1
NPAD = 10240
RPT = NPAD // NTILES

_RANGES = {
    (0, 0): ((0, 96, 1),),
    (0, 1): ((0, 32, 1), (32, 96, 2)),
    (1, 0): ((0, 64, 2), (64, 96, 3)),
    (1, 1): ((0, 96, 3),),
}


def _mm_body(x_ref, w_ref, b_ref, o0_ref, o1_ref, o2_ref, o3_ref):
    acc = (jnp.dot(x_ref[...], w_ref[...], preferred_element_type=jnp.float32)
           + b_ref[...])
    o0_ref[...] = acc[:, 0 * FQ:1 * FQ]
    o1_ref[...] = acc[:, 1 * FQ:2 * FQ]
    o2_ref[...] = acc[:, 2 * FQ:3 * FQ]
    o3_ref[...] = acc[:, 3 * FQ:4 * FQ]


def _matmul(x, w, b):
    R = 2000
    return pl.pallas_call(
        _mm_body,
        grid=(N // R,),
        in_specs=[
            pl.BlockSpec((R, D), lambda i: (i, 0)),
            pl.BlockSpec((D, 3 * D), lambda i: (0, 0)),
            pl.BlockSpec((1, 3 * D), lambda i: (0, 0)),
        ],
        out_specs=[pl.BlockSpec((R, FQ), lambda i: (i, 0))] * 4,
        out_shape=[jax.ShapeDtypeStruct((N, FQ), jnp.float32)] * 4,
    )(x, w, b)


def _scale_group(rows_ref, cv, p, base, w1):
    ranges = _RANGES[(cv, p)]
    pw = {1: w1}
    if any(e >= 2 for (_, _, e) in ranges):
        pw[2] = w1 * w1
    if any(e == 3 for (_, _, e) in ranges):
        pw[3] = pw[2] * w1 if 2 in pw else w1 * w1 * w1
    iota = lax.iota(jnp.int32, 16)
    ridx = iota + base

    for (lo, hi, e) in ranges:
        mul = pw[e]

        @plsc.parallel_loop(lo, hi, unroll=16)
        def _(f):
            col = jnp.bitwise_xor(f, iota)
            v = plsc.load_gather(rows_ref, [ridx, col])
            plsc.store_scatter(rows_ref, [ridx, col], v * mul)


def _drain(sem, src_like, dst_like):
    pltpu.make_async_copy(src_like, dst_like, sem).wait()


def _run_pass(cv, p, s, table, out, meta_hbm, meta_v, rows, acc_sh,
              isem, gsems, ssems):
    cbase = s * CPT
    meta_dummy = meta_hbm.at[0]
    rows_dummy = table.at[pl.ds(0, B)]

    def _mwait():
        _drain(isem, meta_dummy, meta_v.at[0])

    def _gfire(k):
        mk = meta_v.at[lax.rem(k, MRING), 0]
        dst = rows.at[pl.ds(lax.rem(k, RING) * B, B)]
        for par in range(2):
            @pl.when(lax.rem(k, 2) == par)
            def _():
                pltpu.async_copy(table.at[mk], dst, gsems[par])

    def _gwait(k):
        for par in range(2):
            @pl.when(lax.rem(k, 2) == par)
            def _():
                _drain(gsems[par], rows_dummy, rows.at[pl.ds(0, B)])

    def _sfire(k):
        sk = rows.at[pl.ds(lax.rem(k, RING) * B, B)]
        dk = acc_sh.at[meta_v.at[lax.rem(k, MRING), 1]]
        for par in range(2):
            @pl.when(lax.rem(k, 2) == par)
            def _():
                pltpu.async_copy(sk, dk, ssems[par], add=True)

    def _swait(k):
        for par in range(2):
            @pl.when(lax.rem(k, 2) == par)
            def _():
                _drain(ssems[par], rows_dummy, rows.at[pl.ds(0, B)])

    pltpu.async_copy(meta_hbm.at[cbase], meta_v.at[0], isem)
    _mwait()
    pltpu.async_copy(meta_hbm.at[cbase + 1], meta_v.at[1], isem)
    _gfire(0)

    @pl.loop(0, CPT)
    def _it(i):
        slot = lax.rem(i, RING)
        mslot = lax.rem(i, MRING)

        @pl.when(i + 1 < CPT)
        def _():
            _mwait()
            _gfire(i + 1)

        @pl.when(i + 2 < CPT)
        def _():
            pltpu.async_copy(meta_hbm.at[cbase + i + 2],
                             meta_v.at[lax.rem(i + 2, MRING)], isem)

        _gwait(i)

        @plsc.parallel_loop(0, B // 16)
        def _grp(g):
            w1 = plsc.bitcast(meta_v[mslot, 2, pl.ds(g * 16, 16)],
                              jnp.float32)
            _scale_group(rows, cv, p, slot * B + g * 16, w1)

        @pl.when(i >= 2)
        def _():
            _swait(i - 2)

        _sfire(i)

    _swait(CPT - 2)
    _swait(CPT - 1)


def _sc_body(q0, q1, q2, q3, meta_hbm,
             o00, o01, o10, o11,
             meta_v, rows, acc_sh, isem, gsem0, gsem1, ssem0, ssem1):
    c = lax.axis_index("c")
    s = lax.axis_index("s")
    tables = ((q0, q1), (q2, q3))
    outs = ((o00, o01), (o10, o11))

    for p in range(2):
        zero16 = jnp.zeros((16,), jnp.float32)

        @pl.loop(0, B)
        def _zrow(i):
            for j in range(FQ // 16):
                rows[i, pl.ds(j * 16, 16)] = zero16

        for k in range(RPT // B):
            pltpu.sync_copy(rows.at[pl.ds(0, B)],
                            acc_sh.at[pl.ds(s * RPT + k * B, B)])
        plsc.subcore_barrier()

        for cv in range(2):
            @pl.when(c == cv)
            def _():
                _run_pass(cv, p, s, tables[cv][p], outs[cv][p], meta_hbm,
                          meta_v, rows, acc_sh, isem, (gsem0, gsem1),
                          (ssem0, ssem1))

        plsc.subcore_barrier()

        for cv in range(2):
            @pl.when(c == cv)
            def _():
                for k in range(RPT // B):
                    r0 = s * RPT + k * B
                    pltpu.sync_copy(acc_sh.at[pl.ds(r0, B)],
                                    outs[cv][p].at[pl.ds(r0, B)])


_sc_scatter = functools.partial(
    pl.kernel,
    out_type=[jax.ShapeDtypeStruct((NPAD, FQ), jnp.float32)] * 4,
    mesh=plsc.VectorSubcoreMesh(core_axis_name="c", subcore_axis_name="s"),
    compiler_params=pltpu.CompilerParams(
        use_tc_tiling_on_sc=False, needs_layout_passes=False),
    scratch_types=[
        pltpu.VMEM((MRING, 3, B), jnp.int32),
        pltpu.VMEM((RING * B, FQ), jnp.float32),
        pltpu.VMEM_SHARED((NPAD, FQ), jnp.float32),
        pltpu.SemaphoreType.DMA,
        pltpu.SemaphoreType.DMA,
        pltpu.SemaphoreType.DMA,
        pltpu.SemaphoreType.DMA,
        pltpu.SemaphoreType.DMA,
    ],
)(_sc_body)


def _ep_body(a0_ref, a1_ref, a2_ref, a3_ref, th_ref, o_ref):
    a0 = a0_ref[...]
    a1 = a1_ref[...]
    a2 = a2_ref[...]
    a3 = a3_ref[...]
    t0 = th_ref[0, 0]
    t1 = th_ref[0, 1]
    t2 = th_ref[0, 2]
    b0 = jnp.concatenate([a0, a1[:, :32]], axis=1)
    b1 = jnp.concatenate([a1[:, 32:], a2[:, :64]], axis=1)
    b2 = jnp.concatenate([a2[:, 64:], a3], axis=1)
    h = (t0 * jnp.maximum(b0, 0.0)
         + t1 * jnp.maximum(b1, 0.0)
         + t2 * jnp.maximum(b2, 0.0))
    m = jnp.max(h, axis=1, keepdims=True)
    lse = jnp.log(jnp.sum(jnp.exp(h - m), axis=1, keepdims=True)) + m
    o_ref[...] = h - lse


def _epilogue(accs, theta):
    R = 2000
    return pl.pallas_call(
        _ep_body,
        grid=(N // R,),
        in_specs=[pl.BlockSpec((R, FQ), lambda i: (i, 0))] * 4
        + [pl.BlockSpec(memory_space=pltpu.SMEM)],
        out_specs=pl.BlockSpec((R, D), lambda i: (i, 0)),
        out_shape=jax.ShapeDtypeStruct((N, D), jnp.float32),
    )(*accs, theta)


def kernel(x, edge_index, edge_weight, Ws, bs, thetas):
    w_cat = jnp.concatenate([Ws[-1, 0], Ws[-1, 1], Ws[-1, 2]], axis=1)
    b_cat = bs[-1].reshape(1, 3 * D)
    theta = thetas[-1].reshape(1, 3)
    src = edge_index[0]
    dst = edge_index[1]
    wbits = jax.lax.bitcast_convert_type(edge_weight, jnp.int32)
    meta = jnp.stack(
        [src.reshape(-1, B), dst.reshape(-1, B), wbits.reshape(-1, B)],
        axis=1)

    quarters = _matmul(x, w_cat, b_cat)
    a00, a01, a10, a11 = _sc_scatter(*quarters, meta)
    return _epilogue([a00[:N], a01[:N], a10[:N], a11[:N]], theta)

# --- scband reference (transcript-rebuilt; emitter-appended) ---
"""Pipeline reference for scband-ssob-gnn-54417235640675 (READ-ONLY COPY).

The authoritative reference and input builder live on the scoring server;
editing this copy changes nothing except your own understanding.
"""

import jax, jax.numpy as jnp
import numpy as np

N = 10000      # n_nodes
E = 320000     # n_edges
D = 128        # in_channels == hidden_units == out_channels
ALPHA = 3      # number of sparse Sobolev filter powers per cascade layer
L = 3          # number_layers


def setup_inputs(seed: int = 0) -> dict:
    key = jax.random.key(seed)
    ks = jax.random.split(key, 8)
    x = jax.random.normal(ks[0], (N, D), dtype=jnp.float32)
    edge_index = jax.random.randint(ks[1], (2, E), 0, N, dtype=jnp.int32)
    edge_weight = jax.random.uniform(ks[2], (E,), dtype=jnp.float32)
    # CascadeLayer weights: one (D, D) linear per alpha per layer
    Ws = jax.random.normal(ks[3], (L, ALPHA, D, D), dtype=jnp.float32) * (1.0 / np.sqrt(D))
    bs = jnp.zeros((L, ALPHA, D), dtype=jnp.float32)
    # LinearCombinationLayer weights: one scalar per alpha branch per layer
    thetas = jnp.ones((L, ALPHA), dtype=jnp.float32) / ALPHA
    return {"x": x, "edge_index": edge_index, "edge_weight": edge_weight,
            "Ws": Ws, "bs": bs, "thetas": thetas}


def reference(x, edge_index, edge_weight, Ws, bs, thetas):
    # Faithful translation of SSobGNN.forward with aggregation='linear'.
    # Note: the original forward passes data.x (NOT the running x) into every
    # CascadeLayer; we replicate that behavior, which requires
    # in_channels == hidden_units.
    src = edge_index[0]
    dst = edge_index[1]
    out = x
    for i in range(L):
        # CascadeLayer: alpha parallel sparse-Sobolev graph convolutions, where
        # branch a uses the Hadamard power edge_weight**(a+1) on the same sparsity.
        hs = []
        for a in range(ALPHA):
            w_a = edge_weight ** (a + 1)
            xw = x @ Ws[i, a] + bs[i, a]
            msg = jnp.take(xw, src, axis=0) * w_a[:, None]
            agg = jnp.zeros((N, D), dtype=xw.dtype).at[dst].add(msg)
            hs.append(jax.nn.relu(agg))
        # LinearCombinationLayer: learned scalar-weighted sum over alpha branches
        out = hs[0] * thetas[i, 0]
        for a in range(1, ALPHA):
            out = out + hs[a] * thetas[i, a]
    return jax.nn.log_softmax(out, axis=-1)

if __name__ == "__main__":
    import jax
    _d = setup_inputs()
    print(jax.jit(kernel)(*tuple(_d.values())))

</pallas_src>

<mosaic_0001>
#map = affine_map<(d0, d1) -> (0, 0)>
#map1 = affine_map<(d0, d1) -> (0, 0, 0)>
module attributes {stable_mosaic.version = 14 : i64} {
  func.func @_sc_body(%arg0: i32, %arg1: i32, %arg2: memref<10000x96xf32, #tpu.memory_space<hbm>>, %arg3: memref<10000x96xf32, #tpu.memory_space<hbm>>, %arg4: memref<10000x96xf32, #tpu.memory_space<hbm>>, %arg5: memref<10000x96xf32, #tpu.memory_space<hbm>>, %arg6: memref<4000x3x80xi32, #tpu.memory_space<hbm>>, %arg7: memref<10240x96xf32, #tpu.memory_space<hbm>>, %arg8: memref<10240x96xf32, #tpu.memory_space<hbm>>, %arg9: memref<10240x96xf32, #tpu.memory_space<hbm>>, %arg10: memref<10240x96xf32, #tpu.memory_space<hbm>>, %arg11: memref<5x3x80xi32, #tpu.memory_space<vmem>>, %arg12: memref<320x96xf32, #tpu.memory_space<vmem>>, %arg13: memref<10240x96xf32, #tpu.memory_space<vmem_shared>>, %arg14: memref<!tpu.dma_semaphore, #tpu.memory_space<semaphore_mem>>, %arg15: memref<!tpu.dma_semaphore, #tpu.memory_space<semaphore_mem>>, %arg16: memref<!tpu.dma_semaphore, #tpu.memory_space<semaphore_mem>>, %arg17: memref<!tpu.dma_semaphore, #tpu.memory_space<semaphore_mem>>, %arg18: memref<!tpu.dma_semaphore, #tpu.memory_space<semaphore_mem>>) attributes {dimension_semantics = [#tpu.dimension_semantics<core_parallel>, #tpu.dimension_semantics<subcore_parallel>], iteration_bounds = array<i64: 2, 16>, scalar_prefetch = 0 : i64, scratch_operands = 8 : i64, tpu.core_type = #tpu.core_type<sc_vector_subcore>, window_params = [{transform_indices = #map}, {transform_indices = #map}, {transform_indices = #map}, {transform_indices = #map}, {transform_indices = #map1}, {transform_indices = #map}, {transform_indices = #map}, {transform_indices = #map}, {transform_indices = #map}]} {
    %broadcast_in_dim3A = arith.constant 0.000000e+00 : f32
    %broadcast_in_dim3A_0 = vector.broadcast %broadcast_in_dim3A : f32 to vector<16xf32>
    %scan3A = arith.constant 0 : i32
    %scan3A_1 = arith.constant 80 : i32
    %scan3A_2 = arith.addi %scan3A, %scan3A_1 : i32
    %scan3A_3 = arith.constant 1 : i32
    scf.for %scan3A_114 = %scan3A to %scan3A_2 step %scan3A_3  : i32 {
      %mul3A_115 = arith.constant 1 : i32
      %mul3A_116 = arith.muli %scan3A_114, %mul3A_115 : i32
      %add3A_117 = arith.constant 0 : i32
      %add3A_118 = arith.addi %add3A_117, %mul3A_116 : i32
      %swap3A = arith.index_cast %add3A_118 : i32 to index
      %swap3A_119 = arith.constant 0 : index
      %swap3A_120 = tpu.vector_load %arg12[%swap3A, %swap3A_119] {strides = array<i32>} : memref<320x96xf32, #tpu.memory_space<vmem>>, vector<16xf32>,
      tpu.vector_store %arg12[%swap3A, %swap3A_119], %broadcast_in_dim3A_0 {strides = array<i32>} : memref<320x96xf32, #tpu.memory_space<vmem>>, vector<16xf32>,
      %swap3A_121 = arith.index_cast %add3A_118 : i32 to index
      %swap3A_122 = arith.constant 16 : index
      %swap3A_123 = tpu.vector_load %arg12[%swap3A_121, %swap3A_122] {strides = array<i32>} : memref<320x96xf32, #tpu.memory_space<vmem>>, vector<16xf32>,
      tpu.vector_store %arg12[%swap3A_121, %swap3A_122], %broadcast_in_dim3A_0 {strides = array<i32>} : memref<320x96xf32, #tpu.memory_space<vmem>>, vector<16xf32>,
      %swap3A_124 = arith.index_cast %add3A_118 : i32 to index
      %swap3A_125 = arith.constant 32 : index
      %swap3A_126 = tpu.vector_load %arg12[%swap3A_124, %swap3A_125] {strides = array<i32>} : memref<320x96xf32, #tpu.memory_space<vmem>>, vector<16xf32>,
      tpu.vector_store %arg12[%swap3A_124, %swap3A_125], %broadcast_in_dim3A_0 {strides = array<i32>} : memref<320x96xf32, #tpu.memory_space<vmem>>, vector<16xf32>,
      %swap3A_127 = arith.index_cast %add3A_118 : i32 to index
      %swap3A_128 = arith.constant 48 : index
      %swap3A_129 = tpu.vector_load %arg12[%swap3A_127, %swap3A_128] {strides = array<i32>} : memref<320x96xf32, #tpu.memory_space<vmem>>, vector<16xf32>,
      tpu.vector_store %arg12[%swap3A_127, %swap3A_128], %broadcast_in_dim3A_0 {strides = array<i32>} : memref<320x96xf32, #tpu.memory_space<vmem>>, vector<16xf32>,
      %swap3A_130 = arith.index_cast %add3A_118 : i32 to index
      %swap3A_131 = arith.constant 64 : index
      %swap3A_132 = tpu.vector_load %arg12[%swap3A_130, %swap3A_131] {strides = array<i32>} : memref<320x96xf32, #tpu.memory_space<vmem>>, vector<16xf32>,
      tpu.vector_store %arg12[%swap3A_130, %swap3A_131], %broadcast_in_dim3A_0 {strides = array<i32>} : memref<320x96xf32, #tpu.memory_space<vmem>>, vector<16xf32>,
      %swap3A_133 = arith.index_cast %add3A_118 : i32 to index
      %swap3A_134 = arith.constant 80 : index
      %swap3A_135 = tpu.vector_load %arg12[%swap3A_133, %swap3A_134] {strides = array<i32>} : memref<320x96xf32, #tpu.memory_space<vmem>>, vector<16xf32>,
      tpu.vector_store %arg12[%swap3A_133, %swap3A_134], %broadcast_in_dim3A_0 {strides = array<i32>} : memref<320x96xf32, #tpu.memory_space<vmem>>, vector<16xf32>,
    }
    %scan3A_4 = arith.constant 80 : i32
    %mul3A = arith.constant 640 : i32
    %mul3A_5 = arith.muli %arg1, %mul3A : i32
    %add3A = arith.constant 0 : i32
    %add3A_6 = arith.addi %mul3A_5, %add3A : i32
    "tpu.region"() ({
      %run_scoped3A = tpu.sem_alloc : memref<!tpu.dma_semaphore, #tpu.memory_space<semaphore_mem>>
      %dma_start3A = arith.constant 0 : i32
      %dma_start3A_114 = arith.constant 0 : i32
      %dma_start3A_115 = tpu.memref_slice %arg12[%dma_start3A, %dma_start3A_114] : memref<320x96xf32, #tpu.memory_space<vmem>> -> memref<80x96xf32, #tpu.memory_space<vmem>>
      %dma_start3A_116 = arith.constant 0 : i32
      %dma_start3A_117 = tpu.memref_slice %arg13[%add3A_6, %dma_start3A_116] : memref<10240x96xf32, #tpu.memory_space<vmem_shared>> -> memref<80x96xf32, #tpu.memory_space<vmem_shared>>
      %dma_start3A_118 = arith.constant 0 : i32
      %dma_start3A_119 = tpu.memref_slice %arg13[%add3A_6, %dma_start3A_118] : memref<10240x96xf32, #tpu.memory_space<vmem_shared>> -> memref<80x96xf32, #tpu.memory_space<vmem_shared>>
      %dma_start3A_120 = arith.constant 0 : i32
      %dma_start3A_121 = arith.constant 0 : i32
      %dma_start3A_122 = tpu.memref_slice %arg12[%dma_start3A_120, %dma_start3A_121] : memref<320x96xf32, #tpu.memory_space<vmem>> -> memref<80x96xf32, #tpu.memory_space<vmem>>
      tpu.enqueue_dma source(%dma_start3A_122 : memref<80x96xf32, #tpu.memory_space<vmem>>) target(%dma_start3A_119 : memref<80x96xf32, #tpu.memory_space<vmem_shared>>) target_semaphore(%run_scoped3A : memref<!tpu.dma_semaphore, #tpu.memory_space<semaphore_mem>>)
      %dma_wait3A = arith.constant 0 : i32
      %dma_wait3A_123 = arith.constant 0 : i32
      %dma_wait3A_124 = tpu.memref_slice %arg12[%dma_wait3A, %dma_wait3A_123] : memref<320x96xf32, #tpu.memory_space<vmem>> -> memref<80x96xf32, #tpu.memory_space<vmem>>
      %dma_wait3A_125 = arith.constant 0 : i32
      %dma_wait3A_126 = tpu.memref_slice %arg13[%add3A_6, %dma_wait3A_125] : memref<10240x96xf32, #tpu.memory_space<vmem_shared>> -> memref<80x96xf32, #tpu.memory_space<vmem_shared>>
      %dma_wait3A_127 = arith.constant 0 : i32
      %dma_wait3A_128 = tpu.memref_slice %arg13[%add3A_6, %dma_wait3A_127] : memref<10240x96xf32, #tpu.memory_space<vmem_shared>> -> memref<80x96xf32, #tpu.memory_space<vmem_shared>>
      %dma_wait3A_129 = arith.constant 0 : i32
      %dma_wait3A_130 = arith.constant 0 : i32
      %dma_wait3A_131 = tpu.memref_slice %arg12[%dma_wait3A_129, %dma_wait3A_130] : memref<320x96xf32, #tpu.memory_space<vmem>> -> memref<80x96xf32, #tpu.memory_space<vmem>>
      tpu.wait_dma2 semaphore(%run_scoped3A : memref<!tpu.dma_semaphore, #tpu.memory_space<semaphore_mem>>) src(%dma_wait3A_131 : memref<80x96xf32, #tpu.memory_space<vmem>>) dst(%dma_wait3A_128 : memref<80x96xf32, #tpu.memory_space<vmem_shared>>)
      tpu.yield
    }) : () -> ()
    %mul3A_7 = arith.constant 640 : i32
    %mul3A_8 = arith.muli %arg1, %mul3A_7 : i32
    %add3A_9 = arith.constant 80 : i32
    %add3A_10 = arith.addi %mul3A_8, %add3A_9 : i32
    "tpu.region"() ({
      %run_scoped3A = tpu.sem_alloc : memref<!tpu.dma_semaphore, #tpu.memory_space<semaphore_mem>>
      %dma_start3A = arith.constant 0 : i32
      %dma_start3A_114 = arith.constant 0 : i32
      %dma_start3A_115 = tpu.memref_slice %arg12[%dma_start3A, %dma_start3A_114] : memref<320x96xf32, #tpu.memory_space<vmem>> -> memref<80x96xf32, #tpu.memory_space<vmem>>
      %dma_start3A_116 = arith.constant 0 : i32
      %dma_start3A_117 = tpu.memref_slice %arg13[%add3A_10, %dma_start3A_116] : memref<10240x96xf32, #tpu.memory_space<vmem_shared>> -> memref<80x96xf32, #tpu.memory_space<vmem_shared>>
      %dma_start3A_118 = arith.constant 0 : i32
      %dma_start3A_119 = tpu.memref_slice %arg13[%add3A_10, %dma_start3A_118] : memref<10240x96xf32, #tpu.memory_space<vmem_shared>> -> memref<80x96xf32, #tpu.memory_space<vmem_shared>>
      %dma_start3A_120 = arith.constant 0 : i32
      %dma_start3A_121 = arith.constant 0 : i32
      %dma_start3A_122 = tpu.memref_slice %arg12[%dma_start3A_120, %dma_start3A_121] : memref<320x96xf32, #tpu.memory_space<vmem>> -> memref<80x96xf32, #tpu.memory_space<vmem>>
      tpu.enqueue_dma source(%dma_start3A_122 : memref<80x96xf32, #tpu.memory_space<vmem>>) target(%dma_start3A_119 : memref<80x96xf32, #tpu.memory_space<vmem_shared>>) target_semaphore(%run_scoped3A : memref<!tpu.dma_semaphore, #tpu.memory_space<semaphore_mem>>)
      %dma_wait3A = arith.constant 0 : i32
      %dma_wait3A_123 = arith.constant 0 : i32
      %dma_wait3A_124 = tpu.memref_slice %arg12[%dma_wait3A, %dma_wait3A_123] : memref<320x96xf32, #tpu.memory_space<vmem>> -> memref<80x96xf32, #tpu.memory_space<vmem>>
      %dma_wait3A_125 = arith.constant 0 : i32
      %dma_wait3A_126 = tpu.memref_slice %arg13[%add3A_10, %dma_wait3A_125] : memref<10240x96xf32, #tpu.memory_space<vmem_shared>> -> memref<80x96xf32, #tpu.memory_space<vmem_shared>>
      %dma_wait3A_127 = arith.constant 0 : i32
      %dma_wait3A_128 = tpu.memref_slice %arg13[%add3A_10, %dma_wait3A_127] : memref<10240x96xf32, #tpu.memory_space<vmem_shared>> -> memref<80x96xf32, #tpu.memory_space<vmem_shared>>
      %dma_wait3A_129 = arith.constant 0 : i32
      %dma_wait3A_130 = arith.constant 0 : i32
      %dma_wait3A_131 = tpu.memref_slice %arg12[%dma_wait3A_129, %dma_wait3A_130] : memref<320x96xf32, #tpu.memory_space<vmem>> -> memref<80x96xf32, #tpu.memory_space<vmem>>
      tpu.wait_dma2 semaphore(%run_scoped3A : memref<!tpu.dma_semaphore, #tpu.memory_space<semaphore_mem>>) src(%dma_wait3A_131 : memref<80x96xf32, #tpu.memory_space<vmem>>) dst(%dma_wait3A_128 : memref<80x96xf32, #tpu.memory_space<vmem_shared>>)
      tpu.yield
    }) : () -> ()
    %mul3A_11 = arith.constant 640 : i32
    %mul3A_12 = arith.muli %arg1, %mul3A_11 : i32
    %add3A_13 = arith.constant 160 : i32
    %add3A_14 = arith.addi %mul3A_12, %add3A_13 : i32
    "tpu.region"() ({
      %run_scoped3A = tpu.sem_alloc : memref<!tpu.dma_semaphore, #tpu.memory_space<semaphore_mem>>
      %dma_start3A = arith.constant 0 : i32
      %dma_start3A_114 = arith.constant 0 : i32
      %dma_start3A_115 = tpu.memref_slice %arg12[%dma_start3A, %dma_start3A_114] : memref<320x96xf32, #tpu.memory_space<vmem>> -> memref<80x96xf32, #tpu.memory_space<vmem>>
      %dma_start3A_116 = arith.constant 0 : i32
      %dma_start3A_117 = tpu.memref_slice %arg13[%add3A_14, %dma_start3A_116] : memref<10240x96xf32, #tpu.memory_space<vmem_shared>> -> memref<80x96xf32, #tpu.memory_space<vmem_shared>>
      %dma_start3A_118 = arith.constant 0 : i32
      %dma_start3A_119 = tpu.memref_slice %arg13[%add3A_14, %dma_start3A_118] : memref<10240x96xf32, #tpu.memory_space<vmem_shared>> -> memref<80x96xf32, #tpu.memory_space<vmem_shared>>
      %dma_start3A_120 = arith.constant 0 : i32
      %dma_start3A_121 = arith.constant 0 : i32
      %dma_start3A_122 = tpu.memref_slice %arg12[%dma_start3A_120, %dma_start3A_121] : memref<320x96xf32, #tpu.memory_space<vmem>> -> memref<80x96xf32, #tpu.memory_space<vmem>>
      tpu.enqueue_dma source(%dma_start3A_122 : memref<80x96xf32, #tpu.memory_space<vmem>>) target(%dma_start3A_119 : memref<80x96xf32, #tpu.memory_space<vmem_shared>>) target_semaphore(%run_scoped3A : memref<!tpu.dma_semaphore, #tpu.memory_space<semaphore_mem>>)
      %dma_wait3A = arith.constant 0 : i32
      %dma_wait3A_123 = arith.constant 0 : i32
      %dma_wait3A_124 = tpu.memref_slice %arg12[%dma_wait3A, %dma_wait3A_123] : memref<320x96xf32, #tpu.memory_space<vmem>> -> memref<80x96xf32, #tpu.memory_space<vmem>>
      %dma_wait3A_125 = arith.constant 0 : i32
      %dma_wait3A_126 = tpu.memref_slice %arg13[%add3A_14, %dma_wait3A_125] : memref<10240x96xf32, #tpu.memory_space<vmem_shared>> -> memref<80x96xf32, #tpu.memory_space<vmem_shared>>
      %dma_wait3A_127 = arith.constant 0 : i32
      %dma_wait3A_128 = tpu.memref_slice %arg13[%add3A_14, %dma_wait3A_127] : memref<10240x96xf32, #tpu.memory_space<vmem_shared>> -> memref<80x96xf32, #tpu.memory_space<vmem_shared>>
      %dma_wait3A_129 = arith.constant 0 : i32
      %dma_wait3A_130 = arith.constant 0 : i32
      %dma_wait3A_131 = tpu.memref_slice %arg12[%dma_wait3A_129, %dma_wait3A_130] : memref<320x96xf32, #tpu.memory_space<vmem>> -> memref<80x96xf32, #tpu.memory_space<vmem>>
      tpu.wait_dma2 semaphore(%run_scoped3A : memref<!tpu.dma_semaphore, #tpu.memory_space<semaphore_mem>>) src(%dma_wait3A_131 : memref<80x96xf32, #tpu.memory_space<vmem>>) dst(%dma_wait3A_128 : memref<80x96xf32, #tpu.memory_space<vmem_shared>>)
      tpu.yield
    }) : () -> ()
    %mul3A_15 = arith.constant 640 : i32
    %mul3A_16 = arith.muli %arg1, %mul3A_15 : i32
    %add3A_17 = arith.constant 240 : i32
    %add3A_18 = arith.addi %mul3A_16, %add3A_17 : i32
    "tpu.region"() ({
      %run_scoped3A = tpu.sem_alloc : memref<!tpu.dma_semaphore, #tpu.memory_space<semaphore_mem>>
      %dma_start3A = arith.constant 0 : i32
      %dma_start3A_114 = arith.constant 0 : i32
      %dma_start3A_115 = tpu.memref_slice %arg12[%dma_start3A, %dma_start3A_114] : memref<320x96xf32, #tpu.memory_space<vmem>> -> memref<80x96xf32, #tpu.memory_space<vmem>>
      %dma_start3A_116 = arith.constant 0 : i32
      %dma_start3A_117 = tpu.memref_slice %arg13[%add3A_18, %dma_start3A_116] : memref<10240x96xf32, #tpu.memory_space<vmem_shared>> -> memref<80x96xf32, #tpu.memory_space<vmem_shared>>
      %dma_start3A_118 = arith.constant 0 : i32
      %dma_start3A_119 = tpu.memref_slice %arg13[%add3A_18, %dma_start3A_118] : memref<10240x96xf32, #tpu.memory_space<vmem_shared>> -> memref<80x96xf32, #tpu.memory_space<vmem_shared>>
      %dma_start3A_120 = arith.constant 0 : i32
      %dma_start3A_121 = arith.constant 0 : i32
      %dma_start3A_122 = tpu.memref_slice %arg12[%dma_start3A_120, %dma_start3A_121] : memref<320x96xf32, #tpu.memory_space<vmem>> -> memref<80x96xf32, #tpu.memory_space<vmem>>
      tpu.enqueue_dma source(%dma_start3A_122 : memref<80x96xf32, #tpu.memory_space<vmem>>) target(%dma_start3A_119 : memref<80x96xf32, #tpu.memory_space<vmem_shared>>) target_semaphore(%run_scoped3A : memref<!tpu.dma_semaphore, #tpu.memory_space<semaphore_mem>>)
      %dma_wait3A = arith.constant 0 : i32
      %dma_wait3A_123 = arith.constant 0 : i32
      %dma_wait3A_124 = tpu.memref_slice %arg12[%dma_wait3A, %dma_wait3A_123] : memref<320x96xf32, #tpu.memory_space<vmem>> -> memref<80x96xf32, #tpu.memory_space<vmem>>
      %dma_wait3A_125 = arith.constant 0 : i32
      %dma_wait3A_126 = tpu.memref_slice %arg13[%add3A_18, %dma_wait3A_125] : memref<10240x96xf32, #tpu.memory_space<vmem_shared>> -> memref<80x96xf32, #tpu.memory_space<vmem_shared>>
      %dma_wait3A_127 = arith.constant 0 : i32
      %dma_wait3A_128 = tpu.memref_slice %arg13[%add3A_18, %dma_wait3A_127] : memref<10240x96xf32, #tpu.memory_space<vmem_shared>> -> memref<80x96xf32, #tpu.memory_space<vmem_shared>>
      %dma_wait3A_129 = arith.constant 0 : i32
      %dma_wait3A_130 = arith.constant 0 : i32
      %dma_wait3A_131 = tpu.memref_slice %arg12[%dma_wait3A_129, %dma_wait3A_130] : memref<320x96xf32, #tpu.memory_space<vmem>> -> memref<80x96xf32, #tpu.memory_space<vmem>>
      tpu.wait_dma2 semaphore(%run_scoped3A : memref<!tpu.dma_semaphore, #tpu.memory_space<semaphore_mem>>) src(%dma_wait3A_131 : memref<80x96xf32, #tpu.memory_space<vmem>>) dst(%dma_wait3A_128 : memref<80x96xf32, #tpu.memory_space<vmem_shared>>)
      tpu.yield
    }) : () -> ()
    %mul3A_19 = arith.constant 640 : i32
    %mul3A_20 = arith.muli %arg1, %mul3A_19 : i32
    %add3A_21 = arith.constant 320 : i32
    %add3A_22 = arith.addi %mul3A_20, %add3A_21 : i32
    "tpu.region"() ({
      %run_scoped3A = tpu.sem_alloc : memref<!tpu.dma_semaphore, #tpu.memory_space<semaphore_mem>>
      %dma_start3A = arith.constant 0 : i32
      %dma_start3A_114 = arith.constant 0 : i32
      %dma_start3A_115 = tpu.memref_slice %arg12[%dma_start3A, %dma_start3A_114] : memref<320x96xf32, #tpu.memory_space<vmem>> -> memref<80x96xf32, #tpu.memory_space<vmem>>
      %dma_start3A_116 = arith.constant 0 : i32
      %dma_start3A_117 = tpu.memref_slice %arg13[%add3A_22, %dma_start3A_116] : memref<10240x96xf32, #tpu.memory_space<vmem_shared>> -> memref<80x96xf32, #tpu.memory_space<vmem_shared>>
      %dma_start3A_118 = arith.constant 0 : i32
      %dma_start3A_119 = tpu.memref_slice %arg13[%add3A_22, %dma_start3A_118] : memref<10240x96xf32, #tpu.memory_space<vmem_shared>> -> memref<80x96xf32, #tpu.memory_space<vmem_shared>>
      %dma_start3A_120 = arith.constant 0 : i32
      %dma_start3A_121 = arith.constant 0 : i32
      %dma_start3A_122 = tpu.memref_slice %arg12[%dma_start3A_120, %dma_start3A_121] : memref<320x96xf32, #tpu.memory_space<vmem>> -> memref<80x96xf32, #tpu.memory_space<vmem>>
      tpu.enqueue_dma source(%dma_start3A_122 : memref<80x96xf32, #tpu.memory_space<vmem>>) target(%dma_start3A_119 : memref<80x96xf32, #tpu.memory_space<vmem_shared>>) target_semaphore(%run_scoped3A : memref<!tpu.dma_semaphore, #tpu.memory_space<semaphore_mem>>)
      %dma_wait3A = arith.constant 0 : i32
      %dma_wait3A_123 = arith.constant 0 : i32
      %dma_wait3A_124 = tpu.memref_slice %arg12[%dma_wait3A, %dma_wait3A_123] : memref<320x96xf32, #tpu.memory_space<vmem>> -> memref<80x96xf32, #tpu.memory_space<vmem>>
      %dma_wait3A_125 = arith.constant 0 : i32
      %dma_wait3A_126 = tpu.memref_slice %arg13[%add3A_22, %dma_wait3A_125] : memref<10240x96xf32, #tpu.memory_space<vmem_shared>> -> memref<80x96xf32, #tpu.memory_space<vmem_shared>>
      %dma_wait3A_127 = arith.constant 0 : i32
      %dma_wait3A_128 = tpu.memref_slice %arg13[%add3A_22, %dma_wait3A_127] : memref<10240x96xf32, #tpu.memory_space<vmem_shared>> -> memref<80x96xf32, #tpu.memory_space<vmem_shared>>
      %dma_wait3A_129 = arith.constant 0 : i32
      %dma_wait3A_130 = arith.constant 0 : i32
      %dma_wait3A_131 = tpu.memref_slice %arg12[%dma_wait3A_129, %dma_wait3A_130] : memref<320x96xf32, #tpu.memory_space<vmem>> -> memref<80x96xf32, #tpu.memory_space<vmem>>
      tpu.wait_dma2 semaphore(%run_scoped3A : memref<!tpu.dma_semaphore, #tpu.memory_space<semaphore_mem>>) src(%dma_wait3A_131 : memref<80x96xf32, #tpu.memory_space<vmem>>) dst(%dma_wait3A_128 : memref<80x96xf32, #tpu.memory_space<vmem_shared>>)
      tpu.yield
    }) : () -> ()
    %mul3A_23 = arith.constant 640 : i32
    %mul3A_24 = arith.muli %arg1, %mul3A_23 : i32
    %add3A_25 = arith.constant 400 : i32
    %add3A_26 = arith.addi %mul3A_24, %add3A_25 : i32
    "tpu.region"() ({
      %run_scoped3A = tpu.sem_alloc : memref<!tpu.dma_semaphore, #tpu.memory_space<semaphore_mem>>
      %dma_start3A = arith.constant 0 : i32
      %dma_start3A_114 = arith.constant 0 : i32
      %dma_start3A_115 = tpu.memref_slice %arg12[%dma_start3A, %dma_start3A_114] : memref<320x96xf32, #tpu.memory_space<vmem>> -> memref<80x96xf32, #tpu.memory_space<vmem>>
      %dma_start3A_116 = arith.constant 0 : i32
      %dma_start3A_117 = tpu.memref_slice %arg13[%add3A_26, %dma_start3A_116] : memref<10240x96xf32, #tpu.memory_space<vmem_shared>> -> memref<80x96xf32, #tpu.memory_space<vmem_shared>>
      %dma_start3A_118 = arith.constant 0 : i32
      %dma_start3A_119 = tpu.memref_slice %arg13[%add3A_26, %dma_start3A_118] : memref<10240x96xf32, #tpu.memory_space<vmem_shared>> -> memref<80x96xf32, #tpu.memory_space<vmem_shared>>
      %dma_start3A_120 = arith.constant 0 : i32
      %dma_start3A_121 = arith.constant 0 : i32
      %dma_start3A_122 = tpu.memref_slice %arg12[%dma_start3A_120, %dma_start3A_121] : memref<320x96xf32, #tpu.memory_space<vmem>> -> memref<80x96xf32, #tpu.memory_space<vmem>>
      tpu.enqueue_dma source(%dma_start3A_122 : memref<80x96xf32, #tpu.memory_space<vmem>>) target(%dma_start3A_119 : memref<80x96xf32, #tpu.memory_space<vmem_shared>>) target_semaphore(%run_scoped3A : memref<!tpu.dma_semaphore, #tpu.memory_space<semaphore_mem>>)
      %dma_wait3A = arith.constant 0 : i32
      %dma_wait3A_123 = arith.constant 0 : i32
      %dma_wait3A_124 = tpu.memref_slice %arg12[%dma_wait3A, %dma_wait3A_123] : memref<320x96xf32, #tpu.memory_space<vmem>> -> memref<80x96xf32, #tpu.memory_space<vmem>>
      %dma_wait3A_125 = arith.constant 0 : i32
      %dma_wait3A_126 = tpu.memref_slice %arg13[%add3A_26, %dma_wait3A_125] : memref<10240x96xf32, #tpu.memory_space<vmem_shared>> -> memref<80x96xf32, #tpu.memory_space<vmem_shared>>
      %dma_wait3A_127 = arith.constant 0 : i32
      %dma_wait3A_128 = tpu.memref_slice %arg13[%add3A_26, %dma_wait3A_127] : memref<10240x96xf32, #tpu.memory_space<vmem_shared>> -> memref<80x96xf32, #tpu.memory_space<vmem_shared>>
      %dma_wait3A_129 = arith.constant 0 : i32
      %dma_wait3A_130 = arith.constant 0 : i32
      %dma_wait3A_131 = tpu.memref_slice %arg12[%dma_wait3A_129, %dma_wait3A_130] : memref<320x96xf32, #tpu.memory_space<vmem>> -> memref<80x96xf32, #tpu.memory_space<vmem>>
      tpu.wait_dma2 semaphore(%run_scoped3A : memref<!tpu.dma_semaphore, #tpu.memory_space<semaphore_mem>>) src(%dma_wait3A_131 : memref<80x96xf32, #tpu.memory_space<vmem>>) dst(%dma_wait3A_128 : memref<80x96xf32, #tpu.memory_space<vmem_shared>>)
      tpu.yield
    }) : () -> ()
    %mul3A_27 = arith.constant 640 : i32
    %mul3A_28 = arith.muli %arg1, %mul3A_27 : i32
    %add3A_29 = arith.constant 480 : i32
    %add3A_30 = arith.addi %mul3A_28, %add3A_29 : i32
    "tpu.region"() ({
      %run_scoped3A = tpu.sem_alloc : memref<!tpu.dma_semaphore, #tpu.memory_space<semaphore_mem>>
      %dma_start3A = arith.constant 0 : i32
      %dma_start3A_114 = arith.constant 0 : i32
      %dma_start3A_115 = tpu.memref_slice %arg12[%dma_start3A, %dma_start3A_114] : memref<320x96xf32, #tpu.memory_space<vmem>> -> memref<80x96xf32, #tpu.memory_space<vmem>>
      %dma_start3A_116 = arith.constant 0 : i32
      %dma_start3A_117 = tpu.memref_slice %arg13[%add3A_30, %dma_start3A_116] : memref<10240x96xf32, #tpu.memory_space<vmem_shared>> -> memref<80x96xf32, #tpu.memory_space<vmem_shared>>
      %dma_start3A_118 = arith.constant 0 : i32
      %dma_start3A_119 = tpu.memref_slice %arg13[%add3A_30, %dma_start3A_118] : memref<10240x96xf32, #tpu.memory_space<vmem_shared>> -> memref<80x96xf32, #tpu.memory_space<vmem_shared>>
      %dma_start3A_120 = arith.constant 0 : i32
      %dma_start3A_121 = arith.constant 0 : i32
      %dma_start3A_122 = tpu.memref_slice %arg12[%dma_start3A_120, %dma_start3A_121] : memref<320x96xf32, #tpu.memory_space<vmem>> -> memref<80x96xf32, #tpu.memory_space<vmem>>
      tpu.enqueue_dma source(%dma_start3A_122 : memref<80x96xf32, #tpu.memory_space<vmem>>) target(%dma_start3A_119 : memref<80x96xf32, #tpu.memory_space<vmem_shared>>) target_semaphore(%run_scoped3A : memref<!tpu.dma_semaphore, #tpu.memory_space<semaphore_mem>>)
      %dma_wait3A = arith.constant 0 : i32
      %dma_wait3A_123 = arith.constant 0 : i32
      %dma_wait3A_124 = tpu.memref_slice %arg12[%dma_wait3A, %dma_wait3A_123] : memref<320x96xf32, #tpu.memory_space<vmem>> -> memref<80x96xf32, #tpu.memory_space<vmem>>
      %dma_wait3A_125 = arith.constant 0 : i32
      %dma_wait3A_126 = tpu.memref_slice %arg13[%add3A_30, %dma_wait3A_125] : memref<10240x96xf32, #tpu.memory_space<vmem_shared>> -> memref<80x96xf32, #tpu.memory_space<vmem_shared>>
      %dma_wait3A_127 = arith.constant 0 : i32
      %dma_wait3A_128 = tpu.memref_slice %arg13[%add3A_30, %dma_wait3A_127] : memref<10240x96xf32, #tpu.memory_space<vmem_shared>> -> memref<80x96xf32, #tpu.memory_space<vmem_shared>>
      %dma_wait3A_129 = arith.constant 0 : i32
      %dma_wait3A_130 = arith.constant 0 : i32
      %dma_wait3A_131 = tpu.memref_slice %arg12[%dma_wait3A_129, %dma_wait3A_130] : memref<320x96xf32, #tpu.memory_space<vmem>> -> memref<80x96xf32, #tpu.memory_space<vmem>>
      tpu.wait_dma2 semaphore(%run_scoped3A : memref<!tpu.dma_semaphore, #tpu.memory_space<semaphore_mem>>) src(%dma_wait3A_131 : memref<80x96xf32, #tpu.memory_space<vmem>>) dst(%dma_wait3A_128 : memref<80x96xf32, #tpu.memory_space<vmem_shared>>)
      tpu.yield
    }) : () -> ()
    %mul3A_31 = arith.constant 640 : i32
    %mul3A_32 = arith.muli %arg1, %mul3A_31 : i32
    %add3A_33 = arith.constant 560 : i32
    %add3A_34 = arith.addi %mul3A_32, %add3A_33 : i32
    "tpu.region"() ({
      %run_scoped3A = tpu.sem_alloc : memref<!tpu.dma_semaphore, #tpu.memory_space<semaphore_mem>>
      %dma_start3A = arith.constant 0 : i32
      %dma_start3A_114 = arith.constant 0 : i32
      %dma_start3A_115 = tpu.memref_slice %arg12[%dma_start3A, %dma_start3A_114] : memref<320x96xf32, #tpu.memory_space<vmem>> -> memref<80x96xf32, #tpu.memory_space<vmem>>
      %dma_start3A_116 = arith.constant 0 : i32
      %dma_start3A_117 = tpu.memref_slice %arg13[%add3A_34, %dma_start3A_116] : memref<10240x96xf32, #tpu.memory_space<vmem_shared>> -> memref<80x96xf32, #tpu.memory_space<vmem_shared>>
      %dma_start3A_118 = arith.constant 0 : i32
      %dma_start3A_119 = tpu.memref_slice %arg13[%add3A_34, %dma_start3A_118] : memref<10240x96xf32, #tpu.memory_space<vmem_shared>> -> memref<80x96xf32, #tpu.memory_space<vmem_shared>>
      %dma_start3A_120 = arith.constant 0 : i32
      %dma_start3A_121 = arith.constant 0 : i32
      %dma_start3A_122 = tpu.memref_slice %arg12[%dma_start3A_120, %dma_start3A_121] : memref<320x96xf32, #tpu.memory_space<vmem>> -> memref<80x96xf32, #tpu.memory_space<vmem>>
      tpu.enqueue_dma source(%dma_start3A_122 : memref<80x96xf32, #tpu.memory_space<vmem>>) target(%dma_start3A_119 : memref<80x96xf32, #tpu.memory_space<vmem_shared>>) target_semaphore(%run_scoped3A : memref<!tpu.dma_semaphore, #tpu.memory_space<semaphore_mem>>)
      %dma_wait3A = arith.constant 0 : i32
      %dma_wait3A_123 = arith.constant 0 : i32
      %dma_wait3A_124 = tpu.memref_slice %arg12[%dma_wait3A, %dma_wait3A_123] : memref<320x96xf32, #tpu.memory_space<vmem>> -> memref<80x96xf32, #tpu.memory_space<vmem>>
      %dma_wait3A_125 = arith.constant 0 : i32
      %dma_wait3A_126 = tpu.memref_slice %arg13[%add3A_34, %dma_wait3A_125] : memref<10240x96xf32, #tpu.memory_space<vmem_shared>> -> memref<80x96xf32, #tpu.memory_space<vmem_shared>>
      %dma_wait3A_127 = arith.constant 0 : i32
      %dma_wait3A_128 = tpu.memref_slice %arg13[%add3A_34, %dma_wait3A_127] : memref<10240x96xf32, #tpu.memory_space<vmem_shared>> -> memref<80x96xf32, #tpu.memory_space<vmem_shared>>
      %dma_wait3A_129 = arith.constant 0 : i32
      %dma_wait3A_130 = arith.constant 0 : i32
      %dma_wait3A_131 = tpu.memref_slice %arg12[%dma_wait3A_129, %dma_wait3A_130] : memref<320x96xf32, #tpu.memory_space<vmem>> -> memref<80x96xf32, #tpu.memory_space<vmem>>
      tpu.wait_dma2 semaphore(%run_scoped3A : memref<!tpu.dma_semaphore, #tpu.memory_space<semaphore_mem>>) src(%dma_wait3A_131 : memref<80x96xf32, #tpu.memory_space<vmem>>) dst(%dma_wait3A_128 : memref<80x96xf32, #tpu.memory_space<vmem_shared>>)
      tpu.yield
    }) : () -> ()
    %barrier3A = arith.constant 0 : index
    tpu.barrier barrier_id(%barrier3A)
    %eq3A = arith.constant 0 : i32
    %eq3A_35 = arith.cmpi eq, %arg0, %eq3A : i32
    %convert_element_type3A = arith.extui %eq3A_35 : i1 to i32
    %cond3A = arith.constant 0 : i32
    %cond3A_36 = arith.cmpi ne, %convert_element_type3A, %cond3A : i32
    scf.if %cond3A_36 {
      %mul3A_114 = arith.constant 250 : i32
      %mul3A_115 = arith.muli %arg1, %mul3A_114 : i32
      %dma_start3A = arith.constant 0 : i32
      %dma_start3A_116 = arith.constant 0 : i32
      %dma_start3A_117 = arith.constant 0 : i32
      %dma_start3A_118 = tpu.memref_slice %arg11[%dma_start3A, %dma_start3A_116, %dma_start3A_117] : memref<5x3x80xi32, #tpu.memory_space<vmem>> -> memref<1x3x80xi32, #tpu.memory_space<vmem>>
      %dma_start3A_119 = tpu.memref_squeeze %dma_start3A_118 : memref<1x3x80xi32, #tpu.memory_space<vmem>> -> memref<3x80xi32, #tpu.memory_space<vmem>>
      %dma_start3A_120 = arith.constant 0 : i32
      %dma_start3A_121 = arith.constant 0 : i32
      %dma_start3A_122 = tpu.memref_slice %arg6[%mul3A_115, %dma_start3A_120, %dma_start3A_121] : memref<4000x3x80xi32, #tpu.memory_space<hbm>> -> memref<1x3x80xi32, #tpu.memory_space<hbm>>
      %dma_start3A_123 = tpu.memref_squeeze %dma_start3A_122 : memref<1x3x80xi32, #tpu.memory_space<hbm>> -> memref<3x80xi32, #tpu.memory_space<hbm>>
      %dma_start3A_124 = arith.constant 0 : i32
      %dma_start3A_125 = arith.constant 0 : i32
      %dma_start3A_126 = tpu.memref_slice %arg11[%dma_start3A, %dma_start3A_124, %dma_start3A_125] : memref<5x3x80xi32, #tpu.memory_space<vmem>> -> memref<1x3x80xi32, #tpu.memory_space<vmem>>
      %dma_start3A_127 = tpu.memref_squeeze %dma_start3A_126 : memref<1x3x80xi32, #tpu.memory_space<vmem>> -> memref<3x80xi32, #tpu.memory_space<vmem>>
      %dma_start3A_128 = arith.constant 0 : i32
      %dma_start3A_129 = arith.constant 0 : i32
      %dma_start3A_130 = tpu.memref_slice %arg6[%mul3A_115, %dma_start3A_128, %dma_start3A_129] : memref<4000x3x80xi32, #tpu.memory_space<hbm>> -> memref<1x3x80xi32, #tpu.memory_space<hbm>>
      %dma_start3A_131 = tpu.memref_squeeze %dma_start3A_130 : memref<1x3x80xi32, #tpu.memory_space<hbm>> -> memref<3x80xi32, #tpu.memory_space<hbm>>
      tpu.enqueue_dma source(%dma_start3A_131 : memref<3x80xi32, #tpu.memory_space<hbm>>) target(%dma_start3A_127 : memref<3x80xi32, #tpu.memory_space<vmem>>) target_semaphore(%arg14 : memref<!tpu.dma_semaphore, #tpu.memory_space<semaphore_mem>>)
      %dma_wait3A = arith.constant 0 : i32
      %dma_wait3A_132 = arith.constant 0 : i32
      %dma_wait3A_133 = arith.constant 0 : i32
      %dma_wait3A_134 = arith.constant 0 : i32
      %dma_wait3A_135 = tpu.memref_slice %arg11[%dma_wait3A_132, %dma_wait3A_133, %dma_wait3A_134] : memref<5x3x80xi32, #tpu.memory_space<vmem>> -> memref<1x3x80xi32, #tpu.memory_space<vmem>>
      %dma_wait3A_136 = tpu.memref_squeeze %dma_wait3A_135 : memref<1x3x80xi32, #tpu.memory_space<vmem>> -> memref<3x80xi32, #tpu.memory_space<vmem>>
      %dma_wait3A_137 = arith.constant 0 : i32
      %dma_wait3A_138 = arith.constant 0 : i32
      %dma_wait3A_139 = tpu.memref_slice %arg6[%dma_wait3A, %dma_wait3A_137, %dma_wait3A_138] : memref<4000x3x80xi32, #tpu.memory_space<hbm>> -> memref<1x3x80xi32, #tpu.memory_space<hbm>>
      %dma_wait3A_140 = tpu.memref_squeeze %dma_wait3A_139 : memref<1x3x80xi32, #tpu.memory_space<hbm>> -> memref<3x80xi32, #tpu.memory_space<hbm>>
      %dma_wait3A_141 = arith.constant 0 : i32
      %dma_wait3A_142 = arith.constant 0 : i32
      %dma_wait3A_143 = tpu.memref_slice %arg11[%dma_wait3A_132, %dma_wait3A_141, %dma_wait3A_142] : memref<5x3x80xi32, #tpu.memory_space<vmem>> -> memref<1x3x80xi32, #tpu.memory_space<vmem>>
      %dma_wait3A_144 = tpu.memref_squeeze %dma_wait3A_143 : memref<1x3x80xi32, #tpu.memory_space<vmem>> -> memref<3x80xi32, #tpu.memory_space<vmem>>
      %dma_wait3A_145 = arith.constant 0 : i32
      %dma_wait3A_146 = arith.constant 0 : i32
      %dma_wait3A_147 = tpu.memref_slice %arg6[%dma_wait3A, %dma_wait3A_145, %dma_wait3A_146] : memref<4000x3x80xi32, #tpu.memory_space<hbm>> -> memref<1x3x80xi32, #tpu.memory_space<hbm>>
      %dma_wait3A_148 = tpu.memref_squeeze %dma_wait3A_147 : memref<1x3x80xi32, #tpu.memory_space<hbm>> -> memref<3x80xi32, #tpu.memory_space<hbm>>
      tpu.wait_dma2 semaphore(%arg14 : memref<!tpu.dma_semaphore, #tpu.memory_space<semaphore_mem>>) src(%dma_wait3A_148 : memref<3x80xi32, #tpu.memory_space<hbm>>) dst(%dma_wait3A_144 : memref<3x80xi32, #tpu.memory_space<vmem>>)
      %add3A_149 = arith.constant 1 : i32
      %add3A_150 = arith.addi %mul3A_115, %add3A_149 : i32
      %dma_start3A_151 = arith.constant 1 : i32
      %dma_start3A_152 = arith.constant 0 : i32
      %dma_start3A_153 = arith.constant 0 : i32
      %dma_start3A_154 = tpu.memref_slice %arg11[%dma_start3A_151, %dma_start3A_152, %dma_start3A_153] : memref<5x3x80xi32, #tpu.memory_space<vmem>> -> memref<1x3x80xi32, #tpu.memory_space<vmem>>
      %dma_start3A_155 = tpu.memref_squeeze %dma_start3A_154 : memref<1x3x80xi32, #tpu.memory_space<vmem>> -> memref<3x80xi32, #tpu.memory_space<vmem>>
      %dma_start3A_156 = arith.constant 0 : i32
      %dma_start3A_157 = arith.constant 0 : i32
      %dma_start3A_158 = tpu.memref_slice %arg6[%add3A_150, %dma_start3A_156, %dma_start3A_157] : memref<4000x3x80xi32, #tpu.memory_space<hbm>> -> memref<1x3x80xi32, #tpu.memory_space<hbm>>
      %dma_start3A_159 = tpu.memref_squeeze %dma_start3A_158 : memref<1x3x80xi32, #tpu.memory_space<hbm>> -> memref<3x80xi32, #tpu.memory_space<hbm>>
      %dma_start3A_160 = arith.constant 0 : i32
      %dma_start3A_161 = arith.constant 0 : i32
      %dma_start3A_162 = tpu.memref_slice %arg11[%dma_start3A_151, %dma_start3A_160, %dma_start3A_161] : memref<5x3x80xi32, #tpu.memory_space<vmem>> -> memref<1x3x80xi32, #tpu.memory_space<vmem>>
      %dma_start3A_163 = tpu.memref_squeeze %dma_start3A_162 : memref<1x3x80xi32, #tpu.memory_space<vmem>> -> memref<3x80xi32, #tpu.memory_space<vmem>>
      %dma_start3A_164 = arith.constant 0 : i32
      %dma_start3A_165 = arith.constant 0 : i32
      %dma_start3A_166 = tpu.memref_slice %arg6[%add3A_150, %dma_start3A_164, %dma_start3A_165] : memref<4000x3x80xi32, #tpu.memory_space<hbm>> -> memref<1x3x80xi32, #tpu.memory_space<hbm>>
      %dma_start3A_167 = tpu.memref_squeeze %dma_start3A_166 : memref<1x3x80xi32, #tpu.memory_space<hbm>> -> memref<3x80xi32, #tpu.memory_space<hbm>>
      tpu.enqueue_dma source(%dma_start3A_167 : memref<3x80xi32, #tpu.memory_space<hbm>>) target(%dma_start3A_163 : memref<3x80xi32, #tpu.memory_space<vmem>>) target_semaphore(%arg14 : memref<!tpu.dma_semaphore, #tpu.memory_space<semaphore_mem>>)
      %rem3A = arith.constant 0 : i32
      %rem3A_168 = arith.constant 5 : i32
      %rem3A_169 = arith.remsi %rem3A, %rem3A_168 : i32
      %rem3A_170 = arith.constant 0 : i32
      %rem3A_171 = arith.constant 4 : i32
      %rem3A_172 = arith.remsi %rem3A_170, %rem3A_171 : i32
      %mul3A_173 = arith.constant 80 : i32
      %mul3A_174 = arith.muli %rem3A_172, %mul3A_173 : i32
      %rem3A_175 = arith.constant 0 : i32
      %rem3A_176 = arith.constant 2 : i32
      %rem3A_177 = arith.remsi %rem3A_175, %rem3A_176 : i32
      %eq3A_178 = arith.constant 0 : i32
      %eq3A_179 = arith.cmpi eq, %rem3A_177, %eq3A_178 : i32
      %convert_element_type3A_180 = arith.extui %eq3A_179 : i1 to i32
      %cond3A_181 = arith.constant 0 : i32
      %cond3A_182 = arith.constant 0 : i32
      %cond3A_183 = arith.cmpi ne, %convert_element_type3A_180, %cond3A_182 : i32
      scf.if %cond3A_183 {
        %dma_start3A_231 = arith.constant 0 : i32
        %dma_start3A_232 = tpu.memref_slice %arg12[%mul3A_174, %dma_start3A_231] : memref<320x96xf32, #tpu.memory_space<vmem>> -> memref<80x96xf32, #tpu.memory_space<vmem>>
        %dma_start3A_233 = arith.constant 0 : i32
        %dma_start3A_234 = tpu.memref_slice %arg11[%rem3A_169, %cond3A_181, %dma_start3A_233] : memref<5x3x80xi32, #tpu.memory_space<vmem>> -> memref<1x1x80xi32, #tpu.memory_space<vmem>>
        %dma_start3A_235 = tpu.memref_squeeze %dma_start3A_234 : memref<1x1x80xi32, #tpu.memory_space<vmem>> -> memref<80xi32, #tpu.memory_space<vmem>>
        %dma_start3A_236 = arith.constant 0 : i32
        %dma_start3A_237 = arith.constant 0 : i32
        %dma_start3A_238 = tpu.memref_slice %arg2[%dma_start3A_236, %dma_start3A_237] : memref<10000x96xf32, #tpu.memory_space<hbm>> -> memref<10000x96xf32, #tpu.memory_space<hbm>>
        tpu.enqueue_indirect_dma source(%dma_start3A_238 : memref<10000x96xf32, #tpu.memory_space<hbm>>) target(%dma_start3A_232 : memref<80x96xf32, #tpu.memory_space<vmem>>) offsets(%dma_start3A_235 : memref<80xi32, #tpu.memory_space<vmem>>) semaphore(%arg15 : memref<!tpu.dma_semaphore, #tpu.memory_space<semaphore_mem>>)
      } else {
      }
      %rem3A_184 = arith.constant 0 : i32
      %rem3A_185 = arith.constant 2 : i32
      %rem3A_186 = arith.remsi %rem3A_184, %rem3A_185 : i32
      %eq3A_187 = arith.constant 1 : i32
      %eq3A_188 = arith.cmpi eq, %rem3A_186, %eq3A_187 : i32
      %convert_element_type3A_189 = arith.extui %eq3A_188 : i1 to i32
      %cond3A_190 = arith.constant 0 : i32
      %cond3A_191 = arith.constant 0 : i32
      %cond3A_192 = arith.cmpi ne, %convert_element_type3A_189, %cond3A_191 : i32
      scf.if %cond3A_192 {
        %dma_start3A_231 = arith.constant 0 : i32
        %dma_start3A_232 = tpu.memref_slice %arg12[%mul3A_174, %dma_start3A_231] : memref<320x96xf32, #tpu.memory_space<vmem>> -> memref<80x96xf32, #tpu.memory_space<vmem>>
        %dma_start3A_233 = arith.constant 0 : i32
        %dma_start3A_234 = tpu.memref_slice %arg11[%rem3A_169, %cond3A_190, %dma_start3A_233] : memref<5x3x80xi32, #tpu.memory_space<vmem>> -> memref<1x1x80xi32, #tpu.memory_space<vmem>>
        %dma_start3A_235 = tpu.memref_squeeze %dma_start3A_234 : memref<1x1x80xi32, #tpu.memory_space<vmem>> -> memref<80xi32, #tpu.memory_space<vmem>>
        %dma_start3A_236 = arith.constant 0 : i32
        %dma_start3A_237 = arith.constant 0 : i32
        %dma_start3A_238 = tpu.memref_slice %arg2[%dma_start3A_236, %dma_start3A_237] : memref<10000x96xf32, #tpu.memory_space<hbm>> -> memref<10000x96xf32, #tpu.memory_space<hbm>>
        tpu.enqueue_indirect_dma source(%dma_start3A_238 : memref<10000x96xf32, #tpu.memory_space<hbm>>) target(%dma_start3A_232 : memref<80x96xf32, #tpu.memory_space<vmem>>) offsets(%dma_start3A_235 : memref<80xi32, #tpu.memory_space<vmem>>) semaphore(%arg16 : memref<!tpu.dma_semaphore, #tpu.memory_space<semaphore_mem>>)
      } else {
      }
      %scan3A_193 = arith.constant 0 : i32
      %scan3A_194 = arith.constant 0 : i32
      %scan3A_195 = arith.constant 250 : i32
      %scan3A_196 = arith.addi %scan3A_194, %scan3A_195 : i32
      %scan3A_197 = arith.constant 1 : i32
      scf.for %scan3A_231 = %scan3A_194 to %scan3A_196 step %scan3A_197  : i32 {
        %mul3A_232 = arith.constant 1 : i32
        %mul3A_233 = arith.muli %scan3A_231, %mul3A_232 : i32
        %add3A_234 = arith.constant 0 : i32
        %add3A_235 = arith.addi %add3A_234, %mul3A_233 : i32
        %rem3A_236 = arith.constant 4 : i32
        %rem3A_237 = arith.remsi %add3A_235, %rem3A_236 : i32
        %rem3A_238 = arith.constant 5 : i32
        %rem3A_239 = arith.remsi %add3A_235, %rem3A_238 : i32
        %add3A_240 = arith.constant 1 : i32
        %add3A_241 = arith.addi %add3A_235, %add3A_240 : i32
        %lt3A = arith.constant 250 : i32
        %lt3A_242 = arith.cmpi slt, %add3A_241, %lt3A : i32
        %convert_element_type3A_243 = arith.extui %lt3A_242 : i1 to i32
        %cond3A_244 = arith.constant 0 : i32
        %cond3A_245 = arith.cmpi ne, %convert_element_type3A_243, %cond3A_244 : i32
        scf.if %cond3A_245 {
          %dma_wait3A_295 = arith.constant 0 : i32
          %dma_wait3A_296 = arith.constant 0 : i32
          %dma_wait3A_297 = arith.constant 0 : i32
          %dma_wait3A_298 = tpu.memref_slice %arg11[%dma_wait3A_295, %dma_wait3A_296, %dma_wait3A_297] : memref<5x3x80xi32, #tpu.memory_space<vmem>> -> memref<1x3x80xi32, #tpu.memory_space<vmem>>
          %dma_wait3A_299 = tpu.memref_squeeze %dma_wait3A_298 : memref<1x3x80xi32, #tpu.memory_space<vmem>> -> memref<3x80xi32, #tpu.memory_space<vmem>>
          %dma_wait3A_300 = arith.constant 0 : i32
          %dma_wait3A_301 = arith.constant 0 : i32
          %dma_wait3A_302 = tpu.memref_slice %arg6[%scan3A_193, %dma_wait3A_300, %dma_wait3A_301] : memref<4000x3x80xi32, #tpu.memory_space<hbm>> -> memref<1x3x80xi32, #tpu.memory_space<hbm>>
          %dma_wait3A_303 = tpu.memref_squeeze %dma_wait3A_302 : memref<1x3x80xi32, #tpu.memory_space<hbm>> -> memref<3x80xi32, #tpu.memory_space<hbm>>
          %dma_wait3A_304 = arith.constant 0 : i32
          %dma_wait3A_305 = arith.constant 0 : i32
          %dma_wait3A_306 = tpu.memref_slice %arg11[%dma_wait3A_295, %dma_wait3A_304, %dma_wait3A_305] : memref<5x3x80xi32, #tpu.memory_space<vmem>> -> memref<1x3x80xi32, #tpu.memory_space<vmem>>
          %dma_wait3A_307 = tpu.memref_squeeze %dma_wait3A_306 : memref<1x3x80xi32, #tpu.memory_space<vmem>> -> memref<3x80xi32, #tpu.memory_space<vmem>>
          %dma_wait3A_308 = arith.constant 0 : i32
          %dma_wait3A_309 = arith.constant 0 : i32
          %dma_wait3A_310 = tpu.memref_slice %arg6[%scan3A_193, %dma_wait3A_308, %dma_wait3A_309] : memref<4000x3x80xi32, #tpu.memory_space<hbm>> -> memref<1x3x80xi32, #tpu.memory_space<hbm>>
          %dma_wait3A_311 = tpu.memref_squeeze %dma_wait3A_310 : memref<1x3x80xi32, #tpu.memory_space<hbm>> -> memref<3x80xi32, #tpu.memory_space<hbm>>
          tpu.wait_dma2 semaphore(%arg14 : memref<!tpu.dma_semaphore, #tpu.memory_space<semaphore_mem>>) src(%dma_wait3A_311 : memref<3x80xi32, #tpu.memory_space<hbm>>) dst(%dma_wait3A_307 : memref<3x80xi32, #tpu.memory_space<vmem>>)
          %add3A_312 = arith.constant 1 : i32
          %add3A_313 = arith.addi %add3A_235, %add3A_312 : i32
          %rem3A_314 = arith.constant 5 : i32
          %rem3A_315 = arith.remsi %add3A_313, %rem3A_314 : i32
          %rem3A_316 = arith.constant 4 : i32
          %rem3A_317 = arith.remsi %add3A_313, %rem3A_316 : i32
          %mul3A_318 = arith.constant 80 : i32
          %mul3A_319 = arith.muli %rem3A_317, %mul3A_318 : i32
          %rem3A_320 = arith.constant 2 : i32
          %rem3A_321 = arith.remsi %add3A_313, %rem3A_320 : i32
          %eq3A_322 = arith.constant 0 : i32
          %eq3A_323 = arith.cmpi eq, %rem3A_321, %eq3A_322 : i32
          %convert_element_type3A_324 = arith.extui %eq3A_323 : i1 to i32
          %cond3A_325 = arith.constant 0 : i32
          %cond3A_326 = arith.constant 0 : i32
          %cond3A_327 = arith.cmpi ne, %convert_element_type3A_324, %cond3A_326 : i32
          scf.if %cond3A_327 {
            %dma_start3A_336 = arith.constant 0 : i32
            %dma_start3A_337 = tpu.memref_slice %arg12[%mul3A_319, %dma_start3A_336] : memref<320x96xf32, #tpu.memory_space<vmem>> -> memref<80x96xf32, #tpu.memory_space<vmem>>
            %dma_start3A_338 = arith.constant 0 : i32
            %dma_start3A_339 = tpu.memref_slice %arg11[%rem3A_315, %cond3A_325, %dma_start3A_338] : memref<5x3x80xi32, #tpu.memory_space<vmem>> -> memref<1x1x80xi32, #tpu.memory_space<vmem>>
            %dma_start3A_340 = tpu.memref_squeeze %dma_start3A_339 : memref<1x1x80xi32, #tpu.memory_space<vmem>> -> memref<80xi32, #tpu.memory_space<vmem>>
            %dma_start3A_341 = arith.constant 0 : i32
            %dma_start3A_342 = arith.constant 0 : i32
            %dma_start3A_343 = tpu.memref_slice %arg2[%dma_start3A_341, %dma_start3A_342] : memref<10000x96xf32, #tpu.memory_space<hbm>> -> memref<10000x96xf32, #tpu.memory_space<hbm>>
            tpu.enqueue_indirect_dma source(%dma_start3A_343 : memref<10000x96xf32, #tpu.memory_space<hbm>>) target(%dma_start3A_337 : memref<80x96xf32, #tpu.memory_space<vmem>>) offsets(%dma_start3A_340 : memref<80xi32, #tpu.memory_space<vmem>>) semaphore(%arg15 : memref<!tpu.dma_semaphore, #tpu.memory_space<semaphore_mem>>)
          } else {
          }
          %rem3A_328 = arith.constant 2 : i32
          %rem3A_329 = arith.remsi %add3A_313, %rem3A_328 : i32
          %eq3A_330 = arith.constant 1 : i32
          %eq3A_331 = arith.cmpi eq, %rem3A_329, %eq3A_330 : i32
          %convert_element_type3A_332 = arith.extui %eq3A_331 : i1 to i32
          %cond3A_333 = arith.constant 0 : i32
          %cond3A_334 = arith.constant 0 : i32
          %cond3A_335 = arith.cmpi ne, %convert_element_type3A_332, %cond3A_334 : i32
          scf.if %cond3A_335 {
            %dma_start3A_336 = arith.constant 0 : i32
            %dma_start3A_337 = tpu.memref_slice %arg12[%mul3A_319, %dma_start3A_336] : memref<320x96xf32, #tpu.memory_space<vmem>> -> memref<80x96xf32, #tpu.memory_space<vmem>>
            %dma_start3A_338 = arith.constant 0 : i32
            %dma_start3A_339 = tpu.memref_slice %arg11[%rem3A_315, %cond3A_333, %dma_start3A_338] : memref<5x3x80xi32, #tpu.memory_space<vmem>> -> memref<1x1x80xi32, #tpu.memory_space<vmem>>
            %dma_start3A_340 = tpu.memref_squeeze %dma_start3A_339 : memref<1x1x80xi32, #tpu.memory_space<vmem>> -> memref<80xi32, #tpu.memory_space<vmem>>
            %dma_start3A_341 = arith.constant 0 : i32
            %dma_start3A_342 = arith.constant 0 : i32
            %dma_start3A_343 = tpu.memref_slice %arg2[%dma_start3A_341, %dma_start3A_342] : memref<10000x96xf32, #tpu.memory_space<hbm>> -> memref<10000x96xf32, #tpu.memory_space<hbm>>
            tpu.enqueue_indirect_dma source(%dma_start3A_343 : memref<10000x96xf32, #tpu.memory_space<hbm>>) target(%dma_start3A_337 : memref<80x96xf32, #tpu.memory_space<vmem>>) offsets(%dma_start3A_340 : memref<80xi32, #tpu.memory_space<vmem>>) semaphore(%arg16 : memref<!tpu.dma_semaphore, #tpu.memory_space<semaphore_mem>>)
          } else {
          }
        } else {
        }
        %add3A_246 = arith.constant 2 : i32
        %add3A_247 = arith.addi %add3A_235, %add3A_246 : i32
        %lt3A_248 = arith.constant 250 : i32
        %lt3A_249 = arith.cmpi slt, %add3A_247, %lt3A_248 : i32
        %convert_element_type3A_250 = arith.extui %lt3A_249 : i1 to i32
        %cond3A_251 = arith.constant 0 : i32
        %cond3A_252 = arith.cmpi ne, %convert_element_type3A_250, %cond3A_251 : i32
        scf.if %cond3A_252 {
          %add3A_295 = arith.addi %mul3A_115, %add3A_235 : i32
          %add3A_296 = arith.constant 2 : i32
          %add3A_297 = arith.addi %add3A_295, %add3A_296 : i32
          %add3A_298 = arith.constant 2 : i32
          %add3A_299 = arith.addi %add3A_235, %add3A_298 : i32
          %rem3A_300 = arith.constant 5 : i32
          %rem3A_301 = arith.remsi %add3A_299, %rem3A_300 : i32
          %dma_start3A_302 = arith.constant 0 : i32
          %dma_start3A_303 = arith.constant 0 : i32
          %dma_start3A_304 = tpu.memref_slice %arg11[%rem3A_301, %dma_start3A_302, %dma_start3A_303] : memref<5x3x80xi32, #tpu.memory_space<vmem>> -> memref<1x3x80xi32, #tpu.memory_space<vmem>>
          %dma_start3A_305 = tpu.memref_squeeze %dma_start3A_304 : memref<1x3x80xi32, #tpu.memory_space<vmem>> -> memref<3x80xi32, #tpu.memory_space<vmem>>
          %dma_start3A_306 = arith.constant 0 : i32
          %dma_start3A_307 = arith.constant 0 : i32
          %dma_start3A_308 = tpu.memref_slice %arg6[%add3A_297, %dma_start3A_306, %dma_start3A_307] : memref<4000x3x80xi32, #tpu.memory_space<hbm>> -> memref<1x3x80xi32, #tpu.memory_space<hbm>>
          %dma_start3A_309 = tpu.memref_squeeze %dma_start3A_308 : memref<1x3x80xi32, #tpu.memory_space<hbm>> -> memref<3x80xi32, #tpu.memory_space<hbm>>
          %dma_start3A_310 = arith.constant 0 : i32
          %dma_start3A_311 = arith.constant 0 : i32
          %dma_start3A_312 = tpu.memref_slice %arg11[%rem3A_301, %dma_start3A_310, %dma_start3A_311] : memref<5x3x80xi32, #tpu.memory_space<vmem>> -> memref<1x3x80xi32, #tpu.memory_space<vmem>>
          %dma_start3A_313 = tpu.memref_squeeze %dma_start3A_312 : memref<1x3x80xi32, #tpu.memory_space<vmem>> -> memref<3x80xi32, #tpu.memory_space<vmem>>
          %dma_start3A_314 = arith.constant 0 : i32
          %dma_start3A_315 = arith.constant 0 : i32
          %dma_start3A_316 = tpu.memref_slice %arg6[%add3A_297, %dma_start3A_314, %dma_start3A_315] : memref<4000x3x80xi32, #tpu.memory_space<hbm>> -> memref<1x3x80xi32, #tpu.memory_space<hbm>>
          %dma_start3A_317 = tpu.memref_squeeze %dma_start3A_316 : memref<1x3x80xi32, #tpu.memory_space<hbm>> -> memref<3x80xi32, #tpu.memory_space<hbm>>
          tpu.enqueue_dma source(%dma_start3A_317 : memref<3x80xi32, #tpu.memory_space<hbm>>) target(%dma_start3A_313 : memref<3x80xi32, #tpu.memory_space<vmem>>) target_semaphore(%arg14 : memref<!tpu.dma_semaphore, #tpu.memory_space<semaphore_mem>>)
        } else {
        }
        %rem3A_253 = arith.constant 2 : i32
        %rem3A_254 = arith.remsi %add3A_235, %rem3A_253 : i32
        %eq3A_255 = arith.constant 0 : i32
        %eq3A_256 = arith.cmpi eq, %rem3A_254, %eq3A_255 : i32
        %convert_element_type3A_257 = arith.extui %eq3A_256 : i1 to i32
        %cond3A_258 = arith.constant 0 : i32
        %cond3A_259 = arith.cmpi ne, %convert_element_type3A_257, %cond3A_258 : i32
        scf.if %cond3A_259 {
          %dma_wait3A_295 = arith.constant 0 : i32
          %dma_wait3A_296 = arith.constant 0 : i32
          %dma_wait3A_297 = tpu.memref_slice %arg12[%dma_wait3A_295, %dma_wait3A_296] : memref<320x96xf32, #tpu.memory_space<vmem>> -> memref<80x96xf32, #tpu.memory_space<vmem>>
          %dma_wait3A_298 = arith.constant 0 : i32
          %dma_wait3A_299 = arith.constant 0 : i32
          %dma_wait3A_300 = tpu.memref_slice %arg2[%dma_wait3A_298, %dma_wait3A_299] : memref<10000x96xf32, #tpu.memory_space<hbm>> -> memref<80x96xf32, #tpu.memory_space<hbm>>
          %dma_wait3A_301 = arith.constant 0 : i32
          %dma_wait3A_302 = arith.constant 0 : i32
          %dma_wait3A_303 = tpu.memref_slice %arg12[%dma_wait3A_301, %dma_wait3A_302] : memref<320x96xf32, #tpu.memory_space<vmem>> -> memref<80x96xf32, #tpu.memory_space<vmem>>
          %dma_wait3A_304 = arith.constant 0 : i32
          %dma_wait3A_305 = arith.constant 0 : i32
          %dma_wait3A_306 = tpu.memref_slice %arg2[%dma_wait3A_304, %dma_wait3A_305] : memref<10000x96xf32, #tpu.memory_space<hbm>> -> memref<80x96xf32, #tpu.memory_space<hbm>>
          tpu.wait_dma2 semaphore(%arg15 : memref<!tpu.dma_semaphore, #tpu.memory_space<semaphore_mem>>) src(%dma_wait3A_306 : memref<80x96xf32, #tpu.memory_space<hbm>>) dst(%dma_wait3A_303 : memref<80x96xf32, #tpu.memory_space<vmem>>)
        } else {
        }
        %rem3A_260 = arith.constant 2 : i32
        %rem3A_261 = arith.remsi %add3A_235, %rem3A_260 : i32
        %eq3A_262 = arith.constant 1 : i32
        %eq3A_263 = arith.cmpi eq, %rem3A_261, %eq3A_262 : i32
        %convert_element_type3A_264 = arith.extui %eq3A_263 : i1 to i32
        %cond3A_265 = arith.constant 0 : i32
        %cond3A_266 = arith.cmpi ne, %convert_element_type3A_264, %cond3A_265 : i32
        scf.if %cond3A_266 {
          %dma_wait3A_295 = arith.constant 0 : i32
          %dma_wait3A_296 = arith.constant 0 : i32
          %dma_wait3A_297 = tpu.memref_slice %arg12[%dma_wait3A_295, %dma_wait3A_296] : memref<320x96xf32, #tpu.memory_space<vmem>> -> memref<80x96xf32, #tpu.memory_space<vmem>>
          %dma_wait3A_298 = arith.constant 0 : i32
          %dma_wait3A_299 = arith.constant 0 : i32
          %dma_wait3A_300 = tpu.memref_slice %arg2[%dma_wait3A_298, %dma_wait3A_299] : memref<10000x96xf32, #tpu.memory_space<hbm>> -> memref<80x96xf32, #tpu.memory_space<hbm>>
          %dma_wait3A_301 = arith.constant 0 : i32
          %dma_wait3A_302 = arith.constant 0 : i32
          %dma_wait3A_303 = tpu.memref_slice %arg12[%dma_wait3A_301, %dma_wait3A_302] : memref<320x96xf32, #tpu.memory_space<vmem>> -> memref<80x96xf32, #tpu.memory_space<vmem>>
          %dma_wait3A_304 = arith.constant 0 : i32
          %dma_wait3A_305 = arith.constant 0 : i32
          %dma_wait3A_306 = tpu.memref_slice %arg2[%dma_wait3A_304, %dma_wait3A_305] : memref<10000x96xf32, #tpu.memory_space<hbm>> -> memref<80x96xf32, #tpu.memory_space<hbm>>
          tpu.wait_dma2 semaphore(%arg16 : memref<!tpu.dma_semaphore, #tpu.memory_space<semaphore_mem>>) src(%dma_wait3A_306 : memref<80x96xf32, #tpu.memory_space<hbm>>) dst(%dma_wait3A_303 : memref<80x96xf32, #tpu.memory_space<vmem>>)
        } else {
        }
        %parallel_loop3A = arith.constant 0 : i32
        %parallel_loop3A_267 = arith.constant 5 : i32
        %parallel_loop3A_268 = arith.constant 1 : i32
        scf.for %parallel_loop3A_295 = %parallel_loop3A to %parallel_loop3A_267 step %parallel_loop3A_268  : i32 {
          %parallel_loop3A_296 = arith.constant 16 : i32
          %parallel_loop3A_297 = arith.muli %parallel_loop3A_295, %parallel_loop3A_296 : i32
          %parallel_loop3A_298 = arith.constant 2 : i32
          %parallel_loop3A_299 = arith.index_cast %rem3A_239 : i32 to index
          %parallel_loop3A_300 = arith.index_cast %parallel_loop3A_298 : i32 to index
          %parallel_loop3A_301 = arith.index_cast %parallel_loop3A_297 : i32 to index
          %parallel_loop3A_302 = tpu.vector_load %arg11[%parallel_loop3A_299, %parallel_loop3A_300, %parallel_loop3A_301] {strides = array<i32>} : memref<5x3x80xi32, #tpu.memory_space<vmem>>, vector<16xi32>,
          %parallel_loop3A_303 = vector.bitcast %parallel_loop3A_302 : vector<16xi32> to vector<16xf32>
          %parallel_loop3A_304 = arith.constant 80 : i32
          %parallel_loop3A_305 = arith.muli %rem3A_237, %parallel_loop3A_304 : i32
          %parallel_loop3A_306 = arith.constant 16 : i32
          %parallel_loop3A_307 = arith.muli %parallel_loop3A_295, %parallel_loop3A_306 : i32
          %parallel_loop3A_308 = arith.addi %parallel_loop3A_305, %parallel_loop3A_307 : i32
          %parallel_loop3A_309 = tpu.iota {dimensions = array<i32: 0>} : vector<16xi32>
          %parallel_loop3A_310 = vector.broadcast %parallel_loop3A_308 : i32 to vector<16xi32>
          %parallel_loop3A_311 = arith.addi %parallel_loop3A_309, %parallel_loop3A_310 : vector<16xi32>
          %parallel_loop3A_312 = arith.constant 0 : i32
          %parallel_loop3A_313 = arith.constant 96 : i32
          %parallel_loop3A_314 = arith.constant 1 : i32
          scf.for %parallel_loop3A_315 = %parallel_loop3A_312 to %parallel_loop3A_313 step %parallel_loop3A_314  : i32 {
            %parallel_loop3A_316 = vector.broadcast %parallel_loop3A_315 : i32 to vector<16xi32>
            %parallel_loop3A_317 = arith.xori %parallel_loop3A_316, %parallel_loop3A_309 : vector<16xi32>
            %parallel_loop3A_318 = tpu.vector_load_idx %arg12[%parallel_loop3A_311, %parallel_loop3A_317] : memref<320x96xf32, #tpu.memory_space<vmem>>[vector<16xi32>, vector<16xi32>], vector<16xf32>,
            %parallel_loop3A_319 = arith.mulf %parallel_loop3A_318, %parallel_loop3A_303 : vector<16xf32>
            tpu.vector_store_idx %arg12[%parallel_loop3A_311, %parallel_loop3A_317], %parallel_loop3A_319 : memref<320x96xf32, #tpu.memory_space<vmem>>[vector<16xi32>, vector<16xi32>], vector<16xf32>,
          } {sc.loop_unroll_factor = 16 : i64, sc.parallel_access}
        } {sc.loop_unroll_factor = 1 : i64, sc.parallel_access}
        %ge3A = arith.constant 2 : i32
        %ge3A_269 = arith.cmpi sge, %add3A_235, %ge3A : i32
        %convert_element_type3A_270 = arith.extui %ge3A_269 : i1 to i32
        %cond3A_271 = arith.constant 0 : i32
        %cond3A_272 = arith.cmpi ne, %convert_element_type3A_270, %cond3A_271 : i32
        scf.if %cond3A_272 {
          %sub3A = arith.constant 2 : i32
          %sub3A_295 = arith.subi %add3A_235, %sub3A : i32
          %rem3A_296 = arith.constant 2 : i32
          %rem3A_297 = arith.remsi %sub3A_295, %rem3A_296 : i32
          %eq3A_298 = arith.constant 0 : i32
          %eq3A_299 = arith.cmpi eq, %rem3A_297, %eq3A_298 : i32
          %convert_element_type3A_300 = arith.extui %eq3A_299 : i1 to i32
          %cond3A_301 = arith.constant 0 : i32
          %cond3A_302 = arith.cmpi ne, %convert_element_type3A_300, %cond3A_301 : i32
          scf.if %cond3A_302 {
            %dma_wait3A_310 = arith.constant 0 : i32
            %dma_wait3A_311 = arith.constant 0 : i32
            %dma_wait3A_312 = tpu.memref_slice %arg12[%dma_wait3A_310, %dma_wait3A_311] : memref<320x96xf32, #tpu.memory_space<vmem>> -> memref<80x96xf32, #tpu.memory_space<vmem>>
            %dma_wait3A_313 = arith.constant 0 : i32
            %dma_wait3A_314 = arith.constant 0 : i32
            %dma_wait3A_315 = tpu.memref_slice %arg2[%dma_wait3A_313, %dma_wait3A_314] : memref<10000x96xf32, #tpu.memory_space<hbm>> -> memref<80x96xf32, #tpu.memory_space<hbm>>
            %dma_wait3A_316 = arith.constant 0 : i32
            %dma_wait3A_317 = arith.constant 0 : i32
            %dma_wait3A_318 = tpu.memref_slice %arg12[%dma_wait3A_316, %dma_wait3A_317] : memref<320x96xf32, #tpu.memory_space<vmem>> -> memref<80x96xf32, #tpu.memory_space<vmem>>
            %dma_wait3A_319 = arith.constant 0 : i32
            %dma_wait3A_320 = arith.constant 0 : i32
            %dma_wait3A_321 = tpu.memref_slice %arg2[%dma_wait3A_319, %dma_wait3A_320] : memref<10000x96xf32, #tpu.memory_space<hbm>> -> memref<80x96xf32, #tpu.memory_space<hbm>>
            tpu.wait_dma2 semaphore(%arg17 : memref<!tpu.dma_semaphore, #tpu.memory_space<semaphore_mem>>) src(%dma_wait3A_321 : memref<80x96xf32, #tpu.memory_space<hbm>>) dst(%dma_wait3A_318 : memref<80x96xf32, #tpu.memory_space<vmem>>)
          } else {
          }
          %rem3A_303 = arith.constant 2 : i32
          %rem3A_304 = arith.remsi %sub3A_295, %rem3A_303 : i32
          %eq3A_305 = arith.constant 1 : i32
          %eq3A_306 = arith.cmpi eq, %rem3A_304, %eq3A_305 : i32
          %convert_element_type3A_307 = arith.extui %eq3A_306 : i1 to i32
          %cond3A_308 = arith.constant 0 : i32
          %cond3A_309 = arith.cmpi ne, %convert_element_type3A_307, %cond3A_308 : i32
          scf.if %cond3A_309 {
            %dma_wait3A_310 = arith.constant 0 : i32
            %dma_wait3A_311 = arith.constant 0 : i32
            %dma_wait3A_312 = tpu.memref_slice %arg12[%dma_wait3A_310, %dma_wait3A_311] : memref<320x96xf32, #tpu.memory_space<vmem>> -> memref<80x96xf32, #tpu.memory_space<vmem>>
            %dma_wait3A_313 = arith.constant 0 : i32
            %dma_wait3A_314 = arith.constant 0 : i32
            %dma_wait3A_315 = tpu.memref_slice %arg2[%dma_wait3A_313, %dma_wait3A_314] : memref<10000x96xf32, #tpu.memory_space<hbm>> -> memref<80x96xf32, #tpu.memory_space<hbm>>
            %dma_wait3A_316 = arith.constant 0 : i32
            %dma_wait3A_317 = arith.constant 0 : i32
            %dma_wait3A_318 = tpu.memref_slice %arg12[%dma_wait3A_316, %dma_wait3A_317] : memref<320x96xf32, #tpu.memory_space<vmem>> -> memref<80x96xf32, #tpu.memory_space<vmem>>
            %dma_wait3A_319 = arith.constant 0 : i32
            %dma_wait3A_320 = arith.constant 0 : i32
            %dma_wait3A_321 = tpu.memref_slice %arg2[%dma_wait3A_319, %dma_wait3A_320] : memref<10000x96xf32, #tpu.memory_space<hbm>> -> memref<80x96xf32, #tpu.memory_space<hbm>>
            tpu.wait_dma2 semaphore(%arg18 : memref<!tpu.dma_semaphore, #tpu.memory_space<semaphore_mem>>) src(%dma_wait3A_321 : memref<80x96xf32, #tpu.memory_space<hbm>>) dst(%dma_wait3A_318 : memref<80x96xf32, #tpu.memory_space<vmem>>)
          } else {
          }
        } else {
        }
        %rem3A_273 = arith.constant 4 : i32
        %rem3A_274 = arith.remsi %add3A_235, %rem3A_273 : i32
        %mul3A_275 = arith.constant 80 : i32
        %mul3A_276 = arith.muli %rem3A_274, %mul3A_275 : i32
        %rem3A_277 = arith.constant 5 : i32
        %rem3A_278 = arith.remsi %add3A_235, %rem3A_277 : i32
        %rem3A_279 = arith.constant 2 : i32
        %rem3A_280 = arith.remsi %add3A_235, %rem3A_279 : i32
        %eq3A_281 = arith.constant 0 : i32
        %eq3A_282 = arith.cmpi eq, %rem3A_280, %eq3A_281 : i32
        %convert_element_type3A_283 = arith.extui %eq3A_282 : i1 to i32
        %cond3A_284 = arith.constant 1 : i32
        %cond3A_285 = arith.constant 0 : i32
        %cond3A_286 = arith.cmpi ne, %convert_element_type3A_283, %cond3A_285 : i32
        scf.if %cond3A_286 {
          %dma_start3A_295 = arith.constant 0 : i32
          %dma_start3A_296 = tpu.memref_slice %arg12[%mul3A_276, %dma_start3A_295] : memref<320x96xf32, #tpu.memory_space<vmem>> -> memref<80x96xf32, #tpu.memory_space<vmem>>
          %dma_start3A_297 = arith.constant 0 : i32
          %dma_start3A_298 = tpu.memref_slice %arg11[%rem3A_278, %cond3A_284, %dma_start3A_297] : memref<5x3x80xi32, #tpu.memory_space<vmem>> -> memref<1x1x80xi32, #tpu.memory_space<vmem>>
          %dma_start3A_299 = tpu.memref_squeeze %dma_start3A_298 : memref<1x1x80xi32, #tpu.memory_space<vmem>> -> memref<80xi32, #tpu.memory_space<vmem>>
          %dma_start3A_300 = arith.constant 0 : i32
          %dma_start3A_301 = arith.constant 0 : i32
          %dma_start3A_302 = tpu.memref_slice %arg13[%dma_start3A_300, %dma_start3A_301] : memref<10240x96xf32, #tpu.memory_space<vmem_shared>> -> memref<10240x96xf32, #tpu.memory_space<vmem_shared>>
          tpu.enqueue_indirect_dma source(%dma_start3A_296 : memref<80x96xf32, #tpu.memory_space<vmem>>) target(%dma_start3A_302 : memref<10240x96xf32, #tpu.memory_space<vmem_shared>>) offsets(%dma_start3A_299 : memref<80xi32, #tpu.memory_space<vmem>>) semaphore(%arg17 : memref<!tpu.dma_semaphore, #tpu.memory_space<semaphore_mem>>) {add = true}
        } else {
        }
        %rem3A_287 = arith.constant 2 : i32
        %rem3A_288 = arith.remsi %add3A_235, %rem3A_287 : i32
        %eq3A_289 = arith.constant 1 : i32
        %eq3A_290 = arith.cmpi eq, %rem3A_288, %eq3A_289 : i32
        %convert_element_type3A_291 = arith.extui %eq3A_290 : i1 to i32
        %cond3A_292 = arith.constant 1 : i32
        %cond3A_293 = arith.constant 0 : i32
        %cond3A_294 = arith.cmpi ne, %convert_element_type3A_291, %cond3A_293 : i32
        scf.if %cond3A_294 {
          %dma_start3A_295 = arith.constant 0 : i32
          %dma_start3A_296 = tpu.memref_slice %arg12[%mul3A_276, %dma_start3A_295] : memref<320x96xf32, #tpu.memory_space<vmem>> -> memref<80x96xf32, #tpu.memory_space<vmem>>
          %dma_start3A_297 = arith.constant 0 : i32
          %dma_start3A_298 = tpu.memref_slice %arg11[%rem3A_278, %cond3A_292, %dma_start3A_297] : memref<5x3x80xi32, #tpu.memory_space<vmem>> -> memref<1x1x80xi32, #tpu.memory_space<vmem>>
          %dma_start3A_299 = tpu.memref_squeeze %dma_start3A_298 : memref<1x1x80xi32, #tpu.memory_space<vmem>> -> memref<80xi32, #tpu.memory_space<vmem>>
          %dma_start3A_300 = arith.constant 0 : i32
          %dma_start3A_301 = arith.constant 0 : i32
          %dma_start3A_302 = tpu.memref_slice %arg13[%dma_start3A_300, %dma_start3A_301] : memref<10240x96xf32, #tpu.memory_space<vmem_shared>> -> memref<10240x96xf32, #tpu.memory_space<vmem_shared>>
          tpu.enqueue_indirect_dma source(%dma_start3A_296 : memref<80x96xf32, #tpu.memory_space<vmem>>) target(%dma_start3A_302 : memref<10240x96xf32, #tpu.memory_space<vmem_shared>>) offsets(%dma_start3A_299 : memref<80xi32, #tpu.memory_space<vmem>>) semaphore(%arg18 : memref<!tpu.dma_semaphore, #tpu.memory_space<semaphore_mem>>) {add = true}
        } else {
        }
      }
      %scan3A_198 = arith.constant 250 : i32
      %rem3A_199 = arith.constant 248 : i32
      %rem3A_200 = arith.constant 2 : i32
      %rem3A_201 = arith.remsi %rem3A_199, %rem3A_200 : i32
      %eq3A_202 = arith.constant 0 : i32
      %eq3A_203 = arith.cmpi eq, %rem3A_201, %eq3A_202 : i32
      %convert_element_type3A_204 = arith.extui %eq3A_203 : i1 to i32
      %cond3A_205 = arith.constant 0 : i32
      %cond3A_206 = arith.cmpi ne, %convert_element_type3A_204, %cond3A_205 : i32
      scf.if %cond3A_206 {
        %dma_wait3A_231 = arith.constant 0 : i32
        %dma_wait3A_232 = arith.constant 0 : i32
        %dma_wait3A_233 = tpu.memref_slice %arg12[%dma_wait3A_231, %dma_wait3A_232] : memref<320x96xf32, #tpu.memory_space<vmem>> -> memref<80x96xf32, #tpu.memory_space<vmem>>
        %dma_wait3A_234 = arith.constant 0 : i32
        %dma_wait3A_235 = arith.constant 0 : i32
        %dma_wait3A_236 = tpu.memref_slice %arg2[%dma_wait3A_234, %dma_wait3A_235] : memref<10000x96xf32, #tpu.memory_space<hbm>> -> memref<80x96xf32, #tpu.memory_space<hbm>>
        %dma_wait3A_237 = arith.constant 0 : i32
        %dma_wait3A_238 = arith.constant 0 : i32
        %dma_wait3A_239 = tpu.memref_slice %arg12[%dma_wait3A_237, %dma_wait3A_238] : memref<320x96xf32, #tpu.memory_space<vmem>> -> memref<80x96xf32, #tpu.memory_space<vmem>>
        %dma_wait3A_240 = arith.constant 0 : i32
        %dma_wait3A_241 = arith.constant 0 : i32
        %dma_wait3A_242 = tpu.memref_slice %arg2[%dma_wait3A_240, %dma_wait3A_241] : memref<10000x96xf32, #tpu.memory_space<hbm>> -> memref<80x96xf32, #tpu.memory_space<hbm>>
        tpu.wait_dma2 semaphore(%arg17 : memref<!tpu.dma_semaphore, #tpu.memory_space<semaphore_mem>>) src(%dma_wait3A_242 : memref<80x96xf32, #tpu.memory_space<hbm>>) dst(%dma_wait3A_239 : memref<80x96xf32, #tpu.memory_space<vmem>>)
      } else {
      }
      %rem3A_207 = arith.constant 248 : i32
      %rem3A_208 = arith.constant 2 : i32
      %rem3A_209 = arith.remsi %rem3A_207, %rem3A_208 : i32
      %eq3A_210 = arith.constant 1 : i32
      %eq3A_211 = arith.cmpi eq, %rem3A_209, %eq3A_210 : i32
      %convert_element_type3A_212 = arith.extui %eq3A_211 : i1 to i32
      %cond3A_213 = arith.constant 0 : i32
      %cond3A_214 = arith.cmpi ne, %convert_element_type3A_212, %cond3A_213 : i32
      scf.if %cond3A_214 {
        %dma_wait3A_231 = arith.constant 0 : i32
        %dma_wait3A_232 = arith.constant 0 : i32
        %dma_wait3A_233 = tpu.memref_slice %arg12[%dma_wait3A_231, %dma_wait3A_232] : memref<320x96xf32, #tpu.memory_space<vmem>> -> memref<80x96xf32, #tpu.memory_space<vmem>>
        %dma_wait3A_234 = arith.constant 0 : i32
        %dma_wait3A_235 = arith.constant 0 : i32
        %dma_wait3A_236 = tpu.memref_slice %arg2[%dma_wait3A_234, %dma_wait3A_235] : memref<10000x96xf32, #tpu.memory_space<hbm>> -> memref<80x96xf32, #tpu.memory_space<hbm>>
        %dma_wait3A_237 = arith.constant 0 : i32
        %dma_wait3A_238 = arith.constant 0 : i32
        %dma_wait3A_239 = tpu.memref_slice %arg12[%dma_wait3A_237, %dma_wait3A_238] : memref<320x96xf32, #tpu.memory_space<vmem>> -> memref<80x96xf32, #tpu.memory_space<vmem>>
        %dma_wait3A_240 = arith.constant 0 : i32
        %dma_wait3A_241 = arith.constant 0 : i32
        %dma_wait3A_242 = tpu.memref_slice %arg2[%dma_wait3A_240, %dma_wait3A_241] : memref<10000x96xf32, #tpu.memory_space<hbm>> -> memref<80x96xf32, #tpu.memory_space<hbm>>
        tpu.wait_dma2 semaphore(%arg18 : memref<!tpu.dma_semaphore, #tpu.memory_space<semaphore_mem>>) src(%dma_wait3A_242 : memref<80x96xf32, #tpu.memory_space<hbm>>) dst(%dma_wait3A_239 : memref<80x96xf32, #tpu.memory_space<vmem>>)
      } else {
      }
      %rem3A_215 = arith.constant 249 : i32
      %rem3A_216 = arith.constant 2 : i32
      %rem3A_217 = arith.remsi %rem3A_215, %rem3A_216 : i32
      %eq3A_218 = arith.constant 0 : i32
      %eq3A_219 = arith.cmpi eq, %rem3A_217, %eq3A_218 : i32
      %convert_element_type3A_220 = arith.extui %eq3A_219 : i1 to i32
      %cond3A_221 = arith.constant 0 : i32
      %cond3A_222 = arith.cmpi ne, %convert_element_type3A_220, %cond3A_221 : i32
      scf.if %cond3A_222 {
        %dma_wait3A_231 = arith.constant 0 : i32
        %dma_wait3A_232 = arith.constant 0 : i32
        %dma_wait3A_233 = tpu.memref_slice %arg12[%dma_wait3A_231, %dma_wait3A_232] : memref<320x96xf32, #tpu.memory_space<vmem>> -> memref<80x96xf32, #tpu.memory_space<vmem>>
        %dma_wait3A_234 = arith.constant 0 : i32
        %dma_wait3A_235 = arith.constant 0 : i32
        %dma_wait3A_236 = tpu.memref_slice %arg2[%dma_wait3A_234, %dma_wait3A_235] : memref<10000x96xf32, #tpu.memory_space<hbm>> -> memref<80x96xf32, #tpu.memory_space<hbm>>
        %dma_wait3A_237 = arith.constant 0 : i32
        %dma_wait3A_238 = arith.constant 0 : i32
        %dma_wait3A_239 = tpu.memref_slice %arg12[%dma_wait3A_237, %dma_wait3A_238] : memref<320x96xf32, #tpu.memory_space<vmem>> -> memref<80x96xf32, #tpu.memory_space<vmem>>
        %dma_wait3A_240 = arith.constant 0 : i32
        %dma_wait3A_241 = arith.constant 0 : i32
        %dma_wait3A_242 = tpu.memref_slice %arg2[%dma_wait3A_240, %dma_wait3A_241] : memref<10000x96xf32, #tpu.memory_space<hbm>> -> memref<80x96xf32, #tpu.memory_space<hbm>>
        tpu.wait_dma2 semaphore(%arg17 : memref<!tpu.dma_semaphore, #tpu.memory_space<semaphore_mem>>) src(%dma_wait3A_242 : memref<80x96xf32, #tpu.memory_space<hbm>>) dst(%dma_wait3A_239 : memref<80x96xf32, #tpu.memory_space<vmem>>)
      } else {
      }
      %rem3A_223 = arith.constant 249 : i32
      %rem3A_224 = arith.constant 2 : i32
      %rem3A_225 = arith.remsi %rem3A_223, %rem3A_224 : i32
      %eq3A_226 = arith.constant 1 : i32
      %eq3A_227 = arith.cmpi eq, %rem3A_225, %eq3A_226 : i32
      %convert_element_type3A_228 = arith.extui %eq3A_227 : i1 to i32
      %cond3A_229 = arith.constant 0 : i32
      %cond3A_230 = arith.cmpi ne, %convert_element_type3A_228, %cond3A_229 : i32
      scf.if %cond3A_230 {
        %dma_wait3A_231 = arith.constant 0 : i32
        %dma_wait3A_232 = arith.constant 0 : i32
        %dma_wait3A_233 = tpu.memref_slice %arg12[%dma_wait3A_231, %dma_wait3A_232] : memref<320x96xf32, #tpu.memory_space<vmem>> -> memref<80x96xf32, #tpu.memory_space<vmem>>
        %dma_wait3A_234 = arith.constant 0 : i32
        %dma_wait3A_235 = arith.constant 0 : i32
        %dma_wait3A_236 = tpu.memref_slice %arg2[%dma_wait3A_234, %dma_wait3A_235] : memref<10000x96xf32, #tpu.memory_space<hbm>> -> memref<80x96xf32, #tpu.memory_space<hbm>>
        %dma_wait3A_237 = arith.constant 0 : i32
        %dma_wait3A_238 = arith.constant 0 : i32
        %dma_wait3A_239 = tpu.memref_slice %arg12[%dma_wait3A_237, %dma_wait3A_238] : memref<320x96xf32, #tpu.memory_space<vmem>> -> memref<80x96xf32, #tpu.memory_space<vmem>>
        %dma_wait3A_240 = arith.constant 0 : i32
        %dma_wait3A_241 = arith.constant 0 : i32
        %dma_wait3A_242 = tpu.memref_slice %arg2[%dma_wait3A_240, %dma_wait3A_241] : memref<10000x96xf32, #tpu.memory_space<hbm>> -> memref<80x96xf32, #tpu.memory_space<hbm>>
        tpu.wait_dma2 semaphore(%arg18 : memref<!tpu.dma_semaphore, #tpu.memory_space<semaphore_mem>>) src(%dma_wait3A_242 : memref<80x96xf32, #tpu.memory_space<hbm>>) dst(%dma_wait3A_239 : memref<80x96xf32, #tpu.memory_space<vmem>>)
      } else {
      }
    } else {
    }
    %eq3A_37 = arith.constant 1 : i32
    %eq3A_38 = arith.cmpi eq, %arg0, %eq3A_37 : i32
    %convert_element_type3A_39 = arith.extui %eq3A_38 : i1 to i32
    %cond3A_40 = arith.constant 0 : i32
    %cond3A_41 = arith.cmpi ne, %convert_element_type3A_39, %cond3A_40 : i32
    scf.if %cond3A_41 {
      %mul3A_114 = arith.constant 250 : i32
      %mul3A_115 = arith.muli %arg1, %mul3A_114 : i32
      %dma_start3A = arith.constant 0 : i32
      %dma_start3A_116 = arith.constant 0 : i32
      %dma_start3A_117 = arith.constant 0 : i32
      %dma_start3A_118 = tpu.memref_slice %arg11[%dma_start3A, %dma_start3A_116, %dma_start3A_117] : memref<5x3x80xi32, #tpu.memory_space<vmem>> -> memref<1x3x80xi32, #tpu.memory_space<vmem>>
      %dma_start3A_119 = tpu.memref_squeeze %dma_start3A_118 : memref<1x3x80xi32, #tpu.memory_space<vmem>> -> memref<3x80xi32, #tpu.memory_space<vmem>>
      %dma_start3A_120 = arith.constant 0 : i32
      %dma_start3A_121 = arith.constant 0 : i32
      %dma_start3A_122 = tpu.memref_slice %arg6[%mul3A_115, %dma_start3A_120, %dma_start3A_121] : memref<4000x3x80xi32, #tpu.memory_space<hbm>> -> memref<1x3x80xi32, #tpu.memory_space<hbm>>
      %dma_start3A_123 = tpu.memref_squeeze %dma_start3A_122 : memref<1x3x80xi32, #tpu.memory_space<hbm>> -> memref<3x80xi32, #tpu.memory_space<hbm>>
      %dma_start3A_124 = arith.constant 0 : i32
      %dma_start3A_125 = arith.constant 0 : i32
      %dma_start3A_126 = tpu.memref_slice %arg11[%dma_start3A, %dma_start3A_124, %dma_start3A_125] : memref<5x3x80xi32, #tpu.memory_space<vmem>> -> memref<1x3x80xi32, #tpu.memory_space<vmem>>
      %dma_start3A_127 = tpu.memref_squeeze %dma_start3A_126 : memref<1x3x80xi32, #tpu.memory_space<vmem>> -> memref<3x80xi32, #tpu.memory_space<vmem>>
      %dma_start3A_128 = arith.constant 0 : i32
      %dma_start3A_129 = arith.constant 0 : i32
      %dma_start3A_130 = tpu.memref_slice %arg6[%mul3A_115, %dma_start3A_128, %dma_start3A_129] : memref<4000x3x80xi32, #tpu.memory_space<hbm>> -> memref<1x3x80xi32, #tpu.memory_space<hbm>>
      %dma_start3A_131 = tpu.memref_squeeze %dma_start3A_130 : memref<1x3x80xi32, #tpu.memory_space<hbm>> -> memref<3x80xi32, #tpu.memory_space<hbm>>
      tpu.enqueue_dma source(%dma_start3A_131 : memref<3x80xi32, #tpu.memory_space<hbm>>) target(%dma_start3A_127 : memref<3x80xi32, #tpu.memory_space<vmem>>) target_semaphore(%arg14 : memref<!tpu.dma_semaphore, #tpu.memory_space<semaphore_mem>>)
      %dma_wait3A = arith.constant 0 : i32
      %dma_wait3A_132 = arith.constant 0 : i32
      %dma_wait3A_133 = arith.constant 0 : i32
      %dma_wait3A_134 = arith.constant 0 : i32
      %dma_wait3A_135 = tpu.memref_slice %arg11[%dma_wait3A_132, %dma_wait3A_133, %dma_wait3A_134] : memref<5x3x80xi32, #tpu.memory_space<vmem>> -> memref<1x3x80xi32, #tpu.memory_space<vmem>>
      %dma_wait3A_136 = tpu.memref_squeeze %dma_wait3A_135 : memref<1x3x80xi32, #tpu.memory_space<vmem>> -> memref<3x80xi32, #tpu.memory_space<vmem>>
      %dma_wait3A_137 = arith.constant 0 : i32
      %dma_wait3A_138 = arith.constant 0 : i32
      %dma_wait3A_139 = tpu.memref_slice %arg6[%dma_wait3A, %dma_wait3A_137, %dma_wait3A_138] : memref<4000x3x80xi32, #tpu.memory_space<hbm>> -> memref<1x3x80xi32, #tpu.memory_space<hbm>>
      %dma_wait3A_140 = tpu.memref_squeeze %dma_wait3A_139 : memref<1x3x80xi32, #tpu.memory_space<hbm>> -> memref<3x80xi32, #tpu.memory_space<hbm>>
      %dma_wait3A_141 = arith.constant 0 : i32
      %dma_wait3A_142 = arith.constant 0 : i32
      %dma_wait3A_143 = tpu.memref_slice %arg11[%dma_wait3A_132, %dma_wait3A_141, %dma_wait3A_142] : memref<5x3x80xi32, #tpu.memory_space<vmem>> -> memref<1x3x80xi32, #tpu.memory_space<vmem>>
      %dma_wait3A_144 = tpu.memref_squeeze %dma_wait3A_143 : memref<1x3x80xi32, #tpu.memory_space<vmem>> -> memref<3x80xi32, #tpu.memory_space<vmem>>
      %dma_wait3A_145 = arith.constant 0 : i32
      %dma_wait3A_146 = arith.constant 0 : i32
      %dma_wait3A_147 = tpu.memref_slice %arg6[%dma_wait3A, %dma_wait3A_145, %dma_wait3A_146] : memref<4000x3x80xi32, #tpu.memory_space<hbm>> -> memref<1x3x80xi32, #tpu.memory_space<hbm>>
      %dma_wait3A_148 = tpu.memref_squeeze %dma_wait3A_147 : memref<1x3x80xi32, #tpu.memory_space<hbm>> -> memref<3x80xi32, #tpu.memory_space<hbm>>
      tpu.wait_dma2 semaphore(%arg14 : memref<!tpu.dma_semaphore, #tpu.memory_space<semaphore_mem>>) src(%dma_wait3A_148 : memref<3x80xi32, #tpu.memory_space<hbm>>) dst(%dma_wait3A_144 : memref<3x80xi32, #tpu.memory_space<vmem>>)
      %add3A_149 = arith.constant 1 : i32
      %add3A_150 = arith.addi %mul3A_115, %add3A_149 : i32
      %dma_start3A_151 = arith.constant 1 : i32
      %dma_start3A_152 = arith.constant 0 : i32
      %dma_start3A_153 = arith.constant 0 : i32
      %dma_start3A_154 = tpu.memref_slice %arg11[%dma_start3A_151, %dma_start3A_152, %dma_start3A_153] : memref<5x3x80xi32, #tpu.memory_space<vmem>> -> memref<1x3x80xi32, #tpu.memory_space<vmem>>
      %dma_start3A_155 = tpu.memref_squeeze %dma_start3A_154 : memref<1x3x80xi32, #tpu.memory_space<vmem>> -> memref<3x80xi32, #tpu.memory_space<vmem>>
      %dma_start3A_156 = arith.constant 0 : i32
      %dma_start3A_157 = arith.constant 0 : i32
      %dma_start3A_158 = tpu.memref_slice %arg6[%add3A_150, %dma_start3A_156, %dma_start3A_157] : memref<4000x3x80xi32, #tpu.memory_space<hbm>> -> memref<1x3x80xi32, #tpu.memory_space<hbm>>
      %dma_start3A_159 = tpu.memref_squeeze %dma_start3A_158 : memref<1x3x80xi32, #tpu.memory_space<hbm>> -> memref<3x80xi32, #tpu.memory_space<hbm>>
      %dma_start3A_160 = arith.constant 0 : i32
      %dma_start3A_161 = arith.constant 0 : i32
      %dma_start3A_162 = tpu.memref_slice %arg11[%dma_start3A_151, %dma_start3A_160, %dma_start3A_161] : memref<5x3x80xi32, #tpu.memory_space<vmem>> -> memref<1x3x80xi32, #tpu.memory_space<vmem>>
      %dma_start3A_163 = tpu.memref_squeeze %dma_start3A_162 : memref<1x3x80xi32, #tpu.memory_space<vmem>> -> memref<3x80xi32, #tpu.memory_space<vmem>>
      %dma_start3A_164 = arith.constant 0 : i32
      %dma_start3A_165 = arith.constant 0 : i32
      %dma_start3A_166 = tpu.memref_slice %arg6[%add3A_150, %dma_start3A_164, %dma_start3A_165] : memref<4000x3x80xi32, #tpu.memory_space<hbm>> -> memref<1x3x80xi32, #tpu.memory_space<hbm>>
      %dma_start3A_167 = tpu.memref_squeeze %dma_start3A_166 : memref<1x3x80xi32, #tpu.memory_space<hbm>> -> memref<3x80xi32, #tpu.memory_space<hbm>>
      tpu.enqueue_dma source(%dma_start3A_167 : memref<3x80xi32, #tpu.memory_space<hbm>>) target(%dma_start3A_163 : memref<3x80xi32, #tpu.memory_space<vmem>>) target_semaphore(%arg14 : memref<!tpu.dma_semaphore, #tpu.memory_space<semaphore_mem>>)
      %rem3A = arith.constant 0 : i32
      %rem3A_168 = arith.constant 5 : i32
      %rem3A_169 = arith.remsi %rem3A, %rem3A_168 : i32
      %rem3A_170 = arith.constant 0 : i32
      %rem3A_171 = arith.constant 4 : i32
      %rem3A_172 = arith.remsi %rem3A_170, %rem3A_171 : i32
      %mul3A_173 = arith.constant 80 : i32
      %mul3A_174 = arith.muli %rem3A_172, %mul3A_173 : i32
      %rem3A_175 = arith.constant 0 : i32
      %rem3A_176 = arith.constant 2 : i32
      %rem3A_177 = arith.remsi %rem3A_175, %rem3A_176 : i32
      %eq3A_178 = arith.constant 0 : i32
      %eq3A_179 = arith.cmpi eq, %rem3A_177, %eq3A_178 : i32
      %convert_element_type3A_180 = arith.extui %eq3A_179 : i1 to i32
      %cond3A_181 = arith.constant 0 : i32
      %cond3A_182 = arith.constant 0 : i32
      %cond3A_183 = arith.cmpi ne, %convert_element_type3A_180, %cond3A_182 : i32
      scf.if %cond3A_183 {
        %dma_start3A_231 = arith.constant 0 : i32
        %dma_start3A_232 = tpu.memref_slice %arg12[%mul3A_174, %dma_start3A_231] : memref<320x96xf32, #tpu.memory_space<vmem>> -> memref<80x96xf32, #tpu.memory_space<vmem>>
        %dma_start3A_233 = arith.constant 0 : i32
        %dma_start3A_234 = tpu.memref_slice %arg11[%rem3A_169, %cond3A_181, %dma_start3A_233] : memref<5x3x80xi32, #tpu.memory_space<vmem>> -> memref<1x1x80xi32, #tpu.memory_space<vmem>>
        %dma_start3A_235 = tpu.memref_squeeze %dma_start3A_234 : memref<1x1x80xi32, #tpu.memory_space<vmem>> -> memref<80xi32, #tpu.memory_space<vmem>>
        %dma_start3A_236 = arith.constant 0 : i32
        %dma_start3A_237 = arith.constant 0 : i32
        %dma_start3A_238 = tpu.memref_slice %arg4[%dma_start3A_236, %dma_start3A_237] : memref<10000x96xf32, #tpu.memory_space<hbm>> -> memref<10000x96xf32, #tpu.memory_space<hbm>>
        tpu.enqueue_indirect_dma source(%dma_start3A_238 : memref<10000x96xf32, #tpu.memory_space<hbm>>) target(%dma_start3A_232 : memref<80x96xf32, #tpu.memory_space<vmem>>) offsets(%dma_start3A_235 : memref<80xi32, #tpu.memory_space<vmem>>) semaphore(%arg15 : memref<!tpu.dma_semaphore, #tpu.memory_space<semaphore_mem>>)
      } else {
      }
      %rem3A_184 = arith.constant 0 : i32
      %rem3A_185 = arith.constant 2 : i32
      %rem3A_186 = arith.remsi %rem3A_184, %rem3A_185 : i32
      %eq3A_187 = arith.constant 1 : i32
      %eq3A_188 = arith.cmpi eq, %rem3A_186, %eq3A_187 : i32
      %convert_element_type3A_189 = arith.extui %eq3A_188 : i1 to i32
      %cond3A_190 = arith.constant 0 : i32
      %cond3A_191 = arith.constant 0 : i32
      %cond3A_192 = arith.cmpi ne, %convert_element_type3A_189, %cond3A_191 : i32
      scf.if %cond3A_192 {
        %dma_start3A_231 = arith.constant 0 : i32
        %dma_start3A_232 = tpu.memref_slice %arg12[%mul3A_174, %dma_start3A_231] : memref<320x96xf32, #tpu.memory_space<vmem>> -> memref<80x96xf32, #tpu.memory_space<vmem>>
        %dma_start3A_233 = arith.constant 0 : i32
        %dma_start3A_234 = tpu.memref_slice %arg11[%rem3A_169, %cond3A_190, %dma_start3A_233] : memref<5x3x80xi32, #tpu.memory_space<vmem>> -> memref<1x1x80xi32, #tpu.memory_space<vmem>>
        %dma_start3A_235 = tpu.memref_squeeze %dma_start3A_234 : memref<1x1x80xi32, #tpu.memory_space<vmem>> -> memref<80xi32, #tpu.memory_space<vmem>>
        %dma_start3A_236 = arith.constant 0 : i32
        %dma_start3A_237 = arith.constant 0 : i32
        %dma_start3A_238 = tpu.memref_slice %arg4[%dma_start3A_236, %dma_start3A_237] : memref<10000x96xf32, #tpu.memory_space<hbm>> -> memref<10000x96xf32, #tpu.memory_space<hbm>>
        tpu.enqueue_indirect_dma source(%dma_start3A_238 : memref<10000x96xf32, #tpu.memory_space<hbm>>) target(%dma_start3A_232 : memref<80x96xf32, #tpu.memory_space<vmem>>) offsets(%dma_start3A_235 : memref<80xi32, #tpu.memory_space<vmem>>) semaphore(%arg16 : memref<!tpu.dma_semaphore, #tpu.memory_space<semaphore_mem>>)
      } else {
      }
      %scan3A_193 = arith.constant 0 : i32
      %scan3A_194 = arith.constant 0 : i32
      %scan3A_195 = arith.constant 250 : i32
      %scan3A_196 = arith.addi %scan3A_194, %scan3A_195 : i32
      %scan3A_197 = arith.constant 1 : i32
      scf.for %scan3A_231 = %scan3A_194 to %scan3A_196 step %scan3A_197  : i32 {
        %mul3A_232 = arith.constant 1 : i32
        %mul3A_233 = arith.muli %scan3A_231, %mul3A_232 : i32
        %add3A_234 = arith.constant 0 : i32
        %add3A_235 = arith.addi %add3A_234, %mul3A_233 : i32
        %rem3A_236 = arith.constant 4 : i32
        %rem3A_237 = arith.remsi %add3A_235, %rem3A_236 : i32
        %rem3A_238 = arith.constant 5 : i32
        %rem3A_239 = arith.remsi %add3A_235, %rem3A_238 : i32
        %add3A_240 = arith.constant 1 : i32
        %add3A_241 = arith.addi %add3A_235, %add3A_240 : i32
        %lt3A = arith.constant 250 : i32
        %lt3A_242 = arith.cmpi slt, %add3A_241, %lt3A : i32
        %convert_element_type3A_243 = arith.extui %lt3A_242 : i1 to i32
        %cond3A_244 = arith.constant 0 : i32
        %cond3A_245 = arith.cmpi ne, %convert_element_type3A_243, %cond3A_244 : i32
        scf.if %cond3A_245 {
          %dma_wait3A_295 = arith.constant 0 : i32
          %dma_wait3A_296 = arith.constant 0 : i32
          %dma_wait3A_297 = arith.constant 0 : i32
          %dma_wait3A_298 = tpu.memref_slice %arg11[%dma_wait3A_295, %dma_wait3A_296, %dma_wait3A_297] : memref<5x3x80xi32, #tpu.memory_space<vmem>> -> memref<1x3x80xi32, #tpu.memory_space<vmem>>
          %dma_wait3A_299 = tpu.memref_squeeze %dma_wait3A_298 : memref<1x3x80xi32, #tpu.memory_space<vmem>> -> memref<3x80xi32, #tpu.memory_space<vmem>>
          %dma_wait3A_300 = arith.constant 0 : i32
          %dma_wait3A_301 = arith.constant 0 : i32
          %dma_wait3A_302 = tpu.memref_slice %arg6[%scan3A_193, %dma_wait3A_300, %dma_wait3A_301] : memref<4000x3x80xi32, #tpu.memory_space<hbm>> -> memref<1x3x80xi32, #tpu.memory_space<hbm>>
          %dma_wait3A_303 = tpu.memref_squeeze %dma_wait3A_302 : memref<1x3x80xi32, #tpu.memory_space<hbm>> -> memref<3x80xi32, #tpu.memory_space<hbm>>
          %dma_wait3A_304 = arith.constant 0 : i32
          %dma_wait3A_305 = arith.constant 0 : i32
          %dma_wait3A_306 = tpu.memref_slice %arg11[%dma_wait3A_295, %dma_wait3A_304, %dma_wait3A_305] : memref<5x3x80xi32, #tpu.memory_space<vmem>> -> memref<1x3x80xi32, #tpu.memory_space<vmem>>
          %dma_wait3A_307 = tpu.memref_squeeze %dma_wait3A_306 : memref<1x3x80xi32, #tpu.memory_space<vmem>> -> memref<3x80xi32, #tpu.memory_space<vmem>>
          %dma_wait3A_308 = arith.constant 0 : i32
          %dma_wait3A_309 = arith.constant 0 : i32
          %dma_wait3A_310 = tpu.memref_slice %arg6[%scan3A_193, %dma_wait3A_308, %dma_wait3A_309] : memref<4000x3x80xi32, #tpu.memory_space<hbm>> -> memref<1x3x80xi32, #tpu.memory_space<hbm>>
          %dma_wait3A_311 = tpu.memref_squeeze %dma_wait3A_310 : memref<1x3x80xi32, #tpu.memory_space<hbm>> -> memref<3x80xi32, #tpu.memory_space<hbm>>
          tpu.wait_dma2 semaphore(%arg14 : memref<!tpu.dma_semaphore, #tpu.memory_space<semaphore_mem>>) src(%dma_wait3A_311 : memref<3x80xi32, #tpu.memory_space<hbm>>) dst(%dma_wait3A_307 : memref<3x80xi32, #tpu.memory_space<vmem>>)
          %add3A_312 = arith.constant 1 : i32
          %add3A_313 = arith.addi %add3A_235, %add3A_312 : i32
          %rem3A_314 = arith.constant 5 : i32
          %rem3A_315 = arith.remsi %add3A_313, %rem3A_314 : i32
          %rem3A_316 = arith.constant 4 : i32
          %rem3A_317 = arith.remsi %add3A_313, %rem3A_316 : i32
          %mul3A_318 = arith.constant 80 : i32
          %mul3A_319 = arith.muli %rem3A_317, %mul3A_318 : i32
          %rem3A_320 = arith.constant 2 : i32
          %rem3A_321 = arith.remsi %add3A_313, %rem3A_320 : i32
          %eq3A_322 = arith.constant 0 : i32
          %eq3A_323 = arith.cmpi eq, %rem3A_321, %eq3A_322 : i32
          %convert_element_type3A_324 = arith.extui %eq3A_323 : i1 to i32
          %cond3A_325 = arith.constant 0 : i32
          %cond3A_326 = arith.constant 0 : i32
          %cond3A_327 = arith.cmpi ne, %convert_element_type3A_324, %cond3A_326 : i32
          scf.if %cond3A_327 {
            %dma_start3A_336 = arith.constant 0 : i32
            %dma_start3A_337 = tpu.memref_slice %arg12[%mul3A_319, %dma_start3A_336] : memref<320x96xf32, #tpu.memory_space<vmem>> -> memref<80x96xf32, #tpu.memory_space<vmem>>
            %dma_start3A_338 = arith.constant 0 : i32
            %dma_start3A_339 = tpu.memref_slice %arg11[%rem3A_315, %cond3A_325, %dma_start3A_338] : memref<5x3x80xi32, #tpu.memory_space<vmem>> -> memref<1x1x80xi32, #tpu.memory_space<vmem>>
            %dma_start3A_340 = tpu.memref_squeeze %dma_start3A_339 : memref<1x1x80xi32, #tpu.memory_space<vmem>> -> memref<80xi32, #tpu.memory_space<vmem>>
            %dma_start3A_341 = arith.constant 0 : i32
            %dma_start3A_342 = arith.constant 0 : i32
            %dma_start3A_343 = tpu.memref_slice %arg4[%dma_start3A_341, %dma_start3A_342] : memref<10000x96xf32, #tpu.memory_space<hbm>> -> memref<10000x96xf32, #tpu.memory_space<hbm>>
            tpu.enqueue_indirect_dma source(%dma_start3A_343 : memref<10000x96xf32, #tpu.memory_space<hbm>>) target(%dma_start3A_337 : memref<80x96xf32, #tpu.memory_space<vmem>>) offsets(%dma_start3A_340 : memref<80xi32, #tpu.memory_space<vmem>>) semaphore(%arg15 : memref<!tpu.dma_semaphore, #tpu.memory_space<semaphore_mem>>)
          } else {
          }
          %rem3A_328 = arith.constant 2 : i32
          %rem3A_329 = arith.remsi %add3A_313, %rem3A_328 : i32
          %eq3A_330 = arith.constant 1 : i32
          %eq3A_331 = arith.cmpi eq, %rem3A_329, %eq3A_330 : i32
          %convert_element_type3A_332 = arith.extui %eq3A_331 : i1 to i32
          %cond3A_333 = arith.constant 0 : i32
          %cond3A_334 = arith.constant 0 : i32
          %cond3A_335 = arith.cmpi ne, %convert_element_type3A_332, %cond3A_334 : i32
          scf.if %cond3A_335 {
            %dma_start3A_336 = arith.constant 0 : i32
            %dma_start3A_337 = tpu.memref_slice %arg12[%mul3A_319, %dma_start3A_336] : memref<320x96xf32, #tpu.memory_space<vmem>> -> memref<80x96xf32, #tpu.memory_space<vmem>>
            %dma_start3A_338 = arith.constant 0 : i32
            %dma_start3A_339 = tpu.memref_slice %arg11[%rem3A_315, %cond3A_333, %dma_start3A_338] : memref<5x3x80xi32, #tpu.memory_space<vmem>> -> memref<1x1x80xi32, #tpu.memory_space<vmem>>
            %dma_start3A_340 = tpu.memref_squeeze %dma_start3A_339 : memref<1x1x80xi32, #tpu.memory_space<vmem>> -> memref<80xi32, #tpu.memory_space<vmem>>
            %dma_start3A_341 = arith.constant 0 : i32
            %dma_start3A_342 = arith.constant 0 : i32
            %dma_start3A_343 = tpu.memref_slice %arg4[%dma_start3A_341, %dma_start3A_342] : memref<10000x96xf32, #tpu.memory_space<hbm>> -> memref<10000x96xf32, #tpu.memory_space<hbm>>
            tpu.enqueue_indirect_dma source(%dma_start3A_343 : memref<10000x96xf32, #tpu.memory_space<hbm>>) target(%dma_start3A_337 : memref<80x96xf32, #tpu.memory_space<vmem>>) offsets(%dma_start3A_340 : memref<80xi32, #tpu.memory_space<vmem>>) semaphore(%arg16 : memref<!tpu.dma_semaphore, #tpu.memory_space<semaphore_mem>>)
          } else {
          }
        } else {
        }
        %add3A_246 = arith.constant 2 : i32
        %add3A_247 = arith.addi %add3A_235, %add3A_246 : i32
        %lt3A_248 = arith.constant 250 : i32
        %lt3A_249 = arith.cmpi slt, %add3A_247, %lt3A_248 : i32
        %convert_element_type3A_250 = arith.extui %lt3A_249 : i1 to i32
        %cond3A_251 = arith.constant 0 : i32
        %cond3A_252 = arith.cmpi ne, %convert_element_type3A_250, %cond3A_251 : i32
        scf.if %cond3A_252 {
          %add3A_295 = arith.addi %mul3A_115, %add3A_235 : i32
          %add3A_296 = arith.constant 2 : i32
          %add3A_297 = arith.addi %add3A_295, %add3A_296 : i32
          %add3A_298 = arith.constant 2 : i32
          %add3A_299 = arith.addi %add3A_235, %add3A_298 : i32
          %rem3A_300 = arith.constant 5 : i32
          %rem3A_301 = arith.remsi %add3A_299, %rem3A_300 : i32
          %dma_start3A_302 = arith.constant 0 : i32
          %dma_start3A_303 = arith.constant 0 : i32
          %dma_start3A_304 = tpu.memref_slice %arg11[%rem3A_301, %dma_start3A_302, %dma_start3A_303] : memref<5x3x80xi32, #tpu.memory_space<vmem>> -> memref<1x3x80xi32, #tpu.memory_space<vmem>>
          %dma_start3A_305 = tpu.memref_squeeze %dma_start3A_304 : memref<1x3x80xi32, #tpu.memory_space<vmem>> -> memref<3x80xi32, #tpu.memory_space<vmem>>
          %dma_start3A_306 = arith.constant 0 : i32
          %dma_start3A_307 = arith.constant 0 : i32
          %dma_start3A_308 = tpu.memref_slice %arg6[%add3A_297, %dma_start3A_306, %dma_start3A_307] : memref<4000x3x80xi32, #tpu.memory_space<hbm>> -> memref<1x3x80xi32, #tpu.memory_space<hbm>>
          %dma_start3A_309 = tpu.memref_squeeze %dma_start3A_308 : memref<1x3x80xi32, #tpu.memory_space<hbm>> -> memref<3x80xi32, #tpu.memory_space<hbm>>
          %dma_start3A_310 = arith.constant 0 : i32
          %dma_start3A_311 = arith.constant 0 : i32
          %dma_start3A_312 = tpu.memref_slice %arg11[%rem3A_301, %dma_start3A_310, %dma_start3A_311] : memref<5x3x80xi32, #tpu.memory_space<vmem>> -> memref<1x3x80xi32, #tpu.memory_space<vmem>>
          %dma_start3A_313 = tpu.memref_squeeze %dma_start3A_312 : memref<1x3x80xi32, #tpu.memory_space<vmem>> -> memref<3x80xi32, #tpu.memory_space<vmem>>
          %dma_start3A_314 = arith.constant 0 : i32
          %dma_start3A_315 = arith.constant 0 : i32
          %dma_start3A_316 = tpu.memref_slice %arg6[%add3A_297, %dma_start3A_314, %dma_start3A_315] : memref<4000x3x80xi32, #tpu.memory_space<hbm>> -> memref<1x3x80xi32, #tpu.memory_space<hbm>>
          %dma_start3A_317 = tpu.memref_squeeze %dma_start3A_316 : memref<1x3x80xi32, #tpu.memory_space<hbm>> -> memref<3x80xi32, #tpu.memory_space<hbm>>
          tpu.enqueue_dma source(%dma_start3A_317 : memref<3x80xi32, #tpu.memory_space<hbm>>) target(%dma_start3A_313 : memref<3x80xi32, #tpu.memory_space<vmem>>) target_semaphore(%arg14 : memref<!tpu.dma_semaphore, #tpu.memory_space<semaphore_mem>>)
        } else {
        }
        %rem3A_253 = arith.constant 2 : i32
        %rem3A_254 = arith.remsi %add3A_235, %rem3A_253 : i32
        %eq3A_255 = arith.constant 0 : i32
        %eq3A_256 = arith.cmpi eq, %rem3A_254, %eq3A_255 : i32
        %convert_element_type3A_257 = arith.extui %eq3A_256 : i1 to i32
        %cond3A_258 = arith.constant 0 : i32
        %cond3A_259 = arith.cmpi ne, %convert_element_type3A_257, %cond3A_258 : i32
        scf.if %cond3A_259 {
          %dma_wait3A_295 = arith.constant 0 : i32
          %dma_wait3A_296 = arith.constant 0 : i32
          %dma_wait3A_297 = tpu.memref_slice %arg12[%dma_wait3A_295, %dma_wait3A_296] : memref<320x96xf32, #tpu.memory_space<vmem>> -> memref<80x96xf32, #tpu.memory_space<vmem>>
          %dma_wait3A_298 = arith.constant 0 : i32
          %dma_wait3A_299 = arith.constant 0 : i32
          %dma_wait3A_300 = tpu.memref_slice %arg4[%dma_wait3A_298, %dma_wait3A_299] : memref<10000x96xf32, #tpu.memory_space<hbm>> -> memref<80x96xf32, #tpu.memory_space<hbm>>
          %dma_wait3A_301 = arith.constant 0 : i32
          %dma_wait3A_302 = arith.constant 0 : i32
          %dma_wait3A_303 = tpu.memref_slice %arg12[%dma_wait3A_301, %dma_wait3A_302] : memref<320x96xf32, #tpu.memory_space<vmem>> -> memref<80x96xf32, #tpu.memory_space<vmem>>
          %dma_wait3A_304 = arith.constant 0 : i32
          %dma_wait3A_305 = arith.constant 0 : i32
          %dma_wait3A_306 = tpu.memref_slice %arg4[%dma_wait3A_304, %dma_wait3A_305] : memref<10000x96xf32, #tpu.memory_space<hbm>> -> memref<80x96xf32, #tpu.memory_space<hbm>>
          tpu.wait_dma2 semaphore(%arg15 : memref<!tpu.dma_semaphore, #tpu.memory_space<semaphore_mem>>) src(%dma_wait3A_306 : memref<80x96xf32, #tpu.memory_space<hbm>>) dst(%dma_wait3A_303 : memref<80x96xf32, #tpu.memory_space<vmem>>)
        } else {
        }
        %rem3A_260 = arith.constant 2 : i32
        %rem3A_261 = arith.remsi %add3A_235, %rem3A_260 : i32
        %eq3A_262 = arith.constant 1 : i32
        %eq3A_263 = arith.cmpi eq, %rem3A_261, %eq3A_262 : i32
        %convert_element_type3A_264 = arith.extui %eq3A_263 : i1 to i32
        %cond3A_265 = arith.constant 0 : i32
        %cond3A_266 = arith.cmpi ne, %convert_element_type3A_264, %cond3A_265 : i32
        scf.if %cond3A_266 {
          %dma_wait3A_295 = arith.constant 0 : i32
          %dma_wait3A_296 = arith.constant 0 : i32
          %dma_wait3A_297 = tpu.memref_slice %arg12[%dma_wait3A_295, %dma_wait3A_296] : memref<320x96xf32, #tpu.memory_space<vmem>> -> memref<80x96xf32, #tpu.memory_space<vmem>>
          %dma_wait3A_298 = arith.constant 0 : i32
          %dma_wait3A_299 = arith.constant 0 : i32
          %dma_wait3A_300 = tpu.memref_slice %arg4[%dma_wait3A_298, %dma_wait3A_299] : memref<10000x96xf32, #tpu.memory_space<hbm>> -> memref<80x96xf32, #tpu.memory_space<hbm>>
          %dma_wait3A_301 = arith.constant 0 : i32
          %dma_wait3A_302 = arith.constant 0 : i32
          %dma_wait3A_303 = tpu.memref_slice %arg12[%dma_wait3A_301, %dma_wait3A_302] : memref<320x96xf32, #tpu.memory_space<vmem>> -> memref<80x96xf32, #tpu.memory_space<vmem>>
          %dma_wait3A_304 = arith.constant 0 : i32
          %dma_wait3A_305 = arith.constant 0 : i32
          %dma_wait3A_306 = tpu.memref_slice %arg4[%dma_wait3A_304, %dma_wait3A_305] : memref<10000x96xf32, #tpu.memory_space<hbm>> -> memref<80x96xf32, #tpu.memory_space<hbm>>
          tpu.wait_dma2 semaphore(%arg16 : memref<!tpu.dma_semaphore, #tpu.memory_space<semaphore_mem>>) src(%dma_wait3A_306 : memref<80x96xf32, #tpu.memory_space<hbm>>) dst(%dma_wait3A_303 : memref<80x96xf32, #tpu.memory_space<vmem>>)
        } else {
        }
        %parallel_loop3A = arith.constant 0 : i32
        %parallel_loop3A_267 = arith.constant 5 : i32
        %parallel_loop3A_268 = arith.constant 1 : i32
        scf.for %parallel_loop3A_295 = %parallel_loop3A to %parallel_loop3A_267 step %parallel_loop3A_268  : i32 {
          %parallel_loop3A_296 = arith.constant 16 : i32
          %parallel_loop3A_297 = arith.muli %parallel_loop3A_295, %parallel_loop3A_296 : i32
          %parallel_loop3A_298 = arith.constant 2 : i32
          %parallel_loop3A_299 = arith.index_cast %rem3A_239 : i32 to index
          %parallel_loop3A_300 = arith.index_cast %parallel_loop3A_298 : i32 to index
          %parallel_loop3A_301 = arith.index_cast %parallel_loop3A_297 : i32 to index
          %parallel_loop3A_302 = tpu.vector_load %arg11[%parallel_loop3A_299, %parallel_loop3A_300, %parallel_loop3A_301] {strides = array<i32>} : memref<5x3x80xi32, #tpu.memory_space<vmem>>, vector<16xi32>,
          %parallel_loop3A_303 = vector.bitcast %parallel_loop3A_302 : vector<16xi32> to vector<16xf32>
          %parallel_loop3A_304 = arith.constant 80 : i32
          %parallel_loop3A_305 = arith.muli %rem3A_237, %parallel_loop3A_304 : i32
          %parallel_loop3A_306 = arith.constant 16 : i32
          %parallel_loop3A_307 = arith.muli %parallel_loop3A_295, %parallel_loop3A_306 : i32
          %parallel_loop3A_308 = arith.addi %parallel_loop3A_305, %parallel_loop3A_307 : i32
          %parallel_loop3A_309 = arith.mulf %parallel_loop3A_303, %parallel_loop3A_303 : vector<16xf32>
          %parallel_loop3A_310 = arith.mulf %parallel_loop3A_309, %parallel_loop3A_303 : vector<16xf32>
          %parallel_loop3A_311 = tpu.iota {dimensions = array<i32: 0>} : vector<16xi32>
          %parallel_loop3A_312 = vector.broadcast %parallel_loop3A_308 : i32 to vector<16xi32>
          %parallel_loop3A_313 = arith.addi %parallel_loop3A_311, %parallel_loop3A_312 : vector<16xi32>
          %parallel_loop3A_314 = arith.constant 0 : i32
          %parallel_loop3A_315 = arith.constant 64 : i32
          %parallel_loop3A_316 = arith.constant 1 : i32
          scf.for %parallel_loop3A_320 = %parallel_loop3A_314 to %parallel_loop3A_315 step %parallel_loop3A_316  : i32 {
            %parallel_loop3A_321 = vector.broadcast %parallel_loop3A_320 : i32 to vector<16xi32>
            %parallel_loop3A_322 = arith.xori %parallel_loop3A_321, %parallel_loop3A_311 : vector<16xi32>
            %parallel_loop3A_323 = tpu.vector_load_idx %arg12[%parallel_loop3A_313, %parallel_loop3A_322] : memref<320x96xf32, #tpu.memory_space<vmem>>[vector<16xi32>, vector<16xi32>], vector<16xf32>,
            %parallel_loop3A_324 = arith.mulf %parallel_loop3A_323, %parallel_loop3A_309 : vector<16xf32>
            tpu.vector_store_idx %arg12[%parallel_loop3A_313, %parallel_loop3A_322], %parallel_loop3A_324 : memref<320x96xf32, #tpu.memory_space<vmem>>[vector<16xi32>, vector<16xi32>], vector<16xf32>,
          } {sc.loop_unroll_factor = 16 : i64, sc.parallel_access}
          %parallel_loop3A_317 = arith.constant 64 : i32
          %parallel_loop3A_318 = arith.constant 96 : i32
          %parallel_loop3A_319 = arith.constant 1 : i32
          scf.for %parallel_loop3A_320 = %parallel_loop3A_317 to %parallel_loop3A_318 step %parallel_loop3A_319  : i32 {
            %parallel_loop3A_321 = vector.broadcast %parallel_loop3A_320 : i32 to vector<16xi32>
            %parallel_loop3A_322 = arith.xori %parallel_loop3A_321, %parallel_loop3A_311 : vector<16xi32>
            %parallel_loop3A_323 = tpu.vector_load_idx %arg12[%parallel_loop3A_313, %parallel_loop3A_322] : memref<320x96xf32, #tpu.memory_space<vmem>>[vector<16xi32>, vector<16xi32>], vector<16xf32>,
            %parallel_loop3A_324 = arith.mulf %parallel_loop3A_323, %parallel_loop3A_310 : vector<16xf32>
            tpu.vector_store_idx %arg12[%parallel_loop3A_313, %parallel_loop3A_322], %parallel_loop3A_324 : memref<320x96xf32, #tpu.memory_space<vmem>>[vector<16xi32>, vector<16xi32>], vector<16xf32>,
          } {sc.loop_unroll_factor = 16 : i64, sc.parallel_access}
        } {sc.loop_unroll_factor = 1 : i64, sc.parallel_access}
        %ge3A = arith.constant 2 : i32
        %ge3A_269 = arith.cmpi sge, %add3A_235, %ge3A : i32
        %convert_element_type3A_270 = arith.extui %ge3A_269 : i1 to i32
        %cond3A_271 = arith.constant 0 : i32
        %cond3A_272 = arith.cmpi ne, %convert_element_type3A_270, %cond3A_271 : i32
        scf.if %cond3A_272 {
          %sub3A = arith.constant 2 : i32
          %sub3A_295 = arith.subi %add3A_235, %sub3A : i32
          %rem3A_296 = arith.constant 2 : i32
          %rem3A_297 = arith.remsi %sub3A_295, %rem3A_296 : i32
          %eq3A_298 = arith.constant 0 : i32
          %eq3A_299 = arith.cmpi eq, %rem3A_297, %eq3A_298 : i32
          %convert_element_type3A_300 = arith.extui %eq3A_299 : i1 to i32
          %cond3A_301 = arith.constant 0 : i32
          %cond3A_302 = arith.cmpi ne, %convert_element_type3A_300, %cond3A_301 : i32
          scf.if %cond3A_302 {
            %dma_wait3A_310 = arith.constant 0 : i32
            %dma_wait3A_311 = arith.constant 0 : i32
            %dma_wait3A_312 = tpu.memref_slice %arg12[%dma_wait3A_310, %dma_wait3A_311] : memref<320x96xf32, #tpu.memory_space<vmem>> -> memref<80x96xf32, #tpu.memory_space<vmem>>
            %dma_wait3A_313 = arith.constant 0 : i32
            %dma_wait3A_314 = arith.constant 0 : i32
            %dma_wait3A_315 = tpu.memref_slice %arg4[%dma_wait3A_313, %dma_wait3A_314] : memref<10000x96xf32, #tpu.memory_space<hbm>> -> memref<80x96xf32, #tpu.memory_space<hbm>>
            %dma_wait3A_316 = arith.constant 0 : i32
            %dma_wait3A_317 = arith.constant 0 : i32
            %dma_wait3A_318 = tpu.memref_slice %arg12[%dma_wait3A_316, %dma_wait3A_317] : memref<320x96xf32, #tpu.memory_space<vmem>> -> memref<80x96xf32, #tpu.memory_space<vmem>>
            %dma_wait3A_319 = arith.constant 0 : i32
            %dma_wait3A_320 = arith.constant 0 : i32
            %dma_wait3A_321 = tpu.memref_slice %arg4[%dma_wait3A_319, %dma_wait3A_320] : memref<10000x96xf32, #tpu.memory_space<hbm>> -> memref<80x96xf32, #tpu.memory_space<hbm>>
            tpu.wait_dma2 semaphore(%arg17 : memref<!tpu.dma_semaphore, #tpu.memory_space<semaphore_mem>>) src(%dma_wait3A_321 : memref<80x96xf32, #tpu.memory_space<hbm>>) dst(%dma_wait3A_318 : memref<80x96xf32, #tpu.memory_space<vmem>>)
          } else {
          }
          %rem3A_303 = arith.constant 2 : i32
          %rem3A_304 = arith.remsi %sub3A_295, %rem3A_303 : i32
          %eq3A_305 = arith.constant 1 : i32
          %eq3A_306 = arith.cmpi eq, %rem3A_304, %eq3A_305 : i32
          %convert_element_type3A_307 = arith.extui %eq3A_306 : i1 to i32
          %cond3A_308 = arith.constant 0 : i32
          %cond3A_309 = arith.cmpi ne, %convert_element_type3A_307, %cond3A_308 : i32
          scf.if %cond3A_309 {
            %dma_wait3A_310 = arith.constant 0 : i32
            %dma_wait3A_311 = arith.constant 0 : i32
            %dma_wait3A_312 = tpu.memref_slice %arg12[%dma_wait3A_310, %dma_wait3A_311] : memref<320x96xf32, #tpu.memory_space<vmem>> -> memref<80x96xf32, #tpu.memory_space<vmem>>
            %dma_wait3A_313 = arith.constant 0 : i32
            %dma_wait3A_314 = arith.constant 0 : i32
            %dma_wait3A_315 = tpu.memref_slice %arg4[%dma_wait3A_313, %dma_wait3A_314] : memref<10000x96xf32, #tpu.memory_space<hbm>> -> memref<80x96xf32, #tpu.memory_space<hbm>>
            %dma_wait3A_316 = arith.constant 0 : i32
            %dma_wait3A_317 = arith.constant 0 : i32
            %dma_wait3A_318 = tpu.memref_slice %arg12[%dma_wait3A_316, %dma_wait3A_317] : memref<320x96xf32, #tpu.memory_space<vmem>> -> memref<80x96xf32, #tpu.memory_space<vmem>>
            %dma_wait3A_319 = arith.constant 0 : i32
            %dma_wait3A_320 = arith.constant 0 : i32
            %dma_wait3A_321 = tpu.memref_slice %arg4[%dma_wait3A_319, %dma_wait3A_320] : memref<10000x96xf32, #tpu.memory_space<hbm>> -> memref<80x96xf32, #tpu.memory_space<hbm>>
            tpu.wait_dma2 semaphore(%arg18 : memref<!tpu.dma_semaphore, #tpu.memory_space<semaphore_mem>>) src(%dma_wait3A_321 : memref<80x96xf32, #tpu.memory_space<hbm>>) dst(%dma_wait3A_318 : memref<80x96xf32, #tpu.memory_space<vmem>>)
          } else {
          }
        } else {
        }
        %rem3A_273 = arith.constant 4 : i32
        %rem3A_274 = arith.remsi %add3A_235, %rem3A_273 : i32
        %mul3A_275 = arith.constant 80 : i32
        %mul3A_276 = arith.muli %rem3A_274, %mul3A_275 : i32
        %rem3A_277 = arith.constant 5 : i32
        %rem3A_278 = arith.remsi %add3A_235, %rem3A_277 : i32
        %rem3A_279 = arith.constant 2 : i32
        %rem3A_280 = arith.remsi %add3A_235, %rem3A_279 : i32
        %eq3A_281 = arith.constant 0 : i32
        %eq3A_282 = arith.cmpi eq, %rem3A_280, %eq3A_281 : i32
        %convert_element_type3A_283 = arith.extui %eq3A_282 : i1 to i32
        %cond3A_284 = arith.constant 1 : i32
        %cond3A_285 = arith.constant 0 : i32
        %cond3A_286 = arith.cmpi ne, %convert_element_type3A_283, %cond3A_285 : i32
        scf.if %cond3A_286 {
          %dma_start3A_295 = arith.constant 0 : i32
          %dma_start3A_296 = tpu.memref_slice %arg12[%mul3A_276, %dma_start3A_295] : memref<320x96xf32, #tpu.memory_space<vmem>> -> memref<80x96xf32, #tpu.memory_space<vmem>>
          %dma_start3A_297 = arith.constant 0 : i32
          %dma_start3A_298 = tpu.memref_slice %arg11[%rem3A_278, %cond3A_284, %dma_start3A_297] : memref<5x3x80xi32, #tpu.memory_space<vmem>> -> memref<1x1x80xi32, #tpu.memory_space<vmem>>
          %dma_start3A_299 = tpu.memref_squeeze %dma_start3A_298 : memref<1x1x80xi32, #tpu.memory_space<vmem>> -> memref<80xi32, #tpu.memory_space<vmem>>
          %dma_start3A_300 = arith.constant 0 : i32
          %dma_start3A_301 = arith.constant 0 : i32
          %dma_start3A_302 = tpu.memref_slice %arg13[%dma_start3A_300, %dma_start3A_301] : memref<10240x96xf32, #tpu.memory_space<vmem_shared>> -> memref<10240x96xf32, #tpu.memory_space<vmem_shared>>
          tpu.enqueue_indirect_dma source(%dma_start3A_296 : memref<80x96xf32, #tpu.memory_space<vmem>>) target(%dma_start3A_302 : memref<10240x96xf32, #tpu.memory_space<vmem_shared>>) offsets(%dma_start3A_299 : memref<80xi32, #tpu.memory_space<vmem>>) semaphore(%arg17 : memref<!tpu.dma_semaphore, #tpu.memory_space<semaphore_mem>>) {add = true}
        } else {
        }
        %rem3A_287 = arith.constant 2 : i32
        %rem3A_288 = arith.remsi %add3A_235, %rem3A_287 : i32
        %eq3A_289 = arith.constant 1 : i32
        %eq3A_290 = arith.cmpi eq, %rem3A_288, %eq3A_289 : i32
        %convert_element_type3A_291 = arith.extui %eq3A_290 : i1 to i32
        %cond3A_292 = arith.constant 1 : i32
        %cond3A_293 = arith.constant 0 : i32
        %cond3A_294 = arith.cmpi ne, %convert_element_type3A_291, %cond3A_293 : i32
        scf.if %cond3A_294 {
          %dma_start3A_295 = arith.constant 0 : i32
          %dma_start3A_296 = tpu.memref_slice %arg12[%mul3A_276, %dma_start3A_295] : memref<320x96xf32, #tpu.memory_space<vmem>> -> memref<80x96xf32, #tpu.memory_space<vmem>>
          %dma_start3A_297 = arith.constant 0 : i32
          %dma_start3A_298 = tpu.memref_slice %arg11[%rem3A_278, %cond3A_292, %dma_start3A_297] : memref<5x3x80xi32, #tpu.memory_space<vmem>> -> memref<1x1x80xi32, #tpu.memory_space<vmem>>
          %dma_start3A_299 = tpu.memref_squeeze %dma_start3A_298 : memref<1x1x80xi32, #tpu.memory_space<vmem>> -> memref<80xi32, #tpu.memory_space<vmem>>
          %dma_start3A_300 = arith.constant 0 : i32
          %dma_start3A_301 = arith.constant 0 : i32
          %dma_start3A_302 = tpu.memref_slice %arg13[%dma_start3A_300, %dma_start3A_301] : memref<10240x96xf32, #tpu.memory_space<vmem_shared>> -> memref<10240x96xf32, #tpu.memory_space<vmem_shared>>
          tpu.enqueue_indirect_dma source(%dma_start3A_296 : memref<80x96xf32, #tpu.memory_space<vmem>>) target(%dma_start3A_302 : memref<10240x96xf32, #tpu.memory_space<vmem_shared>>) offsets(%dma_start3A_299 : memref<80xi32, #tpu.memory_space<vmem>>) semaphore(%arg18 : memref<!tpu.dma_semaphore, #tpu.memory_space<semaphore_mem>>) {add = true}
        } else {
        }
      }
      %scan3A_198 = arith.constant 250 : i32
      %rem3A_199 = arith.constant 248 : i32
      %rem3A_200 = arith.constant 2 : i32
      %rem3A_201 = arith.remsi %rem3A_199, %rem3A_200 : i32
      %eq3A_202 = arith.constant 0 : i32
      %eq3A_203 = arith.cmpi eq, %rem3A_201, %eq3A_202 : i32
      %convert_element_type3A_204 = arith.extui %eq3A_203 : i1 to i32
      %cond3A_205 = arith.constant 0 : i32
      %cond3A_206 = arith.cmpi ne, %convert_element_type3A_204, %cond3A_205 : i32
      scf.if %cond3A_206 {
        %dma_wait3A_231 = arith.constant 0 : i32
        %dma_wait3A_232 = arith.constant 0 : i32
        %dma_wait3A_233 = tpu.memref_slice %arg12[%dma_wait3A_231, %dma_wait3A_232] : memref<320x96xf32, #tpu.memory_space<vmem>> -> memref<80x96xf32, #tpu.memory_space<vmem>>
        %dma_wait3A_234 = arith.constant 0 : i32
        %dma_wait3A_235 = arith.constant 0 : i32
        %dma_wait3A_236 = tpu.memref_slice %arg4[%dma_wait3A_234, %dma_wait3A_235] : memref<10000x96xf32, #tpu.memory_space<hbm>> -> memref<80x96xf32, #tpu.memory_space<hbm>>
        %dma_wait3A_237 = arith.constant 0 : i32
        %dma_wait3A_238 = arith.constant 0 : i32
        %dma_wait3A_239 = tpu.memref_slice %arg12[%dma_wait3A_237, %dma_wait3A_238] : memref<320x96xf32, #tpu.memory_space<vmem>> -> memref<80x96xf32, #tpu.memory_space<vmem>>
        %dma_wait3A_240 = arith.constant 0 : i32
        %dma_wait3A_241 = arith.constant 0 : i32
        %dma_wait3A_242 = tpu.memref_slice %arg4[%dma_wait3A_240, %dma_wait3A_241] : memref<10000x96xf32, #tpu.memory_space<hbm>> -> memref<80x96xf32, #tpu.memory_space<hbm>>
        tpu.wait_dma2 semaphore(%arg17 : memref<!tpu.dma_semaphore, #tpu.memory_space<semaphore_mem>>) src(%dma_wait3A_242 : memref<80x96xf32, #tpu.memory_space<hbm>>) dst(%dma_wait3A_239 : memref<80x96xf32, #tpu.memory_space<vmem>>)
      } else {
      }
      %rem3A_207 = arith.constant 248 : i32
      %rem3A_208 = arith.constant 2 : i32
      %rem3A_209 = arith.remsi %rem3A_207, %rem3A_208 : i32
      %eq3A_210 = arith.constant 1 : i32
      %eq3A_211 = arith.cmpi eq, %rem3A_209, %eq3A_210 : i32
      %convert_element_type3A_212 = arith.extui %eq3A_211 : i1 to i32
      %cond3A_213 = arith.constant 0 : i32
      %cond3A_214 = arith.cmpi ne, %convert_element_type3A_212, %cond3A_213 : i32
      scf.if %cond3A_214 {
        %dma_wait3A_231 = arith.constant 0 : i32
        %dma_wait3A_232 = arith.constant 0 : i32
        %dma_wait3A_233 = tpu.memref_slice %arg12[%dma_wait3A_231, %dma_wait3A_232] : memref<320x96xf32, #tpu.memory_space<vmem>> -> memref<80x96xf32, #tpu.memory_space<vmem>>
        %dma_wait3A_234 = arith.constant 0 : i32
        %dma_wait3A_235 = arith.constant 0 : i32
        %dma_wait3A_236 = tpu.memref_slice %arg4[%dma_wait3A_234, %dma_wait3A_235] : memref<10000x96xf32, #tpu.memory_space<hbm>> -> memref<80x96xf32, #tpu.memory_space<hbm>>
        %dma_wait3A_237 = arith.constant 0 : i32
        %dma_wait3A_238 = arith.constant 0 : i32
        %dma_wait3A_239 = tpu.memref_slice %arg12[%dma_wait3A_237, %dma_wait3A_238] : memref<320x96xf32, #tpu.memory_space<vmem>> -> memref<80x96xf32, #tpu.memory_space<vmem>>
        %dma_wait3A_240 = arith.constant 0 : i32
        %dma_wait3A_241 = arith.constant 0 : i32
        %dma_wait3A_242 = tpu.memref_slice %arg4[%dma_wait3A_240, %dma_wait3A_241] : memref<10000x96xf32, #tpu.memory_space<hbm>> -> memref<80x96xf32, #tpu.memory_space<hbm>>
        tpu.wait_dma2 semaphore(%arg18 : memref<!tpu.dma_semaphore, #tpu.memory_space<semaphore_mem>>) src(%dma_wait3A_242 : memref<80x96xf32, #tpu.memory_space<hbm>>) dst(%dma_wait3A_239 : memref<80x96xf32, #tpu.memory_space<vmem>>)
      } else {
      }
      %rem3A_215 = arith.constant 249 : i32
      %rem3A_216 = arith.constant 2 : i32
      %rem3A_217 = arith.remsi %rem3A_215, %rem3A_216 : i32
      %eq3A_218 = arith.constant 0 : i32
      %eq3A_219 = arith.cmpi eq, %rem3A_217, %eq3A_218 : i32
      %convert_element_type3A_220 = arith.extui %eq3A_219 : i1 to i32
      %cond3A_221 = arith.constant 0 : i32
      %cond3A_222 = arith.cmpi ne, %convert_element_type3A_220, %cond3A_221 : i32
      scf.if %cond3A_222 {
        %dma_wait3A_231 = arith.constant 0 : i32
        %dma_wait3A_232 = arith.constant 0 : i32
        %dma_wait3A_233 = tpu.memref_slice %arg12[%dma_wait3A_231, %dma_wait3A_232] : memref<320x96xf32, #tpu.memory_space<vmem>> -> memref<80x96xf32, #tpu.memory_space<vmem>>
        %dma_wait3A_234 = arith.constant 0 : i32
        %dma_wait3A_235 = arith.constant 0 : i32
        %dma_wait3A_236 = tpu.memref_slice %arg4[%dma_wait3A_234, %dma_wait3A_235] : memref<10000x96xf32, #tpu.memory_space<hbm>> -> memref<80x96xf32, #tpu.memory_space<hbm>>
        %dma_wait3A_237 = arith.constant 0 : i32
        %dma_wait3A_238 = arith.constant 0 : i32
        %dma_wait3A_239 = tpu.memref_slice %arg12[%dma_wait3A_237, %dma_wait3A_238] : memref<320x96xf32, #tpu.memory_space<vmem>> -> memref<80x96xf32, #tpu.memory_space<vmem>>
        %dma_wait3A_240 = arith.constant 0 : i32
        %dma_wait3A_241 = arith.constant 0 : i32
        %dma_wait3A_242 = tpu.memref_slice %arg4[%dma_wait3A_240, %dma_wait3A_241] : memref<10000x96xf32, #tpu.memory_space<hbm>> -> memref<80x96xf32, #tpu.memory_space<hbm>>
        tpu.wait_dma2 semaphore(%arg17 : memref<!tpu.dma_semaphore, #tpu.memory_space<semaphore_mem>>) src(%dma_wait3A_242 : memref<80x96xf32, #tpu.memory_space<hbm>>) dst(%dma_wait3A_239 : memref<80x96xf32, #tpu.memory_space<vmem>>)
      } else {
      }
      %rem3A_223 = arith.constant 249 : i32
      %rem3A_224 = arith.constant 2 : i32
      %rem3A_225 = arith.remsi %rem3A_223, %rem3A_224 : i32
      %eq3A_226 = arith.constant 1 : i32
      %eq3A_227 = arith.cmpi eq, %rem3A_225, %eq3A_226 : i32
      %convert_element_type3A_228 = arith.extui %eq3A_227 : i1 to i32
      %cond3A_229 = arith.constant 0 : i32
      %cond3A_230 = arith.cmpi ne, %convert_element_type3A_228, %cond3A_229 : i32
      scf.if %cond3A_230 {
        %dma_wait3A_231 = arith.constant 0 : i32
        %dma_wait3A_232 = arith.constant 0 : i32
        %dma_wait3A_233 = tpu.memref_slice %arg12[%dma_wait3A_231, %dma_wait3A_232] : memref<320x96xf32, #tpu.memory_space<vmem>> -> memref<80x96xf32, #tpu.memory_space<vmem>>
        %dma_wait3A_234 = arith.constant 0 : i32
        %dma_wait3A_235 = arith.constant 0 : i32
        %dma_wait3A_236 = tpu.memref_slice %arg4[%dma_wait3A_234, %dma_wait3A_235] : memref<10000x96xf32, #tpu.memory_space<hbm>> -> memref<80x96xf32, #tpu.memory_space<hbm>>
        %dma_wait3A_237 = arith.constant 0 : i32
        %dma_wait3A_238 = arith.constant 0 : i32
        %dma_wait3A_239 = tpu.memref_slice %arg12[%dma_wait3A_237, %dma_wait3A_238] : memref<320x96xf32, #tpu.memory_space<vmem>> -> memref<80x96xf32, #tpu.memory_space<vmem>>
        %dma_wait3A_240 = arith.constant 0 : i32
        %dma_wait3A_241 = arith.constant 0 : i32
        %dma_wait3A_242 = tpu.memref_slice %arg4[%dma_wait3A_240, %dma_wait3A_241] : memref<10000x96xf32, #tpu.memory_space<hbm>> -> memref<80x96xf32, #tpu.memory_space<hbm>>
        tpu.wait_dma2 semaphore(%arg18 : memref<!tpu.dma_semaphore, #tpu.memory_space<semaphore_mem>>) src(%dma_wait3A_242 : memref<80x96xf32, #tpu.memory_space<hbm>>) dst(%dma_wait3A_239 : memref<80x96xf32, #tpu.memory_space<vmem>>)
      } else {
      }
    } else {
    }
    %barrier3A_42 = arith.constant 0 : index
    tpu.barrier barrier_id(%barrier3A_42)
    %eq3A_43 = arith.constant 0 : i32
    %eq3A_44 = arith.cmpi eq, %arg0, %eq3A_43 : i32
    %convert_element_type3A_45 = arith.extui %eq3A_44 : i1 to i32
    %cond3A_46 = arith.constant 0 : i32
    %cond3A_47 = arith.cmpi ne, %convert_element_type3A_45, %cond3A_46 : i32
    scf.if %cond3A_47 {
      %mul3A_114 = arith.constant 640 : i32
      %mul3A_115 = arith.muli %arg1, %mul3A_114 : i32
      %add3A_116 = arith.constant 0 : i32
      %add3A_117 = arith.addi %mul3A_115, %add3A_116 : i32
      "tpu.region"() ({
        %run_scoped3A = tpu.sem_alloc : memref<!tpu.dma_semaphore, #tpu.memory_space<semaphore_mem>>
        %dma_start3A = arith.constant 0 : i32
        %dma_start3A_146 = tpu.memref_slice %arg7[%add3A_117, %dma_start3A] : memref<10240x96xf32, #tpu.memory_space<hbm>> -> memref<80x96xf32, #tpu.memory_space<hbm>>
        %dma_start3A_147 = arith.constant 0 : i32
        %dma_start3A_148 = tpu.memref_slice %arg13[%add3A_117, %dma_start3A_147] : memref<10240x96xf32, #tpu.memory_space<vmem_shared>> -> memref<80x96xf32, #tpu.memory_space<vmem_shared>>
        tpu.enqueue_dma source(%dma_start3A_148 : memref<80x96xf32, #tpu.memory_space<vmem_shared>>) target(%dma_start3A_146 : memref<80x96xf32, #tpu.memory_space<hbm>>) target_semaphore(%run_scoped3A : memref<!tpu.dma_semaphore, #tpu.memory_space<semaphore_mem>>)
        %dma_wait3A = arith.constant 0 : i32
        %dma_wait3A_149 = tpu.memref_slice %arg7[%add3A_117, %dma_wait3A] : memref<10240x96xf32, #tpu.memory_space<hbm>> -> memref<80x96xf32, #tpu.memory_space<hbm>>
        %dma_wait3A_150 = arith.constant 0 : i32
        %dma_wait3A_151 = tpu.memref_slice %arg13[%add3A_117, %dma_wait3A_150] : memref<10240x96xf32, #tpu.memory_space<vmem_shared>> -> memref<80x96xf32, #tpu.memory_space<vmem_shared>>
        tpu.wait_dma2 semaphore(%run_scoped3A : memref<!tpu.dma_semaphore, #tpu.memory_space<semaphore_mem>>) src(%dma_wait3A_151 : memref<80x96xf32, #tpu.memory_space<vmem_shared>>) dst(%dma_wait3A_149 : memref<80x96xf32, #tpu.memory_space<hbm>>)
        tpu.yield
      }) : () -> ()
      %mul3A_118 = arith.constant 640 : i32
      %mul3A_119 = arith.muli %arg1, %mul3A_118 : i32
      %add3A_120 = arith.constant 80 : i32
      %add3A_121 = arith.addi %mul3A_119, %add3A_120 : i32
      "tpu.region"() ({
        %run_scoped3A = tpu.sem_alloc : memref<!tpu.dma_semaphore, #tpu.memory_space<semaphore_mem>>
        %dma_start3A = arith.constant 0 : i32
        %dma_start3A_146 = tpu.memref_slice %arg7[%add3A_121, %dma_start3A] : memref<10240x96xf32, #tpu.memory_space<hbm>> -> memref<80x96xf32, #tpu.memory_space<hbm>>
        %dma_start3A_147 = arith.constant 0 : i32
        %dma_start3A_148 = tpu.memref_slice %arg13[%add3A_121, %dma_start3A_147] : memref<10240x96xf32, #tpu.memory_space<vmem_shared>> -> memref<80x96xf32, #tpu.memory_space<vmem_shared>>
        tpu.enqueue_dma source(%dma_start3A_148 : memref<80x96xf32, #tpu.memory_space<vmem_shared>>) target(%dma_start3A_146 : memref<80x96xf32, #tpu.memory_space<hbm>>) target_semaphore(%run_scoped3A : memref<!tpu.dma_semaphore, #tpu.memory_space<semaphore_mem>>)
        %dma_wait3A = arith.constant 0 : i32
        %dma_wait3A_149 = tpu.memref_slice %arg7[%add3A_121, %dma_wait3A] : memref<10240x96xf32, #tpu.memory_space<hbm>> -> memref<80x96xf32, #tpu.memory_space<hbm>>
        %dma_wait3A_150 = arith.constant 0 : i32
        %dma_wait3A_151 = tpu.memref_slice %arg13[%add3A_121, %dma_wait3A_150] : memref<10240x96xf32, #tpu.memory_space<vmem_shared>> -> memref<80x96xf32, #tpu.memory_space<vmem_shared>>
        tpu.wait_dma2 semaphore(%run_scoped3A : memref<!tpu.dma_semaphore, #tpu.memory_space<semaphore_mem>>) src(%dma_wait3A_151 : memref<80x96xf32, #tpu.memory_space<vmem_shared>>) dst(%dma_wait3A_149 : memref<80x96xf32, #tpu.memory_space<hbm>>)
        tpu.yield
      }) : () -> ()
      %mul3A_122 = arith.constant 640 : i32
      %mul3A_123 = arith.muli %arg1, %mul3A_122 : i32
      %add3A_124 = arith.constant 160 : i32
      %add3A_125 = arith.addi %mul3A_123, %add3A_124 : i32
      "tpu.region"() ({
        %run_scoped3A = tpu.sem_alloc : memref<!tpu.dma_semaphore, #tpu.memory_space<semaphore_mem>>
        %dma_start3A = arith.constant 0 : i32
        %dma_start3A_146 = tpu.memref_slice %arg7[%add3A_125, %dma_start3A] : memref<10240x96xf32, #tpu.memory_space<hbm>> -> memref<80x96xf32, #tpu.memory_space<hbm>>
        %dma_start3A_147 = arith.constant 0 : i32
        %dma_start3A_148 = tpu.memref_slice %arg13[%add3A_125, %dma_start3A_147] : memref<10240x96xf32, #tpu.memory_space<vmem_shared>> -> memref<80x96xf32, #tpu.memory_space<vmem_shared>>
        tpu.enqueue_dma source(%dma_start3A_148 : memref<80x96xf32, #tpu.memory_space<vmem_shared>>) target(%dma_start3A_146 : memref<80x96xf32, #tpu.memory_space<hbm>>) target_semaphore(%run_scoped3A : memref<!tpu.dma_semaphore, #tpu.memory_space<semaphore_mem>>)
        %dma_wait3A = arith.constant 0 : i32
        %dma_wait3A_149 = tpu.memref_slice %arg7[%add3A_125, %dma_wait3A] : memref<10240x96xf32, #tpu.memory_space<hbm>> -> memref<80x96xf32, #tpu.memory_space<hbm>>
        %dma_wait3A_150 = arith.constant 0 : i32
        %dma_wait3A_151 = tpu.memref_slice %arg13[%add3A_125, %dma_wait3A_150] : memref<10240x96xf32, #tpu.memory_space<vmem_shared>> -> memref<80x96xf32, #tpu.memory_space<vmem_shared>>
        tpu.wait_dma2 semaphore(%run_scoped3A : memref<!tpu.dma_semaphore, #tpu.memory_space<semaphore_mem>>) src(%dma_wait3A_151 : memref<80x96xf32, #tpu.memory_space<vmem_shared>>) dst(%dma_wait3A_149 : memref<80x96xf32, #tpu.memory_space<hbm>>)
        tpu.yield
      }) : () -> ()
      %mul3A_126 = arith.constant 640 : i32
      %mul3A_127 = arith.muli %arg1, %mul3A_126 : i32
      %add3A_128 = arith.constant 240 : i32
      %add3A_129 = arith.addi %mul3A_127, %add3A_128 : i32
      "tpu.region"() ({
        %run_scoped3A = tpu.sem_alloc : memref<!tpu.dma_semaphore, #tpu.memory_space<semaphore_mem>>
        %dma_start3A = arith.constant 0 : i32
        %dma_start3A_146 = tpu.memref_slice %arg7[%add3A_129, %dma_start3A] : memref<10240x96xf32, #tpu.memory_space<hbm>> -> memref<80x96xf32, #tpu.memory_space<hbm>>
        %dma_start3A_147 = arith.constant 0 : i32
        %dma_start3A_148 = tpu.memref_slice %arg13[%add3A_129, %dma_start3A_147] : memref<10240x96xf32, #tpu.memory_space<vmem_shared>> -> memref<80x96xf32, #tpu.memory_space<vmem_shared>>
        tpu.enqueue_dma source(%dma_start3A_148 : memref<80x96xf32, #tpu.memory_space<vmem_shared>>) target(%dma_start3A_146 : memref<80x96xf32, #tpu.memory_space<hbm>>) target_semaphore(%run_scoped3A : memref<!tpu.dma_semaphore, #tpu.memory_space<semaphore_mem>>)
        %dma_wait3A = arith.constant 0 : i32
        %dma_wait3A_149 = tpu.memref_slice %arg7[%add3A_129, %dma_wait3A] : memref<10240x96xf32, #tpu.memory_space<hbm>> -> memref<80x96xf32, #tpu.memory_space<hbm>>
        %dma_wait3A_150 = arith.constant 0 : i32
        %dma_wait3A_151 = tpu.memref_slice %arg13[%add3A_129, %dma_wait3A_150] : memref<10240x96xf32, #tpu.memory_space<vmem_shared>> -> memref<80x96xf32, #tpu.memory_space<vmem_shared>>
        tpu.wait_dma2 semaphore(%run_scoped3A : memref<!tpu.dma_semaphore, #tpu.memory_space<semaphore_mem>>) src(%dma_wait3A_151 : memref<80x96xf32, #tpu.memory_space<vmem_shared>>) dst(%dma_wait3A_149 : memref<80x96xf32, #tpu.memory_space<hbm>>)
        tpu.yield
      }) : () -> ()
      %mul3A_130 = arith.constant 640 : i32
      %mul3A_131 = arith.muli %arg1, %mul3A_130 : i32
      %add3A_132 = arith.constant 320 : i32
      %add3A_133 = arith.addi %mul3A_131, %add3A_132 : i32
      "tpu.region"() ({
        %run_scoped3A = tpu.sem_alloc : memref<!tpu.dma_semaphore, #tpu.memory_space<semaphore_mem>>
        %dma_start3A = arith.constant 0 : i32
        %dma_start3A_146 = tpu.memref_slice %arg7[%add3A_133, %dma_start3A] : memref<10240x96xf32, #tpu.memory_space<hbm>> -> memref<80x96xf32, #tpu.memory_space<hbm>>
        %dma_start3A_147 = arith.constant 0 : i32
        %dma_start3A_148 = tpu.memref_slice %arg13[%add3A_133, %dma_start3A_147] : memref<10240x96xf32, #tpu.memory_space<vmem_shared>> -> memref<80x96xf32, #tpu.memory_space<vmem_shared>>
        tpu.enqueue_dma source(%dma_start3A_148 : memref<80x96xf32, #tpu.memory_space<vmem_shared>>) target(%dma_start3A_146 : memref<80x96xf32, #tpu.memory_space<hbm>>) target_semaphore(%run_scoped3A : memref<!tpu.dma_semaphore, #tpu.memory_space<semaphore_mem>>)
        %dma_wait3A = arith.constant 0 : i32
        %dma_wait3A_149 = tpu.memref_slice %arg7[%add3A_133, %dma_wait3A] : memref<10240x96xf32, #tpu.memory_space<hbm>> -> memref<80x96xf32, #tpu.memory_space<hbm>>
        %dma_wait3A_150 = arith.constant 0 : i32
        %dma_wait3A_151 = tpu.memref_slice %arg13[%add3A_133, %dma_wait3A_150] : memref<10240x96xf32, #tpu.memory_space<vmem_shared>> -> memref<80x96xf32, #tpu.memory_space<vmem_shared>>
        tpu.wait_dma2 semaphore(%run_scoped3A : memref<!tpu.dma_semaphore, #tpu.memory_space<semaphore_mem>>) src(%dma_wait3A_151 : memref<80x96xf32, #tpu.memory_space<vmem_shared>>) dst(%dma_wait3A_149 : memref<80x96xf32, #tpu.memory_space<hbm>>)
        tpu.yield
      }) : () -> ()
      %mul3A_134 = arith.constant 640 : i32
      %mul3A_135 = arith.muli %arg1, %mul3A_134 : i32
      %add3A_136 = arith.constant 400 : i32
      %add3A_137 = arith.addi %mul3A_135, %add3A_136 : i32
      "tpu.region"() ({
        %run_scoped3A = tpu.sem_alloc : memref<!tpu.dma_semaphore, #tpu.memory_space<semaphore_mem>>
        %dma_start3A = arith.constant 0 : i32
        %dma_start3A_146 = tpu.memref_slice %arg7[%add3A_137, %dma_start3A] : memref<10240x96xf32, #tpu.memory_space<hbm>> -> memref<80x96xf32, #tpu.memory_space<hbm>>
        %dma_start3A_147 = arith.constant 0 : i32
        %dma_start3A_148 = tpu.memref_slice %arg13[%add3A_137, %dma_start3A_147] : memref<10240x96xf32, #tpu.memory_space<vmem_shared>> -> memref<80x96xf32, #tpu.memory_space<vmem_shared>>
        tpu.enqueue_dma source(%dma_start3A_148 : memref<80x96xf32, #tpu.memory_space<vmem_shared>>) target(%dma_start3A_146 : memref<80x96xf32, #tpu.memory_space<hbm>>) target_semaphore(%run_scoped3A : memref<!tpu.dma_semaphore, #tpu.memory_space<semaphore_mem>>)
        %dma_wait3A = arith.constant 0 : i32
        %dma_wait3A_149 = tpu.memref_slice %arg7[%add3A_137, %dma_wait3A] : memref<10240x96xf32, #tpu.memory_space<hbm>> -> memref<80x96xf32, #tpu.memory_space<hbm>>
        %dma_wait3A_150 = arith.constant 0 : i32
        %dma_wait3A_151 = tpu.memref_slice %arg13[%add3A_137, %dma_wait3A_150] : memref<10240x96xf32, #tpu.memory_space<vmem_shared>> -> memref<80x96xf32, #tpu.memory_space<vmem_shared>>
        tpu.wait_dma2 semaphore(%run_scoped3A : memref<!tpu.dma_semaphore, #tpu.memory_space<semaphore_mem>>) src(%dma_wait3A_151 : memref<80x96xf32, #tpu.memory_space<vmem_shared>>) dst(%dma_wait3A_149 : memref<80x96xf32, #tpu.memory_space<hbm>>)
        tpu.yield
      }) : () -> ()
      %mul3A_138 = arith.constant 640 : i32
      %mul3A_139 = arith.muli %arg1, %mul3A_138 : i32
      %add3A_140 = arith.constant 480 : i32
      %add3A_141 = arith.addi %mul3A_139, %add3A_140 : i32
      "tpu.region"() ({
        %run_scoped3A = tpu.sem_alloc : memref<!tpu.dma_semaphore, #tpu.memory_space<semaphore_mem>>
        %dma_start3A = arith.constant 0 : i32
        %dma_start3A_146 = tpu.memref_slice %arg7[%add3A_141, %dma_start3A] : memref<10240x96xf32, #tpu.memory_space<hbm>> -> memref<80x96xf32, #tpu.memory_space<hbm>>
        %dma_start3A_147 = arith.constant 0 : i32
        %dma_start3A_148 = tpu.memref_slice %arg13[%add3A_141, %dma_start3A_147] : memref<10240x96xf32, #tpu.memory_space<vmem_shared>> -> memref<80x96xf32, #tpu.memory_space<vmem_shared>>
        tpu.enqueue_dma source(%dma_start3A_148 : memref<80x96xf32, #tpu.memory_space<vmem_shared>>) target(%dma_start3A_146 : memref<80x96xf32, #tpu.memory_space<hbm>>) target_semaphore(%run_scoped3A : memref<!tpu.dma_semaphore, #tpu.memory_space<semaphore_mem>>)
        %dma_wait3A = arith.constant 0 : i32
        %dma_wait3A_149 = tpu.memref_slice %arg7[%add3A_141, %dma_wait3A] : memref<10240x96xf32, #tpu.memory_space<hbm>> -> memref<80x96xf32, #tpu.memory_space<hbm>>
        %dma_wait3A_150 = arith.constant 0 : i32
        %dma_wait3A_151 = tpu.memref_slice %arg13[%add3A_141, %dma_wait3A_150] : memref<10240x96xf32, #tpu.memory_space<vmem_shared>> -> memref<80x96xf32, #tpu.memory_space<vmem_shared>>
        tpu.wait_dma2 semaphore(%run_scoped3A : memref<!tpu.dma_semaphore, #tpu.memory_space<semaphore_mem>>) src(%dma_wait3A_151 : memref<80x96xf32, #tpu.memory_space<vmem_shared>>) dst(%dma_wait3A_149 : memref<80x96xf32, #tpu.memory_space<hbm>>)
        tpu.yield
      }) : () -> ()
      %mul3A_142 = arith.constant 640 : i32
      %mul3A_143 = arith.muli %arg1, %mul3A_142 : i32
      %add3A_144 = arith.constant 560 : i32
      %add3A_145 = arith.addi %mul3A_143, %add3A_144 : i32
      "tpu.region"() ({
        %run_scoped3A = tpu.sem_alloc : memref<!tpu.dma_semaphore, #tpu.memory_space<semaphore_mem>>
        %dma_start3A = arith.constant 0 : i32
        %dma_start3A_146 = tpu.memref_slice %arg7[%add3A_145, %dma_start3A] : memref<10240x96xf32, #tpu.memory_space<hbm>> -> memref<80x96xf32, #tpu.memory_space<hbm>>
        %dma_start3A_147 = arith.constant 0 : i32
        %dma_start3A_148 = tpu.memref_slice %arg13[%add3A_145, %dma_start3A_147] : memref<10240x96xf32, #tpu.memory_space<vmem_shared>> -> memref<80x96xf32, #tpu.memory_space<vmem_shared>>
        tpu.enqueue_dma source(%dma_start3A_148 : memref<80x96xf32, #tpu.memory_space<vmem_shared>>) target(%dma_start3A_146 : memref<80x96xf32, #tpu.memory_space<hbm>>) target_semaphore(%run_scoped3A : memref<!tpu.dma_semaphore, #tpu.memory_space<semaphore_mem>>)
        %dma_wait3A = arith.constant 0 : i32
        %dma_wait3A_149 = tpu.memref_slice %arg7[%add3A_145, %dma_wait3A] : memref<10240x96xf32, #tpu.memory_space<hbm>> -> memref<80x96xf32, #tpu.memory_space<hbm>>
        %dma_wait3A_150 = arith.constant 0 : i32
        %dma_wait3A_151 = tpu.memref_slice %arg13[%add3A_145, %dma_wait3A_150] : memref<10240x96xf32, #tpu.memory_space<vmem_shared>> -> memref<80x96xf32, #tpu.memory_space<vmem_shared>>
        tpu.wait_dma2 semaphore(%run_scoped3A : memref<!tpu.dma_semaphore, #tpu.memory_space<semaphore_mem>>) src(%dma_wait3A_151 : memref<80x96xf32, #tpu.memory_space<vmem_shared>>) dst(%dma_wait3A_149 : memref<80x96xf32, #tpu.memory_space<hbm>>)
        tpu.yield
      }) : () -> ()
    } else {
    }
    %eq3A_48 = arith.constant 1 : i32
    %eq3A_49 = arith.cmpi eq, %arg0, %eq3A_48 : i32
    %convert_element_type3A_50 = arith.extui %eq3A_49 : i1 to i32
    %cond3A_51 = arith.constant 0 : i32
    %cond3A_52 = arith.cmpi ne, %convert_element_type3A_50, %cond3A_51 : i32
    scf.if %cond3A_52 {
      %mul3A_114 = arith.constant 640 : i32
      %mul3A_115 = arith.muli %arg1, %mul3A_114 : i32
      %add3A_116 = arith.constant 0 : i32
      %add3A_117 = arith.addi %mul3A_115, %add3A_116 : i32
      "tpu.region"() ({
        %run_scoped3A = tpu.sem_alloc : memref<!tpu.dma_semaphore, #tpu.memory_space<semaphore_mem>>
        %dma_start3A = arith.constant 0 : i32
        %dma_start3A_146 = tpu.memref_slice %arg9[%add3A_117, %dma_start3A] : memref<10240x96xf32, #tpu.memory_space<hbm>> -> memref<80x96xf32, #tpu.memory_space<hbm>>
        %dma_start3A_147 = arith.constant 0 : i32
        %dma_start3A_148 = tpu.memref_slice %arg13[%add3A_117, %dma_start3A_147] : memref<10240x96xf32, #tpu.memory_space<vmem_shared>> -> memref<80x96xf32, #tpu.memory_space<vmem_shared>>
        tpu.enqueue_dma source(%dma_start3A_148 : memref<80x96xf32, #tpu.memory_space<vmem_shared>>) target(%dma_start3A_146 : memref<80x96xf32, #tpu.memory_space<hbm>>) target_semaphore(%run_scoped3A : memref<!tpu.dma_semaphore, #tpu.memory_space<semaphore_mem>>)
        %dma_wait3A = arith.constant 0 : i32
        %dma_wait3A_149 = tpu.memref_slice %arg9[%add3A_117, %dma_wait3A] : memref<10240x96xf32, #tpu.memory_space<hbm>> -> memref<80x96xf32, #tpu.memory_space<hbm>>
        %dma_wait3A_150 = arith.constant 0 : i32
        %dma_wait3A_151 = tpu.memref_slice %arg13[%add3A_117, %dma_wait3A_150] : memref<10240x96xf32, #tpu.memory_space<vmem_shared>> -> memref<80x96xf32, #tpu.memory_space<vmem_shared>>
        tpu.wait_dma2 semaphore(%run_scoped3A : memref<!tpu.dma_semaphore, #tpu.memory_space<semaphore_mem>>) src(%dma_wait3A_151 : memref<80x96xf32, #tpu.memory_space<vmem_shared>>) dst(%dma_wait3A_149 : memref<80x96xf32, #tpu.memory_space<hbm>>)
        tpu.yield
      }) : () -> ()
      %mul3A_118 = arith.constant 640 : i32
      %mul3A_119 = arith.muli %arg1, %mul3A_118 : i32
      %add3A_120 = arith.constant 80 : i32
      %add3A_121 = arith.addi %mul3A_119, %add3A_120 : i32
      "tpu.region"() ({
        %run_scoped3A = tpu.sem_alloc : memref<!tpu.dma_semaphore, #tpu.memory_space<semaphore_mem>>
        %dma_start3A = arith.constant 0 : i32
        %dma_start3A_146 = tpu.memref_slice %arg9[%add3A_121, %dma_start3A] : memref<10240x96xf32, #tpu.memory_space<hbm>> -> memref<80x96xf32, #tpu.memory_space<hbm>>
        %dma_start3A_147 = arith.constant 0 : i32
        %dma_start3A_148 = tpu.memref_slice %arg13[%add3A_121, %dma_start3A_147] : memref<10240x96xf32, #tpu.memory_space<vmem_shared>> -> memref<80x96xf32, #tpu.memory_space<vmem_shared>>
        tpu.enqueue_dma source(%dma_start3A_148 : memref<80x96xf32, #tpu.memory_space<vmem_shared>>) target(%dma_start3A_146 : memref<80x96xf32, #tpu.memory_space<hbm>>) target_semaphore(%run_scoped3A : memref<!tpu.dma_semaphore, #tpu.memory_space<semaphore_mem>>)
        %dma_wait3A = arith.constant 0 : i32
        %dma_wait3A_149 = tpu.memref_slice %arg9[%add3A_121, %dma_wait3A] : memref<10240x96xf32, #tpu.memory_space<hbm>> -> memref<80x96xf32, #tpu.memory_space<hbm>>
        %dma_wait3A_150 = arith.constant 0 : i32
        %dma_wait3A_151 = tpu.memref_slice %arg13[%add3A_121, %dma_wait3A_150] : memref<10240x96xf32, #tpu.memory_space<vmem_shared>> -> memref<80x96xf32, #tpu.memory_space<vmem_shared>>
        tpu.wait_dma2 semaphore(%run_scoped3A : memref<!tpu.dma_semaphore, #tpu.memory_space<semaphore_mem>>) src(%dma_wait3A_151 : memref<80x96xf32, #tpu.memory_space<vmem_shared>>) dst(%dma_wait3A_149 : memref<80x96xf32, #tpu.memory_space<hbm>>)
        tpu.yield
      }) : () -> ()
      %mul3A_122 = arith.constant 640 : i32
      %mul3A_123 = arith.muli %arg1, %mul3A_122 : i32
      %add3A_124 = arith.constant 160 : i32
      %add3A_125 = arith.addi %mul3A_123, %add3A_124 : i32
      "tpu.region"() ({
        %run_scoped3A = tpu.sem_alloc : memref<!tpu.dma_semaphore, #tpu.memory_space<semaphore_mem>>
        %dma_start3A = arith.constant 0 : i32
        %dma_start3A_146 = tpu.memref_slice %arg9[%add3A_125, %dma_start3A] : memref<10240x96xf32, #tpu.memory_space<hbm>> -> memref<80x96xf32, #tpu.memory_space<hbm>>
        %dma_start3A_147 = arith.constant 0 : i32
        %dma_start3A_148 = tpu.memref_slice %arg13[%add3A_125, %dma_start3A_147] : memref<10240x96xf32, #tpu.memory_space<vmem_shared>> -> memref<80x96xf32, #tpu.memory_space<vmem_shared>>
        tpu.enqueue_dma source(%dma_start3A_148 : memref<80x96xf32, #tpu.memory_space<vmem_shared>>) target(%dma_start3A_146 : memref<80x96xf32, #tpu.memory_space<hbm>>) target_semaphore(%run_scoped3A : memref<!tpu.dma_semaphore, #tpu.memory_space<semaphore_mem>>)
        %dma_wait3A = arith.constant 0 : i32
        %dma_wait3A_149 = tpu.memref_slice %arg9[%add3A_125, %dma_wait3A] : memref<10240x96xf32, #tpu.memory_space<hbm>> -> memref<80x96xf32, #tpu.memory_space<hbm>>
        %dma_wait3A_150 = arith.constant 0 : i32
        %dma_wait3A_151 = tpu.memref_slice %arg13[%add3A_125, %dma_wait3A_150] : memref<10240x96xf32, #tpu.memory_space<vmem_shared>> -> memref<80x96xf32, #tpu.memory_space<vmem_shared>>
        tpu.wait_dma2 semaphore(%run_scoped3A : memref<!tpu.dma_semaphore, #tpu.memory_space<semaphore_mem>>) src(%dma_wait3A_151 : memref<80x96xf32, #tpu.memory_space<vmem_shared>>) dst(%dma_wait3A_149 : memref<80x96xf32, #tpu.memory_space<hbm>>)
        tpu.yield
      }) : () -> ()
      %mul3A_126 = arith.constant 640 : i32
      %mul3A_127 = arith.muli %arg1, %mul3A_126 : i32
      %add3A_128 = arith.constant 240 : i32
      %add3A_129 = arith.addi %mul3A_127, %add3A_128 : i32
      "tpu.region"() ({
        %run_scoped3A = tpu.sem_alloc : memref<!tpu.dma_semaphore, #tpu.memory_space<semaphore_mem>>
        %dma_start3A = arith.constant 0 : i32
        %dma_start3A_146 = tpu.memref_slice %arg9[%add3A_129, %dma_start3A] : memref<10240x96xf32, #tpu.memory_space<hbm>> -> memref<80x96xf32, #tpu.memory_space<hbm>>
        %dma_start3A_147 = arith.constant 0 : i32
        %dma_start3A_148 = tpu.memref_slice %arg13[%add3A_129, %dma_start3A_147] : memref<10240x96xf32, #tpu.memory_space<vmem_shared>> -> memref<80x96xf32, #tpu.memory_space<vmem_shared>>
        tpu.enqueue_dma source(%dma_start3A_148 : memref<80x96xf32, #tpu.memory_space<vmem_shared>>) target(%dma_start3A_146 : memref<80x96xf32, #tpu.memory_space<hbm>>) target_semaphore(%run_scoped3A : memref<!tpu.dma_semaphore, #tpu.memory_space<semaphore_mem>>)
        %dma_wait3A = arith.constant 0 : i32
        %dma_wait3A_149 = tpu.memref_slice %arg9[%add3A_129, %dma_wait3A] : memref<10240x96xf32, #tpu.memory_space<hbm>> -> memref<80x96xf32, #tpu.memory_space<hbm>>
        %dma_wait3A_150 = arith.constant 0 : i32
        %dma_wait3A_151 = tpu.memref_slice %arg13[%add3A_129, %dma_wait3A_150] : memref<10240x96xf32, #tpu.memory_space<vmem_shared>> -> memref<80x96xf32, #tpu.memory_space<vmem_shared>>
        tpu.wait_dma2 semaphore(%run_scoped3A : memref<!tpu.dma_semaphore, #tpu.memory_space<semaphore_mem>>) src(%dma_wait3A_151 : memref<80x96xf32, #tpu.memory_space<vmem_shared>>) dst(%dma_wait3A_149 : memref<80x96xf32, #tpu.memory_space<hbm>>)
        tpu.yield
      }) : () -> ()
      %mul3A_130 = arith.constant 640 : i32
      %mul3A_131 = arith.muli %arg1, %mul3A_130 : i32
      %add3A_132 = arith.constant 320 : i32
      %add3A_133 = arith.addi %mul3A_131, %add3A_132 : i32
      "tpu.region"() ({
        %run_scoped3A = tpu.sem_alloc : memref<!tpu.dma_semaphore, #tpu.memory_space<semaphore_mem>>
        %dma_start3A = arith.constant 0 : i32
        %dma_start3A_146 = tpu.memref_slice %arg9[%add3A_133, %dma_start3A] : memref<10240x96xf32, #tpu.memory_space<hbm>> -> memref<80x96xf32, #tpu.memory_space<hbm>>
        %dma_start3A_147 = arith.constant 0 : i32
        %dma_start3A_148 = tpu.memref_slice %arg13[%add3A_133, %dma_start3A_147] : memref<10240x96xf32, #tpu.memory_space<vmem_shared>> -> memref<80x96xf32, #tpu.memory_space<vmem_shared>>
        tpu.enqueue_dma source(%dma_start3A_148 : memref<80x96xf32, #tpu.memory_space<vmem_shared>>) target(%dma_start3A_146 : memref<80x96xf32, #tpu.memory_space<hbm>>) target_semaphore(%run_scoped3A : memref<!tpu.dma_semaphore, #tpu.memory_space<semaphore_mem>>)
        %dma_wait3A = arith.constant 0 : i32
        %dma_wait3A_149 = tpu.memref_slice %arg9[%add3A_133, %dma_wait3A] : memref<10240x96xf32, #tpu.memory_space<hbm>> -> memref<80x96xf32, #tpu.memory_space<hbm>>
        %dma_wait3A_150 = arith.constant 0 : i32
        %dma_wait3A_151 = tpu.memref_slice %arg13[%add3A_133, %dma_wait3A_150] : memref<10240x96xf32, #tpu.memory_space<vmem_shared>> -> memref<80x96xf32, #tpu.memory_space<vmem_shared>>
        tpu.wait_dma2 semaphore(%run_scoped3A : memref<!tpu.dma_semaphore, #tpu.memory_space<semaphore_mem>>) src(%dma_wait3A_151 : memref<80x96xf32, #tpu.memory_space<vmem_shared>>) dst(%dma_wait3A_149 : memref<80x96xf32, #tpu.memory_space<hbm>>)
        tpu.yield
      }) : () -> ()
      %mul3A_134 = arith.constant 640 : i32
      %mul3A_135 = arith.muli %arg1, %mul3A_134 : i32
      %add3A_136 = arith.constant 400 : i32
      %add3A_137 = arith.addi %mul3A_135, %add3A_136 : i32
      "tpu.region"() ({
        %run_scoped3A = tpu.sem_alloc : memref<!tpu.dma_semaphore, #tpu.memory_space<semaphore_mem>>
        %dma_start3A = arith.constant 0 : i32
        %dma_start3A_146 = tpu.memref_slice %arg9[%add3A_137, %dma_start3A] : memref<10240x96xf32, #tpu.memory_space<hbm>> -> memref<80x96xf32, #tpu.memory_space<hbm>>
        %dma_start3A_147 = arith.constant 0 : i32
        %dma_start3A_148 = tpu.memref_slice %arg13[%add3A_137, %dma_start3A_147] : memref<10240x96xf32, #tpu.memory_space<vmem_shared>> -> memref<80x96xf32, #tpu.memory_space<vmem_shared>>
        tpu.enqueue_dma source(%dma_start3A_148 : memref<80x96xf32, #tpu.memory_space<vmem_shared>>) target(%dma_start3A_146 : memref<80x96xf32, #tpu.memory_space<hbm>>) target_semaphore(%run_scoped3A : memref<!tpu.dma_semaphore, #tpu.memory_space<semaphore_mem>>)
        %dma_wait3A = arith.constant 0 : i32
        %dma_wait3A_149 = tpu.memref_slice %arg9[%add3A_137, %dma_wait3A] : memref<10240x96xf32, #tpu.memory_space<hbm>> -> memref<80x96xf32, #tpu.memory_space<hbm>>
        %dma_wait3A_150 = arith.constant 0 : i32
        %dma_wait3A_151 = tpu.memref_slice %arg13[%add3A_137, %dma_wait3A_150] : memref<10240x96xf32, #tpu.memory_space<vmem_shared>> -> memref<80x96xf32, #tpu.memory_space<vmem_shared>>
        tpu.wait_dma2 semaphore(%run_scoped3A : memref<!tpu.dma_semaphore, #tpu.memory_space<semaphore_mem>>) src(%dma_wait3A_151 : memref<80x96xf32, #tpu.memory_space<vmem_shared>>) dst(%dma_wait3A_149 : memref<80x96xf32, #tpu.memory_space<hbm>>)
        tpu.yield
      }) : () -> ()
      %mul3A_138 = arith.constant 640 : i32
      %mul3A_139 = arith.muli %arg1, %mul3A_138 : i32
      %add3A_140 = arith.constant 480 : i32
      %add3A_141 = arith.addi %mul3A_139, %add3A_140 : i32
      "tpu.region"() ({
        %run_scoped3A = tpu.sem_alloc : memref<!tpu.dma_semaphore, #tpu.memory_space<semaphore_mem>>
        %dma_start3A = arith.constant 0 : i32
        %dma_start3A_146 = tpu.memref_slice %arg9[%add3A_141, %dma_start3A] : memref<10240x96xf32, #tpu.memory_space<hbm>> -> memref<80x96xf32, #tpu.memory_space<hbm>>
        %dma_start3A_147 = arith.constant 0 : i32
        %dma_start3A_148 = tpu.memref_slice %arg13[%add3A_141, %dma_start3A_147] : memref<10240x96xf32, #tpu.memory_space<vmem_shared>> -> memref<80x96xf32, #tpu.memory_space<vmem_shared>>
        tpu.enqueue_dma source(%dma_start3A_148 : memref<80x96xf32, #tpu.memory_space<vmem_shared>>) target(%dma_start3A_146 : memref<80x96xf32, #tpu.memory_space<hbm>>) target_semaphore(%run_scoped3A : memref<!tpu.dma_semaphore, #tpu.memory_space<semaphore_mem>>)
        %dma_wait3A = arith.constant 0 : i32
        %dma_wait3A_149 = tpu.memref_slice %arg9[%add3A_141, %dma_wait3A] : memref<10240x96xf32, #tpu.memory_space<hbm>> -> memref<80x96xf32, #tpu.memory_space<hbm>>
        %dma_wait3A_150 = arith.constant 0 : i32
        %dma_wait3A_151 = tpu.memref_slice %arg13[%add3A_141, %dma_wait3A_150] : memref<10240x96xf32, #tpu.memory_space<vmem_shared>> -> memref<80x96xf32, #tpu.memory_space<vmem_shared>>
        tpu.wait_dma2 semaphore(%run_scoped3A : memref<!tpu.dma_semaphore, #tpu.memory_space<semaphore_mem>>) src(%dma_wait3A_151 : memref<80x96xf32, #tpu.memory_space<vmem_shared>>) dst(%dma_wait3A_149 : memref<80x96xf32, #tpu.memory_space<hbm>>)
        tpu.yield
      }) : () -> ()
      %mul3A_142 = arith.constant 640 : i32
      %mul3A_143 = arith.muli %arg1, %mul3A_142 : i32
      %add3A_144 = arith.constant 560 : i32
      %add3A_145 = arith.addi %mul3A_143, %add3A_144 : i32
      "tpu.region"() ({
        %run_scoped3A = tpu.sem_alloc : memref<!tpu.dma_semaphore, #tpu.memory_space<semaphore_mem>>
        %dma_start3A = arith.constant 0 : i32
        %dma_start3A_146 = tpu.memref_slice %arg9[%add3A_145, %dma_start3A] : memref<10240x96xf32, #tpu.memory_space<hbm>> -> memref<80x96xf32, #tpu.memory_space<hbm>>
        %dma_start3A_147 = arith.constant 0 : i32
        %dma_start3A_148 = tpu.memref_slice %arg13[%add3A_145, %dma_start3A_147] : memref<10240x96xf32, #tpu.memory_space<vmem_shared>> -> memref<80x96xf32, #tpu.memory_space<vmem_shared>>
        tpu.enqueue_dma source(%dma_start3A_148 : memref<80x96xf32, #tpu.memory_space<vmem_shared>>) target(%dma_start3A_146 : memref<80x96xf32, #tpu.memory_space<hbm>>) target_semaphore(%run_scoped3A : memref<!tpu.dma_semaphore, #tpu.memory_space<semaphore_mem>>)
        %dma_wait3A = arith.constant 0 : i32
        %dma_wait3A_149 = tpu.memref_slice %arg9[%add3A_145, %dma_wait3A] : memref<10240x96xf32, #tpu.memory_space<hbm>> -> memref<80x96xf32, #tpu.memory_space<hbm>>
        %dma_wait3A_150 = arith.constant 0 : i32
        %dma_wait3A_151 = tpu.memref_slice %arg13[%add3A_145, %dma_wait3A_150] : memref<10240x96xf32, #tpu.memory_space<vmem_shared>> -> memref<80x96xf32, #tpu.memory_space<vmem_shared>>
        tpu.wait_dma2 semaphore(%run_scoped3A : memref<!tpu.dma_semaphore, #tpu.memory_space<semaphore_mem>>) src(%dma_wait3A_151 : memref<80x96xf32, #tpu.memory_space<vmem_shared>>) dst(%dma_wait3A_149 : memref<80x96xf32, #tpu.memory_space<hbm>>)
        tpu.yield
      }) : () -> ()
    } else {
    }
    %broadcast_in_dim3A_53 = arith.constant 0.000000e+00 : f32
    %broadcast_in_dim3A_54 = vector.broadcast %broadcast_in_dim3A_53 : f32 to vector<16xf32>
    %scan3A_55 = arith.constant 0 : i32
    %scan3A_56 = arith.constant 80 : i32
    %scan3A_57 = arith.addi %scan3A_55, %scan3A_56 : i32
    %scan3A_58 = arith.constant 1 : i32
    scf.for %scan3A_114 = %scan3A_55 to %scan3A_57 step %scan3A_58  : i32 {
      %mul3A_115 = arith.constant 1 : i32
      %mul3A_116 = arith.muli %scan3A_114, %mul3A_115 : i32
      %add3A_117 = arith.constant 0 : i32
      %add3A_118 = arith.addi %add3A_117, %mul3A_116 : i32
      %swap3A = arith.index_cast %add3A_118 : i32 to index
      %swap3A_119 = arith.constant 0 : index
      %swap3A_120 = tpu.vector_load %arg12[%swap3A, %swap3A_119] {strides = array<i32>} : memref<320x96xf32, #tpu.memory_space<vmem>>, vector<16xf32>,
      tpu.vector_store %arg12[%swap3A, %swap3A_119], %broadcast_in_dim3A_54 {strides = array<i32>} : memref<320x96xf32, #tpu.memory_space<vmem>>, vector<16xf32>,
      %swap3A_121 = arith.index_cast %add3A_118 : i32 to index
      %swap3A_122 = arith.constant 16 : index
      %swap3A_123 = tpu.vector_load %arg12[%swap3A_121, %swap3A_122] {strides = array<i32>} : memref<320x96xf32, #tpu.memory_space<vmem>>, vector<16xf32>,
      tpu.vector_store %arg12[%swap3A_121, %swap3A_122], %broadcast_in_dim3A_54 {strides = array<i32>} : memref<320x96xf32, #tpu.memory_space<vmem>>, vector<16xf32>,
      %swap3A_124 = arith.index_cast %add3A_118 : i32 to index
      %swap3A_125 = arith.constant 32 : index
      %swap3A_126 = tpu.vector_load %arg12[%swap3A_124, %swap3A_125] {strides = array<i32>} : memref<320x96xf32, #tpu.memory_space<vmem>>, vector<16xf32>,
      tpu.vector_store %arg12[%swap3A_124, %swap3A_125], %broadcast_in_dim3A_54 {strides = array<i32>} : memref<320x96xf32, #tpu.memory_space<vmem>>, vector<16xf32>,
      %swap3A_127 = arith.index_cast %add3A_118 : i32 to index
      %swap3A_128 = arith.constant 48 : index
      %swap3A_129 = tpu.vector_load %arg12[%swap3A_127, %swap3A_128] {strides = array<i32>} : memref<320x96xf32, #tpu.memory_space<vmem>>, vector<16xf32>,
      tpu.vector_store %arg12[%swap3A_127, %swap3A_128], %broadcast_in_dim3A_54 {strides = array<i32>} : memref<320x96xf32, #tpu.memory_space<vmem>>, vector<16xf32>,
      %swap3A_130 = arith.index_cast %add3A_118 : i32 to index
      %swap3A_131 = arith.constant 64 : index
      %swap3A_132 = tpu.vector_load %arg12[%swap3A_130, %swap3A_131] {strides = array<i32>} : memref<320x96xf32, #tpu.memory_space<vmem>>, vector<16xf32>,
      tpu.vector_store %arg12[%swap3A_130, %swap3A_131], %broadcast_in_dim3A_54 {strides = array<i32>} : memref<320x96xf32, #tpu.memory_space<vmem>>, vector<16xf32>,
      %swap3A_133 = arith.index_cast %add3A_118 : i32 to index
      %swap3A_134 = arith.constant 80 : index
      %swap3A_135 = tpu.vector_load %arg12[%swap3A_133, %swap3A_134] {strides = array<i32>} : memref<320x96xf32, #tpu.memory_space<vmem>>, vector<16xf32>,
      tpu.vector_store %arg12[%swap3A_133, %swap3A_134], %broadcast_in_dim3A_54 {strides = array<i32>} : memref<320x96xf32, #tpu.memory_space<vmem>>, vector<16xf32>,
    }
    %scan3A_59 = arith.constant 80 : i32
    %mul3A_60 = arith.constant 640 : i32
    %mul3A_61 = arith.muli %arg1, %mul3A_60 : i32
    %add3A_62 = arith.constant 0 : i32
    %add3A_63 = arith.addi %mul3A_61, %add3A_62 : i32
    "tpu.region"() ({
      %run_scoped3A = tpu.sem_alloc : memref<!tpu.dma_semaphore, #tpu.memory_space<semaphore_mem>>
      %dma_start3A = arith.constant 0 : i32
      %dma_start3A_114 = arith.constant 0 : i32
      %dma_start3A_115 = tpu.memref_slice %arg12[%dma_start3A, %dma_start3A_114] : memref<320x96xf32, #tpu.memory_space<vmem>> -> memref<80x96xf32, #tpu.memory_space<vmem>>
      %dma_start3A_116 = arith.constant 0 : i32
      %dma_start3A_117 = tpu.memref_slice %arg13[%add3A_63, %dma_start3A_116] : memref<10240x96xf32, #tpu.memory_space<vmem_shared>> -> memref<80x96xf32, #tpu.memory_space<vmem_shared>>
      %dma_start3A_118 = arith.constant 0 : i32
      %dma_start3A_119 = tpu.memref_slice %arg13[%add3A_63, %dma_start3A_118] : memref<10240x96xf32, #tpu.memory_space<vmem_shared>> -> memref<80x96xf32, #tpu.memory_space<vmem_shared>>
      %dma_start3A_120 = arith.constant 0 : i32
      %dma_start3A_121 = arith.constant 0 : i32
      %dma_start3A_122 = tpu.memref_slice %arg12[%dma_start3A_120, %dma_start3A_121] : memref<320x96xf32, #tpu.memory_space<vmem>> -> memref<80x96xf32, #tpu.memory_space<vmem>>
      tpu.enqueue_dma source(%dma_start3A_122 : memref<80x96xf32, #tpu.memory_space<vmem>>) target(%dma_start3A_119 : memref<80x96xf32, #tpu.memory_space<vmem_shared>>) target_semaphore(%run_scoped3A : memref<!tpu.dma_semaphore, #tpu.memory_space<semaphore_mem>>)
      %dma_wait3A = arith.constant 0 : i32
      %dma_wait3A_123 = arith.constant 0 : i32
      %dma_wait3A_124 = tpu.memref_slice %arg12[%dma_wait3A, %dma_wait3A_123] : memref<320x96xf32, #tpu.memory_space<vmem>> -> memref<80x96xf32, #tpu.memory_space<vmem>>
      %dma_wait3A_125 = arith.constant 0 : i32
      %dma_wait3A_126 = tpu.memref_slice %arg13[%add3A_63, %dma_wait3A_125] : memref<10240x96xf32, #tpu.memory_space<vmem_shared>> -> memref<80x96xf32, #tpu.memory_space<vmem_shared>>
      %dma_wait3A_127 = arith.constant 0 : i32
      %dma_wait3A_128 = tpu.memref_slice %arg13[%add3A_63, %dma_wait3A_127] : memref<10240x96xf32, #tpu.memory_space<vmem_shared>> -> memref<80x96xf32, #tpu.memory_space<vmem_shared>>
      %dma_wait3A_129 = arith.constant 0 : i32
      %dma_wait3A_130 = arith.constant 0 : i32
      %dma_wait3A_131 = tpu.memref_slice %arg12[%dma_wait3A_129, %dma_wait3A_130] : memref<320x96xf32, #tpu.memory_space<vmem>> -> memref<80x96xf32, #tpu.memory_space<vmem>>
      tpu.wait_dma2 semaphore(%run_scoped3A : memref<!tpu.dma_semaphore, #tpu.memory_space<semaphore_mem>>) src(%dma_wait3A_131 : memref<80x96xf32, #tpu.memory_space<vmem>>) dst(%dma_wait3A_128 : memref<80x96xf32, #tpu.memory_space<vmem_shared>>)
      tpu.yield
    }) : () -> ()
    %mul3A_64 = arith.constant 640 : i32
    %mul3A_65 = arith.muli %arg1, %mul3A_64 : i32
    %add3A_66 = arith.constant 80 : i32
    %add3A_67 = arith.addi %mul3A_65, %add3A_66 : i32
    "tpu.region"() ({
      %run_scoped3A = tpu.sem_alloc : memref<!tpu.dma_semaphore, #tpu.memory_space<semaphore_mem>>
      %dma_start3A = arith.constant 0 : i32
      %dma_start3A_114 = arith.constant 0 : i32
      %dma_start3A_115 = tpu.memref_slice %arg12[%dma_start3A, %dma_start3A_114] : memref<320x96xf32, #tpu.memory_space<vmem>> -> memref<80x96xf32, #tpu.memory_space<vmem>>
      %dma_start3A_116 = arith.constant 0 : i32
      %dma_start3A_117 = tpu.memref_slice %arg13[%add3A_67, %dma_start3A_116] : memref<10240x96xf32, #tpu.memory_space<vmem_shared>> -> memref<80x96xf32, #tpu.memory_space<vmem_shared>>
      %dma_start3A_118 = arith.constant 0 : i32
      %dma_start3A_119 = tpu.memref_slice %arg13[%add3A_67, %dma_start3A_118] : memref<10240x96xf32, #tpu.memory_space<vmem_shared>> -> memref<80x96xf32, #tpu.memory_space<vmem_shared>>
      %dma_start3A_120 = arith.constant 0 : i32
      %dma_start3A_121 = arith.constant 0 : i32
      %dma_start3A_122 = tpu.memref_slice %arg12[%dma_start3A_120, %dma_start3A_121] : memref<320x96xf32, #tpu.memory_space<vmem>> -> memref<80x96xf32, #tpu.memory_space<vmem>>
      tpu.enqueue_dma source(%dma_start3A_122 : memref<80x96xf32, #tpu.memory_space<vmem>>) target(%dma_start3A_119 : memref<80x96xf32, #tpu.memory_space<vmem_shared>>) target_semaphore(%run_scoped3A : memref<!tpu.dma_semaphore, #tpu.memory_space<semaphore_mem>>)
      %dma_wait3A = arith.constant 0 : i32
      %dma_wait3A_123 = arith.constant 0 : i32
      %dma_wait3A_124 = tpu.memref_slice %arg12[%dma_wait3A, %dma_wait3A_123] : memref<320x96xf32, #tpu.memory_space<vmem>> -> memref<80x96xf32, #tpu.memory_space<vmem>>
      %dma_wait3A_125 = arith.constant 0 : i32
      %dma_wait3A_126 = tpu.memref_slice %arg13[%add3A_67, %dma_wait3A_125] : memref<10240x96xf32, #tpu.memory_space<vmem_shared>> -> memref<80x96xf32, #tpu.memory_space<vmem_shared>>
      %dma_wait3A_127 = arith.constant 0 : i32
      %dma_wait3A_128 = tpu.memref_slice %arg13[%add3A_67, %dma_wait3A_127] : memref<10240x96xf32, #tpu.memory_space<vmem_shared>> -> memref<80x96xf32, #tpu.memory_space<vmem_shared>>
      %dma_wait3A_129 = arith.constant 0 : i32
      %dma_wait3A_130 = arith.constant 0 : i32
      %dma_wait3A_131 = tpu.memref_slice %arg12[%dma_wait3A_129, %dma_wait3A_130] : memref<320x96xf32, #tpu.memory_space<vmem>> -> memref<80x96xf32, #tpu.memory_space<vmem>>
      tpu.wait_dma2 semaphore(%run_scoped3A : memref<!tpu.dma_semaphore, #tpu.memory_space<semaphore_mem>>) src(%dma_wait3A_131 : memref<80x96xf32, #tpu.memory_space<vmem>>) dst(%dma_wait3A_128 : memref<80x96xf32, #tpu.memory_space<vmem_shared>>)
      tpu.yield
    }) : () -> ()
    %mul3A_68 = arith.constant 640 : i32
    %mul3A_69 = arith.muli %arg1, %mul3A_68 : i32
    %add3A_70 = arith.constant 160 : i32
    %add3A_71 = arith.addi %mul3A_69, %add3A_70 : i32
    "tpu.region"() ({
      %run_scoped3A = tpu.sem_alloc : memref<!tpu.dma_semaphore, #tpu.memory_space<semaphore_mem>>
      %dma_start3A = arith.constant 0 : i32
      %dma_start3A_114 = arith.constant 0 : i32
      %dma_start3A_115 = tpu.memref_slice %arg12[%dma_start3A, %dma_start3A_114] : memref<320x96xf32, #tpu.memory_space<vmem>> -> memref<80x96xf32, #tpu.memory_space<vmem>>
      %dma_start3A_116 = arith.constant 0 : i32
      %dma_start3A_117 = tpu.memref_slice %arg13[%add3A_71, %dma_start3A_116] : memref<10240x96xf32, #tpu.memory_space<vmem_shared>> -> memref<80x96xf32, #tpu.memory_space<vmem_shared>>
      %dma_start3A_118 = arith.constant 0 : i32
      %dma_start3A_119 = tpu.memref_slice %arg13[%add3A_71, %dma_start3A_118] : memref<10240x96xf32, #tpu.memory_space<vmem_shared>> -> memref<80x96xf32, #tpu.memory_space<vmem_shared>>
      %dma_start3A_120 = arith.constant 0 : i32
      %dma_start3A_121 = arith.constant 0 : i32
      %dma_start3A_122 = tpu.memref_slice %arg12[%dma_start3A_120, %dma_start3A_121] : memref<320x96xf32, #tpu.memory_space<vmem>> -> memref<80x96xf32, #tpu.memory_space<vmem>>
      tpu.enqueue_dma source(%dma_start3A_122 : memref<80x96xf32, #tpu.memory_space<vmem>>) target(%dma_start3A_119 : memref<80x96xf32, #tpu.memory_space<vmem_shared>>) target_semaphore(%run_scoped3A : memref<!tpu.dma_semaphore, #tpu.memory_space<semaphore_mem>>)
      %dma_wait3A = arith.constant 0 : i32
      %dma_wait3A_123 = arith.constant 0 : i32
      %dma_wait3A_124 = tpu.memref_slice %arg12[%dma_wait3A, %dma_wait3A_123] : memref<320x96xf32, #tpu.memory_space<vmem>> -> memref<80x96xf32, #tpu.memory_space<vmem>>
      %dma_wait3A_125 = arith.constant 0 : i32
      %dma_wait3A_126 = tpu.memref_slice %arg13[%add3A_71, %dma_wait3A_125] : memref<10240x96xf32, #tpu.memory_space<vmem_shared>> -> memref<80x96xf32, #tpu.memory_space<vmem_shared>>
      %dma_wait3A_127 = arith.constant 0 : i32
      %dma_wait3A_128 = tpu.memref_slice %arg13[%add3A_71, %dma_wait3A_127] : memref<10240x96xf32, #tpu.memory_space<vmem_shared>> -> memref<80x96xf32, #tpu.memory_space<vmem_shared>>
      %dma_wait3A_129 = arith.constant 0 : i32
      %dma_wait3A_130 = arith.constant 0 : i32
      %dma_wait3A_131 = tpu.memref_slice %arg12[%dma_wait3A_129, %dma_wait3A_130] : memref<320x96xf32, #tpu.memory_space<vmem>> -> memref<80x96xf32, #tpu.memory_space<vmem>>
      tpu.wait_dma2 semaphore(%run_scoped3A : memref<!tpu.dma_semaphore, #tpu.memory_space<semaphore_mem>>) src(%dma_wait3A_131 : memref<80x96xf32, #tpu.memory_space<vmem>>) dst(%dma_wait3A_128 : memref<80x96xf32, #tpu.memory_space<vmem_shared>>)
      tpu.yield
    }) : () -> ()
    %mul3A_72 = arith.constant 640 : i32
    %mul3A_73 = arith.muli %arg1, %mul3A_72 : i32
    %add3A_74 = arith.constant 240 : i32
    %add3A_75 = arith.addi %mul3A_73, %add3A_74 : i32
    "tpu.region"() ({
      %run_scoped3A = tpu.sem_alloc : memref<!tpu.dma_semaphore, #tpu.memory_space<semaphore_mem>>
      %dma_start3A = arith.constant 0 : i32
      %dma_start3A_114 = arith.constant 0 : i32
      %dma_start3A_115 = tpu.memref_slice %arg12[%dma_start3A, %dma_start3A_114] : memref<320x96xf32, #tpu.memory_space<vmem>> -> memref<80x96xf32, #tpu.memory_space<vmem>>
      %dma_start3A_116 = arith.constant 0 : i32
      %dma_start3A_117 = tpu.memref_slice %arg13[%add3A_75, %dma_start3A_116] : memref<10240x96xf32, #tpu.memory_space<vmem_shared>> -> memref<80x96xf32, #tpu.memory_space<vmem_shared>>
      %dma_start3A_118 = arith.constant 0 : i32
      %dma_start3A_119 = tpu.memref_slice %arg13[%add3A_75, %dma_start3A_118] : memref<10240x96xf32, #tpu.memory_space<vmem_shared>> -> memref<80x96xf32, #tpu.memory_space<vmem_shared>>
      %dma_start3A_120 = arith.constant 0 : i32
      %dma_start3A_121 = arith.constant 0 : i32
      %dma_start3A_122 = tpu.memref_slice %arg12[%dma_start3A_120, %dma_start3A_121] : memref<320x96xf32, #tpu.memory_space<vmem>> -> memref<80x96xf32, #tpu.memory_space<vmem>>
      tpu.enqueue_dma source(%dma_start3A_122 : memref<80x96xf32, #tpu.memory_space<vmem>>) target(%dma_start3A_119 : memref<80x96xf32, #tpu.memory_space<vmem_shared>>) target_semaphore(%run_scoped3A : memref<!tpu.dma_semaphore, #tpu.memory_space<semaphore_mem>>)
      %dma_wait3A = arith.constant 0 : i32
      %dma_wait3A_123 = arith.constant 0 : i32
      %dma_wait3A_124 = tpu.memref_slice %arg12[%dma_wait3A, %dma_wait3A_123] : memref<320x96xf32, #tpu.memory_space<vmem>> -> memref<80x96xf32, #tpu.memory_space<vmem>>
      %dma_wait3A_125 = arith.constant 0 : i32
      %dma_wait3A_126 = tpu.memref_slice %arg13[%add3A_75, %dma_wait3A_125] : memref<10240x96xf32, #tpu.memory_space<vmem_shared>> -> memref<80x96xf32, #tpu.memory_space<vmem_shared>>
      %dma_wait3A_127 = arith.constant 0 : i32
      %dma_wait3A_128 = tpu.memref_slice %arg13[%add3A_75, %dma_wait3A_127] : memref<10240x96xf32, #tpu.memory_space<vmem_shared>> -> memref<80x96xf32, #tpu.memory_space<vmem_shared>>
      %dma_wait3A_129 = arith.constant 0 : i32
      %dma_wait3A_130 = arith.constant 0 : i32
      %dma_wait3A_131 = tpu.memref_slice %arg12[%dma_wait3A_129, %dma_wait3A_130] : memref<320x96xf32, #tpu.memory_space<vmem>> -> memref<80x96xf32, #tpu.memory_space<vmem>>
      tpu.wait_dma2 semaphore(%run_scoped3A : memref<!tpu.dma_semaphore, #tpu.memory_space<semaphore_mem>>) src(%dma_wait3A_131 : memref<80x96xf32, #tpu.memory_space<vmem>>) dst(%dma_wait3A_128 : memref<80x96xf32, #tpu.memory_space<vmem_shared>>)
      tpu.yield
    }) : () -> ()
    %mul3A_76 = arith.constant 640 : i32
    %mul3A_77 = arith.muli %arg1, %mul3A_76 : i32
    %add3A_78 = arith.constant 320 : i32
    %add3A_79 = arith.addi %mul3A_77, %add3A_78 : i32
    "tpu.region"() ({
      %run_scoped3A = tpu.sem_alloc : memref<!tpu.dma_semaphore, #tpu.memory_space<semaphore_mem>>
      %dma_start3A = arith.constant 0 : i32
      %dma_start3A_114 = arith.constant 0 : i32
      %dma_start3A_115 = tpu.memref_slice %arg12[%dma_start3A, %dma_start3A_114] : memref<320x96xf32, #tpu.memory_space<vmem>> -> memref<80x96xf32, #tpu.memory_space<vmem>>
      %dma_start3A_116 = arith.constant 0 : i32
      %dma_start3A_117 = tpu.memref_slice %arg13[%add3A_79, %dma_start3A_116] : memref<10240x96xf32, #tpu.memory_space<vmem_shared>> -> memref<80x96xf32, #tpu.memory_space<vmem_shared>>
      %dma_start3A_118 = arith.constant 0 : i32
      %dma_start3A_119 = tpu.memref_slice %arg13[%add3A_79, %dma_start3A_118] : memref<10240x96xf32, #tpu.memory_space<vmem_shared>> -> memref<80x96xf32, #tpu.memory_space<vmem_shared>>
      %dma_start3A_120 = arith.constant 0 : i32
      %dma_start3A_121 = arith.constant 0 : i32
      %dma_start3A_122 = tpu.memref_slice %arg12[%dma_start3A_120, %dma_start3A_121] : memref<320x96xf32, #tpu.memory_space<vmem>> -> memref<80x96xf32, #tpu.memory_space<vmem>>
      tpu.enqueue_dma source(%dma_start3A_122 : memref<80x96xf32, #tpu.memory_space<vmem>>) target(%dma_start3A_119 : memref<80x96xf32, #tpu.memory_space<vmem_shared>>) target_semaphore(%run_scoped3A : memref<!tpu.dma_semaphore, #tpu.memory_space<semaphore_mem>>)
      %dma_wait3A = arith.constant 0 : i32
      %dma_wait3A_123 = arith.constant 0 : i32
      %dma_wait3A_124 = tpu.memref_slice %arg12[%dma_wait3A, %dma_wait3A_123] : memref<320x96xf32, #tpu.memory_space<vmem>> -> memref<80x96xf32, #tpu.memory_space<vmem>>
      %dma_wait3A_125 = arith.constant 0 : i32
      %dma_wait3A_126 = tpu.memref_slice %arg13[%add3A_79, %dma_wait3A_125] : memref<10240x96xf32, #tpu.memory_space<vmem_shared>> -> memref<80x96xf32, #tpu.memory_space<vmem_shared>>
      %dma_wait3A_127 = arith.constant 0 : i32
      %dma_wait3A_128 = tpu.memref_slice %arg13[%add3A_79, %dma_wait3A_127] : memref<10240x96xf32, #tpu.memory_space<vmem_shared>> -> memref<80x96xf32, #tpu.memory_space<vmem_shared>>
      %dma_wait3A_129 = arith.constant 0 : i32
      %dma_wait3A_130 = arith.constant 0 : i32
      %dma_wait3A_131 = tpu.memref_slice %arg12[%dma_wait3A_129, %dma_wait3A_130] : memref<320x96xf32, #tpu.memory_space<vmem>> -> memref<80x96xf32, #tpu.memory_space<vmem>>
      tpu.wait_dma2 semaphore(%run_scoped3A : memref<!tpu.dma_semaphore, #tpu.memory_space<semaphore_mem>>) src(%dma_wait3A_131 : memref<80x96xf32, #tpu.memory_space<vmem>>) dst(%dma_wait3A_128 : memref<80x96xf32, #tpu.memory_space<vmem_shared>>)
      tpu.yield
    }) : () -> ()
    %mul3A_80 = arith.constant 640 : i32
    %mul3A_81 = arith.muli %arg1, %mul3A_80 : i32
    %add3A_82 = arith.constant 400 : i32
    %add3A_83 = arith.addi %mul3A_81, %add3A_82 : i32
    "tpu.region"() ({
      %run_scoped3A = tpu.sem_alloc : memref<!tpu.dma_semaphore, #tpu.memory_space<semaphore_mem>>
      %dma_start3A = arith.constant 0 : i32
      %dma_start3A_114 = arith.constant 0 : i32
      %dma_start3A_115 = tpu.memref_slice %arg12[%dma_start3A, %dma_start3A_114] : memref<320x96xf32, #tpu.memory_space<vmem>> -> memref<80x96xf32, #tpu.memory_space<vmem>>
      %dma_start3A_116 = arith.constant 0 : i32
      %dma_start3A_117 = tpu.memref_slice %arg13[%add3A_83, %dma_start3A_116] : memref<10240x96xf32, #tpu.memory_space<vmem_shared>> -> memref<80x96xf32, #tpu.memory_space<vmem_shared>>
      %dma_start3A_118 = arith.constant 0 : i32
      %dma_start3A_119 = tpu.memref_slice %arg13[%add3A_83, %dma_start3A_118] : memref<10240x96xf32, #tpu.memory_space<vmem_shared>> -> memref<80x96xf32, #tpu.memory_space<vmem_shared>>
      %dma_start3A_120 = arith.constant 0 : i32
      %dma_start3A_121 = arith.constant 0 : i32
      %dma_start3A_122 = tpu.memref_slice %arg12[%dma_start3A_120, %dma_start3A_121] : memref<320x96xf32, #tpu.memory_space<vmem>> -> memref<80x96xf32, #tpu.memory_space<vmem>>
      tpu.enqueue_dma source(%dma_start3A_122 : memref<80x96xf32, #tpu.memory_space<vmem>>) target(%dma_start3A_119 : memref<80x96xf32, #tpu.memory_space<vmem_shared>>) target_semaphore(%run_scoped3A : memref<!tpu.dma_semaphore, #tpu.memory_space<semaphore_mem>>)
      %dma_wait3A = arith.constant 0 : i32
      %dma_wait3A_123 = arith.constant 0 : i32
      %dma_wait3A_124 = tpu.memref_slice %arg12[%dma_wait3A, %dma_wait3A_123] : memref<320x96xf32, #tpu.memory_space<vmem>> -> memref<80x96xf32, #tpu.memory_space<vmem>>
      %dma_wait3A_125 = arith.constant 0 : i32
      %dma_wait3A_126 = tpu.memref_slice %arg13[%add3A_83, %dma_wait3A_125] : memref<10240x96xf32, #tpu.memory_space<vmem_shared>> -> memref<80x96xf32, #tpu.memory_space<vmem_shared>>
      %dma_wait3A_127 = arith.constant 0 : i32
      %dma_wait3A_128 = tpu.memref_slice %arg13[%add3A_83, %dma_wait3A_127] : memref<10240x96xf32, #tpu.memory_space<vmem_shared>> -> memref<80x96xf32, #tpu.memory_space<vmem_shared>>
      %dma_wait3A_129 = arith.constant 0 : i32
      %dma_wait3A_130 = arith.constant 0 : i32
      %dma_wait3A_131 = tpu.memref_slice %arg12[%dma_wait3A_129, %dma_wait3A_130] : memref<320x96xf32, #tpu.memory_space<vmem>> -> memref<80x96xf32, #tpu.memory_space<vmem>>
      tpu.wait_dma2 semaphore(%run_scoped3A : memref<!tpu.dma_semaphore, #tpu.memory_space<semaphore_mem>>) src(%dma_wait3A_131 : memref<80x96xf32, #tpu.memory_space<vmem>>) dst(%dma_wait3A_128 : memref<80x96xf32, #tpu.memory_space<vmem_shared>>)
      tpu.yield
    }) : () -> ()
    %mul3A_84 = arith.constant 640 : i32
    %mul3A_85 = arith.muli %arg1, %mul3A_84 : i32
    %add3A_86 = arith.constant 480 : i32
    %add3A_87 = arith.addi %mul3A_85, %add3A_86 : i32
    "tpu.region"() ({
      %run_scoped3A = tpu.sem_alloc : memref<!tpu.dma_semaphore, #tpu.memory_space<semaphore_mem>>
      %dma_start3A = arith.constant 0 : i32
      %dma_start3A_114 = arith.constant 0 : i32
      %dma_start3A_115 = tpu.memref_slice %arg12[%dma_start3A, %dma_start3A_114] : memref<320x96xf32, #tpu.memory_space<vmem>> -> memref<80x96xf32, #tpu.memory_space<vmem>>
      %dma_start3A_116 = arith.constant 0 : i32
      %dma_start3A_117 = tpu.memref_slice %arg13[%add3A_87, %dma_start3A_116] : memref<10240x96xf32, #tpu.memory_space<vmem_shared>> -> memref<80x96xf32, #tpu.memory_space<vmem_shared>>
      %dma_start3A_118 = arith.constant 0 : i32
      %dma_start3A_119 = tpu.memref_slice %arg13[%add3A_87, %dma_start3A_118] : memref<10240x96xf32, #tpu.memory_space<vmem_shared>> -> memref<80x96xf32, #tpu.memory_space<vmem_shared>>
      %dma_start3A_120 = arith.constant 0 : i32
      %dma_start3A_121 = arith.constant 0 : i32
      %dma_start3A_122 = tpu.memref_slice %arg12[%dma_start3A_120, %dma_start3A_121] : memref<320x96xf32, #tpu.memory_space<vmem>> -> memref<80x96xf32, #tpu.memory_space<vmem>>
      tpu.enqueue_dma source(%dma_start3A_122 : memref<80x96xf32, #tpu.memory_space<vmem>>) target(%dma_start3A_119 : memref<80x96xf32, #tpu.memory_space<vmem_shared>>) target_semaphore(%run_scoped3A : memref<!tpu.dma_semaphore, #tpu.memory_space<semaphore_mem>>)
      %dma_wait3A = arith.constant 0 : i32
      %dma_wait3A_123 = arith.constant 0 : i32
      %dma_wait3A_124 = tpu.memref_slice %arg12[%dma_wait3A, %dma_wait3A_123] : memref<320x96xf32, #tpu.memory_space<vmem>> -> memref<80x96xf32, #tpu.memory_space<vmem>>
      %dma_wait3A_125 = arith.constant 0 : i32
      %dma_wait3A_126 = tpu.memref_slice %arg13[%add3A_87, %dma_wait3A_125] : memref<10240x96xf32, #tpu.memory_space<vmem_shared>> -> memref<80x96xf32, #tpu.memory_space<vmem_shared>>
      %dma_wait3A_127 = arith.constant 0 : i32
      %dma_wait3A_128 = tpu.memref_slice %arg13[%add3A_87, %dma_wait3A_127] : memref<10240x96xf32, #tpu.memory_space<vmem_shared>> -> memref<80x96xf32, #tpu.memory_space<vmem_shared>>
      %dma_wait3A_129 = arith.constant 0 : i32
      %dma_wait3A_130 = arith.constant 0 : i32
      %dma_wait3A_131 = tpu.memref_slice %arg12[%dma_wait3A_129, %dma_wait3A_130] : memref<320x96xf32, #tpu.memory_space<vmem>> -> memref<80x96xf32, #tpu.memory_space<vmem>>
      tpu.wait_dma2 semaphore(%run_scoped3A : memref<!tpu.dma_semaphore, #tpu.memory_space<semaphore_mem>>) src(%dma_wait3A_131 : memref<80x96xf32, #tpu.memory_space<vmem>>) dst(%dma_wait3A_128 : memref<80x96xf32, #tpu.memory_space<vmem_shared>>)
      tpu.yield
    }) : () -> ()
    %mul3A_88 = arith.constant 640 : i32
    %mul3A_89 = arith.muli %arg1, %mul3A_88 : i32
    %add3A_90 = arith.constant 560 : i32
    %add3A_91 = arith.addi %mul3A_89, %add3A_90 : i32
    "tpu.region"() ({
      %run_scoped3A = tpu.sem_alloc : memref<!tpu.dma_semaphore, #tpu.memory_space<semaphore_mem>>
      %dma_start3A = arith.constant 0 : i32
      %dma_start3A_114 = arith.constant 0 : i32
      %dma_start3A_115 = tpu.memref_slice %arg12[%dma_start3A, %dma_start3A_114] : memref<320x96xf32, #tpu.memory_space<vmem>> -> memref<80x96xf32, #tpu.memory_space<vmem>>
      %dma_start3A_116 = arith.constant 0 : i32
      %dma_start3A_117 = tpu.memref_slice %arg13[%add3A_91, %dma_start3A_116] : memref<10240x96xf32, #tpu.memory_space<vmem_shared>> -> memref<80x96xf32, #tpu.memory_space<vmem_shared>>
      %dma_start3A_118 = arith.constant 0 : i32
      %dma_start3A_119 = tpu.memref_slice %arg13[%add3A_91, %dma_start3A_118] : memref<10240x96xf32, #tpu.memory_space<vmem_shared>> -> memref<80x96xf32, #tpu.memory_space<vmem_shared>>
      %dma_start3A_120 = arith.constant 0 : i32
      %dma_start3A_121 = arith.constant 0 : i32
      %dma_start3A_122 = tpu.memref_slice %arg12[%dma_start3A_120, %dma_start3A_121] : memref<320x96xf32, #tpu.memory_space<vmem>> -> memref<80x96xf32, #tpu.memory_space<vmem>>
      tpu.enqueue_dma source(%dma_start3A_122 : memref<80x96xf32, #tpu.memory_space<vmem>>) target(%dma_start3A_119 : memref<80x96xf32, #tpu.memory_space<vmem_shared>>) target_semaphore(%run_scoped3A : memref<!tpu.dma_semaphore, #tpu.memory_space<semaphore_mem>>)
      %dma_wait3A = arith.constant 0 : i32
      %dma_wait3A_123 = arith.constant 0 : i32
      %dma_wait3A_124 = tpu.memref_slice %arg12[%dma_wait3A, %dma_wait3A_123] : memref<320x96xf32, #tpu.memory_space<vmem>> -> memref<80x96xf32, #tpu.memory_space<vmem>>
      %dma_wait3A_125 = arith.constant 0 : i32
      %dma_wait3A_126 = tpu.memref_slice %arg13[%add3A_91, %dma_wait3A_125] : memref<10240x96xf32, #tpu.memory_space<vmem_shared>> -> memref<80x96xf32, #tpu.memory_space<vmem_shared>>
      %dma_wait3A_127 = arith.constant 0 : i32
      %dma_wait3A_128 = tpu.memref_slice %arg13[%add3A_91, %dma_wait3A_127] : memref<10240x96xf32, #tpu.memory_space<vmem_shared>> -> memref<80x96xf32, #tpu.memory_space<vmem_shared>>
      %dma_wait3A_129 = arith.constant 0 : i32
      %dma_wait3A_130 = arith.constant 0 : i32
      %dma_wait3A_131 = tpu.memref_slice %arg12[%dma_wait3A_129, %dma_wait3A_130] : memref<320x96xf32, #tpu.memory_space<vmem>> -> memref<80x96xf32, #tpu.memory_space<vmem>>
      tpu.wait_dma2 semaphore(%run_scoped3A : memref<!tpu.dma_semaphore, #tpu.memory_space<semaphore_mem>>) src(%dma_wait3A_131 : memref<80x96xf32, #tpu.memory_space<vmem>>) dst(%dma_wait3A_128 : memref<80x96xf32, #tpu.memory_space<vmem_shared>>)
      tpu.yield
    }) : () -> ()
    %barrier3A_92 = arith.constant 0 : index
    tpu.barrier barrier_id(%barrier3A_92)
    %eq3A_93 = arith.constant 0 : i32
    %eq3A_94 = arith.cmpi eq, %arg0, %eq3A_93 : i32
    %convert_element_type3A_95 = arith.extui %eq3A_94 : i1 to i32
    %cond3A_96 = arith.constant 0 : i32
    %cond3A_97 = arith.cmpi ne, %convert_element_type3A_95, %cond3A_96 : i32
    scf.if %cond3A_97 {
      %mul3A_114 = arith.constant 250 : i32
      %mul3A_115 = arith.muli %arg1, %mul3A_114 : i32
      %dma_start3A = arith.constant 0 : i32
      %dma_start3A_116 = arith.constant 0 : i32
      %dma_start3A_117 = arith.constant 0 : i32
      %dma_start3A_118 = tpu.memref_slice %arg11[%dma_start3A, %dma_start3A_116, %dma_start3A_117] : memref<5x3x80xi32, #tpu.memory_space<vmem>> -> memref<1x3x80xi32, #tpu.memory_space<vmem>>
      %dma_start3A_119 = tpu.memref_squeeze %dma_start3A_118 : memref<1x3x80xi32, #tpu.memory_space<vmem>> -> memref<3x80xi32, #tpu.memory_space<vmem>>
      %dma_start3A_120 = arith.constant 0 : i32
      %dma_start3A_121 = arith.constant 0 : i32
      %dma_start3A_122 = tpu.memref_slice %arg6[%mul3A_115, %dma_start3A_120, %dma_start3A_121] : memref<4000x3x80xi32, #tpu.memory_space<hbm>> -> memref<1x3x80xi32, #tpu.memory_space<hbm>>
      %dma_start3A_123 = tpu.memref_squeeze %dma_start3A_122 : memref<1x3x80xi32, #tpu.memory_space<hbm>> -> memref<3x80xi32, #tpu.memory_space<hbm>>
      %dma_start3A_124 = arith.constant 0 : i32
      %dma_start3A_125 = arith.constant 0 : i32
      %dma_start3A_126 = tpu.memref_slice %arg11[%dma_start3A, %dma_start3A_124, %dma_start3A_125] : memref<5x3x80xi32, #tpu.memory_space<vmem>> -> memref<1x3x80xi32, #tpu.memory_space<vmem>>
      %dma_start3A_127 = tpu.memref_squeeze %dma_start3A_126 : memref<1x3x80xi32, #tpu.memory_space<vmem>> -> memref<3x80xi32, #tpu.memory_space<vmem>>
      %dma_start3A_128 = arith.constant 0 : i32
      %dma_start3A_129 = arith.constant 0 : i32
      %dma_start3A_130 = tpu.memref_slice %arg6[%mul3A_115, %dma_start3A_128, %dma_start3A_129] : memref<4000x3x80xi32, #tpu.memory_space<hbm>> -> memref<1x3x80xi32, #tpu.memory_space<hbm>>
      %dma_start3A_131 = tpu.memref_squeeze %dma_start3A_130 : memref<1x3x80xi32, #tpu.memory_space<hbm>> -> memref<3x80xi32, #tpu.memory_space<hbm>>
      tpu.enqueue_dma source(%dma_start3A_131 : memref<3x80xi32, #tpu.memory_space<hbm>>) target(%dma_start3A_127 : memref<3x80xi32, #tpu.memory_space<vmem>>) target_semaphore(%arg14 : memref<!tpu.dma_semaphore, #tpu.memory_space<semaphore_mem>>)
      %dma_wait3A = arith.constant 0 : i32
      %dma_wait3A_132 = arith.constant 0 : i32
      %dma_wait3A_133 = arith.constant 0 : i32
      %dma_wait3A_134 = arith.constant 0 : i32
      %dma_wait3A_135 = tpu.memref_slice %arg11[%dma_wait3A_132, %dma_wait3A_133, %dma_wait3A_134] : memref<5x3x80xi32, #tpu.memory_space<vmem>> -> memref<1x3x80xi32, #tpu.memory_space<vmem>>
      %dma_wait3A_136 = tpu.memref_squeeze %dma_wait3A_135 : memref<1x3x80xi32, #tpu.memory_space<vmem>> -> memref<3x80xi32, #tpu.memory_space<vmem>>
      %dma_wait3A_137 = arith.constant 0 : i32
      %dma_wait3A_138 = arith.constant 0 : i32
      %dma_wait3A_139 = tpu.memref_slice %arg6[%dma_wait3A, %dma_wait3A_137, %dma_wait3A_138] : memref<4000x3x80xi32, #tpu.memory_space<hbm>> -> memref<1x3x80xi32, #tpu.memory_space<hbm>>
      %dma_wait3A_140 = tpu.memref_squeeze %dma_wait3A_139 : memref<1x3x80xi32, #tpu.memory_space<hbm>> -> memref<3x80xi32, #tpu.memory_space<hbm>>
      %dma_wait3A_141 = arith.constant 0 : i32
      %dma_wait3A_142 = arith.constant 0 : i32
      %dma_wait3A_143 = tpu.memref_slice %arg11[%dma_wait3A_132, %dma_wait3A_141, %dma_wait3A_142] : memref<5x3x80xi32, #tpu.memory_space<vmem>> -> memref<1x3x80xi32, #tpu.memory_space<vmem>>
      %dma_wait3A_144 = tpu.memref_squeeze %dma_wait3A_143 : memref<1x3x80xi32, #tpu.memory_space<vmem>> -> memref<3x80xi32, #tpu.memory_space<vmem>>
      %dma_wait3A_145 = arith.constant 0 : i32
      %dma_wait3A_146 = arith.constant 0 : i32
      %dma_wait3A_147 = tpu.memref_slice %arg6[%dma_wait3A, %dma_wait3A_145, %dma_wait3A_146] : memref<4000x3x80xi32, #tpu.memory_space<hbm>> -> memref<1x3x80xi32, #tpu.memory_space<hbm>>
      %dma_wait3A_148 = tpu.memref_squeeze %dma_wait3A_147 : memref<1x3x80xi32, #tpu.memory_space<hbm>> -> memref<3x80xi32, #tpu.memory_space<hbm>>
      tpu.wait_dma2 semaphore(%arg14 : memref<!tpu.dma_semaphore, #tpu.memory_space<semaphore_mem>>) src(%dma_wait3A_148 : memref<3x80xi32, #tpu.memory_space<hbm>>) dst(%dma_wait3A_144 : memref<3x80xi32, #tpu.memory_space<vmem>>)
      %add3A_149 = arith.constant 1 : i32
      %add3A_150 = arith.addi %mul3A_115, %add3A_149 : i32
      %dma_start3A_151 = arith.constant 1 : i32
      %dma_start3A_152 = arith.constant 0 : i32
      %dma_start3A_153 = arith.constant 0 : i32
      %dma_start3A_154 = tpu.memref_slice %arg11[%dma_start3A_151, %dma_start3A_152, %dma_start3A_153] : memref<5x3x80xi32, #tpu.memory_space<vmem>> -> memref<1x3x80xi32, #tpu.memory_space<vmem>>
      %dma_start3A_155 = tpu.memref_squeeze %dma_start3A_154 : memref<1x3x80xi32, #tpu.memory_space<vmem>> -> memref<3x80xi32, #tpu.memory_space<vmem>>
      %dma_start3A_156 = arith.constant 0 : i32
      %dma_start3A_157 = arith.constant 0 : i32
      %dma_start3A_158 = tpu.memref_slice %arg6[%add3A_150, %dma_start3A_156, %dma_start3A_157] : memref<4000x3x80xi32, #tpu.memory_space<hbm>> -> memref<1x3x80xi32, #tpu.memory_space<hbm>>
      %dma_start3A_159 = tpu.memref_squeeze %dma_start3A_158 : memref<1x3x80xi32, #tpu.memory_space<hbm>> -> memref<3x80xi32, #tpu.memory_space<hbm>>
      %dma_start3A_160 = arith.constant 0 : i32
      %dma_start3A_161 = arith.constant 0 : i32
      %dma_start3A_162 = tpu.memref_slice %arg11[%dma_start3A_151, %dma_start3A_160, %dma_start3A_161] : memref<5x3x80xi32, #tpu.memory_space<vmem>> -> memref<1x3x80xi32, #tpu.memory_space<vmem>>
      %dma_start3A_163 = tpu.memref_squeeze %dma_start3A_162 : memref<1x3x80xi32, #tpu.memory_space<vmem>> -> memref<3x80xi32, #tpu.memory_space<vmem>>
      %dma_start3A_164 = arith.constant 0 : i32
      %dma_start3A_165 = arith.constant 0 : i32
      %dma_start3A_166 = tpu.memref_slice %arg6[%add3A_150, %dma_start3A_164, %dma_start3A_165] : memref<4000x3x80xi32, #tpu.memory_space<hbm>> -> memref<1x3x80xi32, #tpu.memory_space<hbm>>
      %dma_start3A_167 = tpu.memref_squeeze %dma_start3A_166 : memref<1x3x80xi32, #tpu.memory_space<hbm>> -> memref<3x80xi32, #tpu.memory_space<hbm>>
      tpu.enqueue_dma source(%dma_start3A_167 : memref<3x80xi32, #tpu.memory_space<hbm>>) target(%dma_start3A_163 : memref<3x80xi32, #tpu.memory_space<vmem>>) target_semaphore(%arg14 : memref<!tpu.dma_semaphore, #tpu.memory_space<semaphore_mem>>)
      %rem3A = arith.constant 0 : i32
      %rem3A_168 = arith.constant 5 : i32
      %rem3A_169 = arith.remsi %rem3A, %rem3A_168 : i32
      %rem3A_170 = arith.constant 0 : i32
      %rem3A_171 = arith.constant 4 : i32
      %rem3A_172 = arith.remsi %rem3A_170, %rem3A_171 : i32
      %mul3A_173 = arith.constant 80 : i32
      %mul3A_174 = arith.muli %rem3A_172, %mul3A_173 : i32
      %rem3A_175 = arith.constant 0 : i32
      %rem3A_176 = arith.constant 2 : i32
      %rem3A_177 = arith.remsi %rem3A_175, %rem3A_176 : i32
      %eq3A_178 = arith.constant 0 : i32
      %eq3A_179 = arith.cmpi eq, %rem3A_177, %eq3A_178 : i32
      %convert_element_type3A_180 = arith.extui %eq3A_179 : i1 to i32
      %cond3A_181 = arith.constant 0 : i32
      %cond3A_182 = arith.constant 0 : i32
      %cond3A_183 = arith.cmpi ne, %convert_element_type3A_180, %cond3A_182 : i32
      scf.if %cond3A_183 {
        %dma_start3A_231 = arith.constant 0 : i32
        %dma_start3A_232 = tpu.memref_slice %arg12[%mul3A_174, %dma_start3A_231] : memref<320x96xf32, #tpu.memory_space<vmem>> -> memref<80x96xf32, #tpu.memory_space<vmem>>
        %dma_start3A_233 = arith.constant 0 : i32
        %dma_start3A_234 = tpu.memref_slice %arg11[%rem3A_169, %cond3A_181, %dma_start3A_233] : memref<5x3x80xi32, #tpu.memory_space<vmem>> -> memref<1x1x80xi32, #tpu.memory_space<vmem>>
        %dma_start3A_235 = tpu.memref_squeeze %dma_start3A_234 : memref<1x1x80xi32, #tpu.memory_space<vmem>> -> memref<80xi32, #tpu.memory_space<vmem>>
        %dma_start3A_236 = arith.constant 0 : i32
        %dma_start3A_237 = arith.constant 0 : i32
        %dma_start3A_238 = tpu.memref_slice %arg3[%dma_start3A_236, %dma_start3A_237] : memref<10000x96xf32, #tpu.memory_space<hbm>> -> memref<10000x96xf32, #tpu.memory_space<hbm>>
        tpu.enqueue_indirect_dma source(%dma_start3A_238 : memref<10000x96xf32, #tpu.memory_space<hbm>>) target(%dma_start3A_232 : memref<80x96xf32, #tpu.memory_space<vmem>>) offsets(%dma_start3A_235 : memref<80xi32, #tpu.memory_space<vmem>>) semaphore(%arg15 : memref<!tpu.dma_semaphore, #tpu.memory_space<semaphore_mem>>)
      } else {
      }
      %rem3A_184 = arith.constant 0 : i32
      %rem3A_185 = arith.constant 2 : i32
      %rem3A_186 = arith.remsi %rem3A_184, %rem3A_185 : i32
      %eq3A_187 = arith.constant 1 : i32
      %eq3A_188 = arith.cmpi eq, %rem3A_186, %eq3A_187 : i32
      %convert_element_type3A_189 = arith.extui %eq3A_188 : i1 to i32
      %cond3A_190 = arith.constant 0 : i32
      %cond3A_191 = arith.constant 0 : i32
      %cond3A_192 = arith.cmpi ne, %convert_element_type3A_189, %cond3A_191 : i32
      scf.if %cond3A_192 {
        %dma_start3A_231 = arith.constant 0 : i32
        %dma_start3A_232 = tpu.memref_slice %arg12[%mul3A_174, %dma_start3A_231] : memref<320x96xf32, #tpu.memory_space<vmem>> -> memref<80x96xf32, #tpu.memory_space<vmem>>
        %dma_start3A_233 = arith.constant 0 : i32
        %dma_start3A_234 = tpu.memref_slice %arg11[%rem3A_169, %cond3A_190, %dma_start3A_233] : memref<5x3x80xi32, #tpu.memory_space<vmem>> -> memref<1x1x80xi32, #tpu.memory_space<vmem>>
        %dma_start3A_235 = tpu.memref_squeeze %dma_start3A_234 : memref<1x1x80xi32, #tpu.memory_space<vmem>> -> memref<80xi32, #tpu.memory_space<vmem>>
        %dma_start3A_236 = arith.constant 0 : i32
        %dma_start3A_237 = arith.constant 0 : i32
        %dma_start3A_238 = tpu.memref_slice %arg3[%dma_start3A_236, %dma_start3A_237] : memref<10000x96xf32, #tpu.memory_space<hbm>> -> memref<10000x96xf32, #tpu.memory_space<hbm>>
        tpu.enqueue_indirect_dma source(%dma_start3A_238 : memref<10000x96xf32, #tpu.memory_space<hbm>>) target(%dma_start3A_232 : memref<80x96xf32, #tpu.memory_space<vmem>>) offsets(%dma_start3A_235 : memref<80xi32, #tpu.memory_space<vmem>>) semaphore(%arg16 : memref<!tpu.dma_semaphore, #tpu.memory_space<semaphore_mem>>)
      } else {
      }
      %scan3A_193 = arith.constant 0 : i32
      %scan3A_194 = arith.constant 0 : i32
      %scan3A_195 = arith.constant 250 : i32
      %scan3A_196 = arith.addi %scan3A_194, %scan3A_195 : i32
      %scan3A_197 = arith.constant 1 : i32
      scf.for %scan3A_231 = %scan3A_194 to %scan3A_196 step %scan3A_197  : i32 {
        %mul3A_232 = arith.constant 1 : i32
        %mul3A_233 = arith.muli %scan3A_231, %mul3A_232 : i32
        %add3A_234 = arith.constant 0 : i32
        %add3A_235 = arith.addi %add3A_234, %mul3A_233 : i32
        %rem3A_236 = arith.constant 4 : i32
        %rem3A_237 = arith.remsi %add3A_235, %rem3A_236 : i32
        %rem3A_238 = arith.constant 5 : i32
        %rem3A_239 = arith.remsi %add3A_235, %rem3A_238 : i32
        %add3A_240 = arith.constant 1 : i32
        %add3A_241 = arith.addi %add3A_235, %add3A_240 : i32
        %lt3A = arith.constant 250 : i32
        %lt3A_242 = arith.cmpi slt, %add3A_241, %lt3A : i32
        %convert_element_type3A_243 = arith.extui %lt3A_242 : i1 to i32
        %cond3A_244 = arith.constant 0 : i32
        %cond3A_245 = arith.cmpi ne, %convert_element_type3A_243, %cond3A_244 : i32
        scf.if %cond3A_245 {
          %dma_wait3A_295 = arith.constant 0 : i32
          %dma_wait3A_296 = arith.constant 0 : i32
          %dma_wait3A_297 = arith.constant 0 : i32
          %dma_wait3A_298 = tpu.memref_slice %arg11[%dma_wait3A_295, %dma_wait3A_296, %dma_wait3A_297] : memref<5x3x80xi32, #tpu.memory_space<vmem>> -> memref<1x3x80xi32, #tpu.memory_space<vmem>>
          %dma_wait3A_299 = tpu.memref_squeeze %dma_wait3A_298 : memref<1x3x80xi32, #tpu.memory_space<vmem>> -> memref<3x80xi32, #tpu.memory_space<vmem>>
          %dma_wait3A_300 = arith.constant 0 : i32
          %dma_wait3A_301 = arith.constant 0 : i32
          %dma_wait3A_302 = tpu.memref_slice %arg6[%scan3A_193, %dma_wait3A_300, %dma_wait3A_301] : memref<4000x3x80xi32, #tpu.memory_space<hbm>> -> memref<1x3x80xi32, #tpu.memory_space<hbm>>
          %dma_wait3A_303 = tpu.memref_squeeze %dma_wait3A_302 : memref<1x3x80xi32, #tpu.memory_space<hbm>> -> memref<3x80xi32, #tpu.memory_space<hbm>>
          %dma_wait3A_304 = arith.constant 0 : i32
          %dma_wait3A_305 = arith.constant 0 : i32
          %dma_wait3A_306 = tpu.memref_slice %arg11[%dma_wait3A_295, %dma_wait3A_304, %dma_wait3A_305] : memref<5x3x80xi32, #tpu.memory_space<vmem>> -> memref<1x3x80xi32, #tpu.memory_space<vmem>>
          %dma_wait3A_307 = tpu.memref_squeeze %dma_wait3A_306 : memref<1x3x80xi32, #tpu.memory_space<vmem>> -> memref<3x80xi32, #tpu.memory_space<vmem>>
          %dma_wait3A_308 = arith.constant 0 : i32
          %dma_wait3A_309 = arith.constant 0 : i32
          %dma_wait3A_310 = tpu.memref_slice %arg6[%scan3A_193, %dma_wait3A_308, %dma_wait3A_309] : memref<4000x3x80xi32, #tpu.memory_space<hbm>> -> memref<1x3x80xi32, #tpu.memory_space<hbm>>
          %dma_wait3A_311 = tpu.memref_squeeze %dma_wait3A_310 : memref<1x3x80xi32, #tpu.memory_space<hbm>> -> memref<3x80xi32, #tpu.memory_space<hbm>>
          tpu.wait_dma2 semaphore(%arg14 : memref<!tpu.dma_semaphore, #tpu.memory_space<semaphore_mem>>) src(%dma_wait3A_311 : memref<3x80xi32, #tpu.memory_space<hbm>>) dst(%dma_wait3A_307 : memref<3x80xi32, #tpu.memory_space<vmem>>)
          %add3A_312 = arith.constant 1 : i32
          %add3A_313 = arith.addi %add3A_235, %add3A_312 : i32
          %rem3A_314 = arith.constant 5 : i32
          %rem3A_315 = arith.remsi %add3A_313, %rem3A_314 : i32
          %rem3A_316 = arith.constant 4 : i32
          %rem3A_317 = arith.remsi %add3A_313, %rem3A_316 : i32
          %mul3A_318 = arith.constant 80 : i32
          %mul3A_319 = arith.muli %rem3A_317, %mul3A_318 : i32
          %rem3A_320 = arith.constant 2 : i32
          %rem3A_321 = arith.remsi %add3A_313, %rem3A_320 : i32
          %eq3A_322 = arith.constant 0 : i32
          %eq3A_323 = arith.cmpi eq, %rem3A_321, %eq3A_322 : i32
          %convert_element_type3A_324 = arith.extui %eq3A_323 : i1 to i32
          %cond3A_325 = arith.constant 0 : i32
          %cond3A_326 = arith.constant 0 : i32
          %cond3A_327 = arith.cmpi ne, %convert_element_type3A_324, %cond3A_326 : i32
          scf.if %cond3A_327 {
            %dma_start3A_336 = arith.constant 0 : i32
            %dma_start3A_337 = tpu.memref_slice %arg12[%mul3A_319, %dma_start3A_336] : memref<320x96xf32, #tpu.memory_space<vmem>> -> memref<80x96xf32, #tpu.memory_space<vmem>>
            %dma_start3A_338 = arith.constant 0 : i32
            %dma_start3A_339 = tpu.memref_slice %arg11[%rem3A_315, %cond3A_325, %dma_start3A_338] : memref<5x3x80xi32, #tpu.memory_space<vmem>> -> memref<1x1x80xi32, #tpu.memory_space<vmem>>
            %dma_start3A_340 = tpu.memref_squeeze %dma_start3A_339 : memref<1x1x80xi32, #tpu.memory_space<vmem>> -> memref<80xi32, #tpu.memory_space<vmem>>
            %dma_start3A_341 = arith.constant 0 : i32
            %dma_start3A_342 = arith.constant 0 : i32
            %dma_start3A_343 = tpu.memref_slice %arg3[%dma_start3A_341, %dma_start3A_342] : memref<10000x96xf32, #tpu.memory_space<hbm>> -> memref<10000x96xf32, #tpu.memory_space<hbm>>
            tpu.enqueue_indirect_dma source(%dma_start3A_343 : memref<10000x96xf32, #tpu.memory_space<hbm>>) target(%dma_start3A_337 : memref<80x96xf32, #tpu.memory_space<vmem>>) offsets(%dma_start3A_340 : memref<80xi32, #tpu.memory_space<vmem>>) semaphore(%arg15 : memref<!tpu.dma_semaphore, #tpu.memory_space<semaphore_mem>>)
          } else {
          }
          %rem3A_328 = arith.constant 2 : i32
          %rem3A_329 = arith.remsi %add3A_313, %rem3A_328 : i32
          %eq3A_330 = arith.constant 1 : i32
          %eq3A_331 = arith.cmpi eq, %rem3A_329, %eq3A_330 : i32
          %convert_element_type3A_332 = arith.extui %eq3A_331 : i1 to i32
          %cond3A_333 = arith.constant 0 : i32
          %cond3A_334 = arith.constant 0 : i32
          %cond3A_335 = arith.cmpi ne, %convert_element_type3A_332, %cond3A_334 : i32
          scf.if %cond3A_335 {
            %dma_start3A_336 = arith.constant 0 : i32
            %dma_start3A_337 = tpu.memref_slice %arg12[%mul3A_319, %dma_start3A_336] : memref<320x96xf32, #tpu.memory_space<vmem>> -> memref<80x96xf32, #tpu.memory_space<vmem>>
            %dma_start3A_338 = arith.constant 0 : i32
            %dma_start3A_339 = tpu.memref_slice %arg11[%rem3A_315, %cond3A_333, %dma_start3A_338] : memref<5x3x80xi32, #tpu.memory_space<vmem>> -> memref<1x1x80xi32, #tpu.memory_space<vmem>>
            %dma_start3A_340 = tpu.memref_squeeze %dma_start3A_339 : memref<1x1x80xi32, #tpu.memory_space<vmem>> -> memref<80xi32, #tpu.memory_space<vmem>>
            %dma_start3A_341 = arith.constant 0 : i32
            %dma_start3A_342 = arith.constant 0 : i32
            %dma_start3A_343 = tpu.memref_slice %arg3[%dma_start3A_341, %dma_start3A_342] : memref<10000x96xf32, #tpu.memory_space<hbm>> -> memref<10000x96xf32, #tpu.memory_space<hbm>>
            tpu.enqueue_indirect_dma source(%dma_start3A_343 : memref<10000x96xf32, #tpu.memory_space<hbm>>) target(%dma_start3A_337 : memref<80x96xf32, #tpu.memory_space<vmem>>) offsets(%dma_start3A_340 : memref<80xi32, #tpu.memory_space<vmem>>) semaphore(%arg16 : memref<!tpu.dma_semaphore, #tpu.memory_space<semaphore_mem>>)
          } else {
          }
        } else {
        }
        %add3A_246 = arith.constant 2 : i32
        %add3A_247 = arith.addi %add3A_235, %add3A_246 : i32
        %lt3A_248 = arith.constant 250 : i32
        %lt3A_249 = arith.cmpi slt, %add3A_247, %lt3A_248 : i32
        %convert_element_type3A_250 = arith.extui %lt3A_249 : i1 to i32
        %cond3A_251 = arith.constant 0 : i32
        %cond3A_252 = arith.cmpi ne, %convert_element_type3A_250, %cond3A_251 : i32
        scf.if %cond3A_252 {
          %add3A_295 = arith.addi %mul3A_115, %add3A_235 : i32
          %add3A_296 = arith.constant 2 : i32
          %add3A_297 = arith.addi %add3A_295, %add3A_296 : i32
          %add3A_298 = arith.constant 2 : i32
          %add3A_299 = arith.addi %add3A_235, %add3A_298 : i32
          %rem3A_300 = arith.constant 5 : i32
          %rem3A_301 = arith.remsi %add3A_299, %rem3A_300 : i32
          %dma_start3A_302 = arith.constant 0 : i32
          %dma_start3A_303 = arith.constant 0 : i32
          %dma_start3A_304 = tpu.memref_slice %arg11[%rem3A_301, %dma_start3A_302, %dma_start3A_303] : memref<5x3x80xi32, #tpu.memory_space<vmem>> -> memref<1x3x80xi32, #tpu.memory_space<vmem>>
          %dma_start3A_305 = tpu.memref_squeeze %dma_start3A_304 : memref<1x3x80xi32, #tpu.memory_space<vmem>> -> memref<3x80xi32, #tpu.memory_space<vmem>>
          %dma_start3A_306 = arith.constant 0 : i32
          %dma_start3A_307 = arith.constant 0 : i32
          %dma_start3A_308 = tpu.memref_slice %arg6[%add3A_297, %dma_start3A_306, %dma_start3A_307] : memref<4000x3x80xi32, #tpu.memory_space<hbm>> -> memref<1x3x80xi32, #tpu.memory_space<hbm>>
          %dma_start3A_309 = tpu.memref_squeeze %dma_start3A_308 : memref<1x3x80xi32, #tpu.memory_space<hbm>> -> memref<3x80xi32, #tpu.memory_space<hbm>>
          %dma_start3A_310 = arith.constant 0 : i32
          %dma_start3A_311 = arith.constant 0 : i32
          %dma_start3A_312 = tpu.memref_slice %arg11[%rem3A_301, %dma_start3A_310, %dma_start3A_311] : memref<5x3x80xi32, #tpu.memory_space<vmem>> -> memref<1x3x80xi32, #tpu.memory_space<vmem>>
          %dma_start3A_313 = tpu.memref_squeeze %dma_start3A_312 : memref<1x3x80xi32, #tpu.memory_space<vmem>> -> memref<3x80xi32, #tpu.memory_space<vmem>>
          %dma_start3A_314 = arith.constant 0 : i32
          %dma_start3A_315 = arith.constant 0 : i32
          %dma_start3A_316 = tpu.memref_slice %arg6[%add3A_297, %dma_start3A_314, %dma_start3A_315] : memref<4000x3x80xi32, #tpu.memory_space<hbm>> -> memref<1x3x80xi32, #tpu.memory_space<hbm>>
          %dma_start3A_317 = tpu.memref_squeeze %dma_start3A_316 : memref<1x3x80xi32, #tpu.memory_space<hbm>> -> memref<3x80xi32, #tpu.memory_space<hbm>>
          tpu.enqueue_dma source(%dma_start3A_317 : memref<3x80xi32, #tpu.memory_space<hbm>>) target(%dma_start3A_313 : memref<3x80xi32, #tpu.memory_space<vmem>>) target_semaphore(%arg14 : memref<!tpu.dma_semaphore, #tpu.memory_space<semaphore_mem>>)
        } else {
        }
        %rem3A_253 = arith.constant 2 : i32
        %rem3A_254 = arith.remsi %add3A_235, %rem3A_253 : i32
        %eq3A_255 = arith.constant 0 : i32
        %eq3A_256 = arith.cmpi eq, %rem3A_254, %eq3A_255 : i32
        %convert_element_type3A_257 = arith.extui %eq3A_256 : i1 to i32
        %cond3A_258 = arith.constant 0 : i32
        %cond3A_259 = arith.cmpi ne, %convert_element_type3A_257, %cond3A_258 : i32
        scf.if %cond3A_259 {
          %dma_wait3A_295 = arith.constant 0 : i32
          %dma_wait3A_296 = arith.constant 0 : i32
          %dma_wait3A_297 = tpu.memref_slice %arg12[%dma_wait3A_295, %dma_wait3A_296] : memref<320x96xf32, #tpu.memory_space<vmem>> -> memref<80x96xf32, #tpu.memory_space<vmem>>
          %dma_wait3A_298 = arith.constant 0 : i32
          %dma_wait3A_299 = arith.constant 0 : i32
          %dma_wait3A_300 = tpu.memref_slice %arg3[%dma_wait3A_298, %dma_wait3A_299] : memref<10000x96xf32, #tpu.memory_space<hbm>> -> memref<80x96xf32, #tpu.memory_space<hbm>>
          %dma_wait3A_301 = arith.constant 0 : i32
          %dma_wait3A_302 = arith.constant 0 : i32
          %dma_wait3A_303 = tpu.memref_slice %arg12[%dma_wait3A_301, %dma_wait3A_302] : memref<320x96xf32, #tpu.memory_space<vmem>> -> memref<80x96xf32, #tpu.memory_space<vmem>>
          %dma_wait3A_304 = arith.constant 0 : i32
          %dma_wait3A_305 = arith.constant 0 : i32
          %dma_wait3A_306 = tpu.memref_slice %arg3[%dma_wait3A_304, %dma_wait3A_305] : memref<10000x96xf32, #tpu.memory_space<hbm>> -> memref<80x96xf32, #tpu.memory_space<hbm>>
          tpu.wait_dma2 semaphore(%arg15 : memref<!tpu.dma_semaphore, #tpu.memory_space<semaphore_mem>>) src(%dma_wait3A_306 : memref<80x96xf32, #tpu.memory_space<hbm>>) dst(%dma_wait3A_303 : memref<80x96xf32, #tpu.memory_space<vmem>>)
        } else {
        }
        %rem3A_260 = arith.constant 2 : i32
        %rem3A_261 = arith.remsi %add3A_235, %rem3A_260 : i32
        %eq3A_262 = arith.constant 1 : i32
        %eq3A_263 = arith.cmpi eq, %rem3A_261, %eq3A_262 : i32
        %convert_element_type3A_264 = arith.extui %eq3A_263 : i1 to i32
        %cond3A_265 = arith.constant 0 : i32
        %cond3A_266 = arith.cmpi ne, %convert_element_type3A_264, %cond3A_265 : i32
        scf.if %cond3A_266 {
          %dma_wait3A_295 = arith.constant 0 : i32
          %dma_wait3A_296 = arith.constant 0 : i32
          %dma_wait3A_297 = tpu.memref_slice %arg12[%dma_wait3A_295, %dma_wait3A_296] : memref<320x96xf32, #tpu.memory_space<vmem>> -> memref<80x96xf32, #tpu.memory_space<vmem>>
          %dma_wait3A_298 = arith.constant 0 : i32
          %dma_wait3A_299 = arith.constant 0 : i32
          %dma_wait3A_300 = tpu.memref_slice %arg3[%dma_wait3A_298, %dma_wait3A_299] : memref<10000x96xf32, #tpu.memory_space<hbm>> -> memref<80x96xf32, #tpu.memory_space<hbm>>
          %dma_wait3A_301 = arith.constant 0 : i32
          %dma_wait3A_302 = arith.constant 0 : i32
          %dma_wait3A_303 = tpu.memref_slice %arg12[%dma_wait3A_301, %dma_wait3A_302] : memref<320x96xf32, #tpu.memory_space<vmem>> -> memref<80x96xf32, #tpu.memory_space<vmem>>
          %dma_wait3A_304 = arith.constant 0 : i32
          %dma_wait3A_305 = arith.constant 0 : i32
          %dma_wait3A_306 = tpu.memref_slice %arg3[%dma_wait3A_304, %dma_wait3A_305] : memref<10000x96xf32, #tpu.memory_space<hbm>> -> memref<80x96xf32, #tpu.memory_space<hbm>>
          tpu.wait_dma2 semaphore(%arg16 : memref<!tpu.dma_semaphore, #tpu.memory_space<semaphore_mem>>) src(%dma_wait3A_306 : memref<80x96xf32, #tpu.memory_space<hbm>>) dst(%dma_wait3A_303 : memref<80x96xf32, #tpu.memory_space<vmem>>)
        } else {
        }
        %parallel_loop3A = arith.constant 0 : i32
        %parallel_loop3A_267 = arith.constant 5 : i32
        %parallel_loop3A_268 = arith.constant 1 : i32
        scf.for %parallel_loop3A_295 = %parallel_loop3A to %parallel_loop3A_267 step %parallel_loop3A_268  : i32 {
          %parallel_loop3A_296 = arith.constant 16 : i32
          %parallel_loop3A_297 = arith.muli %parallel_loop3A_295, %parallel_loop3A_296 : i32
          %parallel_loop3A_298 = arith.constant 2 : i32
          %parallel_loop3A_299 = arith.index_cast %rem3A_239 : i32 to index
          %parallel_loop3A_300 = arith.index_cast %parallel_loop3A_298 : i32 to index
          %parallel_loop3A_301 = arith.index_cast %parallel_loop3A_297 : i32 to index
          %parallel_loop3A_302 = tpu.vector_load %arg11[%parallel_loop3A_299, %parallel_loop3A_300, %parallel_loop3A_301] {strides = array<i32>} : memref<5x3x80xi32, #tpu.memory_space<vmem>>, vector<16xi32>,
          %parallel_loop3A_303 = vector.bitcast %parallel_loop3A_302 : vector<16xi32> to vector<16xf32>
          %parallel_loop3A_304 = arith.constant 80 : i32
          %parallel_loop3A_305 = arith.muli %rem3A_237, %parallel_loop3A_304 : i32
          %parallel_loop3A_306 = arith.constant 16 : i32
          %parallel_loop3A_307 = arith.muli %parallel_loop3A_295, %parallel_loop3A_306 : i32
          %parallel_loop3A_308 = arith.addi %parallel_loop3A_305, %parallel_loop3A_307 : i32
          %parallel_loop3A_309 = arith.mulf %parallel_loop3A_303, %parallel_loop3A_303 : vector<16xf32>
          %parallel_loop3A_310 = tpu.iota {dimensions = array<i32: 0>} : vector<16xi32>
          %parallel_loop3A_311 = vector.broadcast %parallel_loop3A_308 : i32 to vector<16xi32>
          %parallel_loop3A_312 = arith.addi %parallel_loop3A_310, %parallel_loop3A_311 : vector<16xi32>
          %parallel_loop3A_313 = arith.constant 0 : i32
          %parallel_loop3A_314 = arith.constant 32 : i32
          %parallel_loop3A_315 = arith.constant 1 : i32
          scf.for %parallel_loop3A_319 = %parallel_loop3A_313 to %parallel_loop3A_314 step %parallel_loop3A_315  : i32 {
            %parallel_loop3A_320 = vector.broadcast %parallel_loop3A_319 : i32 to vector<16xi32>
            %parallel_loop3A_321 = arith.xori %parallel_loop3A_320, %parallel_loop3A_310 : vector<16xi32>
            %parallel_loop3A_322 = tpu.vector_load_idx %arg12[%parallel_loop3A_312, %parallel_loop3A_321] : memref<320x96xf32, #tpu.memory_space<vmem>>[vector<16xi32>, vector<16xi32>], vector<16xf32>,
            %parallel_loop3A_323 = arith.mulf %parallel_loop3A_322, %parallel_loop3A_303 : vector<16xf32>
            tpu.vector_store_idx %arg12[%parallel_loop3A_312, %parallel_loop3A_321], %parallel_loop3A_323 : memref<320x96xf32, #tpu.memory_space<vmem>>[vector<16xi32>, vector<16xi32>], vector<16xf32>,
          } {sc.loop_unroll_factor = 16 : i64, sc.parallel_access}
          %parallel_loop3A_316 = arith.constant 32 : i32
          %parallel_loop3A_317 = arith.constant 96 : i32
          %parallel_loop3A_318 = arith.constant 1 : i32
          scf.for %parallel_loop3A_319 = %parallel_loop3A_316 to %parallel_loop3A_317 step %parallel_loop3A_318  : i32 {
            %parallel_loop3A_320 = vector.broadcast %parallel_loop3A_319 : i32 to vector<16xi32>
            %parallel_loop3A_321 = arith.xori %parallel_loop3A_320, %parallel_loop3A_310 : vector<16xi32>
            %parallel_loop3A_322 = tpu.vector_load_idx %arg12[%parallel_loop3A_312, %parallel_loop3A_321] : memref<320x96xf32, #tpu.memory_space<vmem>>[vector<16xi32>, vector<16xi32>], vector<16xf32>,
            %parallel_loop3A_323 = arith.mulf %parallel_loop3A_322, %parallel_loop3A_309 : vector<16xf32>
            tpu.vector_store_idx %arg12[%parallel_loop3A_312, %parallel_loop3A_321], %parallel_loop3A_323 : memref<320x96xf32, #tpu.memory_space<vmem>>[vector<16xi32>, vector<16xi32>], vector<16xf32>,
          } {sc.loop_unroll_factor = 16 : i64, sc.parallel_access}
        } {sc.loop_unroll_factor = 1 : i64, sc.parallel_access}
        %ge3A = arith.constant 2 : i32
        %ge3A_269 = arith.cmpi sge, %add3A_235, %ge3A : i32
        %convert_element_type3A_270 = arith.extui %ge3A_269 : i1 to i32
        %cond3A_271 = arith.constant 0 : i32
        %cond3A_272 = arith.cmpi ne, %convert_element_type3A_270, %cond3A_271 : i32
        scf.if %cond3A_272 {
          %sub3A = arith.constant 2 : i32
          %sub3A_295 = arith.subi %add3A_235, %sub3A : i32
          %rem3A_296 = arith.constant 2 : i32
          %rem3A_297 = arith.remsi %sub3A_295, %rem3A_296 : i32
          %eq3A_298 = arith.constant 0 : i32
          %eq3A_299 = arith.cmpi eq, %rem3A_297, %eq3A_298 : i32
          %convert_element_type3A_300 = arith.extui %eq3A_299 : i1 to i32
          %cond3A_301 = arith.constant 0 : i32
          %cond3A_302 = arith.cmpi ne, %convert_element_type3A_300, %cond3A_301 : i32
          scf.if %cond3A_302 {
            %dma_wait3A_310 = arith.constant 0 : i32
            %dma_wait3A_311 = arith.constant 0 : i32
            %dma_wait3A_312 = tpu.memref_slice %arg12[%dma_wait3A_310, %dma_wait3A_311] : memref<320x96xf32, #tpu.memory_space<vmem>> -> memref<80x96xf32, #tpu.memory_space<vmem>>
            %dma_wait3A_313 = arith.constant 0 : i32
            %dma_wait3A_314 = arith.constant 0 : i32
            %dma_wait3A_315 = tpu.memref_slice %arg3[%dma_wait3A_313, %dma_wait3A_314] : memref<10000x96xf32, #tpu.memory_space<hbm>> -> memref<80x96xf32, #tpu.memory_space<hbm>>
            %dma_wait3A_316 = arith.constant 0 : i32
            %dma_wait3A_317 = arith.constant 0 : i32
            %dma_wait3A_318 = tpu.memref_slice %arg12[%dma_wait3A_316, %dma_wait3A_317] : memref<320x96xf32, #tpu.memory_space<vmem>> -> memref<80x96xf32, #tpu.memory_space<vmem>>
            %dma_wait3A_319 = arith.constant 0 : i32
            %dma_wait3A_320 = arith.constant 0 : i32
            %dma_wait3A_321 = tpu.memref_slice %arg3[%dma_wait3A_319, %dma_wait3A_320] : memref<10000x96xf32, #tpu.memory_space<hbm>> -> memref<80x96xf32, #tpu.memory_space<hbm>>
            tpu.wait_dma2 semaphore(%arg17 : memref<!tpu.dma_semaphore, #tpu.memory_space<semaphore_mem>>) src(%dma_wait3A_321 : memref<80x96xf32, #tpu.memory_space<hbm>>) dst(%dma_wait3A_318 : memref<80x96xf32, #tpu.memory_space<vmem>>)
          } else {
          }
          %rem3A_303 = arith.constant 2 : i32
          %rem3A_304 = arith.remsi %sub3A_295, %rem3A_303 : i32
          %eq3A_305 = arith.constant 1 : i32
          %eq3A_306 = arith.cmpi eq, %rem3A_304, %eq3A_305 : i32
          %convert_element_type3A_307 = arith.extui %eq3A_306 : i1 to i32
          %cond3A_308 = arith.constant 0 : i32
          %cond3A_309 = arith.cmpi ne, %convert_element_type3A_307, %cond3A_308 : i32
          scf.if %cond3A_309 {
            %dma_wait3A_310 = arith.constant 0 : i32
            %dma_wait3A_311 = arith.constant 0 : i32
            %dma_wait3A_312 = tpu.memref_slice %arg12[%dma_wait3A_310, %dma_wait3A_311] : memref<320x96xf32, #tpu.memory_space<vmem>> -> memref<80x96xf32, #tpu.memory_space<vmem>>
            %dma_wait3A_313 = arith.constant 0 : i32
            %dma_wait3A_314 = arith.constant 0 : i32
            %dma_wait3A_315 = tpu.memref_slice %arg3[%dma_wait3A_313, %dma_wait3A_314] : memref<10000x96xf32, #tpu.memory_space<hbm>> -> memref<80x96xf32, #tpu.memory_space<hbm>>
            %dma_wait3A_316 = arith.constant 0 : i32
            %dma_wait3A_317 = arith.constant 0 : i32
            %dma_wait3A_318 = tpu.memref_slice %arg12[%dma_wait3A_316, %dma_wait3A_317] : memref<320x96xf32, #tpu.memory_space<vmem>> -> memref<80x96xf32, #tpu.memory_space<vmem>>
            %dma_wait3A_319 = arith.constant 0 : i32
            %dma_wait3A_320 = arith.constant 0 : i32
            %dma_wait3A_321 = tpu.memref_slice %arg3[%dma_wait3A_319, %dma_wait3A_320] : memref<10000x96xf32, #tpu.memory_space<hbm>> -> memref<80x96xf32, #tpu.memory_space<hbm>>
            tpu.wait_dma2 semaphore(%arg18 : memref<!tpu.dma_semaphore, #tpu.memory_space<semaphore_mem>>) src(%dma_wait3A_321 : memref<80x96xf32, #tpu.memory_space<hbm>>) dst(%dma_wait3A_318 : memref<80x96xf32, #tpu.memory_space<vmem>>)
          } else {
          }
        } else {
        }
        %rem3A_273 = arith.constant 4 : i32
        %rem3A_274 = arith.remsi %add3A_235, %rem3A_273 : i32
        %mul3A_275 = arith.constant 80 : i32
        %mul3A_276 = arith.muli %rem3A_274, %mul3A_275 : i32
        %rem3A_277 = arith.constant 5 : i32
        %rem3A_278 = arith.remsi %add3A_235, %rem3A_277 : i32
        %rem3A_279 = arith.constant 2 : i32
        %rem3A_280 = arith.remsi %add3A_235, %rem3A_279 : i32
        %eq3A_281 = arith.constant 0 : i32
        %eq3A_282 = arith.cmpi eq, %rem3A_280, %eq3A_281 : i32
        %convert_element_type3A_283 = arith.extui %eq3A_282 : i1 to i32
        %cond3A_284 = arith.constant 1 : i32
        %cond3A_285 = arith.constant 0 : i32
        %cond3A_286 = arith.cmpi ne, %convert_element_type3A_283, %cond3A_285 : i32
        scf.if %cond3A_286 {
          %dma_start3A_295 = arith.constant 0 : i32
          %dma_start3A_296 = tpu.memref_slice %arg12[%mul3A_276, %dma_start3A_295] : memref<320x96xf32, #tpu.memory_space<vmem>> -> memref<80x96xf32, #tpu.memory_space<vmem>>
          %dma_start3A_297 = arith.constant 0 : i32
          %dma_start3A_298 = tpu.memref_slice %arg11[%rem3A_278, %cond3A_284, %dma_start3A_297] : memref<5x3x80xi32, #tpu.memory_space<vmem>> -> memref<1x1x80xi32, #tpu.memory_space<vmem>>
          %dma_start3A_299 = tpu.memref_squeeze %dma_start3A_298 : memref<1x1x80xi32, #tpu.memory_space<vmem>> -> memref<80xi32, #tpu.memory_space<vmem>>
          %dma_start3A_300 = arith.constant 0 : i32
          %dma_start3A_301 = arith.constant 0 : i32
          %dma_start3A_302 = tpu.memref_slice %arg13[%dma_start3A_300, %dma_start3A_301] : memref<10240x96xf32, #tpu.memory_space<vmem_shared>> -> memref<10240x96xf32, #tpu.memory_space<vmem_shared>>
          tpu.enqueue_indirect_dma source(%dma_start3A_296 : memref<80x96xf32, #tpu.memory_space<vmem>>) target(%dma_start3A_302 : memref<10240x96xf32, #tpu.memory_space<vmem_shared>>) offsets(%dma_start3A_299 : memref<80xi32, #tpu.memory_space<vmem>>) semaphore(%arg17 : memref<!tpu.dma_semaphore, #tpu.memory_space<semaphore_mem>>) {add = true}
        } else {
        }
        %rem3A_287 = arith.constant 2 : i32
        %rem3A_288 = arith.remsi %add3A_235, %rem3A_287 : i32
        %eq3A_289 = arith.constant 1 : i32
        %eq3A_290 = arith.cmpi eq, %rem3A_288, %eq3A_289 : i32
        %convert_element_type3A_291 = arith.extui %eq3A_290 : i1 to i32
        %cond3A_292 = arith.constant 1 : i32
        %cond3A_293 = arith.constant 0 : i32
        %cond3A_294 = arith.cmpi ne, %convert_element_type3A_291, %cond3A_293 : i32
        scf.if %cond3A_294 {
          %dma_start3A_295 = arith.constant 0 : i32
          %dma_start3A_296 = tpu.memref_slice %arg12[%mul3A_276, %dma_start3A_295] : memref<320x96xf32, #tpu.memory_space<vmem>> -> memref<80x96xf32, #tpu.memory_space<vmem>>
          %dma_start3A_297 = arith.constant 0 : i32
          %dma_start3A_298 = tpu.memref_slice %arg11[%rem3A_278, %cond3A_292, %dma_start3A_297] : memref<5x3x80xi32, #tpu.memory_space<vmem>> -> memref<1x1x80xi32, #tpu.memory_space<vmem>>
          %dma_start3A_299 = tpu.memref_squeeze %dma_start3A_298 : memref<1x1x80xi32, #tpu.memory_space<vmem>> -> memref<80xi32, #tpu.memory_space<vmem>>
          %dma_start3A_300 = arith.constant 0 : i32
          %dma_start3A_301 = arith.constant 0 : i32
          %dma_start3A_302 = tpu.memref_slice %arg13[%dma_start3A_300, %dma_start3A_301] : memref<10240x96xf32, #tpu.memory_space<vmem_shared>> -> memref<10240x96xf32, #tpu.memory_space<vmem_shared>>
          tpu.enqueue_indirect_dma source(%dma_start3A_296 : memref<80x96xf32, #tpu.memory_space<vmem>>) target(%dma_start3A_302 : memref<10240x96xf32, #tpu.memory_space<vmem_shared>>) offsets(%dma_start3A_299 : memref<80xi32, #tpu.memory_space<vmem>>) semaphore(%arg18 : memref<!tpu.dma_semaphore, #tpu.memory_space<semaphore_mem>>) {add = true}
        } else {
        }
      }
      %scan3A_198 = arith.constant 250 : i32
      %rem3A_199 = arith.constant 248 : i32
      %rem3A_200 = arith.constant 2 : i32
      %rem3A_201 = arith.remsi %rem3A_199, %rem3A_200 : i32
      %eq3A_202 = arith.constant 0 : i32
      %eq3A_203 = arith.cmpi eq, %rem3A_201, %eq3A_202 : i32
      %convert_element_type3A_204 = arith.extui %eq3A_203 : i1 to i32
      %cond3A_205 = arith.constant 0 : i32
      %cond3A_206 = arith.cmpi ne, %convert_element_type3A_204, %cond3A_205 : i32
      scf.if %cond3A_206 {
        %dma_wait3A_231 = arith.constant 0 : i32
        %dma_wait3A_232 = arith.constant 0 : i32
        %dma_wait3A_233 = tpu.memref_slice %arg12[%dma_wait3A_231, %dma_wait3A_232] : memref<320x96xf32, #tpu.memory_space<vmem>> -> memref<80x96xf32, #tpu.memory_space<vmem>>
        %dma_wait3A_234 = arith.constant 0 : i32
        %dma_wait3A_235 = arith.constant 0 : i32
        %dma_wait3A_236 = tpu.memref_slice %arg3[%dma_wait3A_234, %dma_wait3A_235] : memref<10000x96xf32, #tpu.memory_space<hbm>> -> memref<80x96xf32, #tpu.memory_space<hbm>>
        %dma_wait3A_237 = arith.constant 0 : i32
        %dma_wait3A_238 = arith.constant 0 : i32
        %dma_wait3A_239 = tpu.memref_slice %arg12[%dma_wait3A_237, %dma_wait3A_238] : memref<320x96xf32, #tpu.memory_space<vmem>> -> memref<80x96xf32, #tpu.memory_space<vmem>>
        %dma_wait3A_240 = arith.constant 0 : i32
        %dma_wait3A_241 = arith.constant 0 : i32
        %dma_wait3A_242 = tpu.memref_slice %arg3[%dma_wait3A_240, %dma_wait3A_241] : memref<10000x96xf32, #tpu.memory_space<hbm>> -> memref<80x96xf32, #tpu.memory_space<hbm>>
        tpu.wait_dma2 semaphore(%arg17 : memref<!tpu.dma_semaphore, #tpu.memory_space<semaphore_mem>>) src(%dma_wait3A_242 : memref<80x96xf32, #tpu.memory_space<hbm>>) dst(%dma_wait3A_239 : memref<80x96xf32, #tpu.memory_space<vmem>>)
      } else {
      }
      %rem3A_207 = arith.constant 248 : i32
      %rem3A_208 = arith.constant 2 : i32
      %rem3A_209 = arith.remsi %rem3A_207, %rem3A_208 : i32
      %eq3A_210 = arith.constant 1 : i32
      %eq3A_211 = arith.cmpi eq, %rem3A_209, %eq3A_210 : i32
      %convert_element_type3A_212 = arith.extui %eq3A_211 : i1 to i32
      %cond3A_213 = arith.constant 0 : i32
      %cond3A_214 = arith.cmpi ne, %convert_element_type3A_212, %cond3A_213 : i32
      scf.if %cond3A_214 {
        %dma_wait3A_231 = arith.constant 0 : i32
        %dma_wait3A_232 = arith.constant 0 : i32
        %dma_wait3A_233 = tpu.memref_slice %arg12[%dma_wait3A_231, %dma_wait3A_232] : memref<320x96xf32, #tpu.memory_space<vmem>> -> memref<80x96xf32, #tpu.memory_space<vmem>>
        %dma_wait3A_234 = arith.constant 0 : i32
        %dma_wait3A_235 = arith.constant 0 : i32
        %dma_wait3A_236 = tpu.memref_slice %arg3[%dma_wait3A_234, %dma_wait3A_235] : memref<10000x96xf32, #tpu.memory_space<hbm>> -> memref<80x96xf32, #tpu.memory_space<hbm>>
        %dma_wait3A_237 = arith.constant 0 : i32
        %dma_wait3A_238 = arith.constant 0 : i32
        %dma_wait3A_239 = tpu.memref_slice %arg12[%dma_wait3A_237, %dma_wait3A_238] : memref<320x96xf32, #tpu.memory_space<vmem>> -> memref<80x96xf32, #tpu.memory_space<vmem>>
        %dma_wait3A_240 = arith.constant 0 : i32
        %dma_wait3A_241 = arith.constant 0 : i32
        %dma_wait3A_242 = tpu.memref_slice %arg3[%dma_wait3A_240, %dma_wait3A_241] : memref<10000x96xf32, #tpu.memory_space<hbm>> -> memref<80x96xf32, #tpu.memory_space<hbm>>
        tpu.wait_dma2 semaphore(%arg18 : memref<!tpu.dma_semaphore, #tpu.memory_space<semaphore_mem>>) src(%dma_wait3A_242 : memref<80x96xf32, #tpu.memory_space<hbm>>) dst(%dma_wait3A_239 : memref<80x96xf32, #tpu.memory_space<vmem>>)
      } else {
      }
      %rem3A_215 = arith.constant 249 : i32
      %rem3A_216 = arith.constant 2 : i32
      %rem3A_217 = arith.remsi %rem3A_215, %rem3A_216 : i32
      %eq3A_218 = arith.constant 0 : i32
      %eq3A_219 = arith.cmpi eq, %rem3A_217, %eq3A_218 : i32
      %convert_element_type3A_220 = arith.extui %eq3A_219 : i1 to i32
      %cond3A_221 = arith.constant 0 : i32
      %cond3A_222 = arith.cmpi ne, %convert_element_type3A_220, %cond3A_221 : i32
      scf.if %cond3A_222 {
        %dma_wait3A_231 = arith.constant 0 : i32
        %dma_wait3A_232 = arith.constant 0 : i32
        %dma_wait3A_233 = tpu.memref_slice %arg12[%dma_wait3A_231, %dma_wait3A_232] : memref<320x96xf32, #tpu.memory_space<vmem>> -> memref<80x96xf32, #tpu.memory_space<vmem>>
        %dma_wait3A_234 = arith.constant 0 : i32
        %dma_wait3A_235 = arith.constant 0 : i32
        %dma_wait3A_236 = tpu.memref_slice %arg3[%dma_wait3A_234, %dma_wait3A_235] : memref<10000x96xf32, #tpu.memory_space<hbm>> -> memref<80x96xf32, #tpu.memory_space<hbm>>
        %dma_wait3A_237 = arith.constant 0 : i32
        %dma_wait3A_238 = arith.constant 0 : i32
        %dma_wait3A_239 = tpu.memref_slice %arg12[%dma_wait3A_237, %dma_wait3A_238] : memref<320x96xf32, #tpu.memory_space<vmem>> -> memref<80x96xf32, #tpu.memory_space<vmem>>
        %dma_wait3A_240 = arith.constant 0 : i32
        %dma_wait3A_241 = arith.constant 0 : i32
        %dma_wait3A_242 = tpu.memref_slice %arg3[%dma_wait3A_240, %dma_wait3A_241] : memref<10000x96xf32, #tpu.memory_space<hbm>> -> memref<80x96xf32, #tpu.memory_space<hbm>>
        tpu.wait_dma2 semaphore(%arg17 : memref<!tpu.dma_semaphore, #tpu.memory_space<semaphore_mem>>) src(%dma_wait3A_242 : memref<80x96xf32, #tpu.memory_space<hbm>>) dst(%dma_wait3A_239 : memref<80x96xf32, #tpu.memory_space<vmem>>)
      } else {
      }
      %rem3A_223 = arith.constant 249 : i32
      %rem3A_224 = arith.constant 2 : i32
      %rem3A_225 = arith.remsi %rem3A_223, %rem3A_224 : i32
      %eq3A_226 = arith.constant 1 : i32
      %eq3A_227 = arith.cmpi eq, %rem3A_225, %eq3A_226 : i32
      %convert_element_type3A_228 = arith.extui %eq3A_227 : i1 to i32
      %cond3A_229 = arith.constant 0 : i32
      %cond3A_230 = arith.cmpi ne, %convert_element_type3A_228, %cond3A_229 : i32
      scf.if %cond3A_230 {
        %dma_wait3A_231 = arith.constant 0 : i32
        %dma_wait3A_232 = arith.constant 0 : i32
        %dma_wait3A_233 = tpu.memref_slice %arg12[%dma_wait3A_231, %dma_wait3A_232] : memref<320x96xf32, #tpu.memory_space<vmem>> -> memref<80x96xf32, #tpu.memory_space<vmem>>
        %dma_wait3A_234 = arith.constant 0 : i32
        %dma_wait3A_235 = arith.constant 0 : i32
        %dma_wait3A_236 = tpu.memref_slice %arg3[%dma_wait3A_234, %dma_wait3A_235] : memref<10000x96xf32, #tpu.memory_space<hbm>> -> memref<80x96xf32, #tpu.memory_space<hbm>>
        %dma_wait3A_237 = arith.constant 0 : i32
        %dma_wait3A_238 = arith.constant 0 : i32
        %dma_wait3A_239 = tpu.memref_slice %arg12[%dma_wait3A_237, %dma_wait3A_238] : memref<320x96xf32, #tpu.memory_space<vmem>> -> memref<80x96xf32, #tpu.memory_space<vmem>>
        %dma_wait3A_240 = arith.constant 0 : i32
        %dma_wait3A_241 = arith.constant 0 : i32
        %dma_wait3A_242 = tpu.memref_slice %arg3[%dma_wait3A_240, %dma_wait3A_241] : memref<10000x96xf32, #tpu.memory_space<hbm>> -> memref<80x96xf32, #tpu.memory_space<hbm>>
        tpu.wait_dma2 semaphore(%arg18 : memref<!tpu.dma_semaphore, #tpu.memory_space<semaphore_mem>>) src(%dma_wait3A_242 : memref<80x96xf32, #tpu.memory_space<hbm>>) dst(%dma_wait3A_239 : memref<80x96xf32, #tpu.memory_space<vmem>>)
      } else {
      }
    } else {
    }
    %eq3A_98 = arith.constant 1 : i32
    %eq3A_99 = arith.cmpi eq, %arg0, %eq3A_98 : i32
    %convert_element_type3A_100 = arith.extui %eq3A_99 : i1 to i32
    %cond3A_101 = arith.constant 0 : i32
    %cond3A_102 = arith.cmpi ne, %convert_element_type3A_100, %cond3A_101 : i32
    scf.if %cond3A_102 {
      %mul3A_114 = arith.constant 250 : i32
      %mul3A_115 = arith.muli %arg1, %mul3A_114 : i32
      %dma_start3A = arith.constant 0 : i32
      %dma_start3A_116 = arith.constant 0 : i32
      %dma_start3A_117 = arith.constant 0 : i32
      %dma_start3A_118 = tpu.memref_slice %arg11[%dma_start3A, %dma_start3A_116, %dma_start3A_117] : memref<5x3x80xi32, #tpu.memory_space<vmem>> -> memref<1x3x80xi32, #tpu.memory_space<vmem>>
      %dma_start3A_119 = tpu.memref_squeeze %dma_start3A_118 : memref<1x3x80xi32, #tpu.memory_space<vmem>> -> memref<3x80xi32, #tpu.memory_space<vmem>>
      %dma_start3A_120 = arith.constant 0 : i32
      %dma_start3A_121 = arith.constant 0 : i32
      %dma_start3A_122 = tpu.memref_slice %arg6[%mul3A_115, %dma_start3A_120, %dma_start3A_121] : memref<4000x3x80xi32, #tpu.memory_space<hbm>> -> memref<1x3x80xi32, #tpu.memory_space<hbm>>
      %dma_start3A_123 = tpu.memref_squeeze %dma_start3A_122 : memref<1x3x80xi32, #tpu.memory_space<hbm>> -> memref<3x80xi32, #tpu.memory_space<hbm>>
      %dma_start3A_124 = arith.constant 0 : i32
      %dma_start3A_125 = arith.constant 0 : i32
      %dma_start3A_126 = tpu.memref_slice %arg11[%dma_start3A, %dma_start3A_124, %dma_start3A_125] : memref<5x3x80xi32, #tpu.memory_space<vmem>> -> memref<1x3x80xi32, #tpu.memory_space<vmem>>
      %dma_start3A_127 = tpu.memref_squeeze %dma_start3A_126 : memref<1x3x80xi32, #tpu.memory_space<vmem>> -> memref<3x80xi32, #tpu.memory_space<vmem>>
      %dma_start3A_128 = arith.constant 0 : i32
      %dma_start3A_129 = arith.constant 0 : i32
      %dma_start3A_130 = tpu.memref_slice %arg6[%mul3A_115, %dma_start3A_128, %dma_start3A_129] : memref<4000x3x80xi32, #tpu.memory_space<hbm>> -> memref<1x3x80xi32, #tpu.memory_space<hbm>>
      %dma_start3A_131 = tpu.memref_squeeze %dma_start3A_130 : memref<1x3x80xi32, #tpu.memory_space<hbm>> -> memref<3x80xi32, #tpu.memory_space<hbm>>
      tpu.enqueue_dma source(%dma_start3A_131 : memref<3x80xi32, #tpu.memory_space<hbm>>) target(%dma_start3A_127 : memref<3x80xi32, #tpu.memory_space<vmem>>) target_semaphore(%arg14 : memref<!tpu.dma_semaphore, #tpu.memory_space<semaphore_mem>>)
      %dma_wait3A = arith.constant 0 : i32
      %dma_wait3A_132 = arith.constant 0 : i32
      %dma_wait3A_133 = arith.constant 0 : i32
      %dma_wait3A_134 = arith.constant 0 : i32
      %dma_wait3A_135 = tpu.memref_slice %arg11[%dma_wait3A_132, %dma_wait3A_133, %dma_wait3A_134] : memref<5x3x80xi32, #tpu.memory_space<vmem>> -> memref<1x3x80xi32, #tpu.memory_space<vmem>>
      %dma_wait3A_136 = tpu.memref_squeeze %dma_wait3A_135 : memref<1x3x80xi32, #tpu.memory_space<vmem>> -> memref<3x80xi32, #tpu.memory_space<vmem>>
      %dma_wait3A_137 = arith.constant 0 : i32
      %dma_wait3A_138 = arith.constant 0 : i32
      %dma_wait3A_139 = tpu.memref_slice %arg6[%dma_wait3A, %dma_wait3A_137, %dma_wait3A_138] : memref<4000x3x80xi32, #tpu.memory_space<hbm>> -> memref<1x3x80xi32, #tpu.memory_space<hbm>>
      %dma_wait3A_140 = tpu.memref_squeeze %dma_wait3A_139 : memref<1x3x80xi32, #tpu.memory_space<hbm>> -> memref<3x80xi32, #tpu.memory_space<hbm>>
      %dma_wait3A_141 = arith.constant 0 : i32
      %dma_wait3A_142 = arith.constant 0 : i32
      %dma_wait3A_143 = tpu.memref_slice %arg11[%dma_wait3A_132, %dma_wait3A_141, %dma_wait3A_142] : memref<5x3x80xi32, #tpu.memory_space<vmem>> -> memref<1x3x80xi32, #tpu.memory_space<vmem>>
      %dma_wait3A_144 = tpu.memref_squeeze %dma_wait3A_143 : memref<1x3x80xi32, #tpu.memory_space<vmem>> -> memref<3x80xi32, #tpu.memory_space<vmem>>
      %dma_wait3A_145 = arith.constant 0 : i32
      %dma_wait3A_146 = arith.constant 0 : i32
      %dma_wait3A_147 = tpu.memref_slice %arg6[%dma_wait3A, %dma_wait3A_145, %dma_wait3A_146] : memref<4000x3x80xi32, #tpu.memory_space<hbm>> -> memref<1x3x80xi32, #tpu.memory_space<hbm>>
      %dma_wait3A_148 = tpu.memref_squeeze %dma_wait3A_147 : memref<1x3x80xi32, #tpu.memory_space<hbm>> -> memref<3x80xi32, #tpu.memory_space<hbm>>
      tpu.wait_dma2 semaphore(%arg14 : memref<!tpu.dma_semaphore, #tpu.memory_space<semaphore_mem>>) src(%dma_wait3A_148 : memref<3x80xi32, #tpu.memory_space<hbm>>) dst(%dma_wait3A_144 : memref<3x80xi32, #tpu.memory_space<vmem>>)
      %add3A_149 = arith.constant 1 : i32
      %add3A_150 = arith.addi %mul3A_115, %add3A_149 : i32
      %dma_start3A_151 = arith.constant 1 : i32
      %dma_start3A_152 = arith.constant 0 : i32
      %dma_start3A_153 = arith.constant 0 : i32
      %dma_start3A_154 = tpu.memref_slice %arg11[%dma_start3A_151, %dma_start3A_152, %dma_start3A_153] : memref<5x3x80xi32, #tpu.memory_space<vmem>> -> memref<1x3x80xi32, #tpu.memory_space<vmem>>
      %dma_start3A_155 = tpu.memref_squeeze %dma_start3A_154 : memref<1x3x80xi32, #tpu.memory_space<vmem>> -> memref<3x80xi32, #tpu.memory_space<vmem>>
      %dma_start3A_156 = arith.constant 0 : i32
      %dma_start3A_157 = arith.constant 0 : i32
      %dma_start3A_158 = tpu.memref_slice %arg6[%add3A_150, %dma_start3A_156, %dma_start3A_157] : memref<4000x3x80xi32, #tpu.memory_space<hbm>> -> memref<1x3x80xi32, #tpu.memory_space<hbm>>
      %dma_start3A_159 = tpu.memref_squeeze %dma_start3A_158 : memref<1x3x80xi32, #tpu.memory_space<hbm>> -> memref<3x80xi32, #tpu.memory_space<hbm>>
      %dma_start3A_160 = arith.constant 0 : i32
      %dma_start3A_161 = arith.constant 0 : i32
      %dma_start3A_162 = tpu.memref_slice %arg11[%dma_start3A_151, %dma_start3A_160, %dma_start3A_161] : memref<5x3x80xi32, #tpu.memory_space<vmem>> -> memref<1x3x80xi32, #tpu.memory_space<vmem>>
      %dma_start3A_163 = tpu.memref_squeeze %dma_start3A_162 : memref<1x3x80xi32, #tpu.memory_space<vmem>> -> memref<3x80xi32, #tpu.memory_space<vmem>>
      %dma_start3A_164 = arith.constant 0 : i32
      %dma_start3A_165 = arith.constant 0 : i32
      %dma_start3A_166 = tpu.memref_slice %arg6[%add3A_150, %dma_start3A_164, %dma_start3A_165] : memref<4000x3x80xi32, #tpu.memory_space<hbm>> -> memref<1x3x80xi32, #tpu.memory_space<hbm>>
      %dma_start3A_167 = tpu.memref_squeeze %dma_start3A_166 : memref<1x3x80xi32, #tpu.memory_space<hbm>> -> memref<3x80xi32, #tpu.memory_space<hbm>>
      tpu.enqueue_dma source(%dma_start3A_167 : memref<3x80xi32, #tpu.memory_space<hbm>>) target(%dma_start3A_163 : memref<3x80xi32, #tpu.memory_space<vmem>>) target_semaphore(%arg14 : memref<!tpu.dma_semaphore, #tpu.memory_space<semaphore_mem>>)
      %rem3A = arith.constant 0 : i32
      %rem3A_168 = arith.constant 5 : i32
      %rem3A_169 = arith.remsi %rem3A, %rem3A_168 : i32
      %rem3A_170 = arith.constant 0 : i32
      %rem3A_171 = arith.constant 4 : i32
      %rem3A_172 = arith.remsi %rem3A_170, %rem3A_171 : i32
      %mul3A_173 = arith.constant 80 : i32
      %mul3A_174 = arith.muli %rem3A_172, %mul3A_173 : i32
      %rem3A_175 = arith.constant 0 : i32
      %rem3A_176 = arith.constant 2 : i32
      %rem3A_177 = arith.remsi %rem3A_175, %rem3A_176 : i32
      %eq3A_178 = arith.constant 0 : i32
      %eq3A_179 = arith.cmpi eq, %rem3A_177, %eq3A_178 : i32
      %convert_element_type3A_180 = arith.extui %eq3A_179 : i1 to i32
      %cond3A_181 = arith.constant 0 : i32
      %cond3A_182 = arith.constant 0 : i32
      %cond3A_183 = arith.cmpi ne, %convert_element_type3A_180, %cond3A_182 : i32
      scf.if %cond3A_183 {
        %dma_start3A_231 = arith.constant 0 : i32
        %dma_start3A_232 = tpu.memref_slice %arg12[%mul3A_174, %dma_start3A_231] : memref<320x96xf32, #tpu.memory_space<vmem>> -> memref<80x96xf32, #tpu.memory_space<vmem>>
        %dma_start3A_233 = arith.constant 0 : i32
        %dma_start3A_234 = tpu.memref_slice %arg11[%rem3A_169, %cond3A_181, %dma_start3A_233] : memref<5x3x80xi32, #tpu.memory_space<vmem>> -> memref<1x1x80xi32, #tpu.memory_space<vmem>>
        %dma_start3A_235 = tpu.memref_squeeze %dma_start3A_234 : memref<1x1x80xi32, #tpu.memory_space<vmem>> -> memref<80xi32, #tpu.memory_space<vmem>>
        %dma_start3A_236 = arith.constant 0 : i32
        %dma_start3A_237 = arith.constant 0 : i32
        %dma_start3A_238 = tpu.memref_slice %arg5[%dma_start3A_236, %dma_start3A_237] : memref<10000x96xf32, #tpu.memory_space<hbm>> -> memref<10000x96xf32, #tpu.memory_space<hbm>>
        tpu.enqueue_indirect_dma source(%dma_start3A_238 : memref<10000x96xf32, #tpu.memory_space<hbm>>) target(%dma_start3A_232 : memref<80x96xf32, #tpu.memory_space<vmem>>) offsets(%dma_start3A_235 : memref<80xi32, #tpu.memory_space<vmem>>) semaphore(%arg15 : memref<!tpu.dma_semaphore, #tpu.memory_space<semaphore_mem>>)
      } else {
      }
      %rem3A_184 = arith.constant 0 : i32
      %rem3A_185 = arith.constant 2 : i32
      %rem3A_186 = arith.remsi %rem3A_184, %rem3A_185 : i32
      %eq3A_187 = arith.constant 1 : i32
      %eq3A_188 = arith.cmpi eq, %rem3A_186, %eq3A_187 : i32
      %convert_element_type3A_189 = arith.extui %eq3A_188 : i1 to i32
      %cond3A_190 = arith.constant 0 : i32
      %cond3A_191 = arith.constant 0 : i32
      %cond3A_192 = arith.cmpi ne, %convert_element_type3A_189, %cond3A_191 : i32
      scf.if %cond3A_192 {
        %dma_start3A_231 = arith.constant 0 : i32
        %dma_start3A_232 = tpu.memref_slice %arg12[%mul3A_174, %dma_start3A_231] : memref<320x96xf32, #tpu.memory_space<vmem>> -> memref<80x96xf32, #tpu.memory_space<vmem>>
        %dma_start3A_233 = arith.constant 0 : i32
        %dma_start3A_234 = tpu.memref_slice %arg11[%rem3A_169, %cond3A_190, %dma_start3A_233] : memref<5x3x80xi32, #tpu.memory_space<vmem>> -> memref<1x1x80xi32, #tpu.memory_space<vmem>>
        %dma_start3A_235 = tpu.memref_squeeze %dma_start3A_234 : memref<1x1x80xi32, #tpu.memory_space<vmem>> -> memref<80xi32, #tpu.memory_space<vmem>>
        %dma_start3A_236 = arith.constant 0 : i32
        %dma_start3A_237 = arith.constant 0 : i32
        %dma_start3A_238 = tpu.memref_slice %arg5[%dma_start3A_236, %dma_start3A_237] : memref<10000x96xf32, #tpu.memory_space<hbm>> -> memref<10000x96xf32, #tpu.memory_space<hbm>>
        tpu.enqueue_indirect_dma source(%dma_start3A_238 : memref<10000x96xf32, #tpu.memory_space<hbm>>) target(%dma_start3A_232 : memref<80x96xf32, #tpu.memory_space<vmem>>) offsets(%dma_start3A_235 : memref<80xi32, #tpu.memory_space<vmem>>) semaphore(%arg16 : memref<!tpu.dma_semaphore, #tpu.memory_space<semaphore_mem>>)
      } else {
      }
      %scan3A_193 = arith.constant 0 : i32
      %scan3A_194 = arith.constant 0 : i32
      %scan3A_195 = arith.constant 250 : i32
      %scan3A_196 = arith.addi %scan3A_194, %scan3A_195 : i32
      %scan3A_197 = arith.constant 1 : i32
      scf.for %scan3A_231 = %scan3A_194 to %scan3A_196 step %scan3A_197  : i32 {
        %mul3A_232 = arith.constant 1 : i32
        %mul3A_233 = arith.muli %scan3A_231, %mul3A_232 : i32
        %add3A_234 = arith.constant 0 : i32
        %add3A_235 = arith.addi %add3A_234, %mul3A_233 : i32
        %rem3A_236 = arith.constant 4 : i32
        %rem3A_237 = arith.remsi %add3A_235, %rem3A_236 : i32
        %rem3A_238 = arith.constant 5 : i32
        %rem3A_239 = arith.remsi %add3A_235, %rem3A_238 : i32
        %add3A_240 = arith.constant 1 : i32
        %add3A_241 = arith.addi %add3A_235, %add3A_240 : i32
        %lt3A = arith.constant 250 : i32
        %lt3A_242 = arith.cmpi slt, %add3A_241, %lt3A : i32
        %convert_element_type3A_243 = arith.extui %lt3A_242 : i1 to i32
        %cond3A_244 = arith.constant 0 : i32
        %cond3A_245 = arith.cmpi ne, %convert_element_type3A_243, %cond3A_244 : i32
        scf.if %cond3A_245 {
          %dma_wait3A_295 = arith.constant 0 : i32
          %dma_wait3A_296 = arith.constant 0 : i32
          %dma_wait3A_297 = arith.constant 0 : i32
          %dma_wait3A_298 = tpu.memref_slice %arg11[%dma_wait3A_295, %dma_wait3A_296, %dma_wait3A_297] : memref<5x3x80xi32, #tpu.memory_space<vmem>> -> memref<1x3x80xi32, #tpu.memory_space<vmem>>
          %dma_wait3A_299 = tpu.memref_squeeze %dma_wait3A_298 : memref<1x3x80xi32, #tpu.memory_space<vmem>> -> memref<3x80xi32, #tpu.memory_space<vmem>>
          %dma_wait3A_300 = arith.constant 0 : i32
          %dma_wait3A_301 = arith.constant 0 : i32
          %dma_wait3A_302 = tpu.memref_slice %arg6[%scan3A_193, %dma_wait3A_300, %dma_wait3A_301] : memref<4000x3x80xi32, #tpu.memory_space<hbm>> -> memref<1x3x80xi32, #tpu.memory_space<hbm>>
          %dma_wait3A_303 = tpu.memref_squeeze %dma_wait3A_302 : memref<1x3x80xi32, #tpu.memory_space<hbm>> -> memref<3x80xi32, #tpu.memory_space<hbm>>
          %dma_wait3A_304 = arith.constant 0 : i32
          %dma_wait3A_305 = arith.constant 0 : i32
          %dma_wait3A_306 = tpu.memref_slice %arg11[%dma_wait3A_295, %dma_wait3A_304, %dma_wait3A_305] : memref<5x3x80xi32, #tpu.memory_space<vmem>> -> memref<1x3x80xi32, #tpu.memory_space<vmem>>
          %dma_wait3A_307 = tpu.memref_squeeze %dma_wait3A_306 : memref<1x3x80xi32, #tpu.memory_space<vmem>> -> memref<3x80xi32, #tpu.memory_space<vmem>>
          %dma_wait3A_308 = arith.constant 0 : i32
          %dma_wait3A_309 = arith.constant 0 : i32
          %dma_wait3A_310 = tpu.memref_slice %arg6[%scan3A_193, %dma_wait3A_308, %dma_wait3A_309] : memref<4000x3x80xi32, #tpu.memory_space<hbm>> -> memref<1x3x80xi32, #tpu.memory_space<hbm>>
          %dma_wait3A_311 = tpu.memref_squeeze %dma_wait3A_310 : memref<1x3x80xi32, #tpu.memory_space<hbm>> -> memref<3x80xi32, #tpu.memory_space<hbm>>
          tpu.wait_dma2 semaphore(%arg14 : memref<!tpu.dma_semaphore, #tpu.memory_space<semaphore_mem>>) src(%dma_wait3A_311 : memref<3x80xi32, #tpu.memory_space<hbm>>) dst(%dma_wait3A_307 : memref<3x80xi32, #tpu.memory_space<vmem>>)
          %add3A_312 = arith.constant 1 : i32
          %add3A_313 = arith.addi %add3A_235, %add3A_312 : i32
          %rem3A_314 = arith.constant 5 : i32
          %rem3A_315 = arith.remsi %add3A_313, %rem3A_314 : i32
          %rem3A_316 = arith.constant 4 : i32
          %rem3A_317 = arith.remsi %add3A_313, %rem3A_316 : i32
          %mul3A_318 = arith.constant 80 : i32
          %mul3A_319 = arith.muli %rem3A_317, %mul3A_318 : i32
          %rem3A_320 = arith.constant 2 : i32
          %rem3A_321 = arith.remsi %add3A_313, %rem3A_320 : i32
          %eq3A_322 = arith.constant 0 : i32
          %eq3A_323 = arith.cmpi eq, %rem3A_321, %eq3A_322 : i32
          %convert_element_type3A_324 = arith.extui %eq3A_323 : i1 to i32
          %cond3A_325 = arith.constant 0 : i32
          %cond3A_326 = arith.constant 0 : i32
          %cond3A_327 = arith.cmpi ne, %convert_element_type3A_324, %cond3A_326 : i32
          scf.if %cond3A_327 {
            %dma_start3A_336 = arith.constant 0 : i32
            %dma_start3A_337 = tpu.memref_slice %arg12[%mul3A_319, %dma_start3A_336] : memref<320x96xf32, #tpu.memory_space<vmem>> -> memref<80x96xf32, #tpu.memory_space<vmem>>
            %dma_start3A_338 = arith.constant 0 : i32
            %dma_start3A_339 = tpu.memref_slice %arg11[%rem3A_315, %cond3A_325, %dma_start3A_338] : memref<5x3x80xi32, #tpu.memory_space<vmem>> -> memref<1x1x80xi32, #tpu.memory_space<vmem>>
            %dma_start3A_340 = tpu.memref_squeeze %dma_start3A_339 : memref<1x1x80xi32, #tpu.memory_space<vmem>> -> memref<80xi32, #tpu.memory_space<vmem>>
            %dma_start3A_341 = arith.constant 0 : i32
            %dma_start3A_342 = arith.constant 0 : i32
            %dma_start3A_343 = tpu.memref_slice %arg5[%dma_start3A_341, %dma_start3A_342] : memref<10000x96xf32, #tpu.memory_space<hbm>> -> memref<10000x96xf32, #tpu.memory_space<hbm>>
            tpu.enqueue_indirect_dma source(%dma_start3A_343 : memref<10000x96xf32, #tpu.memory_space<hbm>>) target(%dma_start3A_337 : memref<80x96xf32, #tpu.memory_space<vmem>>) offsets(%dma_start3A_340 : memref<80xi32, #tpu.memory_space<vmem>>) semaphore(%arg15 : memref<!tpu.dma_semaphore, #tpu.memory_space<semaphore_mem>>)
          } else {
          }
          %rem3A_328 = arith.constant 2 : i32
          %rem3A_329 = arith.remsi %add3A_313, %rem3A_328 : i32
          %eq3A_330 = arith.constant 1 : i32
          %eq3A_331 = arith.cmpi eq, %rem3A_329, %eq3A_330 : i32
          %convert_element_type3A_332 = arith.extui %eq3A_331 : i1 to i32
          %cond3A_333 = arith.constant 0 : i32
          %cond3A_334 = arith.constant 0 : i32
          %cond3A_335 = arith.cmpi ne, %convert_element_type3A_332, %cond3A_334 : i32
          scf.if %cond3A_335 {
            %dma_start3A_336 = arith.constant 0 : i32
            %dma_start3A_337 = tpu.memref_slice %arg12[%mul3A_319, %dma_start3A_336] : memref<320x96xf32, #tpu.memory_space<vmem>> -> memref<80x96xf32, #tpu.memory_space<vmem>>
            %dma_start3A_338 = arith.constant 0 : i32
            %dma_start3A_339 = tpu.memref_slice %arg11[%rem3A_315, %cond3A_333, %dma_start3A_338] : memref<5x3x80xi32, #tpu.memory_space<vmem>> -> memref<1x1x80xi32, #tpu.memory_space<vmem>>
            %dma_start3A_340 = tpu.memref_squeeze %dma_start3A_339 : memref<1x1x80xi32, #tpu.memory_space<vmem>> -> memref<80xi32, #tpu.memory_space<vmem>>
            %dma_start3A_341 = arith.constant 0 : i32
            %dma_start3A_342 = arith.constant 0 : i32
            %dma_start3A_343 = tpu.memref_slice %arg5[%dma_start3A_341, %dma_start3A_342] : memref<10000x96xf32, #tpu.memory_space<hbm>> -> memref<10000x96xf32, #tpu.memory_space<hbm>>
            tpu.enqueue_indirect_dma source(%dma_start3A_343 : memref<10000x96xf32, #tpu.memory_space<hbm>>) target(%dma_start3A_337 : memref<80x96xf32, #tpu.memory_space<vmem>>) offsets(%dma_start3A_340 : memref<80xi32, #tpu.memory_space<vmem>>) semaphore(%arg16 : memref<!tpu.dma_semaphore, #tpu.memory_space<semaphore_mem>>)
          } else {
          }
        } else {
        }
        %add3A_246 = arith.constant 2 : i32
        %add3A_247 = arith.addi %add3A_235, %add3A_246 : i32
        %lt3A_248 = arith.constant 250 : i32
        %lt3A_249 = arith.cmpi slt, %add3A_247, %lt3A_248 : i32
        %convert_element_type3A_250 = arith.extui %lt3A_249 : i1 to i32
        %cond3A_251 = arith.constant 0 : i32
        %cond3A_252 = arith.cmpi ne, %convert_element_type3A_250, %cond3A_251 : i32
        scf.if %cond3A_252 {
          %add3A_295 = arith.addi %mul3A_115, %add3A_235 : i32
          %add3A_296 = arith.constant 2 : i32
          %add3A_297 = arith.addi %add3A_295, %add3A_296 : i32
          %add3A_298 = arith.constant 2 : i32
          %add3A_299 = arith.addi %add3A_235, %add3A_298 : i32
          %rem3A_300 = arith.constant 5 : i32
          %rem3A_301 = arith.remsi %add3A_299, %rem3A_300 : i32
          %dma_start3A_302 = arith.constant 0 : i32
          %dma_start3A_303 = arith.constant 0 : i32
          %dma_start3A_304 = tpu.memref_slice %arg11[%rem3A_301, %dma_start3A_302, %dma_start3A_303] : memref<5x3x80xi32, #tpu.memory_space<vmem>> -> memref<1x3x80xi32, #tpu.memory_space<vmem>>
          %dma_start3A_305 = tpu.memref_squeeze %dma_start3A_304 : memref<1x3x80xi32, #tpu.memory_space<vmem>> -> memref<3x80xi32, #tpu.memory_space<vmem>>
          %dma_start3A_306 = arith.constant 0 : i32
          %dma_start3A_307 = arith.constant 0 : i32
          %dma_start3A_308 = tpu.memref_slice %arg6[%add3A_297, %dma_start3A_306, %dma_start3A_307] : memref<4000x3x80xi32, #tpu.memory_space<hbm>> -> memref<1x3x80xi32, #tpu.memory_space<hbm>>
          %dma_start3A_309 = tpu.memref_squeeze %dma_start3A_308 : memref<1x3x80xi32, #tpu.memory_space<hbm>> -> memref<3x80xi32, #tpu.memory_space<hbm>>
          %dma_start3A_310 = arith.constant 0 : i32
          %dma_start3A_311 = arith.constant 0 : i32
          %dma_start3A_312 = tpu.memref_slice %arg11[%rem3A_301, %dma_start3A_310, %dma_start3A_311] : memref<5x3x80xi32, #tpu.memory_space<vmem>> -> memref<1x3x80xi32, #tpu.memory_space<vmem>>
          %dma_start3A_313 = tpu.memref_squeeze %dma_start3A_312 : memref<1x3x80xi32, #tpu.memory_space<vmem>> -> memref<3x80xi32, #tpu.memory_space<vmem>>
          %dma_start3A_314 = arith.constant 0 : i32
          %dma_start3A_315 = arith.constant 0 : i32
          %dma_start3A_316 = tpu.memref_slice %arg6[%add3A_297, %dma_start3A_314, %dma_start3A_315] : memref<4000x3x80xi32, #tpu.memory_space<hbm>> -> memref<1x3x80xi32, #tpu.memory_space<hbm>>
          %dma_start3A_317 = tpu.memref_squeeze %dma_start3A_316 : memref<1x3x80xi32, #tpu.memory_space<hbm>> -> memref<3x80xi32, #tpu.memory_space<hbm>>
          tpu.enqueue_dma source(%dma_start3A_317 : memref<3x80xi32, #tpu.memory_space<hbm>>) target(%dma_start3A_313 : memref<3x80xi32, #tpu.memory_space<vmem>>) target_semaphore(%arg14 : memref<!tpu.dma_semaphore, #tpu.memory_space<semaphore_mem>>)
        } else {
        }
        %rem3A_253 = arith.constant 2 : i32
        %rem3A_254 = arith.remsi %add3A_235, %rem3A_253 : i32
        %eq3A_255 = arith.constant 0 : i32
        %eq3A_256 = arith.cmpi eq, %rem3A_254, %eq3A_255 : i32
        %convert_element_type3A_257 = arith.extui %eq3A_256 : i1 to i32
        %cond3A_258 = arith.constant 0 : i32
        %cond3A_259 = arith.cmpi ne, %convert_element_type3A_257, %cond3A_258 : i32
        scf.if %cond3A_259 {
          %dma_wait3A_295 = arith.constant 0 : i32
          %dma_wait3A_296 = arith.constant 0 : i32
          %dma_wait3A_297 = tpu.memref_slice %arg12[%dma_wait3A_295, %dma_wait3A_296] : memref<320x96xf32, #tpu.memory_space<vmem>> -> memref<80x96xf32, #tpu.memory_space<vmem>>
          %dma_wait3A_298 = arith.constant 0 : i32
          %dma_wait3A_299 = arith.constant 0 : i32
          %dma_wait3A_300 = tpu.memref_slice %arg5[%dma_wait3A_298, %dma_wait3A_299] : memref<10000x96xf32, #tpu.memory_space<hbm>> -> memref<80x96xf32, #tpu.memory_space<hbm>>
          %dma_wait3A_301 = arith.constant 0 : i32
          %dma_wait3A_302 = arith.constant 0 : i32
          %dma_wait3A_303 = tpu.memref_slice %arg12[%dma_wait3A_301, %dma_wait3A_302] : memref<320x96xf32, #tpu.memory_space<vmem>> -> memref<80x96xf32, #tpu.memory_space<vmem>>
          %dma_wait3A_304 = arith.constant 0 : i32
          %dma_wait3A_305 = arith.constant 0 : i32
          %dma_wait3A_306 = tpu.memref_slice %arg5[%dma_wait3A_304, %dma_wait3A_305] : memref<10000x96xf32, #tpu.memory_space<hbm>> -> memref<80x96xf32, #tpu.memory_space<hbm>>
          tpu.wait_dma2 semaphore(%arg15 : memref<!tpu.dma_semaphore, #tpu.memory_space<semaphore_mem>>) src(%dma_wait3A_306 : memref<80x96xf32, #tpu.memory_space<hbm>>) dst(%dma_wait3A_303 : memref<80x96xf32, #tpu.memory_space<vmem>>)
        } else {
        }
        %rem3A_260 = arith.constant 2 : i32
        %rem3A_261 = arith.remsi %add3A_235, %rem3A_260 : i32
        %eq3A_262 = arith.constant 1 : i32
        %eq3A_263 = arith.cmpi eq, %rem3A_261, %eq3A_262 : i32
        %convert_element_type3A_264 = arith.extui %eq3A_263 : i1 to i32
        %cond3A_265 = arith.constant 0 : i32
        %cond3A_266 = arith.cmpi ne, %convert_element_type3A_264, %cond3A_265 : i32
        scf.if %cond3A_266 {
          %dma_wait3A_295 = arith.constant 0 : i32
          %dma_wait3A_296 = arith.constant 0 : i32
          %dma_wait3A_297 = tpu.memref_slice %arg12[%dma_wait3A_295, %dma_wait3A_296] : memref<320x96xf32, #tpu.memory_space<vmem>> -> memref<80x96xf32, #tpu.memory_space<vmem>>
          %dma_wait3A_298 = arith.constant 0 : i32
          %dma_wait3A_299 = arith.constant 0 : i32
          %dma_wait3A_300 = tpu.memref_slice %arg5[%dma_wait3A_298, %dma_wait3A_299] : memref<10000x96xf32, #tpu.memory_space<hbm>> -> memref<80x96xf32, #tpu.memory_space<hbm>>
          %dma_wait3A_301 = arith.constant 0 : i32
          %dma_wait3A_302 = arith.constant 0 : i32
          %dma_wait3A_303 = tpu.memref_slice %arg12[%dma_wait3A_301, %dma_wait3A_302] : memref<320x96xf32, #tpu.memory_space<vmem>> -> memref<80x96xf32, #tpu.memory_space<vmem>>
          %dma_wait3A_304 = arith.constant 0 : i32
          %dma_wait3A_305 = arith.constant 0 : i32
          %dma_wait3A_306 = tpu.memref_slice %arg5[%dma_wait3A_304, %dma_wait3A_305] : memref<10000x96xf32, #tpu.memory_space<hbm>> -> memref<80x96xf32, #tpu.memory_space<hbm>>
          tpu.wait_dma2 semaphore(%arg16 : memref<!tpu.dma_semaphore, #tpu.memory_space<semaphore_mem>>) src(%dma_wait3A_306 : memref<80x96xf32, #tpu.memory_space<hbm>>) dst(%dma_wait3A_303 : memref<80x96xf32, #tpu.memory_space<vmem>>)
        } else {
        }
        %parallel_loop3A = arith.constant 0 : i32
        %parallel_loop3A_267 = arith.constant 5 : i32
        %parallel_loop3A_268 = arith.constant 1 : i32
        scf.for %parallel_loop3A_295 = %parallel_loop3A to %parallel_loop3A_267 step %parallel_loop3A_268  : i32 {
          %parallel_loop3A_296 = arith.constant 16 : i32
          %parallel_loop3A_297 = arith.muli %parallel_loop3A_295, %parallel_loop3A_296 : i32
          %parallel_loop3A_298 = arith.constant 2 : i32
          %parallel_loop3A_299 = arith.index_cast %rem3A_239 : i32 to index
          %parallel_loop3A_300 = arith.index_cast %parallel_loop3A_298 : i32 to index
          %parallel_loop3A_301 = arith.index_cast %parallel_loop3A_297 : i32 to index
          %parallel_loop3A_302 = tpu.vector_load %arg11[%parallel_loop3A_299, %parallel_loop3A_300, %parallel_loop3A_301] {strides = array<i32>} : memref<5x3x80xi32, #tpu.memory_space<vmem>>, vector<16xi32>,
          %parallel_loop3A_303 = vector.bitcast %parallel_loop3A_302 : vector<16xi32> to vector<16xf32>
          %parallel_loop3A_304 = arith.constant 80 : i32
          %parallel_loop3A_305 = arith.muli %rem3A_237, %parallel_loop3A_304 : i32
          %parallel_loop3A_306 = arith.constant 16 : i32
          %parallel_loop3A_307 = arith.muli %parallel_loop3A_295, %parallel_loop3A_306 : i32
          %parallel_loop3A_308 = arith.addi %parallel_loop3A_305, %parallel_loop3A_307 : i32
          %parallel_loop3A_309 = arith.mulf %parallel_loop3A_303, %parallel_loop3A_303 : vector<16xf32>
          %parallel_loop3A_310 = arith.mulf %parallel_loop3A_309, %parallel_loop3A_303 : vector<16xf32>
          %parallel_loop3A_311 = tpu.iota {dimensions = array<i32: 0>} : vector<16xi32>
          %parallel_loop3A_312 = vector.broadcast %parallel_loop3A_308 : i32 to vector<16xi32>
          %parallel_loop3A_313 = arith.addi %parallel_loop3A_311, %parallel_loop3A_312 : vector<16xi32>
          %parallel_loop3A_314 = arith.constant 0 : i32
          %parallel_loop3A_315 = arith.constant 96 : i32
          %parallel_loop3A_316 = arith.constant 1 : i32
          scf.for %parallel_loop3A_317 = %parallel_loop3A_314 to %parallel_loop3A_315 step %parallel_loop3A_316  : i32 {
            %parallel_loop3A_318 = vector.broadcast %parallel_loop3A_317 : i32 to vector<16xi32>
            %parallel_loop3A_319 = arith.xori %parallel_loop3A_318, %parallel_loop3A_311 : vector<16xi32>
            %parallel_loop3A_320 = tpu.vector_load_idx %arg12[%parallel_loop3A_313, %parallel_loop3A_319] : memref<320x96xf32, #tpu.memory_space<vmem>>[vector<16xi32>, vector<16xi32>], vector<16xf32>,
            %parallel_loop3A_321 = arith.mulf %parallel_loop3A_320, %parallel_loop3A_310 : vector<16xf32>
            tpu.vector_store_idx %arg12[%parallel_loop3A_313, %parallel_loop3A_319], %parallel_loop3A_321 : memref<320x96xf32, #tpu.memory_space<vmem>>[vector<16xi32>, vector<16xi32>], vector<16xf32>,
          } {sc.loop_unroll_factor = 16 : i64, sc.parallel_access}
        } {sc.loop_unroll_factor = 1 : i64, sc.parallel_access}
        %ge3A = arith.constant 2 : i32
        %ge3A_269 = arith.cmpi sge, %add3A_235, %ge3A : i32
        %convert_element_type3A_270 = arith.extui %ge3A_269 : i1 to i32
        %cond3A_271 = arith.constant 0 : i32
        %cond3A_272 = arith.cmpi ne, %convert_element_type3A_270, %cond3A_271 : i32
        scf.if %cond3A_272 {
          %sub3A = arith.constant 2 : i32
          %sub3A_295 = arith.subi %add3A_235, %sub3A : i32
          %rem3A_296 = arith.constant 2 : i32
          %rem3A_297 = arith.remsi %sub3A_295, %rem3A_296 : i32
          %eq3A_298 = arith.constant 0 : i32
          %eq3A_299 = arith.cmpi eq, %rem3A_297, %eq3A_298 : i32
          %convert_element_type3A_300 = arith.extui %eq3A_299 : i1 to i32
          %cond3A_301 = arith.constant 0 : i32
          %cond3A_302 = arith.cmpi ne, %convert_element_type3A_300, %cond3A_301 : i32
          scf.if %cond3A_302 {
            %dma_wait3A_310 = arith.constant 0 : i32
            %dma_wait3A_311 = arith.constant 0 : i32
            %dma_wait3A_312 = tpu.memref_slice %arg12[%dma_wait3A_310, %dma_wait3A_311] : memref<320x96xf32, #tpu.memory_space<vmem>> -> memref<80x96xf32, #tpu.memory_space<vmem>>
            %dma_wait3A_313 = arith.constant 0 : i32
            %dma_wait3A_314 = arith.constant 0 : i32
            %dma_wait3A_315 = tpu.memref_slice %arg5[%dma_wait3A_313, %dma_wait3A_314] : memref<10000x96xf32, #tpu.memory_space<hbm>> -> memref<80x96xf32, #tpu.memory_space<hbm>>
            %dma_wait3A_316 = arith.constant 0 : i32
            %dma_wait3A_317 = arith.constant 0 : i32
            %dma_wait3A_318 = tpu.memref_slice %arg12[%dma_wait3A_316, %dma_wait3A_317] : memref<320x96xf32, #tpu.memory_space<vmem>> -> memref<80x96xf32, #tpu.memory_space<vmem>>
            %dma_wait3A_319 = arith.constant 0 : i32
            %dma_wait3A_320 = arith.constant 0 : i32
            %dma_wait3A_321 = tpu.memref_slice %arg5[%dma_wait3A_319, %dma_wait3A_320] : memref<10000x96xf32, #tpu.memory_space<hbm>> -> memref<80x96xf32, #tpu.memory_space<hbm>>
            tpu.wait_dma2 semaphore(%arg17 : memref<!tpu.dma_semaphore, #tpu.memory_space<semaphore_mem>>) src(%dma_wait3A_321 : memref<80x96xf32, #tpu.memory_space<hbm>>) dst(%dma_wait3A_318 : memref<80x96xf32, #tpu.memory_space<vmem>>)
          } else {
          }
          %rem3A_303 = arith.constant 2 : i32
          %rem3A_304 = arith.remsi %sub3A_295, %rem3A_303 : i32
          %eq3A_305 = arith.constant 1 : i32
          %eq3A_306 = arith.cmpi eq, %rem3A_304, %eq3A_305 : i32
          %convert_element_type3A_307 = arith.extui %eq3A_306 : i1 to i32
          %cond3A_308 = arith.constant 0 : i32
          %cond3A_309 = arith.cmpi ne, %convert_element_type3A_307, %cond3A_308 : i32
          scf.if %cond3A_309 {
            %dma_wait3A_310 = arith.constant 0 : i32
            %dma_wait3A_311 = arith.constant 0 : i32
            %dma_wait3A_312 = tpu.memref_slice %arg12[%dma_wait3A_310, %dma_wait3A_311] : memref<320x96xf32, #tpu.memory_space<vmem>> -> memref<80x96xf32, #tpu.memory_space<vmem>>
            %dma_wait3A_313 = arith.constant 0 : i32
            %dma_wait3A_314 = arith.constant 0 : i32
            %dma_wait3A_315 = tpu.memref_slice %arg5[%dma_wait3A_313, %dma_wait3A_314] : memref<10000x96xf32, #tpu.memory_space<hbm>> -> memref<80x96xf32, #tpu.memory_space<hbm>>
            %dma_wait3A_316 = arith.constant 0 : i32
            %dma_wait3A_317 = arith.constant 0 : i32
            %dma_wait3A_318 = tpu.memref_slice %arg12[%dma_wait3A_316, %dma_wait3A_317] : memref<320x96xf32, #tpu.memory_space<vmem>> -> memref<80x96xf32, #tpu.memory_space<vmem>>
            %dma_wait3A_319 = arith.constant 0 : i32
            %dma_wait3A_320 = arith.constant 0 : i32
            %dma_wait3A_321 = tpu.memref_slice %arg5[%dma_wait3A_319, %dma_wait3A_320] : memref<10000x96xf32, #tpu.memory_space<hbm>> -> memref<80x96xf32, #tpu.memory_space<hbm>>
            tpu.wait_dma2 semaphore(%arg18 : memref<!tpu.dma_semaphore, #tpu.memory_space<semaphore_mem>>) src(%dma_wait3A_321 : memref<80x96xf32, #tpu.memory_space<hbm>>) dst(%dma_wait3A_318 : memref<80x96xf32, #tpu.memory_space<vmem>>)
          } else {
          }
        } else {
        }
        %rem3A_273 = arith.constant 4 : i32
        %rem3A_274 = arith.remsi %add3A_235, %rem3A_273 : i32
        %mul3A_275 = arith.constant 80 : i32
        %mul3A_276 = arith.muli %rem3A_274, %mul3A_275 : i32
        %rem3A_277 = arith.constant 5 : i32
        %rem3A_278 = arith.remsi %add3A_235, %rem3A_277 : i32
        %rem3A_279 = arith.constant 2 : i32
        %rem3A_280 = arith.remsi %add3A_235, %rem3A_279 : i32
        %eq3A_281 = arith.constant 0 : i32
        %eq3A_282 = arith.cmpi eq, %rem3A_280, %eq3A_281 : i32
        %convert_element_type3A_283 = arith.extui %eq3A_282 : i1 to i32
        %cond3A_284 = arith.constant 1 : i32
        %cond3A_285 = arith.constant 0 : i32
        %cond3A_286 = arith.cmpi ne, %convert_element_type3A_283, %cond3A_285 : i32
        scf.if %cond3A_286 {
          %dma_start3A_295 = arith.constant 0 : i32
          %dma_start3A_296 = tpu.memref_slice %arg12[%mul3A_276, %dma_start3A_295] : memref<320x96xf32, #tpu.memory_space<vmem>> -> memref<80x96xf32, #tpu.memory_space<vmem>>
          %dma_start3A_297 = arith.constant 0 : i32
          %dma_start3A_298 = tpu.memref_slice %arg11[%rem3A_278, %cond3A_284, %dma_start3A_297] : memref<5x3x80xi32, #tpu.memory_space<vmem>> -> memref<1x1x80xi32, #tpu.memory_space<vmem>>
          %dma_start3A_299 = tpu.memref_squeeze %dma_start3A_298 : memref<1x1x80xi32, #tpu.memory_space<vmem>> -> memref<80xi32, #tpu.memory_space<vmem>>
          %dma_start3A_300 = arith.constant 0 : i32
          %dma_start3A_301 = arith.constant 0 : i32
          %dma_start3A_302 = tpu.memref_slice %arg13[%dma_start3A_300, %dma_start3A_301] : memref<10240x96xf32, #tpu.memory_space<vmem_shared>> -> memref<10240x96xf32, #tpu.memory_space<vmem_shared>>
          tpu.enqueue_indirect_dma source(%dma_start3A_296 : memref<80x96xf32, #tpu.memory_space<vmem>>) target(%dma_start3A_302 : memref<10240x96xf32, #tpu.memory_space<vmem_shared>>) offsets(%dma_start3A_299 : memref<80xi32, #tpu.memory_space<vmem>>) semaphore(%arg17 : memref<!tpu.dma_semaphore, #tpu.memory_space<semaphore_mem>>) {add = true}
        } else {
        }
        %rem3A_287 = arith.constant 2 : i32
        %rem3A_288 = arith.remsi %add3A_235, %rem3A_287 : i32
        %eq3A_289 = arith.constant 1 : i32
        %eq3A_290 = arith.cmpi eq, %rem3A_288, %eq3A_289 : i32
        %convert_element_type3A_291 = arith.extui %eq3A_290 : i1 to i32
        %cond3A_292 = arith.constant 1 : i32
        %cond3A_293 = arith.constant 0 : i32
        %cond3A_294 = arith.cmpi ne, %convert_element_type3A_291, %cond3A_293 : i32
        scf.if %cond3A_294 {
          %dma_start3A_295 = arith.constant 0 : i32
          %dma_start3A_296 = tpu.memref_slice %arg12[%mul3A_276, %dma_start3A_295] : memref<320x96xf32, #tpu.memory_space<vmem>> -> memref<80x96xf32, #tpu.memory_space<vmem>>
          %dma_start3A_297 = arith.constant 0 : i32
          %dma_start3A_298 = tpu.memref_slice %arg11[%rem3A_278, %cond3A_292, %dma_start3A_297] : memref<5x3x80xi32, #tpu.memory_space<vmem>> -> memref<1x1x80xi32, #tpu.memory_space<vmem>>
          %dma_start3A_299 = tpu.memref_squeeze %dma_start3A_298 : memref<1x1x80xi32, #tpu.memory_space<vmem>> -> memref<80xi32, #tpu.memory_space<vmem>>
          %dma_start3A_300 = arith.constant 0 : i32
          %dma_start3A_301 = arith.constant 0 : i32
          %dma_start3A_302 = tpu.memref_slice %arg13[%dma_start3A_300, %dma_start3A_301] : memref<10240x96xf32, #tpu.memory_space<vmem_shared>> -> memref<10240x96xf32, #tpu.memory_space<vmem_shared>>
          tpu.enqueue_indirect_dma source(%dma_start3A_296 : memref<80x96xf32, #tpu.memory_space<vmem>>) target(%dma_start3A_302 : memref<10240x96xf32, #tpu.memory_space<vmem_shared>>) offsets(%dma_start3A_299 : memref<80xi32, #tpu.memory_space<vmem>>) semaphore(%arg18 : memref<!tpu.dma_semaphore, #tpu.memory_space<semaphore_mem>>) {add = true}
        } else {
        }
      }
      %scan3A_198 = arith.constant 250 : i32
      %rem3A_199 = arith.constant 248 : i32
      %rem3A_200 = arith.constant 2 : i32
      %rem3A_201 = arith.remsi %rem3A_199, %rem3A_200 : i32
      %eq3A_202 = arith.constant 0 : i32
      %eq3A_203 = arith.cmpi eq, %rem3A_201, %eq3A_202 : i32
      %convert_element_type3A_204 = arith.extui %eq3A_203 : i1 to i32
      %cond3A_205 = arith.constant 0 : i32
      %cond3A_206 = arith.cmpi ne, %convert_element_type3A_204, %cond3A_205 : i32
      scf.if %cond3A_206 {
        %dma_wait3A_231 = arith.constant 0 : i32
        %dma_wait3A_232 = arith.constant 0 : i32
        %dma_wait3A_233 = tpu.memref_slice %arg12[%dma_wait3A_231, %dma_wait3A_232] : memref<320x96xf32, #tpu.memory_space<vmem>> -> memref<80x96xf32, #tpu.memory_space<vmem>>
        %dma_wait3A_234 = arith.constant 0 : i32
        %dma_wait3A_235 = arith.constant 0 : i32
        %dma_wait3A_236 = tpu.memref_slice %arg5[%dma_wait3A_234, %dma_wait3A_235] : memref<10000x96xf32, #tpu.memory_space<hbm>> -> memref<80x96xf32, #tpu.memory_space<hbm>>
        %dma_wait3A_237 = arith.constant 0 : i32
        %dma_wait3A_238 = arith.constant 0 : i32
        %dma_wait3A_239 = tpu.memref_slice %arg12[%dma_wait3A_237, %dma_wait3A_238] : memref<320x96xf32, #tpu.memory_space<vmem>> -> memref<80x96xf32, #tpu.memory_space<vmem>>
        %dma_wait3A_240 = arith.constant 0 : i32
        %dma_wait3A_241 = arith.constant 0 : i32
        %dma_wait3A_242 = tpu.memref_slice %arg5[%dma_wait3A_240, %dma_wait3A_241] : memref<10000x96xf32, #tpu.memory_space<hbm>> -> memref<80x96xf32, #tpu.memory_space<hbm>>
        tpu.wait_dma2 semaphore(%arg17 : memref<!tpu.dma_semaphore, #tpu.memory_space<semaphore_mem>>) src(%dma_wait3A_242 : memref<80x96xf32, #tpu.memory_space<hbm>>) dst(%dma_wait3A_239 : memref<80x96xf32, #tpu.memory_space<vmem>>)
      } else {
      }
      %rem3A_207 = arith.constant 248 : i32
      %rem3A_208 = arith.constant 2 : i32
      %rem3A_209 = arith.remsi %rem3A_207, %rem3A_208 : i32
      %eq3A_210 = arith.constant 1 : i32
      %eq3A_211 = arith.cmpi eq, %rem3A_209, %eq3A_210 : i32
      %convert_element_type3A_212 = arith.extui %eq3A_211 : i1 to i32
      %cond3A_213 = arith.constant 0 : i32
      %cond3A_214 = arith.cmpi ne, %convert_element_type3A_212, %cond3A_213 : i32
      scf.if %cond3A_214 {
        %dma_wait3A_231 = arith.constant 0 : i32
        %dma_wait3A_232 = arith.constant 0 : i32
        %dma_wait3A_233 = tpu.memref_slice %arg12[%dma_wait3A_231, %dma_wait3A_232] : memref<320x96xf32, #tpu.memory_space<vmem>> -> memref<80x96xf32, #tpu.memory_space<vmem>>
        %dma_wait3A_234 = arith.constant 0 : i32
        %dma_wait3A_235 = arith.constant 0 : i32
        %dma_wait3A_236 = tpu.memref_slice %arg5[%dma_wait3A_234, %dma_wait3A_235] : memref<10000x96xf32, #tpu.memory_space<hbm>> -> memref<80x96xf32, #tpu.memory_space<hbm>>
        %dma_wait3A_237 = arith.constant 0 : i32
        %dma_wait3A_238 = arith.constant 0 : i32
        %dma_wait3A_239 = tpu.memref_slice %arg12[%dma_wait3A_237, %dma_wait3A_238] : memref<320x96xf32, #tpu.memory_space<vmem>> -> memref<80x96xf32, #tpu.memory_space<vmem>>
        %dma_wait3A_240 = arith.constant 0 : i32
        %dma_wait3A_241 = arith.constant 0 : i32
        %dma_wait3A_242 = tpu.memref_slice %arg5[%dma_wait3A_240, %dma_wait3A_241] : memref<10000x96xf32, #tpu.memory_space<hbm>> -> memref<80x96xf32, #tpu.memory_space<hbm>>
        tpu.wait_dma2 semaphore(%arg18 : memref<!tpu.dma_semaphore, #tpu.memory_space<semaphore_mem>>) src(%dma_wait3A_242 : memref<80x96xf32, #tpu.memory_space<hbm>>) dst(%dma_wait3A_239 : memref<80x96xf32, #tpu.memory_space<vmem>>)
      } else {
      }
      %rem3A_215 = arith.constant 249 : i32
      %rem3A_216 = arith.constant 2 : i32
      %rem3A_217 = arith.remsi %rem3A_215, %rem3A_216 : i32
      %eq3A_218 = arith.constant 0 : i32
      %eq3A_219 = arith.cmpi eq, %rem3A_217, %eq3A_218 : i32
      %convert_element_type3A_220 = arith.extui %eq3A_219 : i1 to i32
      %cond3A_221 = arith.constant 0 : i32
      %cond3A_222 = arith.cmpi ne, %convert_element_type3A_220, %cond3A_221 : i32
      scf.if %cond3A_222 {
        %dma_wait3A_231 = arith.constant 0 : i32
        %dma_wait3A_232 = arith.constant 0 : i32
        %dma_wait3A_233 = tpu.memref_slice %arg12[%dma_wait3A_231, %dma_wait3A_232] : memref<320x96xf32, #tpu.memory_space<vmem>> -> memref<80x96xf32, #tpu.memory_space<vmem>>
        %dma_wait3A_234 = arith.constant 0 : i32
        %dma_wait3A_235 = arith.constant 0 : i32
        %dma_wait3A_236 = tpu.memref_slice %arg5[%dma_wait3A_234, %dma_wait3A_235] : memref<10000x96xf32, #tpu.memory_space<hbm>> -> memref<80x96xf32, #tpu.memory_space<hbm>>
        %dma_wait3A_237 = arith.constant 0 : i32
        %dma_wait3A_238 = arith.constant 0 : i32
        %dma_wait3A_239 = tpu.memref_slice %arg12[%dma_wait3A_237, %dma_wait3A_238] : memref<320x96xf32, #tpu.memory_space<vmem>> -> memref<80x96xf32, #tpu.memory_space<vmem>>
        %dma_wait3A_240 = arith.constant 0 : i32
        %dma_wait3A_241 = arith.constant 0 : i32
        %dma_wait3A_242 = tpu.memref_slice %arg5[%dma_wait3A_240, %dma_wait3A_241] : memref<10000x96xf32, #tpu.memory_space<hbm>> -> memref<80x96xf32, #tpu.memory_space<hbm>>
        tpu.wait_dma2 semaphore(%arg17 : memref<!tpu.dma_semaphore, #tpu.memory_space<semaphore_mem>>) src(%dma_wait3A_242 : memref<80x96xf32, #tpu.memory_space<hbm>>) dst(%dma_wait3A_239 : memref<80x96xf32, #tpu.memory_space<vmem>>)
      } else {
      }
      %rem3A_223 = arith.constant 249 : i32
      %rem3A_224 = arith.constant 2 : i32
      %rem3A_225 = arith.remsi %rem3A_223, %rem3A_224 : i32
      %eq3A_226 = arith.constant 1 : i32
      %eq3A_227 = arith.cmpi eq, %rem3A_225, %eq3A_226 : i32
      %convert_element_type3A_228 = arith.extui %eq3A_227 : i1 to i32
      %cond3A_229 = arith.constant 0 : i32
      %cond3A_230 = arith.cmpi ne, %convert_element_type3A_228, %cond3A_229 : i32
      scf.if %cond3A_230 {
        %dma_wait3A_231 = arith.constant 0 : i32
        %dma_wait3A_232 = arith.constant 0 : i32
        %dma_wait3A_233 = tpu.memref_slice %arg12[%dma_wait3A_231, %dma_wait3A_232] : memref<320x96xf32, #tpu.memory_space<vmem>> -> memref<80x96xf32, #tpu.memory_space<vmem>>
        %dma_wait3A_234 = arith.constant 0 : i32
        %dma_wait3A_235 = arith.constant 0 : i32
        %dma_wait3A_236 = tpu.memref_slice %arg5[%dma_wait3A_234, %dma_wait3A_235] : memref<10000x96xf32, #tpu.memory_space<hbm>> -> memref<80x96xf32, #tpu.memory_space<hbm>>
        %dma_wait3A_237 = arith.constant 0 : i32
        %dma_wait3A_238 = arith.constant 0 : i32
        %dma_wait3A_239 = tpu.memref_slice %arg12[%dma_wait3A_237, %dma_wait3A_238] : memref<320x96xf32, #tpu.memory_space<vmem>> -> memref<80x96xf32, #tpu.memory_space<vmem>>
        %dma_wait3A_240 = arith.constant 0 : i32
        %dma_wait3A_241 = arith.constant 0 : i32
        %dma_wait3A_242 = tpu.memref_slice %arg5[%dma_wait3A_240, %dma_wait3A_241] : memref<10000x96xf32, #tpu.memory_space<hbm>> -> memref<80x96xf32, #tpu.memory_space<hbm>>
        tpu.wait_dma2 semaphore(%arg18 : memref<!tpu.dma_semaphore, #tpu.memory_space<semaphore_mem>>) src(%dma_wait3A_242 : memref<80x96xf32, #tpu.memory_space<hbm>>) dst(%dma_wait3A_239 : memref<80x96xf32, #tpu.memory_space<vmem>>)
      } else {
      }
    } else {
    }
    %barrier3A_103 = arith.constant 0 : index
    tpu.barrier barrier_id(%barrier3A_103)
    %eq3A_104 = arith.constant 0 : i32
    %eq3A_105 = arith.cmpi eq, %arg0, %eq3A_104 : i32
    %convert_element_type3A_106 = arith.extui %eq3A_105 : i1 to i32
    %cond3A_107 = arith.constant 0 : i32
    %cond3A_108 = arith.cmpi ne, %convert_element_type3A_106, %cond3A_107 : i32
    scf.if %cond3A_108 {
      %mul3A_114 = arith.constant 640 : i32
      %mul3A_115 = arith.muli %arg1, %mul3A_114 : i32
      %add3A_116 = arith.constant 0 : i32
      %add3A_117 = arith.addi %mul3A_115, %add3A_116 : i32
      "tpu.region"() ({
        %run_scoped3A = tpu.sem_alloc : memref<!tpu.dma_semaphore, #tpu.memory_space<semaphore_mem>>
        %dma_start3A = arith.constant 0 : i32
        %dma_start3A_146 = tpu.memref_slice %arg8[%add3A_117, %dma_start3A] : memref<10240x96xf32, #tpu.memory_space<hbm>> -> memref<80x96xf32, #tpu.memory_space<hbm>>
        %dma_start3A_147 = arith.constant 0 : i32
        %dma_start3A_148 = tpu.memref_slice %arg13[%add3A_117, %dma_start3A_147] : memref<10240x96xf32, #tpu.memory_space<vmem_shared>> -> memref<80x96xf32, #tpu.memory_space<vmem_shared>>
        tpu.enqueue_dma source(%dma_start3A_148 : memref<80x96xf32, #tpu.memory_space<vmem_shared>>) target(%dma_start3A_146 : memref<80x96xf32, #tpu.memory_space<hbm>>) target_semaphore(%run_scoped3A : memref<!tpu.dma_semaphore, #tpu.memory_space<semaphore_mem>>)
        %dma_wait3A = arith.constant 0 : i32
        %dma_wait3A_149 = tpu.memref_slice %arg8[%add3A_117, %dma_wait3A] : memref<10240x96xf32, #tpu.memory_space<hbm>> -> memref<80x96xf32, #tpu.memory_space<hbm>>
        %dma_wait3A_150 = arith.constant 0 : i32
        %dma_wait3A_151 = tpu.memref_slice %arg13[%add3A_117, %dma_wait3A_150] : memref<10240x96xf32, #tpu.memory_space<vmem_shared>> -> memref<80x96xf32, #tpu.memory_space<vmem_shared>>
        tpu.wait_dma2 semaphore(%run_scoped3A : memref<!tpu.dma_semaphore, #tpu.memory_space<semaphore_mem>>) src(%dma_wait3A_151 : memref<80x96xf32, #tpu.memory_space<vmem_shared>>) dst(%dma_wait3A_149 : memref<80x96xf32, #tpu.memory_space<hbm>>)
        tpu.yield
      }) : () -> ()
      %mul3A_118 = arith.constant 640 : i32
      %mul3A_119 = arith.muli %arg1, %mul3A_118 : i32
      %add3A_120 = arith.constant 80 : i32
      %add3A_121 = arith.addi %mul3A_119, %add3A_120 : i32
      "tpu.region"() ({
        %run_scoped3A = tpu.sem_alloc : memref<!tpu.dma_semaphore, #tpu.memory_space<semaphore_mem>>
        %dma_start3A = arith.constant 0 : i32
        %dma_start3A_146 = tpu.memref_slice %arg8[%add3A_121, %dma_start3A] : memref<10240x96xf32, #tpu.memory_space<hbm>> -> memref<80x96xf32, #tpu.memory_space<hbm>>
        %dma_start3A_147 = arith.constant 0 : i32
        %dma_start3A_148 = tpu.memref_slice %arg13[%add3A_121, %dma_start3A_147] : memref<10240x96xf32, #tpu.memory_space<vmem_shared>> -> memref<80x96xf32, #tpu.memory_space<vmem_shared>>
        tpu.enqueue_dma source(%dma_start3A_148 : memref<80x96xf32, #tpu.memory_space<vmem_shared>>) target(%dma_start3A_146 : memref<80x96xf32, #tpu.memory_space<hbm>>) target_semaphore(%run_scoped3A : memref<!tpu.dma_semaphore, #tpu.memory_space<semaphore_mem>>)
        %dma_wait3A = arith.constant 0 : i32
        %dma_wait3A_149 = tpu.memref_slice %arg8[%add3A_121, %dma_wait3A] : memref<10240x96xf32, #tpu.memory_space<hbm>> -> memref<80x96xf32, #tpu.memory_space<hbm>>
        %dma_wait3A_150 = arith.constant 0 : i32
        %dma_wait3A_151 = tpu.memref_slice %arg13[%add3A_121, %dma_wait3A_150] : memref<10240x96xf32, #tpu.memory_space<vmem_shared>> -> memref<80x96xf32, #tpu.memory_space<vmem_shared>>
        tpu.wait_dma2 semaphore(%run_scoped3A : memref<!tpu.dma_semaphore, #tpu.memory_space<semaphore_mem>>) src(%dma_wait3A_151 : memref<80x96xf32, #tpu.memory_space<vmem_shared>>) dst(%dma_wait3A_149 : memref<80x96xf32, #tpu.memory_space<hbm>>)
        tpu.yield
      }) : () -> ()
      %mul3A_122 = arith.constant 640 : i32
      %mul3A_123 = arith.muli %arg1, %mul3A_122 : i32
      %add3A_124 = arith.constant 160 : i32
      %add3A_125 = arith.addi %mul3A_123, %add3A_124 : i32
      "tpu.region"() ({
        %run_scoped3A = tpu.sem_alloc : memref<!tpu.dma_semaphore, #tpu.memory_space<semaphore_mem>>
        %dma_start3A = arith.constant 0 : i32
        %dma_start3A_146 = tpu.memref_slice %arg8[%add3A_125, %dma_start3A] : memref<10240x96xf32, #tpu.memory_space<hbm>> -> memref<80x96xf32, #tpu.memory_space<hbm>>
        %dma_start3A_147 = arith.constant 0 : i32
        %dma_start3A_148 = tpu.memref_slice %arg13[%add3A_125, %dma_start3A_147] : memref<10240x96xf32, #tpu.memory_space<vmem_shared>> -> memref<80x96xf32, #tpu.memory_space<vmem_shared>>
        tpu.enqueue_dma source(%dma_start3A_148 : memref<80x96xf32, #tpu.memory_space<vmem_shared>>) target(%dma_start3A_146 : memref<80x96xf32, #tpu.memory_space<hbm>>) target_semaphore(%run_scoped3A : memref<!tpu.dma_semaphore, #tpu.memory_space<semaphore_mem>>)
        %dma_wait3A = arith.constant 0 : i32
        %dma_wait3A_149 = tpu.memref_slice %arg8[%add3A_125, %dma_wait3A] : memref<10240x96xf32, #tpu.memory_space<hbm>> -> memref<80x96xf32, #tpu.memory_space<hbm>>
        %dma_wait3A_150 = arith.constant 0 : i32
        %dma_wait3A_151 = tpu.memref_slice %arg13[%add3A_125, %dma_wait3A_150] : memref<10240x96xf32, #tpu.memory_space<vmem_shared>> -> memref<80x96xf32, #tpu.memory_space<vmem_shared>>
        tpu.wait_dma2 semaphore(%run_scoped3A : memref<!tpu.dma_semaphore, #tpu.memory_space<semaphore_mem>>) src(%dma_wait3A_151 : memref<80x96xf32, #tpu.memory_space<vmem_shared>>) dst(%dma_wait3A_149 : memref<80x96xf32, #tpu.memory_space<hbm>>)
        tpu.yield
      }) : () -> ()
      %mul3A_126 = arith.constant 640 : i32
      %mul3A_127 = arith.muli %arg1, %mul3A_126 : i32
      %add3A_128 = arith.constant 240 : i32
      %add3A_129 = arith.addi %mul3A_127, %add3A_128 : i32
      "tpu.region"() ({
        %run_scoped3A = tpu.sem_alloc : memref<!tpu.dma_semaphore, #tpu.memory_space<semaphore_mem>>
        %dma_start3A = arith.constant 0 : i32
        %dma_start3A_146 = tpu.memref_slice %arg8[%add3A_129, %dma_start3A] : memref<10240x96xf32, #tpu.memory_space<hbm>> -> memref<80x96xf32, #tpu.memory_space<hbm>>
        %dma_start3A_147 = arith.constant 0 : i32
        %dma_start3A_148 = tpu.memref_slice %arg13[%add3A_129, %dma_start3A_147] : memref<10240x96xf32, #tpu.memory_space<vmem_shared>> -> memref<80x96xf32, #tpu.memory_space<vmem_shared>>
        tpu.enqueue_dma source(%dma_start3A_148 : memref<80x96xf32, #tpu.memory_space<vmem_shared>>) target(%dma_start3A_146 : memref<80x96xf32, #tpu.memory_space<hbm>>) target_semaphore(%run_scoped3A : memref<!tpu.dma_semaphore, #tpu.memory_space<semaphore_mem>>)
        %dma_wait3A = arith.constant 0 : i32
        %dma_wait3A_149 = tpu.memref_slice %arg8[%add3A_129, %dma_wait3A] : memref<10240x96xf32, #tpu.memory_space<hbm>> -> memref<80x96xf32, #tpu.memory_space<hbm>>
        %dma_wait3A_150 = arith.constant 0 : i32
        %dma_wait3A_151 = tpu.memref_slice %arg13[%add3A_129, %dma_wait3A_150] : memref<10240x96xf32, #tpu.memory_space<vmem_shared>> -> memref<80x96xf32, #tpu.memory_space<vmem_shared>>
        tpu.wait_dma2 semaphore(%run_scoped3A : memref<!tpu.dma_semaphore, #tpu.memory_space<semaphore_mem>>) src(%dma_wait3A_151 : memref<80x96xf32, #tpu.memory_space<vmem_shared>>) dst(%dma_wait3A_149 : memref<80x96xf32, #tpu.memory_space<hbm>>)
        tpu.yield
      }) : () -> ()
      %mul3A_130 = arith.constant 640 : i32
      %mul3A_131 = arith.muli %arg1, %mul3A_130 : i32
      %add3A_132 = arith.constant 320 : i32
      %add3A_133 = arith.addi %mul3A_131, %add3A_132 : i32
      "tpu.region"() ({
        %run_scoped3A = tpu.sem_alloc : memref<!tpu.dma_semaphore, #tpu.memory_space<semaphore_mem>>
        %dma_start3A = arith.constant 0 : i32
        %dma_start3A_146 = tpu.memref_slice %arg8[%add3A_133, %dma_start3A] : memref<10240x96xf32, #tpu.memory_space<hbm>> -> memref<80x96xf32, #tpu.memory_space<hbm>>
        %dma_start3A_147 = arith.constant 0 : i32
        %dma_start3A_148 = tpu.memref_slice %arg13[%add3A_133, %dma_start3A_147] : memref<10240x96xf32, #tpu.memory_space<vmem_shared>> -> memref<80x96xf32, #tpu.memory_space<vmem_shared>>
        tpu.enqueue_dma source(%dma_start3A_148 : memref<80x96xf32, #tpu.memory_space<vmem_shared>>) target(%dma_start3A_146 : memref<80x96xf32, #tpu.memory_space<hbm>>) target_semaphore(%run_scoped3A : memref<!tpu.dma_semaphore, #tpu.memory_space<semaphore_mem>>)
        %dma_wait3A = arith.constant 0 : i32
        %dma_wait3A_149 = tpu.memref_slice %arg8[%add3A_133, %dma_wait3A] : memref<10240x96xf32, #tpu.memory_space<hbm>> -> memref<80x96xf32, #tpu.memory_space<hbm>>
        %dma_wait3A_150 = arith.constant 0 : i32
        %dma_wait3A_151 = tpu.memref_slice %arg13[%add3A_133, %dma_wait3A_150] : memref<10240x96xf32, #tpu.memory_space<vmem_shared>> -> memref<80x96xf32, #tpu.memory_space<vmem_shared>>
        tpu.wait_dma2 semaphore(%run_scoped3A : memref<!tpu.dma_semaphore, #tpu.memory_space<semaphore_mem>>) src(%dma_wait3A_151 : memref<80x96xf32, #tpu.memory_space<vmem_shared>>) dst(%dma_wait3A_149 : memref<80x96xf32, #tpu.memory_space<hbm>>)
        tpu.yield
      }) : () -> ()
      %mul3A_134 = arith.constant 640 : i32
      %mul3A_135 = arith.muli %arg1, %mul3A_134 : i32
      %add3A_136 = arith.constant 400 : i32
      %add3A_137 = arith.addi %mul3A_135, %add3A_136 : i32
      "tpu.region"() ({
        %run_scoped3A = tpu.sem_alloc : memref<!tpu.dma_semaphore, #tpu.memory_space<semaphore_mem>>
        %dma_start3A = arith.constant 0 : i32
        %dma_start3A_146 = tpu.memref_slice %arg8[%add3A_137, %dma_start3A] : memref<10240x96xf32, #tpu.memory_space<hbm>> -> memref<80x96xf32, #tpu.memory_space<hbm>>
        %dma_start3A_147 = arith.constant 0 : i32
        %dma_start3A_148 = tpu.memref_slice %arg13[%add3A_137, %dma_start3A_147] : memref<10240x96xf32, #tpu.memory_space<vmem_shared>> -> memref<80x96xf32, #tpu.memory_space<vmem_shared>>
        tpu.enqueue_dma source(%dma_start3A_148 : memref<80x96xf32, #tpu.memory_space<vmem_shared>>) target(%dma_start3A_146 : memref<80x96xf32, #tpu.memory_space<hbm>>) target_semaphore(%run_scoped3A : memref<!tpu.dma_semaphore, #tpu.memory_space<semaphore_mem>>)
        %dma_wait3A = arith.constant 0 : i32
        %dma_wait3A_149 = tpu.memref_slice %arg8[%add3A_137, %dma_wait3A] : memref<10240x96xf32, #tpu.memory_space<hbm>> -> memref<80x96xf32, #tpu.memory_space<hbm>>
        %dma_wait3A_150 = arith.constant 0 : i32
        %dma_wait3A_151 = tpu.memref_slice %arg13[%add3A_137, %dma_wait3A_150] : memref<10240x96xf32, #tpu.memory_space<vmem_shared>> -> memref<80x96xf32, #tpu.memory_space<vmem_shared>>
        tpu.wait_dma2 semaphore(%run_scoped3A : memref<!tpu.dma_semaphore, #tpu.memory_space<semaphore_mem>>) src(%dma_wait3A_151 : memref<80x96xf32, #tpu.memory_space<vmem_shared>>) dst(%dma_wait3A_149 : memref<80x96xf32, #tpu.memory_space<hbm>>)
        tpu.yield
      }) : () -> ()
      %mul3A_138 = arith.constant 640 : i32
      %mul3A_139 = arith.muli %arg1, %mul3A_138 : i32
      %add3A_140 = arith.constant 480 : i32
      %add3A_141 = arith.addi %mul3A_139, %add3A_140 : i32
      "tpu.region"() ({
        %run_scoped3A = tpu.sem_alloc : memref<!tpu.dma_semaphore, #tpu.memory_space<semaphore_mem>>
        %dma_start3A = arith.constant 0 : i32
        %dma_start3A_146 = tpu.memref_slice %arg8[%add3A_141, %dma_start3A] : memref<10240x96xf32, #tpu.memory_space<hbm>> -> memref<80x96xf32, #tpu.memory_space<hbm>>
        %dma_start3A_147 = arith.constant 0 : i32
        %dma_start3A_148 = tpu.memref_slice %arg13[%add3A_141, %dma_start3A_147] : memref<10240x96xf32, #tpu.memory_space<vmem_shared>> -> memref<80x96xf32, #tpu.memory_space<vmem_shared>>
        tpu.enqueue_dma source(%dma_start3A_148 : memref<80x96xf32, #tpu.memory_space<vmem_shared>>) target(%dma_start3A_146 : memref<80x96xf32, #tpu.memory_space<hbm>>) target_semaphore(%run_scoped3A : memref<!tpu.dma_semaphore, #tpu.memory_space<semaphore_mem>>)
        %dma_wait3A = arith.constant 0 : i32
        %dma_wait3A_149 = tpu.memref_slice %arg8[%add3A_141, %dma_wait3A] : memref<10240x96xf32, #tpu.memory_space<hbm>> -> memref<80x96xf32, #tpu.memory_space<hbm>>
        %dma_wait3A_150 = arith.constant 0 : i32
        %dma_wait3A_151 = tpu.memref_slice %arg13[%add3A_141, %dma_wait3A_150] : memref<10240x96xf32, #tpu.memory_space<vmem_shared>> -> memref<80x96xf32, #tpu.memory_space<vmem_shared>>
        tpu.wait_dma2 semaphore(%run_scoped3A : memref<!tpu.dma_semaphore, #tpu.memory_space<semaphore_mem>>) src(%dma_wait3A_151 : memref<80x96xf32, #tpu.memory_space<vmem_shared>>) dst(%dma_wait3A_149 : memref<80x96xf32, #tpu.memory_space<hbm>>)
        tpu.yield
      }) : () -> ()
      %mul3A_142 = arith.constant 640 : i32
      %mul3A_143 = arith.muli %arg1, %mul3A_142 : i32
      %add3A_144 = arith.constant 560 : i32
      %add3A_145 = arith.addi %mul3A_143, %add3A_144 : i32
      "tpu.region"() ({
        %run_scoped3A = tpu.sem_alloc : memref<!tpu.dma_semaphore, #tpu.memory_space<semaphore_mem>>
        %dma_start3A = arith.constant 0 : i32
        %dma_start3A_146 = tpu.memref_slice %arg8[%add3A_145, %dma_start3A] : memref<10240x96xf32, #tpu.memory_space<hbm>> -> memref<80x96xf32, #tpu.memory_space<hbm>>
        %dma_start3A_147 = arith.constant 0 : i32
        %dma_start3A_148 = tpu.memref_slice %arg13[%add3A_145, %dma_start3A_147] : memref<10240x96xf32, #tpu.memory_space<vmem_shared>> -> memref<80x96xf32, #tpu.memory_space<vmem_shared>>
        tpu.enqueue_dma source(%dma_start3A_148 : memref<80x96xf32, #tpu.memory_space<vmem_shared>>) target(%dma_start3A_146 : memref<80x96xf32, #tpu.memory_space<hbm>>) target_semaphore(%run_scoped3A : memref<!tpu.dma_semaphore, #tpu.memory_space<semaphore_mem>>)
        %dma_wait3A = arith.constant 0 : i32
        %dma_wait3A_149 = tpu.memref_slice %arg8[%add3A_145, %dma_wait3A] : memref<10240x96xf32, #tpu.memory_space<hbm>> -> memref<80x96xf32, #tpu.memory_space<hbm>>
        %dma_wait3A_150 = arith.constant 0 : i32
        %dma_wait3A_151 = tpu.memref_slice %arg13[%add3A_145, %dma_wait3A_150] : memref<10240x96xf32, #tpu.memory_space<vmem_shared>> -> memref<80x96xf32, #tpu.memory_space<vmem_shared>>
        tpu.wait_dma2 semaphore(%run_scoped3A : memref<!tpu.dma_semaphore, #tpu.memory_space<semaphore_mem>>) src(%dma_wait3A_151 : memref<80x96xf32, #tpu.memory_space<vmem_shared>>) dst(%dma_wait3A_149 : memref<80x96xf32, #tpu.memory_space<hbm>>)
        tpu.yield
      }) : () -> ()
    } else {
    }
    %eq3A_109 = arith.constant 1 : i32
    %eq3A_110 = arith.cmpi eq, %arg0, %eq3A_109 : i32
    %convert_element_type3A_111 = arith.extui %eq3A_110 : i1 to i32
    %cond3A_112 = arith.constant 0 : i32
    %cond3A_113 = arith.cmpi ne, %convert_element_type3A_111, %cond3A_112 : i32
    scf.if %cond3A_113 {
      %mul3A_114 = arith.constant 640 : i32
      %mul3A_115 = arith.muli %arg1, %mul3A_114 : i32
      %add3A_116 = arith.constant 0 : i32
      %add3A_117 = arith.addi %mul3A_115, %add3A_116 : i32
      "tpu.region"() ({
        %run_scoped3A = tpu.sem_alloc : memref<!tpu.dma_semaphore, #tpu.memory_space<semaphore_mem>>
        %dma_start3A = arith.constant 0 : i32
        %dma_start3A_146 = tpu.memref_slice %arg10[%add3A_117, %dma_start3A] : memref<10240x96xf32, #tpu.memory_space<hbm>> -> memref<80x96xf32, #tpu.memory_space<hbm>>
        %dma_start3A_147 = arith.constant 0 : i32
        %dma_start3A_148 = tpu.memref_slice %arg13[%add3A_117, %dma_start3A_147] : memref<10240x96xf32, #tpu.memory_space<vmem_shared>> -> memref<80x96xf32, #tpu.memory_space<vmem_shared>>
        tpu.enqueue_dma source(%dma_start3A_148 : memref<80x96xf32, #tpu.memory_space<vmem_shared>>) target(%dma_start3A_146 : memref<80x96xf32, #tpu.memory_space<hbm>>) target_semaphore(%run_scoped3A : memref<!tpu.dma_semaphore, #tpu.memory_space<semaphore_mem>>)
        %dma_wait3A = arith.constant 0 : i32
        %dma_wait3A_149 = tpu.memref_slice %arg10[%add3A_117, %dma_wait3A] : memref<10240x96xf32, #tpu.memory_space<hbm>> -> memref<80x96xf32, #tpu.memory_space<hbm>>
        %dma_wait3A_150 = arith.constant 0 : i32
        %dma_wait3A_151 = tpu.memref_slice %arg13[%add3A_117, %dma_wait3A_150] : memref<10240x96xf32, #tpu.memory_space<vmem_shared>> -> memref<80x96xf32, #tpu.memory_space<vmem_shared>>
        tpu.wait_dma2 semaphore(%run_scoped3A : memref<!tpu.dma_semaphore, #tpu.memory_space<semaphore_mem>>) src(%dma_wait3A_151 : memref<80x96xf32, #tpu.memory_space<vmem_shared>>) dst(%dma_wait3A_149 : memref<80x96xf32, #tpu.memory_space<hbm>>)
        tpu.yield
      }) : () -> ()
      %mul3A_118 = arith.constant 640 : i32
      %mul3A_119 = arith.muli %arg1, %mul3A_118 : i32
      %add3A_120 = arith.constant 80 : i32
      %add3A_121 = arith.addi %mul3A_119, %add3A_120 : i32
      "tpu.region"() ({
        %run_scoped3A = tpu.sem_alloc : memref<!tpu.dma_semaphore, #tpu.memory_space<semaphore_mem>>
        %dma_start3A = arith.constant 0 : i32
        %dma_start3A_146 = tpu.memref_slice %arg10[%add3A_121, %dma_start3A] : memref<10240x96xf32, #tpu.memory_space<hbm>> -> memref<80x96xf32, #tpu.memory_space<hbm>>
        %dma_start3A_147 = arith.constant 0 : i32
        %dma_start3A_148 = tpu.memref_slice %arg13[%add3A_121, %dma_start3A_147] : memref<10240x96xf32, #tpu.memory_space<vmem_shared>> -> memref<80x96xf32, #tpu.memory_space<vmem_shared>>
        tpu.enqueue_dma source(%dma_start3A_148 : memref<80x96xf32, #tpu.memory_space<vmem_shared>>) target(%dma_start3A_146 : memref<80x96xf32, #tpu.memory_space<hbm>>) target_semaphore(%run_scoped3A : memref<!tpu.dma_semaphore, #tpu.memory_space<semaphore_mem>>)
        %dma_wait3A = arith.constant 0 : i32
        %dma_wait3A_149 = tpu.memref_slice %arg10[%add3A_121, %dma_wait3A] : memref<10240x96xf32, #tpu.memory_space<hbm>> -> memref<80x96xf32, #tpu.memory_space<hbm>>
        %dma_wait3A_150 = arith.constant 0 : i32
        %dma_wait3A_151 = tpu.memref_slice %arg13[%add3A_121, %dma_wait3A_150] : memref<10240x96xf32, #tpu.memory_space<vmem_shared>> -> memref<80x96xf32, #tpu.memory_space<vmem_shared>>
        tpu.wait_dma2 semaphore(%run_scoped3A : memref<!tpu.dma_semaphore, #tpu.memory_space<semaphore_mem>>) src(%dma_wait3A_151 : memref<80x96xf32, #tpu.memory_space<vmem_shared>>) dst(%dma_wait3A_149 : memref<80x96xf32, #tpu.memory_space<hbm>>)
        tpu.yield
      }) : () -> ()
      %mul3A_122 = arith.constant 640 : i32
      %mul3A_123 = arith.muli %arg1, %mul3A_122 : i32
      %add3A_124 = arith.constant 160 : i32
      %add3A_125 = arith.addi %mul3A_123, %add3A_124 : i32
      "tpu.region"() ({
        %run_scoped3A = tpu.sem_alloc : memref<!tpu.dma_semaphore, #tpu.memory_space<semaphore_mem>>
        %dma_start3A = arith.constant 0 : i32
        %dma_start3A_146 = tpu.memref_slice %arg10[%add3A_125, %dma_start3A] : memref<10240x96xf32, #tpu.memory_space<hbm>> -> memref<80x96xf32, #tpu.memory_space<hbm>>
        %dma_start3A_147 = arith.constant 0 : i32
        %dma_start3A_148 = tpu.memref_slice %arg13[%add3A_125, %dma_start3A_147] : memref<10240x96xf32, #tpu.memory_space<vmem_shared>> -> memref<80x96xf32, #tpu.memory_space<vmem_shared>>
        tpu.enqueue_dma source(%dma_start3A_148 : memref<80x96xf32, #tpu.memory_space<vmem_shared>>) target(%dma_start3A_146 : memref<80x96xf32, #tpu.memory_space<hbm>>) target_semaphore(%run_scoped3A : memref<!tpu.dma_semaphore, #tpu.memory_space<semaphore_mem>>)
        %dma_wait3A = arith.constant 0 : i32
        %dma_wait3A_149 = tpu.memref_slice %arg10[%add3A_125, %dma_wait3A] : memref<10240x96xf32, #tpu.memory_space<hbm>> -> memref<80x96xf32, #tpu.memory_space<hbm>>
        %dma_wait3A_150 = arith.constant 0 : i32
        %dma_wait3A_151 = tpu.memref_slice %arg13[%add3A_125, %dma_wait3A_150] : memref<10240x96xf32, #tpu.memory_space<vmem_shared>> -> memref<80x96xf32, #tpu.memory_space<vmem_shared>>
        tpu.wait_dma2 semaphore(%run_scoped3A : memref<!tpu.dma_semaphore, #tpu.memory_space<semaphore_mem>>) src(%dma_wait3A_151 : memref<80x96xf32, #tpu.memory_space<vmem_shared>>) dst(%dma_wait3A_149 : memref<80x96xf32, #tpu.memory_space<hbm>>)
        tpu.yield
      }) : () -> ()
      %mul3A_126 = arith.constant 640 : i32
      %mul3A_127 = arith.muli %arg1, %mul3A_126 : i32
      %add3A_128 = arith.constant 240 : i32
      %add3A_129 = arith.addi %mul3A_127, %add3A_128 : i32
      "tpu.region"() ({
        %run_scoped3A = tpu.sem_alloc : memref<!tpu.dma_semaphore, #tpu.memory_space<semaphore_mem>>
        %dma_start3A = arith.constant 0 : i32
        %dma_start3A_146 = tpu.memref_slice %arg10[%add3A_129, %dma_start3A] : memref<10240x96xf32, #tpu.memory_space<hbm>> -> memref<80x96xf32, #tpu.memory_space<hbm>>
        %dma_start3A_147 = arith.constant 0 : i32
        %dma_start3A_148 = tpu.memref_slice %arg13[%add3A_129, %dma_start3A_147] : memref<10240x96xf32, #tpu.memory_space<vmem_shared>> -> memref<80x96xf32, #tpu.memory_space<vmem_shared>>
        tpu.enqueue_dma source(%dma_start3A_148 : memref<80x96xf32, #tpu.memory_space<vmem_shared>>) target(%dma_start3A_146 : memref<80x96xf32, #tpu.memory_space<hbm>>) target_semaphore(%run_scoped3A : memref<!tpu.dma_semaphore, #tpu.memory_space<semaphore_mem>>)
        %dma_wait3A = arith.constant 0 : i32
        %dma_wait3A_149 = tpu.memref_slice %arg10[%add3A_129, %dma_wait3A] : memref<10240x96xf32, #tpu.memory_space<hbm>> -> memref<80x96xf32, #tpu.memory_space<hbm>>
        %dma_wait3A_150 = arith.constant 0 : i32
        %dma_wait3A_151 = tpu.memref_slice %arg13[%add3A_129, %dma_wait3A_150] : memref<10240x96xf32, #tpu.memory_space<vmem_shared>> -> memref<80x96xf32, #tpu.memory_space<vmem_shared>>
        tpu.wait_dma2 semaphore(%run_scoped3A : memref<!tpu.dma_semaphore, #tpu.memory_space<semaphore_mem>>) src(%dma_wait3A_151 : memref<80x96xf32, #tpu.memory_space<vmem_shared>>) dst(%dma_wait3A_149 : memref<80x96xf32, #tpu.memory_space<hbm>>)
        tpu.yield
      }) : () -> ()
      %mul3A_130 = arith.constant 640 : i32
      %mul3A_131 = arith.muli %arg1, %mul3A_130 : i32
      %add3A_132 = arith.constant 320 : i32
      %add3A_133 = arith.addi %mul3A_131, %add3A_132 : i32
      "tpu.region"() ({
        %run_scoped3A = tpu.sem_alloc : memref<!tpu.dma_semaphore, #tpu.memory_space<semaphore_mem>>
        %dma_start3A = arith.constant 0 : i32
        %dma_start3A_146 = tpu.memref_slice %arg10[%add3A_133, %dma_start3A] : memref<10240x96xf32, #tpu.memory_space<hbm>> -> memref<80x96xf32, #tpu.memory_space<hbm>>
        %dma_start3A_147 = arith.constant 0 : i32
        %dma_start3A_148 = tpu.memref_slice %arg13[%add3A_133, %dma_start3A_147] : memref<10240x96xf32, #tpu.memory_space<vmem_shared>> -> memref<80x96xf32, #tpu.memory_space<vmem_shared>>
        tpu.enqueue_dma source(%dma_start3A_148 : memref<80x96xf32, #tpu.memory_space<vmem_shared>>) target(%dma_start3A_146 : memref<80x96xf32, #tpu.memory_space<hbm>>) target_semaphore(%run_scoped3A : memref<!tpu.dma_semaphore, #tpu.memory_space<semaphore_mem>>)
        %dma_wait3A = arith.constant 0 : i32
        %dma_wait3A_149 = tpu.memref_slice %arg10[%add3A_133, %dma_wait3A] : memref<10240x96xf32, #tpu.memory_space<hbm>> -> memref<80x96xf32, #tpu.memory_space<hbm>>
        %dma_wait3A_150 = arith.constant 0 : i32
        %dma_wait3A_151 = tpu.memref_slice %arg13[%add3A_133, %dma_wait3A_150] : memref<10240x96xf32, #tpu.memory_space<vmem_shared>> -> memref<80x96xf32, #tpu.memory_space<vmem_shared>>
        tpu.wait_dma2 semaphore(%run_scoped3A : memref<!tpu.dma_semaphore, #tpu.memory_space<semaphore_mem>>) src(%dma_wait3A_151 : memref<80x96xf32, #tpu.memory_space<vmem_shared>>) dst(%dma_wait3A_149 : memref<80x96xf32, #tpu.memory_space<hbm>>)
        tpu.yield
      }) : () -> ()
      %mul3A_134 = arith.constant 640 : i32
      %mul3A_135 = arith.muli %arg1, %mul3A_134 : i32
      %add3A_136 = arith.constant 400 : i32
      %add3A_137 = arith.addi %mul3A_135, %add3A_136 : i32
      "tpu.region"() ({
        %run_scoped3A = tpu.sem_alloc : memref<!tpu.dma_semaphore, #tpu.memory_space<semaphore_mem>>
        %dma_start3A = arith.constant 0 : i32
        %dma_start3A_146 = tpu.memref_slice %arg10[%add3A_137, %dma_start3A] : memref<10240x96xf32, #tpu.memory_space<hbm>> -> memref<80x96xf32, #tpu.memory_space<hbm>>
        %dma_start3A_147 = arith.constant 0 : i32
        %dma_start3A_148 = tpu.memref_slice %arg13[%add3A_137, %dma_start3A_147] : memref<10240x96xf32, #tpu.memory_space<vmem_shared>> -> memref<80x96xf32, #tpu.memory_space<vmem_shared>>
        tpu.enqueue_dma source(%dma_start3A_148 : memref<80x96xf32, #tpu.memory_space<vmem_shared>>) target(%dma_start3A_146 : memref<80x96xf32, #tpu.memory_space<hbm>>) target_semaphore(%run_scoped3A : memref<!tpu.dma_semaphore, #tpu.memory_space<semaphore_mem>>)
        %dma_wait3A = arith.constant 0 : i32
        %dma_wait3A_149 = tpu.memref_slice %arg10[%add3A_137, %dma_wait3A] : memref<10240x96xf32, #tpu.memory_space<hbm>> -> memref<80x96xf32, #tpu.memory_space<hbm>>
        %dma_wait3A_150 = arith.constant 0 : i32
        %dma_wait3A_151 = tpu.memref_slice %arg13[%add3A_137, %dma_wait3A_150] : memref<10240x96xf32, #tpu.memory_space<vmem_shared>> -> memref<80x96xf32, #tpu.memory_space<vmem_shared>>
        tpu.wait_dma2 semaphore(%run_scoped3A : memref<!tpu.dma_semaphore, #tpu.memory_space<semaphore_mem>>) src(%dma_wait3A_151 : memref<80x96xf32, #tpu.memory_space<vmem_shared>>) dst(%dma_wait3A_149 : memref<80x96xf32, #tpu.memory_space<hbm>>)
        tpu.yield
      }) : () -> ()
      %mul3A_138 = arith.constant 640 : i32
      %mul3A_139 = arith.muli %arg1, %mul3A_138 : i32
      %add3A_140 = arith.constant 480 : i32
      %add3A_141 = arith.addi %mul3A_139, %add3A_140 : i32
      "tpu.region"() ({
        %run_scoped3A = tpu.sem_alloc : memref<!tpu.dma_semaphore, #tpu.memory_space<semaphore_mem>>
        %dma_start3A = arith.constant 0 : i32
        %dma_start3A_146 = tpu.memref_slice %arg10[%add3A_141, %dma_start3A] : memref<10240x96xf32, #tpu.memory_space<hbm>> -> memref<80x96xf32, #tpu.memory_space<hbm>>
        %dma_start3A_147 = arith.constant 0 : i32
        %dma_start3A_148 = tpu.memref_slice %arg13[%add3A_141, %dma_start3A_147] : memref<10240x96xf32, #tpu.memory_space<vmem_shared>> -> memref<80x96xf32, #tpu.memory_space<vmem_shared>>
        tpu.enqueue_dma source(%dma_start3A_148 : memref<80x96xf32, #tpu.memory_space<vmem_shared>>) target(%dma_start3A_146 : memref<80x96xf32, #tpu.memory_space<hbm>>) target_semaphore(%run_scoped3A : memref<!tpu.dma_semaphore, #tpu.memory_space<semaphore_mem>>)
        %dma_wait3A = arith.constant 0 : i32
        %dma_wait3A_149 = tpu.memref_slice %arg10[%add3A_141, %dma_wait3A] : memref<10240x96xf32, #tpu.memory_space<hbm>> -> memref<80x96xf32, #tpu.memory_space<hbm>>
        %dma_wait3A_150 = arith.constant 0 : i32
        %dma_wait3A_151 = tpu.memref_slice %arg13[%add3A_141, %dma_wait3A_150] : memref<10240x96xf32, #tpu.memory_space<vmem_shared>> -> memref<80x96xf32, #tpu.memory_space<vmem_shared>>
        tpu.wait_dma2 semaphore(%run_scoped3A : memref<!tpu.dma_semaphore, #tpu.memory_space<semaphore_mem>>) src(%dma_wait3A_151 : memref<80x96xf32, #tpu.memory_space<vmem_shared>>) dst(%dma_wait3A_149 : memref<80x96xf32, #tpu.memory_space<hbm>>)
        tpu.yield
      }) : () -> ()
      %mul3A_142 = arith.constant 640 : i32
      %mul3A_143 = arith.muli %arg1, %mul3A_142 : i32
      %add3A_144 = arith.constant 560 : i32
      %add3A_145 = arith.addi %mul3A_143, %add3A_144 : i32
      "tpu.region"() ({
        %run_scoped3A = tpu.sem_alloc : memref<!tpu.dma_semaphore, #tpu.memory_space<semaphore_mem>>
        %dma_start3A = arith.constant 0 : i32
        %dma_start3A_146 = tpu.memref_slice %arg10[%add3A_145, %dma_start3A] : memref<10240x96xf32, #tpu.memory_space<hbm>> -> memref<80x96xf32, #tpu.memory_space<hbm>>
        %dma_start3A_147 = arith.constant 0 : i32
        %dma_start3A_148 = tpu.memref_slice %arg13[%add3A_145, %dma_start3A_147] : memref<10240x96xf32, #tpu.memory_space<vmem_shared>> -> memref<80x96xf32, #tpu.memory_space<vmem_shared>>
        tpu.enqueue_dma source(%dma_start3A_148 : memref<80x96xf32, #tpu.memory_space<vmem_shared>>) target(%dma_start3A_146 : memref<80x96xf32, #tpu.memory_space<hbm>>) target_semaphore(%run_scoped3A : memref<!tpu.dma_semaphore, #tpu.memory_space<semaphore_mem>>)
        %dma_wait3A = arith.constant 0 : i32
        %dma_wait3A_149 = tpu.memref_slice %arg10[%add3A_145, %dma_wait3A] : memref<10240x96xf32, #tpu.memory_space<hbm>> -> memref<80x96xf32, #tpu.memory_space<hbm>>
        %dma_wait3A_150 = arith.constant 0 : i32
        %dma_wait3A_151 = tpu.memref_slice %arg13[%add3A_145, %dma_wait3A_150] : memref<10240x96xf32, #tpu.memory_space<vmem_shared>> -> memref<80x96xf32, #tpu.memory_space<vmem_shared>>
        tpu.wait_dma2 semaphore(%run_scoped3A : memref<!tpu.dma_semaphore, #tpu.memory_space<semaphore_mem>>) src(%dma_wait3A_151 : memref<80x96xf32, #tpu.memory_space<vmem_shared>>) dst(%dma_wait3A_149 : memref<80x96xf32, #tpu.memory_space<hbm>>)
        tpu.yield
      }) : () -> ()
    } else {
    }
    return
  }
}

module attributes {stable_mosaic.version = 14 : i64} {
  func.func @_mm_body(%arg0: i32, %arg1: memref<2000x128xf32, #tpu.memory_space<vmem>>, %arg2: memref<128x384xf32, #tpu.memory_space<vmem>>, %arg3: memref<1x384xf32, #tpu.memory_space<vmem>>, %arg4: memref<2000x96xf32, #tpu.memory_space<vmem>>, %arg5: memref<2000x96xf32, #tpu.memory_space<vmem>>, %arg6: memref<2000x96xf32, #tpu.memory_space<vmem>>, %arg7: memref<2000x96xf32, #tpu.memory_space<vmem>>) attributes {dimension_semantics = [#tpu.dimension_semantics<arbitrary>], iteration_bounds = array<i64: 5>, scalar_prefetch = 0 : i64, scratch_operands = 0 : i64, tpu.core_type = #tpu.core_type<tc>, window_params = [{transform_indices = @transform_0, window_bounds = array<i64: 2000, 128>}, {pipeline_mode = #tpu.pipeline_mode<synchronous>, transform_indices = @transform_1, window_bounds = array<i64: 128, 384>}, {pipeline_mode = #tpu.pipeline_mode<synchronous>, transform_indices = @transform_2, window_bounds = array<i64: 1, 384>}, {transform_indices = @transform_3, window_bounds = array<i64: 2000, 96>}, {transform_indices = @transform_4, window_bounds = array<i64: 2000, 96>}, {transform_indices = @transform_5, window_bounds = array<i64: 2000, 96>}, {transform_indices = @transform_6, window_bounds = array<i64: 2000, 96>}]} {
    %get3A = arith.constant 0 : index
    %get3A_0 = arith.constant 0 : index
    %get3A_1 = vector.load %arg1[%get3A, %get3A_0] : memref<2000x128xf32, #tpu.memory_space<vmem>>, vector<2000x128xf32>
    %get3A_2 = arith.constant 0 : index
    %get3A_3 = arith.constant 0 : index
    %get3A_4 = vector.load %arg2[%get3A_2, %get3A_3] : memref<128x384xf32, #tpu.memory_space<vmem>>, vector<128x384xf32>
    %dot_general3A = arith.constant dense<0.000000e+00> : vector<2000x384xf32>
    %dot_general3A_5 = tpu.matmul %get3A_1, %get3A_4, %dot_general3A {dimension_numbers = #tpu.dot_dimension_numbers<[1], [0], [0], [1], [0, 0, 1, 1], [], []>, transpose_lhs_hint = false} : vector<2000x128xf32>, vector<128x384xf32>, vector<2000x384xf32> -> vector<2000x384xf32>
    %get3A_6 = arith.constant 0 : index
    %get3A_7 = arith.constant 0 : index
    %get3A_8 = vector.load %arg3[%get3A_6, %get3A_7] : memref<1x384xf32, #tpu.memory_space<vmem>>, vector<1x384xf32>
    %add3A = vector.broadcast %get3A_8 : vector<1x384xf32> to vector<2000x384xf32>
    %add3A_9 = arith.addf %dot_general3A_5, %add3A : vector<2000x384xf32>
    %slice3A = vector.extract_strided_slice %add3A_9 {offsets = [0, 0], sizes = [2000, 96], strides = [1, 1]} : vector<2000x384xf32> to vector<2000x96xf32>
    %swap3A = arith.constant 0 : index
    %swap3A_10 = arith.constant 0 : index
    %swap3A_11 = vector.load %arg4[%swap3A, %swap3A_10] : memref<2000x96xf32, #tpu.memory_space<vmem>>, vector<2000x96xf32>
    tpu.vector_store %arg4[%swap3A, %swap3A_10], %slice3A {strides = array<i32>} : memref<2000x96xf32, #tpu.memory_space<vmem>>, vector<2000x96xf32>,
    %slice3A_12 = vector.extract_strided_slice %add3A_9 {offsets = [0, 96], sizes = [2000, 96], strides = [1, 1]} : vector<2000x384xf32> to vector<2000x96xf32>
    %swap3A_13 = arith.constant 0 : index
    %swap3A_14 = arith.constant 0 : index
    %swap3A_15 = vector.load %arg5[%swap3A_13, %swap3A_14] : memref<2000x96xf32, #tpu.memory_space<vmem>>, vector<2000x96xf32>
    tpu.vector_store %arg5[%swap3A_13, %swap3A_14], %slice3A_12 {strides = array<i32>} : memref<2000x96xf32, #tpu.memory_space<vmem>>, vector<2000x96xf32>,
    %slice3A_16 = vector.extract_strided_slice %add3A_9 {offsets = [0, 192], sizes = [2000, 96], strides = [1, 1]} : vector<2000x384xf32> to vector<2000x96xf32>
    %swap3A_17 = arith.constant 0 : index
    %swap3A_18 = arith.constant 0 : index
    %swap3A_19 = vector.load %arg6[%swap3A_17, %swap3A_18] : memref<2000x96xf32, #tpu.memory_space<vmem>>, vector<2000x96xf32>
    tpu.vector_store %arg6[%swap3A_17, %swap3A_18], %slice3A_16 {strides = array<i32>} : memref<2000x96xf32, #tpu.memory_space<vmem>>, vector<2000x96xf32>,
    %slice3A_20 = vector.extract_strided_slice %add3A_9 {offsets = [0, 288], sizes = [2000, 96], strides = [1, 1]} : vector<2000x384xf32> to vector<2000x96xf32>
    %swap3A_21 = arith.constant 0 : index
    %swap3A_22 = arith.constant 0 : index
    %swap3A_23 = vector.load %arg7[%swap3A_21, %swap3A_22] : memref<2000x96xf32, #tpu.memory_space<vmem>>, vector<2000x96xf32>
    tpu.vector_store %arg7[%swap3A_21, %swap3A_22], %slice3A_20 {strides = array<i32>} : memref<2000x96xf32, #tpu.memory_space<vmem>>, vector<2000x96xf32>,
    return
  }
  func.func @transform_0(%arg0: i32) -> (i32, i32) {
    %c0_i32 = arith.constant 0 : i32
    %c0_i32_0 = arith.constant 0 : i32
    return %arg0, %c0_i32 : i32, i32
  }
  func.func @transform_1(%arg0: i32) -> (i32, i32) {
    %c0_i32 = arith.constant 0 : i32
    %c0_i32_0 = arith.constant 0 : i32
    %c0_i32_1 = arith.constant 0 : i32
    return %c0_i32, %c0_i32_0 : i32, i32
  }
  func.func @transform_2(%arg0: i32) -> (i32, i32) {
    %c0_i32 = arith.constant 0 : i32
    %c0_i32_0 = arith.constant 0 : i32
    %c0_i32_1 = arith.constant 0 : i32
    return %c0_i32, %c0_i32_0 : i32, i32
  }
  func.func @transform_3(%arg0: i32) -> (i32, i32) {
    %c0_i32 = arith.constant 0 : i32
    %c0_i32_0 = arith.constant 0 : i32
    return %arg0, %c0_i32 : i32, i32
  }
  func.func @transform_4(%arg0: i32) -> (i32, i32) {
    %c0_i32 = arith.constant 0 : i32
    %c0_i32_0 = arith.constant 0 : i32
    return %arg0, %c0_i32 : i32, i32
  }
  func.func @transform_5(%arg0: i32) -> (i32, i32) {
    %c0_i32 = arith.constant 0 : i32
    %c0_i32_0 = arith.constant 0 : i32
    return %arg0, %c0_i32 : i32, i32
  }
  func.func @transform_6(%arg0: i32) -> (i32, i32) {
    %c0_i32 = arith.constant 0 : i32
    %c0_i32_0 = arith.constant 0 : i32
    return %arg0, %c0_i32 : i32, i32
  }
}

module attributes {stable_mosaic.version = 14 : i64} {
  func.func @_ep_body(%arg0: i32, %arg1: memref<2000x96xf32, #tpu.memory_space<vmem>>, %arg2: memref<2000x96xf32, #tpu.memory_space<vmem>>, %arg3: memref<2000x96xf32, #tpu.memory_space<vmem>>, %arg4: memref<2000x96xf32, #tpu.memory_space<vmem>>, %arg5: memref<1x3xf32, #tpu.memory_space<smem>>, %arg6: memref<2000x128xf32, #tpu.memory_space<vmem>>) attributes {dimension_semantics = [#tpu.dimension_semantics<arbitrary>], iteration_bounds = array<i64: 5>, scalar_prefetch = 0 : i64, scratch_operands = 0 : i64, tpu.core_type = #tpu.core_type<tc>, window_params = [{transform_indices = @transform_0, window_bounds = array<i64: 2000, 96>}, {transform_indices = @transform_1, window_bounds = array<i64: 2000, 96>}, {transform_indices = @transform_2, window_bounds = array<i64: 2000, 96>}, {transform_indices = @transform_3, window_bounds = array<i64: 2000, 96>}, {transform_indices = @transform_4, window_bounds = array<i64: 1, 3>}, {transform_indices = @transform_5, window_bounds = array<i64: 2000, 128>}]} {
    %get3A = arith.constant 0 : index
    %get3A_0 = arith.constant 0 : index
    %get3A_1 = vector.load %arg1[%get3A, %get3A_0] : memref<2000x96xf32, #tpu.memory_space<vmem>>, vector<2000x96xf32>
    %get3A_2 = arith.constant 0 : index
    %get3A_3 = arith.constant 0 : index
    %get3A_4 = vector.load %arg2[%get3A_2, %get3A_3] : memref<2000x96xf32, #tpu.memory_space<vmem>>, vector<2000x96xf32>
    %get3A_5 = arith.constant 0 : index
    %get3A_6 = arith.constant 0 : index
    %get3A_7 = vector.load %arg3[%get3A_5, %get3A_6] : memref<2000x96xf32, #tpu.memory_space<vmem>>, vector<2000x96xf32>
    %get3A_8 = arith.constant 0 : index
    %get3A_9 = arith.constant 0 : index
    %get3A_10 = vector.load %arg4[%get3A_8, %get3A_9] : memref<2000x96xf32, #tpu.memory_space<vmem>>, vector<2000x96xf32>
    %get3A_11 = arith.constant 0 : index
    %get3A_12 = arith.constant 0 : index
    %get3A_13 = memref.load %arg5[%get3A_11, %get3A_12] : memref<1x3xf32, #tpu.memory_space<smem>>
    %get3A_14 = arith.constant 0 : index
    %get3A_15 = arith.constant 1 : index
    %get3A_16 = memref.load %arg5[%get3A_14, %get3A_15] : memref<1x3xf32, #tpu.memory_space<smem>>
    %get3A_17 = arith.constant 0 : index
    %get3A_18 = arith.constant 2 : index
    %get3A_19 = memref.load %arg5[%get3A_17, %get3A_18] : memref<1x3xf32, #tpu.memory_space<smem>>
    %slice3A = vector.extract_strided_slice %get3A_4 {offsets = [0, 0], sizes = [2000, 32], strides = [1, 1]} : vector<2000x96xf32> to vector<2000x32xf32>
    %concatenate3A = tpu.concatenate %get3A_1, %slice3A in 1 : vector<2000x96xf32>, vector<2000x32xf32> -> vector<2000x128xf32>
    %slice3A_20 = vector.extract_strided_slice %get3A_4 {offsets = [0, 32], sizes = [2000, 64], strides = [1, 1]} : vector<2000x96xf32> to vector<2000x64xf32>
    %slice3A_21 = vector.extract_strided_slice %get3A_7 {offsets = [0, 0], sizes = [2000, 64], strides = [1, 1]} : vector<2000x96xf32> to vector<2000x64xf32>
    %concatenate3A_22 = tpu.concatenate %slice3A_20, %slice3A_21 in 1 : vector<2000x64xf32>, vector<2000x64xf32> -> vector<2000x128xf32>
    %slice3A_23 = vector.extract_strided_slice %get3A_7 {offsets = [0, 64], sizes = [2000, 32], strides = [1, 1]} : vector<2000x96xf32> to vector<2000x32xf32>
    %concatenate3A_24 = tpu.concatenate %slice3A_23, %get3A_10 in 1 : vector<2000x32xf32>, vector<2000x96xf32> -> vector<2000x128xf32>
    %max3A = arith.constant 0.000000e+00 : f32
    %max3A_25 = vector.broadcast %max3A : f32 to vector<2000x128xf32>
    %max3A_26 = arith.maximumf %concatenate3A, %max3A_25 : vector<2000x128xf32>
    %mul3A = vector.broadcast %get3A_13 : f32 to vector<2000x128xf32>
    %mul3A_27 = arith.mulf %mul3A, %max3A_26 : vector<2000x128xf32>
    %max3A_28 = arith.constant 0.000000e+00 : f32
    %max3A_29 = vector.broadcast %max3A_28 : f32 to vector<2000x128xf32>
    %max3A_30 = arith.maximumf %concatenate3A_22, %max3A_29 : vector<2000x128xf32>
    %mul3A_31 = vector.broadcast %get3A_16 : f32 to vector<2000x128xf32>
    %mul3A_32 = arith.mulf %mul3A_31, %max3A_30 : vector<2000x128xf32>
    %add3A = arith.addf %mul3A_27, %mul3A_32 : vector<2000x128xf32>
    %max3A_33 = arith.constant 0.000000e+00 : f32
    %max3A_34 = vector.broadcast %max3A_33 : f32 to vector<2000x128xf32>
    %max3A_35 = arith.maximumf %concatenate3A_24, %max3A_34 : vector<2000x128xf32>
    %mul3A_36 = vector.broadcast %get3A_19 : f32 to vector<2000x128xf32>
    %mul3A_37 = arith.mulf %mul3A_36, %max3A_35 : vector<2000x128xf32>
    %add3A_38 = arith.addf %add3A, %mul3A_37 : vector<2000x128xf32>
    %reduce_max3A = arith.constant dense<0xFF800000> : vector<2000xf32>
    %reduce_max3A_39 = vector.multi_reduction <maximumf>, %add3A_38, %reduce_max3A [1] : vector<2000x128xf32> to vector<2000xf32>
    %broadcast_in_dim3A = vector.shape_cast %reduce_max3A_39 : vector<2000xf32> to vector<2000x1xf32>
    %sub3A = vector.broadcast %broadcast_in_dim3A : vector<2000x1xf32> to vector<2000x128xf32>
    %sub3A_40 = arith.subf %add3A_38, %sub3A : vector<2000x128xf32>
    %exp3A = math.exp %sub3A_40 : vector<2000x128xf32>
    %reduce_sum3A = arith.constant dense<0.000000e+00> : vector<2000xf32>
    %reduce_sum3A_41 = vector.multi_reduction <add>, %exp3A, %reduce_sum3A [1] : vector<2000x128xf32> to vector<2000xf32>
    %broadcast_in_dim3A_42 = vector.shape_cast %reduce_sum3A_41 : vector<2000xf32> to vector<2000x1xf32>
    %log3A = math.log %broadcast_in_dim3A_42 : vector<2000x1xf32>
    %add3A_43 = arith.addf %log3A, %broadcast_in_dim3A : vector<2000x1xf32>
    %sub3A_44 = vector.broadcast %add3A_43 : vector<2000x1xf32> to vector<2000x128xf32>
    %sub3A_45 = arith.subf %add3A_38, %sub3A_44 : vector<2000x128xf32>
    %swap3A = arith.constant 0 : index
    %swap3A_46 = arith.constant 0 : index
    %swap3A_47 = vector.load %arg6[%swap3A, %swap3A_46] : memref<2000x128xf32, #tpu.memory_space<vmem>>, vector<2000x128xf32>
    tpu.vector_store %arg6[%swap3A, %swap3A_46], %sub3A_45 {strides = array<i32>} : memref<2000x128xf32, #tpu.memory_space<vmem>>, vector<2000x128xf32>,
    return
  }
  func.func @transform_0(%arg0: i32) -> (i32, i32) {
    %c0_i32 = arith.constant 0 : i32
    %c0_i32_0 = arith.constant 0 : i32
    return %arg0, %c0_i32 : i32, i32
  }
  func.func @transform_1(%arg0: i32) -> (i32, i32) {
    %c0_i32 = arith.constant 0 : i32
    %c0_i32_0 = arith.constant 0 : i32
    return %arg0, %c0_i32 : i32, i32
  }
  func.func @transform_2(%arg0: i32) -> (i32, i32) {
    %c0_i32 = arith.constant 0 : i32
    %c0_i32_0 = arith.constant 0 : i32
    return %arg0, %c0_i32 : i32, i32
  }
  func.func @transform_3(%arg0: i32) -> (i32, i32) {
    %c0_i32 = arith.constant 0 : i32
    %c0_i32_0 = arith.constant 0 : i32
    return %arg0, %c0_i32 : i32, i32
  }
  func.func @transform_4(%arg0: i32) -> (i32, i32) {
    %c0_i32 = arith.constant 0 : i32
    %c0_i32_0 = arith.constant 0 : i32
    %c0_i32_1 = arith.constant 0 : i32
    return %c0_i32, %c0_i32_0 : i32, i32
  }
  func.func @transform_5(%arg0: i32) -> (i32, i32) {
    %c0_i32 = arith.constant 0 : i32
    %c0_i32_0 = arith.constant 0 : i32
    return %arg0, %c0_i32 : i32, i32
  }
}

</mosaic_0001>

<sc_bundles>
// kernel: kernel.5.cloned.1.call-start
scs
__scs_entry_jumppad:
0x0: {  	(pc) =	sbr.rel $0x88, $3  }
0x1: {  	(tag) =	ssettag $0x0;
	lr =	simm.s32 $0x1  }
0x2: {  	[smem:$0x3F9B] =	sst lr;
	_ =	strace $0xD0000000  }
0x3: {  	_ = 	snop  }
0x4: {  	_ = 	snop  }
0x5: {  	_ = 	snop  }
0x6: {  	_ = 	snop  }
0x7: {  	_ = 	snop  }
__scs_overlays_trampoline_lowered:
0x8: {  	[smem:$0x3FAA] =	sst s0  }
0x9: {  	[smem:$0x3FAB] =	sst s1  }
0xa: {  	[smem:$0x3FAC] =	sst s2  }
0xb: {  	[smem:$0x3FAD] =	sst s3  }
0xc: {  	[smem:$0x3FAE] =	sst s4  }
0xd: {  	[smem:$0x3FAF] =	sst s5  }
0xe: {  	[smem:$0x3FB0] =	sst s6  }
0xf: {  	[smem:$0x3FB1] =	sst s7  }
0x10: {  	[smem:$0x3FB2] =	sst s8  }
0x11: {  	[smem:$0x3FB3] =	sst s9;
	s0 =	simm.s32 @!p0 $0x0  }
0x12: {  	s1 =	sld [smem:$0x3F99];
	s0 =	simm.s32 @p0 $0x1  }
0x13: {  	[smem:$0x3FB4] =	sst s0;
	s0 =	simm.s32 @!p1 $0x0  }
0x14: {  	s2 =	sld [smem:$0x3F98];
	s0 =	simm.s32 @p1 $0x1  }
0x15: {  	[smem:$0x3FB5] =	sst s0;
	s0 =	simm.s32 @!p2 $0x0  }
0x16: {  	s3 =	sld [smem:$0x3FDB];
	s0 =	simm.s32 @p2 $0x1  }
0x17: {  	s4 =	simm.s32 $0x1BF5;
	[smem:$0x3FB7] =	sst s0  }
0x18: {  	s0 =	sld [smem:$0x3F9A];
	_ =	swait.ge [sflag:s4], $0x0  }
0x19: {  	s7 =	sld [smem:$0x3F9B]  }
0x1a: {  	s8 =	sadd.s32 $0xFFFFE003, lr  }
0x1b: {  	s9 =	sadd.s32 $0xFFFFFEF7, lr;
	s5 =	simm.s32 $0xFFFFFFFF;
	p2 =	slt.u32 s8, $0xFFFFF086  }
0x1c: {  	p1 =	slt.u32 s9, $0xF7A;
	s5 =	simm.s32 @!p2 $0x0  }
0x1d: {  	s5 =	simm.s32 @p1 $0x1;
	p0 =	seq.s32 s7, s2  }
0x1e: {  	s7 =	smul.u32 @!p0 $0xF7A, s2;
	p2 =	seq.s32 @!p0 s5, $0x0  }
0x1f: {  	s9 =	smul.u32 $0xF7A, s1;
	s8 =	simm.s32 @!p0 $0x1BF5;
	p2 =	por !p2, p0  }
0x20: {  	[sflag:s8] =	ssyncset.s32 @!p0 $0xFFFFF086;
	s6 =	sadd.s32 @!p0 s3, s7;
	s7 =	simm.s32 @!p0 $0x108  }
0x21: {  	s3 =	sadd.s32 s3, s9;
	s6 =	sadd.s32 @!p0 $0x88, s6;
	s7 =	simm.s32 @p2 $0x1082  }
0x22: {  	[simem:s7], [sflag:s8] =	dma.local @!p0 [hbm:s6], $0xF7A  }
0x23: {  	s9 =	sor.u32 $0xD0000000, s2;
	s6 =	simm.s32 $0x108;
	_ =	swait.ge @!p0 [sflag:s8], $0x0  }
0x24: {  	s3 =	sadd.s32 $0x88, s3;
	s6 =	simm.s32 @!p1 $0x1082;
	[sflag:s4] =	ssyncset.s32 $0xFFFFF086  }
0x25: {  	[simem:s6], [sflag:s4] =	dma.local [hbm:s3], $0xF7A  }
0x26: {  	[smem:$0x3F9B] =	sst s1;
	(tag) =	ssettag s2;
	_ =	strace s9  }
0x27: {  	s1 =	sld [smem:$0x3FAB]  }
0x28: {  	s2 =	sld [smem:$0x3FAC]  }
0x29: {  	s4 =	sld [smem:$0x3FAE]  }
0x2a: {  	p0 =	seq.s32 s5, $0x0;
	s5 =	sld [smem:$0x3FAF]  }
0x2b: {  	s6 =	sld [smem:$0x3FB0]  }
0x2c: {  	s7 =	sld [smem:$0x3FB1]  }
0x2d: {  	s3 =	simm.s32 $0x108;
	s8 =	sld [smem:$0x3FB2]  }
0x2e: {  	s3 =	simm.s32 @!p0 $0x1082;
	s9 =	sld [smem:$0x3FB3]  }
0x2f: {  	lr =	sadd.s32 s0, s3;
	s0 =	sld [smem:$0x3FAA]  }
0x30: {  	s3 =	sld [smem:$0x3FAD]  }
0x31: {  	[smem:$0x3FB6] =	sst s10  }
0x32: {  	s10 =	sld [smem:$0x3FB4];
	_ =	sdelay $0x3  }
0x33: {  	p0 =	seq.s32 s10, $0x1;
	s10 =	sld [smem:$0x3FB6];
	_ =	sdelay $0x3  }
0x34: {  	[smem:$0x3FB6] =	sst s10  }
0x35: {  	s10 =	sld [smem:$0x3FB5];
	_ =	sdelay $0x3  }
0x36: {  	p1 =	seq.s32 s10, $0x1;
	s10 =	sld [smem:$0x3FB6];
	_ =	sdelay $0x3  }
0x37: {  	[smem:$0x3FB6] =	sst s10  }
0x38: {  	s10 =	sld [smem:$0x3FB7]  }
0x39: {  	_ = 	snop;
	(pc) =	sbr.ind lr, $3  }
0x3a: {  	_ = 	snop  }
0x3b: {  	_ = 	snop  }
0x3c: {  	p2 =	seq.s32 s10, $0x1;
	s10 =	sld [smem:$0x3FB6]  }
0x3d: {  	_ =	shalt  }
0x3e: {  	_ =	shalt  }
0x3f: {  	_ =	shalt  }
0x40: {  	_ =	shalt  }
0x41: {  	_ =	shalt  }
0x42: {  	_ =	shalt  }
0x43: {  	_ =	shalt  }
0x44: {  	_ =	shalt  }
0x45: {  	_ =	shalt  }
0x46: {  	_ =	shalt  }
0x47: {  	_ =	shalt  }
0x48: {  	_ =	shalt  }
0x49: {  	_ =	shalt  }
0x4a: {  	_ =	shalt  }
0x4b: {  	_ =	shalt  }
0x4c: {  	_ =	shalt  }
0x4d: {  	_ =	shalt  }
0x4e: {  	_ =	shalt  }
0x4f: {  	_ =	shalt  }
0x50: {  	_ =	shalt  }
0x51: {  	_ =	shalt  }
0x52: {  	_ =	shalt  }
0x53: {  	_ =	shalt  }
0x54: {  	_ =	shalt  }
0x55: {  	_ =	shalt  }
0x56: {  	_ =	shalt  }
0x57: {  	_ =	shalt  }
0x58: {  	_ =	shalt  }
0x59: {  	_ =	shalt  }
0x5a: {  	_ =	shalt  }
0x5b: {  	_ =	shalt  }
0x5c: {  	_ =	shalt  }
0x5d: {  	_ =	shalt  }
0x5e: {  	_ =	shalt  }
0x5f: {  	_ =	shalt  }
0x60: {  	_ =	shalt  }
0x61: {  	_ =	shalt  }
0x62: {  	_ =	shalt  }
0x63: {  	_ =	shalt  }
0x64: {  	_ =	shalt  }
0x65: {  	_ =	shalt  }
0x66: {  	_ =	shalt  }
0x67: {  	_ =	shalt  }
0x68: {  	_ =	shalt  }
0x69: {  	_ =	shalt  }
0x6a: {  	_ =	shalt  }
0x6b: {  	_ =	shalt  }
0x6c: {  	_ =	shalt  }
0x6d: {  	_ =	shalt  }
0x6e: {  	_ =	shalt  }
0x6f: {  	_ =	shalt  }
0x70: {  	_ =	shalt  }
0x71: {  	_ =	shalt  }
0x72: {  	_ =	shalt  }
0x73: {  	_ =	shalt  }
0x74: {  	_ =	shalt  }
0x75: {  	_ =	shalt  }
0x76: {  	_ =	shalt  }
0x77: {  	_ =	shalt  }
0x78: {  	_ =	shalt  }
0x79: {  	_ =	shalt  }
0x7a: {  	_ =	shalt  }
0x7b: {  	_ =	shalt  }
0x7c: {  	_ =	shalt  }
0x7d: {  	_ =	shalt  }
0x7e: {  	_ =	shalt  }
0x7f: {  	_ =	shalt  }
0x80: {  	_ =	shalt  }
0x81: {  	_ =	shalt  }
0x82: {  	_ =	shalt  }
0x83: {  	_ =	shalt  }
0x84: {  	_ =	shalt  }
0x85: {  	_ =	shalt  }
0x86: {  	_ =	shalt  }
0x87: {  	_ =	shalt  }
.Lfunc_end0:
.L_simem_size_0:
called_computation_lowered:
.L_overlay_start_0:
0x88: {  	s2 =	sld [smem:$0x3FD9]  }
0x89: {  	s3 =	sld [smem:$0x3FFE];
	_ =	sdelay $0x1  }
0x8a: {  	s1 =	srdreg.scid  }
0x8b: {  	s0 =	sand.u32 $0x1, s1  }
0x8c: {  	s17 =	sshll.u32 s0, $0xA;
	s2 =	sadd.s32 s3, s2  }
0x8d: {  	s2 =	sadd.s32 s2, s17  }
0x8e: {  	[smem:$0x3FC2] =	sst s2  }
0x8f: {  	_ = 	snop  }
0x90: {  	s2 =	sld [smem:$0x3FD0];
	(tm) =	ssettm $0x1  }
0x91: {  	s18 =	sld [smem:$0x3FFB];
	_ =	sdelay $0x3  }
0x92: {  	_ =	strace s18  }
0x93: {  	s3 =	sld [smem:$0x3FFC];
	_ =	sdelay $0x3  }
0x94: {  	_ =	strace s3  }
0x95: {  	s3 =	sld [smem:$0x3FFD];
	_ =	sdelay $0x3  }
0x96: {  	_ =	strace s3  }
0x97: {  	_ =	strace $0x8FFFFFFF  }
0x98: {  	s19 =	sld [smem:$0x3FDB];
	_ =	sdelay $0x1  }
0x99: {  	s4 =	simm.s32 $_scs_section_size  }
0x9a: {  	s5 =	simm.s32 $_size__tile_overlayer_lowered;
	s6 =	simm.s32 $_tile_overlayer_lowered  }
0x9b: {  	s22 =	simm.s32 $0x1BFF;
	s21 =	sshll.u32 s6, $0x1;
	s3 =	sadd.s32 s4, s19  }
0x9c: {  	s7 =	simm.s32 $0x0;
	s20 =	sshll.u32 s5, $0x1;
	s5 =	sadd.s32 s21, s3  }
0x9d: {  	[timem:s7], [sflag:s22] =	dma.local [hbm:s5], s20  }
0x9e: {  	_ =	swait.ge [sflag:s22], s20  }
0x9f: {  	s4 =	ssub.s32 $0x0, s20;
	[sflag:s22] =	ssyncset.done $0x0  }
0xa0: {  	[sflag:s22] =	ssyncadd.s32 s4;
	_ =	sdelay $0x1  }
0xa1: {  	s23 =	simm.s32 $0x1B8B  }
0xa2: {  	_ =	swait.ge [sflag:s23], $0x1  }
0xa3: {  	[sflag:s23] =	ssyncset.done $0x0  }
0xa4: {  	s25 =	simm.s32 $0x1B8E;
	s24 =	sld [smem:$0x3FFE];
	[sflag:s23] =	ssyncadd.s32 $0xFFFFFFFF  }
0xa5: {  	s26 =	simm.s32 $execute0_lowered;
	[smem:$0x3FD2] =	sst s25  }
0xa6: {  	s5 =	sshll.u32 s26, $0x1;
	_ =	strace $0x80000046;
	[dreg:$0x1] =	wrdreg $0xFFFFFFFF  }
0xa7: {  	s28 =	simm.s32 $_size_execute0_lowered;
	s3 =	sadd.s32 s3, s5;
	[dreg:$0x0] =	wrdreg $0x0  }
0xa8: {  	s5 =	sshll.u32 s28, $0x1;
	[dreg:$0x2] =	wrdreg s3  }
0xa9: {  	[dreg:$0x3] =	wrdreg s5  }
0xaa: {  	[dreg:$0x4] =	wrdreg $0xC0  }
0xab: {  	_ =	task [dreg:s7], $0x5FFFF  }
0xac: {  	[dreg:$0x1] =	wrdreg $0xFFFFFFFF  }
0xad: {  	[dreg:$0x0] =	wrdreg $0x60  }
0xae: {  	[dreg:$0x2] =	wrdreg s24  }
0xaf: {  	[dreg:$0x3] =	wrdreg s2  }
0xb0: {  	[dreg:$0x4] =	wrdreg $0x7CB00  }
0xb1: {  	[dreg:$0x5] =	wrdreg $0x9  }
0xb2: {  	_ =	task.clear_ibuf [dreg:s7], $0x6FFFF;
	_ =	strace $0x90000046  }
0xb3: {  	s29 =	simm.s32 $0x9;
	_ =	strace $0x80000048  }
0xb4: {  	_ =	swait.ge [sflag:s29], $0x1  }
0xb5: {  	[sflag:s29] =	ssyncadd.s32 $0xFFFFFFFF  }
0xb6: {  	_ =	strace $0x90000048  }
0xb7: {  	_ =	sfence  }
0xb8: {  	s30 =	sld [smem:$0x0];
	_ =	sdelay $0x2  }
0xb9: {  	s31 =	sshll.u32 s1, $0xD;
	s1 =	sshrl.u32 s1, $0x2  }
0xba: {  	s3 =	sand.u32 $0x4000, s31;
	s1 =	sadd.s32 s1, s30  }
0xbb: {  	s0 =	sor.u32 s3, s0;
	s1 =	sshll.u32 s1, $0x11  }
0xbc: {  	s0 =	sor.u32 s1, s0  }
0xbd: {  	s0 =	sadd.s32 $0x8F2B, s0  }
0xbe: {  	[sflag:s0] =	ssyncadd.remote.s32 $0x1  }
0xbf: {  	_ =	sfence.sel $0xFFFF  }
0xc0: {  	[dreg:$0x0] =	wrdreg $0xFFFFFFFF;
	(pc) =	sbr.abs _section_cstart, $3  }
0xc1: {  	[dreg:$0x1] =	wrdreg $0xFFFFFFFF  }
0xc2: {  	_ =	task.clear_ibuf [dreg:s7], $0x2FFFF;
	_ =	strace $0x9FFFFFFF  }
0xc3: {  	(tm) =	ssettm $0x7FFFFFFF  }
tec
execute0_lowered:
.L_overlay_start_1:
0x0: {  	(tag) =	ssettag $0x1  }
0x1: {  	s0 =	rddreg [dreg:$0x0]  }
0x2: {  	s2 =	rddreg [dreg:$0x2];
	s1 =	simm.s32 $0x0;
	s28 =	srdreg.scid  }
0x3: {  	s17 =	stileid.u32;
	[smem:$0x7FF] =	sst s1;
	s4 =	sadd.s32 $0x59000, s0  }
0x4: {  	s6 =	sadd.s32 $0x3BA00, s0;
	s7 =	sadd.s32 $0x1E400, s0;
	s8 =	sadd.s32 $0xE00, s0  }
0x5: {  	s1 =	sand.u32 $0x1, s28;
	s9 =	sadd.s32 $0x76600, s0;
	s10 =	sadd.s32 $0x93C00, s0  }
0x6: {  	s29 =	sadd.s32 $0xB1C00, s0;
	_ =	strace $0x80000047;
	[dreg:$0x4] =	wrdreg s10  }
0x7: {  	s5 =	smul.u32 $0xF000, s17;
	s0 =	sadd.s32 $0xCFC00, s0;
	[dreg:$0x5] =	wrdreg s29  }
0x8: {  	s3 =	ssub.s32 $0x2, s1;
	[dreg:$0x6] =	wrdreg s0  }
0x9: {  	s30 =	sshrl.u32 s3, $0x1;
	s31 =	sadd.s32 $0x1E00, s5;
	s15 =	sadd.s32 s5, s2  }
0xa: {  	s11 =	sadd.s32 $0x3C00, s5;
	[dreg:$0x7] =	wrdreg s15;
	s16 =	sadd.s32 s31, s2  }
0xb: {  	s0 =	ssub.s32 s3, s30;
	s3 =	sshrl.u32 s31, $0x3;
	[dreg:$0x8] =	wrdreg s16  }
0xc: {  	v0 =	vimm.s32 $0xC26100;
	s20 =	sadd.s32 s11, s2;
	[dreg:$0xc] =	wrdreg s3  }
0xd: {  	v0 =	vunpack.c.0.s8.s32 v0;
	s12 =	sadd.s32 $0x5A00, s5;
	s21 =	sshrl.u32 s11, $0x3;
	[dreg:$0xd] =	wrdreg s20  }
0xe: {  	s22 =	sadd.s32 s12, s2;
	[dreg:$0xe] =	wrdreg s21  }
0xf: {  	vm0 =	vcmask $0xB00;
	v0 =	vand.u32 $0xFF, v0;
	s13 =	sadd.s32 $0x7800, s5;
	s23 =	sshrl.u32 s12, $0x3;
	[dreg:$0xf] =	wrdreg s22  }
0x10: {  	vm4 =	vcmask $0xF0C;
	s18 =	smul.u32 $0xEA60, s17;
	v0 =	vnsel vm0, $0x5A7, v0;
	s24 =	sadd.s32 s13, s2;
	[dreg:$0x10] =	wrdreg s23  }
0x11: {  	vm5 =	vcmask $0x1310;
	s14 =	sadd.s32 $0x9600, s5;
	s25 =	sshrl.u32 s13, $0x3;
	v0 =	vsel vm4, $0x123, v0;
	[dreg:$0x11] =	wrdreg s24  }
0x12: {  	vm6 =	vcmask $0x1714;
	p0 =	sne.s32 s1, $0x0;
	s26 =	sadd.s32 s14, s2;
	[dreg:$0x12] =	wrdreg s25;
	v0 =	vsel vm5, $0x184, v0  }
0x13: {  	vm7 =	vcmask $0x1B18;
	s19 =	sadd.s32 $0xD200, s5;
	s28 =	sshrl.u32 s14, $0x3;
	[dreg:$0x13] =	wrdreg s26;
	v0 =	vsel vm6, $0x1E5, v0  }
0x14: {  	vm8 =	vcmask $0x1F1C;
	s10 =	sshrl.u32 s18, $0x3;
	s31 =	sadd.s32 s19, s2;
	[dreg:$0x14] =	wrdreg s28;
	v0 =	vsel vm7, $0x246, v0  }
0x15: {  	vm9 =	vcmask $0x2320;
	s10 =	sadd.s32 s9, s10;
	s1 =	sshrl.u32 s19, $0x3;
	[dreg:$0x17] =	wrdreg s31;
	v0 =	vsel vm8, $0x2A7, v0  }
0x16: {  	vm10 =	vcmask $0x2724;
	s15 =	smul.u32 $0x1D4C, s17;
	s10 =	sadd.s32 $0x1E, s10;
	[dreg:$0x18] =	wrdreg s1;
	v0 =	vsel vm9, $0x300, v0  }
0x17: {  	vm11 =	vcmask $0x2B28;
	s16 =	sadd.s32 $0xB400, s5;
	s5 =	sshrl.u32 s5, $0x3;
	[dreg:$0xa] =	wrdreg s10;
	v1 =	vsel vm10, $0x361, v0  }
.Ltmp0:
0x18: {  	vm12 =	vcmask $0x2F2C;
	vm13 =	vcmask $0x3330;
	s0 =	smax.u32 s0, $0x1;
	[dreg:$0xb] =	wrdreg s5;
	v2 =	vsel vm11, $0x3C2, v1;
	(pc) =	sbr.rel .LBB2_1-.Ltmp0, $4  }
0x19: {  	vm14 =	vcmask $0x3734;
	vm15 =	vcmask $0x3B38;
	s11 =	simm.s32 $0x6;
	s15 =	sadd.s32 s9, s15;
	[dreg:$0x19] =	wrdreg s0;
	v3 =	vsel vm12, $0x423, v2  }
0x1a: {  	s1 =	smul.u32 $0xFA, s17;
	s29 =	sadd.s32 s16, s2;
	[dreg:$0x9] =	wrdreg s15;
	v0 =	vimm.f32 $0.0e+00;
	v1 =	vlaneseq.u32;
	v3 =	vsel vm13, $0x484, v3  }
0x1b: {  	s30 =	sshrl.u32 s16, $0x3;
	s10 =	simm.s32 $0x4B0;
	[dreg:$0x15] =	wrdreg s29;
	v2 =	vmul.u32 $0x60, v1;
	v5 =	vshrl.u32 v1, $0x3;
	v3 =	vsel vm14, $0x4E5, v3  }
0x1c: {  	s5 =	simm.s32 $0x50;
	[dreg:$0x16] =	wrdreg s30;
	s15 =	simm.s32 $0x0;
	v4 =	vmul.u32 $0x61, v1;
	v5 =	vmul.u32 $0x8, v5;
	v3 =	vsel vm15, $0x546, v3  }
.LBB2_51:
0x1d: {  	s3 =	simm.s32 $0x4  }
0x1e: {  	_ =	swait.ge [sflag:s3], $0x1E00  }
0x1f: {  	[sflag:s3] =	ssyncset.done $0x0  }
0x20: {  	s13 =	simm.s32 $0x5;
	[sflag:s3] =	ssyncadd.s32 $0xFFFFE200  }
0x21: {  	_ =	swait.ge [sflag:s13], $0x1E00  }
0x22: {  	[sflag:s13] =	ssyncset.done $0x0  }
0x23: {  	[sflag:s13] =	ssyncadd.s32 $0xFFFFE200  }
0x24: {  	s14 =	rddreg [dreg:$0xb];
	[bflag:$0x0] =	sbarrier.arrive $0xFFFF  }
0x25: {  	s3 =	sadd.s32 s0, s14;
	s12 =	rddreg [dreg:$0x1a]  }
0x26: {  	[hbm:s3], [sflag:s16] =	dma.local [spmem:s12], $0x3C0  }
0x27: {  	_ =	swait.ge [sflag:s11], $0x3C0  }
0x28: {  	[sflag:s11] =	ssyncset.done $0x0;
	s17 =	rddreg [dreg:$0xc]  }
0x29: {  	s18 =	rddreg [dreg:$0x1b];
	s3 =	sadd.s32 s0, s17;
	[sflag:s11] =	ssyncadd.s32 $0xFFFFFC40  }
0x2a: {  	[hbm:s3], [sflag:s16] =	dma.local [spmem:s18], $0x3C0  }
0x2b: {  	_ =	swait.ge [sflag:s11], $0x3C0  }
0x2c: {  	[sflag:s11] =	ssyncset.done $0x0;
	s19 =	rddreg [dreg:$0xe]  }
0x2d: {  	s20 =	rddreg [dreg:$0x1c];
	s3 =	sadd.s32 s0, s19;
	[sflag:s11] =	ssyncadd.s32 $0xFFFFFC40  }
0x2e: {  	[hbm:s3], [sflag:s16] =	dma.local [spmem:s20], $0x3C0  }
0x2f: {  	_ =	swait.ge [sflag:s11], $0x3C0  }
0x30: {  	[sflag:s11] =	ssyncset.done $0x0;
	s21 =	rddreg [dreg:$0x10]  }
0x31: {  	s22 =	rddreg [dreg:$0x1d];
	s3 =	sadd.s32 s0, s21;
	[sflag:s11] =	ssyncadd.s32 $0xFFFFFC40  }
0x32: {  	[hbm:s3], [sflag:s16] =	dma.local [spmem:s22], $0x3C0  }
0x33: {  	_ =	swait.ge [sflag:s11], $0x3C0  }
0x34: {  	[sflag:s11] =	ssyncset.done $0x0;
	s23 =	rddreg [dreg:$0x12]  }
0x35: {  	s24 =	rddreg [dreg:$0x1e];
	s3 =	sadd.s32 s0, s23;
	[sflag:s11] =	ssyncadd.s32 $0xFFFFFC40  }
0x36: {  	[hbm:s3], [sflag:s16] =	dma.local [spmem:s24], $0x3C0  }
0x37: {  	_ =	swait.ge [sflag:s11], $0x3C0  }
0x38: {  	[sflag:s11] =	ssyncset.done $0x0;
	s25 =	rddreg [dreg:$0x14]  }
0x39: {  	s3 =	sadd.s32 s0, s25;
	[sflag:s11] =	ssyncadd.s32 $0xFFFFFC40  }
0x3a: {  	[hbm:s3], [sflag:s16] =	dma.local [spmem:s26], $0x3C0  }
0x3b: {  	_ =	swait.ge [sflag:s11], $0x3C0  }
0x3c: {  	[sflag:s11] =	ssyncset.done $0x0;
	s28 =	rddreg [dreg:$0x16]  }
0x3d: {  	s3 =	sadd.s32 s0, s28;
	[sflag:s11] =	ssyncadd.s32 $0xFFFFFC40  }
0x3e: {  	[hbm:s3], [sflag:s16] =	dma.local [spmem:s29], $0x3C0  }
0x3f: {  	_ =	swait.ge [sflag:s11], $0x3C0  }
0x40: {  	[sflag:s11] =	ssyncset.done $0x0;
	s29 =	rddreg [dreg:$0x18]  }
0x41: {  	s30 =	sadd.s32 s0, s29;
	[sflag:s11] =	ssyncadd.s32 $0xFFFFFC40  }
0x42: {  	[hbm:s30], [sflag:s16] =	dma.local [spmem:s31], $0x3C0  }
0x43: {  	_ =	swait.ge [sflag:s11], $0x3C0  }
0x44: {  	s15 =	sadd.s32 $0x1, s15;
	s31 =	rddreg [dreg:$0x19]  }
0x45: {  	p1 =	sne.s32 s15, s31  }
.Ltmp1:
0x46: {  	_ = 	snop;
	(pc) =	sbr.rel @!p1 .LBB2_52-.Ltmp1, $3  }
0x47: {  	_ =	sdelay $0x1  }
0x48: {  	[sflag:s11] =	ssyncset.done $0x0  }
0x49: {  	[sflag:s11] =	ssyncadd.s32 $0xFFFFFC40  }
.LBB2_1:
0x4a: {  	s0 =	simm.s32 $0x0  }
0x4b: {  	[tilespmem:s0+$0x500] =	vst v0  }
0x4c: {  	[tilespmem:s0+$0x4B0] =	vst v0  }
0x4d: {  	[tilespmem:s0+$0x4C0] =	vst v0  }
0x4e: {  	[tilespmem:s0+$0x4D0] =	vst v0  }
0x4f: {  	s3 =	simm.s32 $0x180;
	[tilespmem:s0+$0x4E0] =	vst v0  }
.LBB2_2:
0x50: {  	p1 =	sne.s32 s3, $0x7680;
	[tilespmem:s0+$0x4F0] =	vst v0;
	s0 =	sshra.s32 s3, $0x2;
	s3 =	sadd.s32 $0x180, s3  }
.Ltmp2:
0x51: {  	[tilespmem:s0+$0x500] =	vst v0;
	(pc) =	sbr.rel @p1 .LBB2_2-.Ltmp2, $4  }
0x52: {  	[tilespmem:s0+$0x4B0] =	vst v0  }
0x53: {  	[tilespmem:s0+$0x4C0] =	vst v0  }
0x54: {  	[tilespmem:s0+$0x4D0] =	vst v0  }
0x55: {  	[tilespmem:s0+$0x4E0] =	vst v0  }
0x56: {  	[tilespmem:s0+$0x4F0] =	vst v0;
	s20 =	rddreg [dreg:$0x7]  }
0x57: {  	[spmem:s20] =	stream.linear.scatter [tilespmem:s10], [sflag:$0x6], $0x1E00, $0x38;
	[tilespmem:$0x16CB0] =	vst v63  }
0x58: {  	_ =	swait.ge [sflag:s11], $0x1E00  }
0x59: {  	[sflag:s11] =	ssyncset.done $0x0  }
0x5a: {  	s21 =	rddreg [dreg:$0x8];
	[sflag:s11] =	ssyncadd.s32 $0xFFFFE200  }
0x5b: {  	[spmem:s21] =	stream.linear.scatter [tilespmem:s10], [sflag:$0x6], $0x1E00, $0x38;
	[tilespmem:$0x16CB0] =	vst v63  }
0x5c: {  	_ =	swait.ge [sflag:s11], $0x1E00  }
0x5d: {  	[sflag:s11] =	ssyncset.done $0x0  }
0x5e: {  	s22 =	rddreg [dreg:$0xd];
	[sflag:s11] =	ssyncadd.s32 $0xFFFFE200  }
0x5f: {  	[spmem:s22] =	stream.linear.scatter [tilespmem:s10], [sflag:$0x6], $0x1E00, $0x38;
	[tilespmem:$0x16CB0] =	vst v63  }
0x60: {  	_ =	swait.ge [sflag:s11], $0x1E00  }
0x61: {  	[sflag:s11] =	ssyncset.done $0x0  }
0x62: {  	s23 =	rddreg [dreg:$0xf];
	[sflag:s11] =	ssyncadd.s32 $0xFFFFE200  }
0x63: {  	[spmem:s23] =	stream.linear.scatter [tilespmem:s10], [sflag:$0x6], $0x1E00, $0x38;
	[tilespmem:$0x16CB0] =	vst v63  }
0x64: {  	_ =	swait.ge [sflag:s11], $0x1E00  }
0x65: {  	[sflag:s11] =	ssyncset.done $0x0  }
0x66: {  	s24 =	rddreg [dreg:$0x11];
	[sflag:s11] =	ssyncadd.s32 $0xFFFFE200  }
0x67: {  	[spmem:s24] =	stream.linear.scatter [tilespmem:s10], [sflag:$0x6], $0x1E00, $0x38;
	[tilespmem:$0x16CB0] =	vst v63  }
0x68: {  	_ =	swait.ge [sflag:s11], $0x1E00  }
0x69: {  	[sflag:s11] =	ssyncset.done $0x0  }
0x6a: {  	s25 =	rddreg [dreg:$0x13];
	[sflag:s11] =	ssyncadd.s32 $0xFFFFE200  }
0x6b: {  	[spmem:s25] =	stream.linear.scatter [tilespmem:s10], [sflag:$0x6], $0x1E00, $0x38;
	[tilespmem:$0x16CB0] =	vst v63  }
0x6c: {  	_ =	swait.ge [sflag:s11], $0x1E00  }
0x6d: {  	[sflag:s11] =	ssyncset.done $0x0  }
0x6e: {  	s26 =	rddreg [dreg:$0x15];
	[sflag:s11] =	ssyncadd.s32 $0xFFFFE200  }
0x6f: {  	[spmem:s26] =	stream.linear.scatter [tilespmem:s10], [sflag:$0x6], $0x1E00, $0x38;
	[tilespmem:$0x16CB0] =	vst v63  }
0x70: {  	_ =	swait.ge [sflag:s11], $0x1E00  }
0x71: {  	[sflag:s11] =	ssyncset.done $0x0  }
0x72: {  	s28 =	rddreg [dreg:$0x17];
	[sflag:s11] =	ssyncadd.s32 $0xFFFFE200  }
0x73: {  	[spmem:s28] =	stream.linear.scatter [tilespmem:s10], [sflag:$0x6], $0x1E00, $0x38;
	[tilespmem:$0x16CB0] =	vst v63  }
0x74: {  	_ =	swait.ge [sflag:s11], $0x1E00  }
0x75: {  	[sflag:s11] =	ssyncset.done $0x0  }
0x76: {  	[sflag:s11] =	ssyncadd.s32 $0xFFFFE200  }
0x77: {  	[bflag:$0x0] =	sbarrier.arrive $0xFFFF  }
0x78: {  	s29 =	simm.s32 $0x0;
	s3 =	rddreg [dreg:$0x9]  }
0x79: {  	[tilespmem:s29], [sflag:$0x1] =	stream.linear.gather [hbm4b:s3+s29], $0xF0, $0x38;
	[tilespmem:$0x16CB0] =	vst v63  }
.Ltmp3:
0x7a: {  	s30 =	simm.s32 $0x1;
	(pc) =	sbr.rel @p0 .LBB2_14-.Ltmp3, $4  }
0x7b: {  	_ =	swait.ge [sflag:s30], $0xF0  }
0x7c: {  	[sflag:s30] =	ssyncset.done $0x0  }
0x7d: {  	s12 =	simm.s32 $0xF0;
	s31 =	rddreg [dreg:$0xa];
	[sflag:s30] =	ssyncadd.s32 $0xFFFFFF10  }
0x7e: {  	[tilespmem:s12], [sflag:$0x1] =	stream.linear.gather [hbm4b:s31+s29], $0xF0, $0x38;
	[tilespmem:$0x16CB0] =	vst v63  }
0x7f: {  	s14 =	simm.s32 $0x0  }
0x80: {  	[tilespmem:s10], [sflag:$0x2] =	stream.indirect.gather [hbm4b:s4+s5], $0x60, s14, s5, $0xb8;
	[tilespmem:$0x16CB0] =	vst v63  }
.LBB2_5:
0x81: {  	s13 =	sadd.s32 $0x1, s14;
	p1 =	seq.s32 s14, $0xF9  }
0x82: {  	s0 =	sand.u32 @!p1 $0xFF, s13  }
0x83: {  	s0 =	smul.u32 @!p1 $0xCD, s0  }
0x84: {  	s3 =	simm.s32 @!p1 $0x1  }
0x85: {  	s12 =	sand.u32 @!p1 $0x3, s13;
	s16 =	sand.u32 @!p1 $0x1, s13;
	s0 =	sshrl.u32 @!p1 s0, $0xA  }
0x86: {  	_ =	swait.ge @!p1 [sflag:s3], $0xF0;
	p2 =	seq.s32 @!p1 s16, $0x1;
	s0 =	smul.u32 @!p1 $0x5, s0  }
0x87: {  	s12 =	smul.u32 @!p1 $0x7800, s12;
	s16 =	simm.s32 @!p1 $0x3;
	[sflag:s3] =	ssyncset.done @!p1 $0x0  }
0x88: {  	p3 =	por !p2, p1;
	p2 =	sgt.u32 @!p1 s14, $0xF7;
	s0 =	ssub.s32 @!p1 s13, s0  }
0x89: {  	s16 =	simm.s32 @p3 $0x2;
	p3 =	por p2, p1;
	s0 =	sand.u32 @!p1 $0xFF, s0  }
0x8a: {  	s12 =	sshrl.u32 @!p1 s12, $0x2;
	s17 =	sadd.s32 @!p3 $0x2, s14;
	s0 =	smul.u32 @!p1 $0x3C0, s0  }
0x8b: {  	[sflag:s3] =	ssyncadd.s32 @!p1 $0xFFFFFF10;
	s3 =	sadd.s32 @!p1 $0x4B0, s12;
	s12 =	sand.u32 @!p3 $0xFF, s17  }
0x8c: {  	s18 =	simm.s32 @!p1 $0x50;
	s12 =	smul.u32 @!p3 $0xCD, s12;
	s0 =	sshrl.u32 @!p1 s0, $0x2  }
0x8d: {  	[tilespmem:s3], [sflag:s16] =	stream.indirect.gather @!p1 [hbm4b:s4+s18], $0x60, s0, s18, $0xb8;
	[tilespmem:$0x16CB0] =	vst v63  }
0x8e: {  	s0 =	sshrl.u32 @!p3 s12, $0xA  }
0x8f: {  	s0 =	smul.u32 @!p3 $0x5, s0  }
0x90: {  	s3 =	sadd.s32 @!p3 s1, s14  }
0x91: {  	s3 =	smul.u32 @!p3 $0xF0, s3;
	s0 =	ssub.s32 @!p3 s17, s0  }
0x92: {  	s0 =	sand.u32 @!p3 $0xFF, s0  }
0x93: {  	s3 =	sshrl.u32 @!p3 s3, $0x3;
	s0 =	smul.u32 @!p3 $0x3C0, s0  }
0x94: {  	s3 =	sadd.s32 @!p3 s9, s3  }
0x95: {  	s12 =	simm.s32 @!p3 $0x0;
	s3 =	sadd.s32 @!p3 $0x3C, s3;
	s0 =	sshrl.u32 @!p3 s0, $0x2  }
0x96: {  	[tilespmem:s0], [sflag:$0x1] =	stream.linear.gather @!p3 [hbm4b:s3+s12], $0xF0, $0x38;
	[tilespmem:$0x16CB0] =	vst v63  }
0x97: {  	s0 =	sand.u32 @!p3 $0x1, s14  }
0x98: {  	p3 =	seq.s32 @!p3 s0, $0x0  }
0x99: {  	p3 =	por @!p1 p2, p3  }
0x9a: {  	p3 =	por p1, !p3  }
.Ltmp4:
0x9b: {  	_ = 	snop;
	(pc) =	sbr.rel @p3 .LBB2_7-.Ltmp4, $1  }
0x9c: {  	_ =	sdelay $0x3  }
.Ltmp5:
0x9d: {  	(pc) =	sbr.rel .LBB2_8-.Ltmp5, $3  }
0x9e: {  	_ =	sdelay $0x1  }
0x9f: {  	s16 =	simm.s32 @!p1 $0x4;
	s0 =	simm.s32 @!p1 $0x2;
	p1 =	por !p2, p1  }
0xa0: {  	s0 =	simm.s32 @p1 $0x2;
	s16 =	simm.s32 @p1 $0x4  }
.LBB2_7:
0xa1: {  	s16 =	simm.s32 $0x5;
	s0 =	simm.s32 $0x3  }
.LBB2_8:
0xa2: {  	s3 =	smul.u32 $0xCD, s14;
	_ =	sdelay $0x1  }
0xa3: {  	s3 =	sshrl.u32 s3, $0xA  }
0xa4: {  	s3 =	sand.u32 $0x3F, s3  }
0xa5: {  	s3 =	smul.u32 $0x5, s3;
	_ =	sdelay $0x1  }
0xa6: {  	s3 =	ssub.s32 s14, s3  }
0xa7: {  	s3 =	sand.u32 $0xFF, s3  }
0xa8: {  	s3 =	smul.u32 $0x3C0, s3;
	_ =	sdelay $0x1  }
0xa9: {  	_ =	swait.ge [sflag:s0], $0x1E00;
	s18 =	sand.u32 $0x3, s14;
	s17 =	sshrl.u32 s3, $0x2  }
0xaa: {  	s20 =	simm.s32 $0x0;
	[sflag:s0] =	ssyncset.done $0x0;
	s31 =	sadd.s32 $0xA0, s17  }
0xab: {  	s21 =	simm.s32 $0x0;
	s19 =	smul.u32 $0x50, s18;
	[sflag:s0] =	ssyncadd.s32 $0xFFFFE200;
	v6 =	vmov s31  }
.LBB2_9:
0xac: {  	s0 =	sshll.u32 s21, $0x4;
	s29 =	simm.s32 $0x1  }
0xad: {  	s12 =	simm.s32 $0x2;
	s30 =	simm.s32 $0x4;
	s31 =	simm.s32 $0x5;
	v10 =	vxor.u32 s29, v1  }
0xae: {  	s22 =	simm.s32 $0x9;
	s24 =	simm.s32 $0xC;
	s25 =	simm.s32 $0xE;
	v11 =	vxor.u32 s12, v1;
	v12 =	vxor.u32 s30, v1;
	v14 =	vxor.u32 s31, v1  }
0xaf: {  	s26 =	simm.s32 $0xD;
	s28 =	simm.s32 $0xA;
	s3 =	sadd.s32 s19, s0;
	v16 =	vxor.u32 s22, v1;
	v19 =	vxor.u32 s24, v1;
	v20 =	vxor.u32 s25, v1  }
0xb0: {  	s12 =	simm.s32 $0x7;
	v25 =	vxor.u32 s26, v1;
	v27 =	vxor.u32 s28, v1;
	v7 =	vmov s3  }
0xb1: {  	s23 =	simm.s32 $0xB;
	v13 =	vand.u32 $0x78, v10;
	v15 =	vxor.u32 s12, v1;
	v26 =	vand.u32 $0x7, v10  }
0xb2: {  	s22 =	simm.s32 $0x8;
	v17 =	vand.u32 $0x78, v14;
	v10 =	vxor.u32 s23, v1;
	v7 =	vmul.u32 $0x60, v7  }
0xb3: {  	v21 =	vand.u32 $0x7, v12;
	v18 =	vand.u32 $0x78, v16;
	v24 =	vxor.u32 s22, v5  }
0xb4: {  	v23 =	vand.u32 $0x78, v20;
	v20 =	vand.u32 $0x7, v20;
	v9 =	vbroadcast v7, $0x0  }
0xb5: {  	v33 =	vand.u32 $0x7, v16;
	v16 =	vand.u32 $0x78, v25;
	v25 =	vand.u32 $0x7, v25  }
0xb6: {  	v34 =	vand.u32 $0x78, v12;
	v22 =	vand.u32 $0x78, v15;
	v8 =	vadd.s32 v2, v9  }
0xb7: {  	v29 =	vand.u32 $0x7, v10;
	v31 =	vand.u32 $0x78, v10;
	v23 =	vadd.s32 v8, v23  }
0xb8: {  	v9 =	vadd.s32 v3, v9;
	v30 =	vadd.s32 v8, v16;
	v28 =	vor.u32 v20, v23  }
0xb9: {  	v24 =	vadd.s32 v9, v24;
	v20 =	vand.u32 $0x78, v19;
	v30 =	vor.u32 v25, v30  }
0xba: {  	v16 =	vadd.s32 v8, v20;
	v20 =	vand.u32 $0x7, v19;
	v19 =	vadd.s32 s20, v7  }
0xbb: {  	v35 =	vadd.s32 v8, v18;
	v18 =	vadd.s32 v8, v31;
	v12 =	vbroadcast v19, $0x0  }
0xbc: {  	v10 =	vld.idx.msk [tilespmem:v6+s0+$0x0 ss:$0x1], $0xffff;
	v62 =	vadd.s32 v8, v13;
	v13 =	vand.u32 $0x7, v27;
	v23 =	vand.u32 $0x78, v27  }
0xbd: {  	v32 =	vadd.s32 v8, v23;
	v23 =	vadd.s32 v8, v17;
	v12 =	vadd.s32 v4, v12;
	v17 =	vld.idx.msk [tilespmem:v28+s10+$0x0], $0xffff  }
0xbe: {  	s29 =	simm.s32 $0x6;
	v25 =	vand.u32 $0x7, v14;
	v18 =	vor.u32 v29, v18;
	v29 =	vadd.s32 v8, v34;
	v31 =	vld.idx.msk [tilespmem:v30+s10+$0x0], $0xffff  }
0xbf: {  	s31 =	simm.s32 $0xF;
	v14 =	vxor.u32 s29, v1;
	v27 =	vadd.s32 v8, v22;
	v22 =	vor.u32 v21, v29  }
0xc0: {  	v21 =	vxor.u32 s31, v1;
	v19 =	vand.u32 $0x7, v14;
	v14 =	vand.u32 $0x78, v14  }
0xc1: {  	v15 =	vand.u32 $0x7, v15;
	v63 =	vand.u32 $0x78, v21;
	v14 =	vadd.s32 v8, v14  }
0xc2: {  	s30 =	simm.s32 $0x3;
	v19 =	vor.u32 v19, v14;
	v14 =	vor.u32 v13, v32;
	v36 =	vld.idx.msk [tilespmem:v12+s10+$0x0], $0xffff;
	v17 =	vmul.f32 v17, v10  }
0xc3: {  	v21 =	vand.u32 $0x7, v21;
	v13 =	vxor.u32 s30, v1;
	v37 =	vld.idx.msk [tilespmem:v24+s10+$0x0], $0xffff;
	v31 =	vmul.f32 v31, v10  }
0xc4: {  	v29 =	vand.u32 $0x78, v13;
	v38 =	vand.u32 $0x7, v13;
	[tilespmem:v28+s10+$0x0] =	vst.idx.msk $0xffff, v17;
	v28 =	vadd.s32 v8, v63  }
0xc5: {  	v32 =	vld.idx.msk [tilespmem:v18+s10+$0x0], $0xffff;
	v17 =	vand.u32 $0x78, v11;
	v11 =	vand.u32 $0x7, v11;
	[tilespmem:v30+s10+$0x0] =	vst.idx.msk $0xffff, v31;
	v13 =	vor.u32 v21, v28  }
0xc6: {  	v17 =	vadd.s32 v8, v17;
	v28 =	vadd.s32 v8, v29;
	v21 =	vor.u32 v15, v27  }
0xc7: {  	v30 =	vld.idx.msk [tilespmem:v14+s10+$0x0], $0xffff;
	v27 =	vor.u32 v26, v62;
	v15 =	vor.u32 v33, v35;
	v29 =	vmul.f32 v36, v10  }
0xc8: {  	s23 =	simm.s32 $0x10;
	v31 =	vld.idx.msk [tilespmem:v22+s10+$0x0], $0xffff;
	v17 =	vor.u32 v11, v17;
	v11 =	vor.u32 v38, v28;
	v28 =	vmul.f32 v37, v10  }
.LBB2_10:
0xc9: {  	s0 =	sadd.s32 $0x1, s23  }
0xca: {  	s22 =	sadd.s32 $0x2, s23;
	s12 =	sadd.s32 $0x3, s23;
	v33 =	vld.idx.msk [tilespmem:v19+s10+$0x0], $0xffff;
	v32 =	vmul.f32 v32, v10;
	v34 =	vor.u32 v20, v16;
	s3 =	smov.u32 s23  }
0xcb: {  	s24 =	sadd.s32 $0x8, s23;
	v35 =	vor.u32 v25, v23;
	v16 =	vxor.u32 s0, v1;
	v26 =	vxor.u32 s22, v1;
	s0 =	sadd.s32 $0x4, s23;
	s22 =	sadd.s32 $0x5, s23;
	[tilespmem:v24+s10+$0x0] =	vst.idx.msk $0xffff, v28;
	v36 =	vld.idx.msk [tilespmem:v13+s10+$0x0], $0xffff  }
0xcc: {  	s25 =	sadd.s32 $0x9, s23;
	v37 =	vand.u32 $0x78, v16;
	v23 =	vxor.u32 s0, v1;
	v24 =	vxor.u32 s22, v1;
	s22 =	sadd.s32 $0x7, s23;
	s0 =	sadd.s32 $0xF, s23;
	v25 =	vld.idx.msk [tilespmem:v21+s10+$0x0], $0xffff  }
0xcd: {  	v20 =	vxor.u32 s25, v1;
	s25 =	sadd.s32 $0xA, s3;
	s26 =	sadd.s32 $0xB, s3;
	v30 =	vmul.f32 v30, v10;
	v38 =	vxor.u32 s22, v1;
	s22 =	sadd.s32 $0x10, s23;
	v39 =	vld.idx.msk [tilespmem:v17+s10+$0x0], $0xffff  }
0xce: {  	p1 =	slt.u32 s23, $0x50;
	v28 =	vand.u32 $0x7, v16;
	v16 =	vxor.u32 s26, v1;
	s26 =	sadd.s32 $0xC, s3;
	v40 =	vand.u32 $0x78, v24;
	v41 =	vld.idx.msk [tilespmem:v27+s10+$0x0], $0xffff  }
0xcf: {  	v43 =	vand.u32 $0x78, v20;
	v42 =	vand.u32 $0x7, v23;
	v44 =	vxor.u32 s26, v1;
	s23 =	sadd.s32 $0xD, s3;
	s26 =	sadd.s32 $0xE, s3;
	v45 =	vld.idx.msk [tilespmem:v34+s10+$0x0], $0xffff  }
0xd0: {  	v46 =	vand.u32 $0x78, v38;
	v47 =	vxor.u32 s26, v1;
	v31 =	vmul.f32 v31, v10;
	v48 =	vld.idx.msk [tilespmem:v35+s10+$0x0], $0xffff  }
0xd1: {  	v49 =	vxor.u32 s24, v5;
	v50 =	vxor.u32 s23, v1;
	v51 =	vand.u32 $0x78, v47  }
0xd2: {  	v52 =	vand.u32 $0x7, v20;
	v53 =	vand.u32 $0x7, v16;
	v20 =	vmul.f32 v33, v10;
	[tilespmem:v18+s10+$0x0] =	vst.idx.msk $0xffff, v32  }
0xd3: {  	v33 =	vadd.s32 v8, v51;
	v32 =	vxor.u32 s25, v1;
	v18 =	vand.u32 $0x7, v47;
	[tilespmem:v12+s10+$0x0] =	vst.idx.msk $0xffff, v29;
	v29 =	vld.idx.msk [tilespmem:v15+s10+$0x0], $0xffff  }
0xd4: {  	v47 =	vand.u32 $0x78, v44;
	v12 =	vand.u32 $0x78, v32;
	v33 =	vor.u32 v18, v33;
	[tilespmem:v19+s10+$0x0] =	vst.idx.msk $0xffff, v20  }
0xd5: {  	v18 =	vand.u32 $0x78, v16;
	v16 =	vadd.s32 v8, v47;
	v19 =	vmul.f32 v45, v10;
	[tilespmem:v22+s10+$0x0] =	vst.idx.msk $0xffff, v31  }
0xd6: {  	v20 =	vand.u32 $0x7, v44;
	v22 =	vand.u32 $0x78, v50;
	v31 =	vmul.f32 v41, v10  }
0xd7: {  	v41 =	vadd.s32 v8, v12;
	v12 =	vand.u32 $0x7, v50;
	v22 =	vadd.s32 v8, v22;
	[tilespmem:v34+s10+$0x0] =	vst.idx.msk $0xffff, v19  }
0xd8: {  	v19 =	vand.u32 $0x78, v23;
	v34 =	vor.u32 v12, v22;
	v12 =	vmul.f32 v25, v10;
	[tilespmem:v14+s10+$0x0] =	vst.idx.msk $0xffff, v30  }
0xd9: {  	v23 =	vadd.s32 v8, v40;
	v14 =	vadd.s32 s3, v7;
	v30 =	vmul.f32 v48, v10;
	v22 =	vld.idx.msk [tilespmem:v33+s10+$0x0], $0xffff  }
0xda: {  	v25 =	vand.u32 $0x7, v24;
	v24 =	vadd.s32 v9, v49;
	v14 =	vbroadcast v14, $0x0;
	[tilespmem:v27+s10+$0x0] =	vst.idx.msk $0xffff, v31;
	v27 =	vld.idx.msk [tilespmem:v11+s10+$0x0], $0xffff  }
0xdb: {  	v39 =	vmul.f32 v39, v10;
	s3 =	sadd.s32 $0x6, s3;
	v31 =	vand.u32 $0x7, v38;
	v38 =	vadd.s32 v8, v43;
	[tilespmem:v21+s10+$0x0] =	vst.idx.msk $0xffff, v12  }
0xdc: {  	v12 =	vadd.s32 v4, v14;
	v14 =	vxor.u32 s3, v1;
	v21 =	vmul.f32 v36, v10;
	[tilespmem:v35+s10+$0x0] =	vst.idx.msk $0xffff, v30  }
0xdd: {  	v18 =	vadd.s32 v8, v18;
	v30 =	vand.u32 $0x7, v14;
	v35 =	vld.idx.msk [tilespmem:v34+s10+$0x0], $0xffff;
	[tilespmem:v17+s10+$0x0] =	vst.idx.msk $0xffff, v39  }
0xde: {  	v18 =	vor.u32 v53, v18;
	v14 =	vand.u32 $0x78, v14;
	v17 =	vmul.f32 v29, v10;
	[tilespmem:v13+s10+$0x0] =	vst.idx.msk $0xffff, v21  }
0xdf: {  	v14 =	vadd.s32 v8, v14;
	v13 =	vadd.s32 v8, v19;
	v21 =	vmul.f32 v22, v10  }
0xe0: {  	v36 =	vadd.s32 v8, v37;
	v19 =	vor.u32 v30, v14;
	v14 =	vand.u32 $0x7, v32;
	[tilespmem:v15+s10+$0x0] =	vst.idx.msk $0xffff, v17  }
0xe1: {  	v14 =	vor.u32 v14, v41;
	v27 =	vmul.f32 v27, v10;
	v17 =	vadd.s32 v8, v46;
	v15 =	vld.idx.msk [tilespmem:v12+s10+$0x0], $0xffff  }
0xe2: {  	v29 =	vxor.u32 s12, v1;
	v22 =	vor.u32 v42, v13;
	v13 =	vxor.u32 s0, v1;
	v37 =	vld.idx.msk [tilespmem:v24+s10+$0x0], $0xffff;
	[tilespmem:v33+s10+$0x0] =	vst.idx.msk $0xffff, v21  }
0xe3: {  	v21 =	vand.u32 $0x78, v29;
	v30 =	vmul.f32 v35, v10;
	v33 =	vand.u32 $0x78, v13;
	v32 =	vld.idx.msk [tilespmem:v18+s10+$0x0], $0xffff;
	[tilespmem:v11+s10+$0x0] =	vst.idx.msk $0xffff, v27  }
.Ltmp6:
0xe4: {  	v13 =	vand.u32 $0x7, v13;
	v11 =	vand.u32 $0x78, v26;
	v27 =	vadd.s32 v8, v33;
	(pc) =	sbr.rel @p1 .LBB2_10-.Ltmp6, $4  }
0xe5: {  	v26 =	vand.u32 $0x7, v26;
	v33 =	vand.u32 $0x7, v29;
	v13 =	vor.u32 v13, v27;
	[tilespmem:v34+s10+$0x0] =	vst.idx.msk $0xffff, v30  }
0xe6: {  	v11 =	vadd.s32 v8, v11;
	v27 =	vadd.s32 v8, v21;
	v21 =	vor.u32 v31, v17;
	v30 =	vld.idx.msk [tilespmem:v14+s10+$0x0], $0xffff  }
0xe7: {  	v17 =	vor.u32 v26, v11;
	v11 =	vor.u32 v33, v27;
	v29 =	vmul.f32 v15, v10  }
0xe8: {  	s23 =	smov.u32 s22;
	v27 =	vor.u32 v28, v36;
	v15 =	vor.u32 v52, v38;
	v28 =	vmul.f32 v37, v10;
	v31 =	vld.idx.msk [tilespmem:v22+s10+$0x0], $0xffff  }
0xe9: {  	_ = 	snop  }
0xea: {  	v7 =	vor.u32 v20, v16;
	_ =	sdelay $0x2  }
0xeb: {  	v8 =	vld.idx.msk [tilespmem:v19+s10+$0x0], $0xffff;
	_ =	sdelay $0x1  }
0xec: {  	v16 =	vld.idx.msk [tilespmem:v7+s10+$0x0], $0xffff  }
0xed: {  	v9 =	vor.u32 v25, v23;
	v52 =	vmul.f32 v32, v10;
	v53 =	vld.idx.msk [tilespmem:v27+s10+$0x0], $0xffff;
	[tilespmem:v12+s10+$0x0] =	vst.idx.msk $0xffff, v29  }
0xee: {  	v57 =	vld.idx.msk [tilespmem:v17+s10+$0x0], $0xffff;
	[tilespmem:v24+s10+$0x0] =	vst.idx.msk $0xffff, v28;
	v59 =	vmul.f32 v30, v10  }
0xef: {  	v54 =	vld.idx.msk [tilespmem:v21+s10+$0x0], $0xffff;
	[tilespmem:v18+s10+$0x0] =	vst.idx.msk $0xffff, v52;
	v8 =	vmul.f32 v8, v10  }
0xf0: {  	v60 =	vld.idx.msk [tilespmem:v15+s10+$0x0], $0xffff;
	v55 =	vmul.f32 v31, v10;
	[tilespmem:v14+s10+$0x0] =	vst.idx.msk $0xffff, v59  }
0xf1: {  	v58 =	vld.idx.msk [tilespmem:v13+s10+$0x0], $0xffff;
	[tilespmem:v19+s10+$0x0] =	vst.idx.msk $0xffff, v8;
	v8 =	vmul.f32 v16, v10  }
0xf2: {  	v56 =	vld.idx.msk [tilespmem:v9+s10+$0x0], $0xffff;
	v61 =	vmul.f32 v53, v10;
	[tilespmem:v22+s10+$0x0] =	vst.idx.msk $0xffff, v55  }
0xf3: {  	v12 =	vmul.f32 v57, v10;
	[tilespmem:v7+s10+$0x0] =	vst.idx.msk $0xffff, v8;
	v8 =	vld.idx.msk [tilespmem:v11+s10+$0x0], $0xffff  }
0xf4: {  	s21 =	sadd.s32 $0x1, s21;
	[tilespmem:v27+s10+$0x0] =	vst.idx.msk $0xffff, v61;
	v7 =	vmul.f32 v54, v10  }
0xf5: {  	p1 =	sne.s32 s21, $0x5;
	v63 =	vmul.f32 v60, v10;
	[tilespmem:v17+s10+$0x0] =	vst.idx.msk $0xffff, v12  }
.Ltmp7:
0xf6: {  	[tilespmem:v21+s10+$0x0] =	vst.idx.msk $0xffff, v7;
	v7 =	vmul.f32 v58, v10;
	(pc) =	sbr.rel @p1 .LBB2_9-.Ltmp7, $4  }
0xf7: {  	[tilespmem:v15+s10+$0x0] =	vst.idx.msk $0xffff, v63;
	v62 =	vmul.f32 v56, v10  }
0xf8: {  	[tilespmem:v13+s10+$0x0] =	vst.idx.msk $0xffff, v7;
	v7 =	vmul.f32 v8, v10  }
0xf9: {  	[tilespmem:v9+s10+$0x0] =	vst.idx.msk $0xffff, v62  }
0xfa: {  	[tilespmem:v11+s10+$0x0] =	vst.idx.msk $0xffff, v7  }
0xfb: {  	p1 =	slt.u32 s14, $0x2  }
0xfc: {  	s0 =	sand.u32 @!p1 $0x1, s14  }
0xfd: {  	p2 =	seq.s32 @!p1 s0, $0x1  }
0xfe: {  	s0 =	simm.s32 @!p1 $0x5;
	p2 =	por !p2, p1  }
0xff: {  	s0 =	simm.s32 @p2 $0x4  }
0x100: {  	_ =	swait.ge @!p1 [sflag:s0], $0x1E00  }
0x101: {  	[sflag:s0] =	ssyncset.done @!p1 $0x0  }
0x102: {  	s3 =	smul.u32 $0x7800, s18;
	[sflag:s0] =	ssyncadd.s32 @!p1 $0xFFFFE200;
	p1 =	seq.s32 s13, $0xFA  }
.Ltmp8:
0x103: {  	_ = 	snop;
	(pc) =	sbr.rel @!p1 .LBB2_5-.Ltmp8, $4  }
0x104: {  	_ = 	snop  }
0x105: {  	s3 =	sshrl.u32 s3, $0x2  }
0x106: {  	s31 =	sadd.s32 $0x50, s17;
	s14 =	smov.u32 s13;
	s30 =	sadd.s32 $0x4B0, s3  }
0x107: {  	[spmem:s2] =	stream.indirect.scatter.add.f32 [tilespmem:s30], [sflag:s16], $0x60, s31, s5, $0xb8;
	[tilespmem:$0x16CB0] =	vst v63  }
.Ltmp9:
0x108: {  	(pc) =	sbr.rel .LBB2_26-.Ltmp9, $2  }
0x109: {  	_ =	sdelay $0x2  }
0x10a: {  	s0 =	rddreg [dreg:$0x1]  }
.LBB2_14:
0x10b: {  	s17 =	simm.s32 $0x0  }
0x10c: {  	[tilespmem:s10], [sflag:$0x2] =	stream.indirect.gather [hbm4b:s7+s5], $0x60, s17, s5, $0xb8;
	[tilespmem:$0x16CB0] =	vst v63  }
.LBB2_15:
0x10d: {  	s16 =	sadd.s32 $0x1, s17;
	p1 =	seq.s32 s17, $0xF9  }
0x10e: {  	s0 =	sand.u32 @!p1 $0xFF, s16  }
0x10f: {  	s0 =	smul.u32 @!p1 $0xCD, s0  }
0x110: {  	s3 =	simm.s32 @!p1 $0x1  }
0x111: {  	s12 =	sand.u32 @!p1 $0x3, s16;
	s13 =	sand.u32 @!p1 $0x1, s16;
	s0 =	sshrl.u32 @!p1 s0, $0xA  }
0x112: {  	_ =	swait.ge @!p1 [sflag:s3], $0xF0;
	p2 =	seq.s32 @!p1 s13, $0x1;
	s0 =	smul.u32 @!p1 $0x5, s0  }
0x113: {  	s12 =	smul.u32 @!p1 $0x7800, s12;
	s13 =	simm.s32 @!p1 $0x3;
	[sflag:s3] =	ssyncset.done @!p1 $0x0  }
0x114: {  	p3 =	por !p2, p1;
	p2 =	sgt.u32 @!p1 s17, $0xF7;
	s0 =	ssub.s32 @!p1 s16, s0  }
0x115: {  	s13 =	simm.s32 @p3 $0x2;
	p3 =	por p2, p1;
	s0 =	sand.u32 @!p1 $0xFF, s0  }
0x116: {  	s12 =	sshrl.u32 @!p1 s12, $0x2;
	s14 =	sadd.s32 @!p3 $0x2, s17;
	s0 =	smul.u32 @!p1 $0x3C0, s0  }
0x117: {  	[sflag:s3] =	ssyncadd.s32 @!p1 $0xFFFFFF10;
	s3 =	sadd.s32 @!p1 $0x4B0, s12;
	s12 =	sand.u32 @!p3 $0xFF, s14  }
0x118: {  	s18 =	simm.s32 @!p1 $0x50;
	s12 =	smul.u32 @!p3 $0xCD, s12;
	s0 =	sshrl.u32 @!p1 s0, $0x2  }
0x119: {  	[tilespmem:s3], [sflag:s13] =	stream.indirect.gather @!p1 [hbm4b:s7+s18], $0x60, s0, s18, $0xb8;
	[tilespmem:$0x16CB0] =	vst v63  }
0x11a: {  	s0 =	sshrl.u32 @!p3 s12, $0xA  }
0x11b: {  	s0 =	smul.u32 @!p3 $0x5, s0  }
0x11c: {  	s3 =	sadd.s32 @!p3 s1, s17  }
0x11d: {  	s3 =	smul.u32 @!p3 $0xF0, s3;
	s0 =	ssub.s32 @!p3 s14, s0  }
0x11e: {  	s0 =	sand.u32 @!p3 $0xFF, s0  }
0x11f: {  	s3 =	sshrl.u32 @!p3 s3, $0x3;
	s0 =	smul.u32 @!p3 $0x3C0, s0  }
0x120: {  	s3 =	sadd.s32 @!p3 s9, s3  }
0x121: {  	s12 =	simm.s32 @!p3 $0x0;
	s3 =	sadd.s32 @!p3 $0x3C, s3;
	s0 =	sshrl.u32 @!p3 s0, $0x2  }
0x122: {  	[tilespmem:s0], [sflag:$0x1] =	stream.linear.gather @!p3 [hbm4b:s3+s12], $0xF0, $0x38;
	[tilespmem:$0x16CB0] =	vst v63  }
0x123: {  	s0 =	sand.u32 @!p3 $0x1, s17  }
0x124: {  	p3 =	seq.s32 @!p3 s0, $0x0  }
0x125: {  	p3 =	por @!p1 p2, p3  }
0x126: {  	p3 =	por p1, !p3  }
.Ltmp10:
0x127: {  	_ = 	snop;
	(pc) =	sbr.rel @p3 .LBB2_17-.Ltmp10, $1  }
0x128: {  	_ =	sdelay $0x3  }
.Ltmp11:
0x129: {  	(pc) =	sbr.rel .LBB2_18-.Ltmp11, $3  }
0x12a: {  	_ =	sdelay $0x1  }
0x12b: {  	s13 =	simm.s32 @!p1 $0x4;
	s0 =	simm.s32 @!p1 $0x2;
	p1 =	por !p2, p1  }
0x12c: {  	s0 =	simm.s32 @p1 $0x2;
	s13 =	simm.s32 @p1 $0x4  }
.LBB2_17:
0x12d: {  	s13 =	simm.s32 $0x5;
	s0 =	simm.s32 $0x3  }
.LBB2_18:
0x12e: {  	s3 =	smul.u32 $0xCD, s17;
	_ =	sdelay $0x1  }
0x12f: {  	s3 =	sshrl.u32 s3, $0xA  }
0x130: {  	s3 =	sand.u32 $0x3F, s3  }
0x131: {  	s3 =	smul.u32 $0x5, s3;
	_ =	sdelay $0x1  }
0x132: {  	s3 =	ssub.s32 s17, s3  }
0x133: {  	s3 =	sand.u32 $0xFF, s3  }
0x134: {  	s3 =	smul.u32 $0x3C0, s3;
	_ =	sdelay $0x1  }
0x135: {  	_ =	swait.ge [sflag:s0], $0x1E00;
	s18 =	sand.u32 $0x3, s17;
	s14 =	sshrl.u32 s3, $0x2  }
0x136: {  	s22 =	simm.s32 $0x0;
	[sflag:s0] =	ssyncset.done $0x0;
	s31 =	sadd.s32 $0xA0, s14  }
0x137: {  	s24 =	simm.s32 $0x0;
	s20 =	smul.u32 $0x50, s18;
	[sflag:s0] =	ssyncadd.s32 $0xFFFFE200;
	v6 =	vmov s31  }
.LBB2_19:
0x138: {  	s0 =	sshll.u32 s24, $0x4;
	s29 =	simm.s32 $0x1  }
0x139: {  	s3 =	simm.s32 $0x2;
	s30 =	simm.s32 $0x4;
	s31 =	simm.s32 $0x5;
	v13 =	vxor.u32 s29, v1  }
0x13a: {  	s12 =	simm.s32 $0x6;
	s21 =	simm.s32 $0x9;
	s23 =	simm.s32 $0xB;
	v14 =	vxor.u32 s3, v1;
	v15 =	vxor.u32 s30, v1;
	v17 =	vxor.u32 s31, v1  }
0x13b: {  	s19 =	simm.s32 $0x3;
	s25 =	simm.s32 $0xC;
	s26 =	simm.s32 $0xE;
	v23 =	vxor.u32 s21, v1;
	v20 =	vxor.u32 s12, v1;
	v19 =	vxor.u32 s23, v1  }
0x13c: {  	s28 =	simm.s32 $0xF;
	v10 =	vld.idx.msk [tilespmem:v6+s0+$0x0 ss:$0x1], $0xffff;
	s0 =	sadd.s32 s20, s0;
	v24 =	vxor.u32 s25, v1;
	v25 =	vxor.u32 s19, v1;
	v18 =	vxor.u32 s26, v1  }
0x13d: {  	s3 =	simm.s32 $0x7;
	s30 =	simm.s32 $0x8;
	v26 =	vxor.u32 s28, v1;
	v7 =	vmov s0;
	v22 =	vand.u32 $0x7, v14  }
0x13e: {  	s29 =	simm.s32 $0xD;
	v16 =	vxor.u32 s3, v1;
	v27 =	vxor.u32 s30, v5;
	v7 =	vmul.u32 $0x60, v7  }
0x13f: {  	v28 =	vxor.u32 s29, v1;
	v29 =	vand.u32 $0x38, v25;
	v34 =	vand.u32 $0x7, v24  }
0x140: {  	v36 =	vand.u32 $0x7, v20;
	v31 =	vand.u32 $0x38, v26;
	v9 =	vbroadcast v7, $0x0  }
0x141: {  	v32 =	vand.u32 $0x38, v19;
	v35 =	vand.u32 $0x38, v24;
	v38 =	vand.u32 $0x7, v13  }
0x142: {  	v24 =	vand.u32 $0x7, v26;
	v21 =	vand.u32 $0x38, v16;
	v7 =	vadd.s32 v2, v9  }
0x143: {  	v8 =	vadd.s32 v4, v9;
	v30 =	vadd.s32 v7, v21;
	v21 =	vand.u32 $0x38, v18  }
0x144: {  	v12 =	vadd.s32 s22, v8;
	v18 =	vand.u32 $0x7, v18;
	v21 =	vadd.s32 v7, v21  }
0x145: {  	v26 =	vand.u32 $0x7, v19;
	v39 =	vand.u32 $0x38, v13;
	v21 =	vor.u32 v18, v21  }
0x146: {  	v61 =	vand.u32 $0x38, v15;
	v41 =	vand.u32 $0x38, v20;
	v31 =	vadd.s32 v7, v31  }
0x147: {  	v15 =	vand.u32 $0x7, v15;
	v14 =	vand.u32 $0x38, v14;
	v19 =	vor.u32 v24, v31  }
0x148: {  	v25 =	vand.u32 $0x7, v25;
	v16 =	vand.u32 $0x7, v16;
	v37 =	vand.u32 $0x38, v28  }
0x149: {  	v28 =	vand.u32 $0x7, v28;
	v11 =	vmul.f32 v10, v10;
	v32 =	vadd.s32 v7, v32;
	v33 =	vld.idx.msk [tilespmem:v12+s10+$0x0], $0xffff  }
0x14a: {  	s31 =	simm.s32 $0xA;
	v9 =	vadd.s32 v3, v9;
	v40 =	vadd.s32 v7, v37;
	v31 =	vor.u32 v26, v32;
	v13 =	vld.idx.msk [tilespmem:v21+s10+$0x0], $0xffff  }
0x14b: {  	v14 =	vadd.s32 v7, v14;
	v20 =	vor.u32 v16, v30;
	v26 =	vxor.u32 s31, v1  }
0x14c: {  	v16 =	vadd.s32 v7, v61;
	v18 =	vadd.s32 v9, v27;
	v27 =	vand.u32 $0x38, v23;
	v30 =	vld.idx.msk [tilespmem:v19+s10+$0x0], $0xffff  }
0x14d: {  	v32 =	vand.u32 $0x38, v26;
	v16 =	vor.u32 v15, v16;
	v15 =	vadd.s32 v7, v35  }
0x14e: {  	v27 =	vadd.s32 v7, v27;
	v24 =	vmul.f32 v33, v11;
	v33 =	vand.u32 $0x7, v26  }
0x14f: {  	v62 =	vld.idx.msk [tilespmem:v31+s10+$0x0], $0xffff;
	v26 =	vadd.s32 v7, v41;
	v35 =	vmul.f32 v13, v11;
	v13 =	vand.u32 $0x38, v17  }
0x150: {  	v17 =	vand.u32 $0x7, v17;
	v63 =	vadd.s32 v7, v13;
	v13 =	vor.u32 v34, v15  }
0x151: {  	v37 =	vld.idx.msk [tilespmem:v18+s10+$0x0], $0xffff;
	v15 =	vor.u32 v36, v26;
	v26 =	vadd.s32 v7, v29;
	v34 =	vmul.f32 v30, v11  }
0x152: {  	v30 =	vadd.s32 v7, v39;
	v17 =	vor.u32 v17, v63;
	v25 =	vor.u32 v25, v26  }
0x153: {  	v36 =	vld.idx.msk [tilespmem:v20+s10+$0x0], $0xffff;
	v26 =	vand.u32 $0x7, v23;
	v23 =	vor.u32 v22, v14;
	v14 =	vor.u32 v28, v40  }
0x154: {  	s12 =	simm.s32 $0x10;
	v29 =	vld.idx.msk [tilespmem:v16+s10+$0x0], $0xffff;
	v22 =	vor.u32 v38, v30;
	v30 =	vor.u32 v26, v27;
	v26 =	vmul.f32 v62, v11  }
.LBB2_20:
0x155: {  	s0 =	sadd.s32 $0x1, s12  }
0x156: {  	v38 =	vadd.s32 s12, v8;
	s3 =	sadd.s32 $0x2, s12;
	s19 =	sadd.s32 $0x3, s12;
	v28 =	vmul.f32 v37, v11;
	v27 =	vadd.s32 v7, v32;
	[tilespmem:v21+s10+$0x0] =	vst.idx.msk $0xffff, v35;
	s21 =	smov.u32 s12  }
0x157: {  	s23 =	sadd.s32 $0x6, s12;
	v32 =	vxor.u32 s0, v1;
	v35 =	vxor.u32 s3, v1;
	s0 =	sadd.s32 $0x4, s12;
	s3 =	sadd.s32 $0x5, s12;
	v27 =	vor.u32 v33, v27;
	[tilespmem:v31+s10+$0x0] =	vst.idx.msk $0xffff, v26  }
0x158: {  	s25 =	sadd.s32 $0x9, s12;
	v21 =	vmul.f32 v36, v11;
	v31 =	vxor.u32 s0, v1;
	v39 =	vxor.u32 s3, v1;
	s0 =	sadd.s32 $0x7, s12;
	s3 =	sadd.s32 $0xA, s12;
	v33 =	vld.idx.msk [tilespmem:v25+s10+$0x0], $0xffff;
	[tilespmem:v18+s10+$0x0] =	vst.idx.msk $0xffff, v28  }
0x159: {  	s26 =	sadd.s32 $0xD, s12;
	v26 =	vand.u32 $0x7, v35;
	v28 =	vxor.u32 s25, v1;
	s25 =	sadd.s32 $0xC, s12;
	v18 =	vxor.u32 s0, v1;
	s0 =	sadd.s32 $0xB, s12;
	[tilespmem:v12+s10+$0x0] =	vst.idx.msk $0xffff, v24;
	v24 =	vld.idx.msk [tilespmem:v23+s10+$0x0], $0xffff;
	v12 =	vmovc v38  }
0x15a: {  	v36 =	vxor.u32 s23, v1;
	s23 =	sadd.s32 $0xE, s21;
	v40 =	vxor.u32 s25, v1;
	s25 =	sadd.s32 $0xF, s21;
	v37 =	vxor.u32 s0, v1;
	s0 =	sadd.s32 $0x10, s12;
	v41 =	vld.idx.msk [tilespmem:v30+s10+$0x0], $0xffff;
	[tilespmem:v19+s10+$0x0] =	vst.idx.msk $0xffff, v34  }
0x15b: {  	p1 =	slt.u32 s12, $0x30;
	v19 =	vxor.u32 s23, v1;
	v42 =	vxor.u32 s25, v1;
	v34 =	vld.idx.msk [tilespmem:v38+s10+$0x0], $0xffff;
	v38 =	vxor.u32 s19, v1;
	s19 =	sadd.s32 $0x8, s21  }
0x15c: {  	v45 =	vxor.u32 s26, v1;
	v43 =	vand.u32 $0x38, v18;
	v44 =	vxor.u32 s19, v5;
	v46 =	vld.idx.msk [tilespmem:v15+s10+$0x0], $0xffff;
	[tilespmem:v20+s10+$0x0] =	vst.idx.msk $0xffff, v21  }
0x15d: {  	v47 =	vand.u32 $0x38, v38;
	v20 =	vadd.s32 v7, v43;
	v43 =	vand.u32 $0x7, v40;
	v48 =	vld.idx.msk [tilespmem:v27+s10+$0x0], $0xffff  }
0x15e: {  	v49 =	vand.u32 $0x7, v36;
	v21 =	vand.u32 $0x38, v19;
	v19 =	vand.u32 $0x7, v19;
	v50 =	vld.idx.msk [tilespmem:v22+s10+$0x0], $0xffff  }
0x15f: {  	v51 =	vand.u32 $0x7, v18;
	v52 =	vand.u32 $0x38, v42;
	v24 =	vmul.f32 v24, v11  }
0x160: {  	v18 =	vadd.s32 v9, v44;
	v44 =	vand.u32 $0x38, v28;
	v21 =	vadd.s32 v7, v21  }
0x161: {  	v33 =	vmul.f32 v33, v11;
	v21 =	vor.u32 v19, v21;
	v19 =	vadd.s32 v7, v52;
	v52 =	vld.idx.msk [tilespmem:v17+s10+$0x0], $0xffff  }
0x162: {  	v53 =	vand.u32 $0x38, v37;
	v44 =	vadd.s32 v7, v44;
	v41 =	vmul.f32 v41, v11  }
0x163: {  	v53 =	vadd.s32 v7, v53;
	v40 =	vand.u32 $0x38, v40;
	[tilespmem:v25+s10+$0x0] =	vst.idx.msk $0xffff, v33;
	v25 =	vmul.f32 v29, v11  }
0x164: {  	v54 =	vand.u32 $0x7, v32;
	v29 =	vand.u32 $0x7, v37;
	v33 =	vand.u32 $0x7, v42;
	[tilespmem:v30+s10+$0x0] =	vst.idx.msk $0xffff, v41  }
0x165: {  	v30 =	vand.u32 $0x38, v45;
	v19 =	vor.u32 v33, v19;
	v41 =	vmul.f32 v48, v11;
	v42 =	vld.idx.msk [tilespmem:v14+s10+$0x0], $0xffff  }
0x166: {  	v48 =	vand.u32 $0x38, v32;
	v32 =	vmul.f32 v50, v11;
	v30 =	vadd.s32 v7, v30;
	v55 =	vld.idx.msk [tilespmem:v21+s10+$0x0], $0xffff  }
0x167: {  	v36 =	vand.u32 $0x38, v36;
	v33 =	vand.u32 $0x38, v31;
	v45 =	vand.u32 $0x7, v45;
	[tilespmem:v23+s10+$0x0] =	vst.idx.msk $0xffff, v24  }
0x168: {  	v20 =	vor.u32 v51, v20;
	v23 =	vand.u32 $0x7, v31;
	v31 =	vor.u32 v29, v53;
	[tilespmem:v16+s10+$0x0] =	vst.idx.msk $0xffff, v25  }
0x169: {  	v24 =	vmul.f32 v34, v11;
	v16 =	vand.u32 $0x38, v35;
	v25 =	vxor.u32 s3, v1;
	[tilespmem:v22+s10+$0x0] =	vst.idx.msk $0xffff, v32;
	v22 =	vld.idx.msk [tilespmem:v13+s10+$0x0], $0xffff  }
0x16a: {  	v50 =	vmul.f32 v52, v11;
	v29 =	vadd.s32 v7, v33;
	v32 =	vand.u32 $0x38, v25;
	v34 =	vld.idx.msk [tilespmem:v19+s10+$0x0], $0xffff  }
0x16b: {  	v51 =	vadd.s32 v7, v16;
	v16 =	vor.u32 v23, v29;
	v23 =	vmul.f32 v46, v11;
	v37 =	vld.idx.msk [tilespmem:v18+s10+$0x0], $0xffff  }
0x16c: {  	v33 =	vand.u32 $0x7, v25;
	v25 =	vadd.s32 v7, v40;
	v35 =	vmul.f32 v55, v11;
	[tilespmem:v17+s10+$0x0] =	vst.idx.msk $0xffff, v50  }
0x16d: {  	v36 =	vadd.s32 v7, v36;
	v29 =	vand.u32 $0x7, v38;
	v17 =	vand.u32 $0x38, v39;
	v38 =	vld.idx.msk [tilespmem:v31+s10+$0x0], $0xffff;
	[tilespmem:v15+s10+$0x0] =	vst.idx.msk $0xffff, v23  }
0x16e: {  	v15 =	vand.u32 $0x7, v39;
	v17 =	vadd.s32 v7, v17;
	v39 =	vor.u32 v43, v25;
	[tilespmem:v27+s10+$0x0] =	vst.idx.msk $0xffff, v41  }
.Ltmp12:
0x16f: {  	v17 =	vor.u32 v15, v17;
	v15 =	vor.u32 v49, v36;
	v22 =	vmul.f32 v22, v11;
	v36 =	vld.idx.msk [tilespmem:v20+s10+$0x0], $0xffff;
	(pc) =	sbr.rel @p1 .LBB2_20-.Ltmp12, $4  }
0x170: {  	v23 =	vadd.s32 v7, v47;
	v27 =	vmul.f32 v42, v11;
	v34 =	vmul.f32 v34, v11  }
0x171: {  	v28 =	vand.u32 $0x7, v28;
	v40 =	vadd.s32 v7, v48;
	v25 =	vor.u32 v29, v23;
	[tilespmem:v13+s10+$0x0] =	vst.idx.msk $0xffff, v22  }
0x172: {  	v23 =	vor.u32 v26, v51;
	v29 =	vld.idx.msk [tilespmem:v16+s10+$0x0], $0xffff;
	[tilespmem:v14+s10+$0x0] =	vst.idx.msk $0xffff, v27;
	v14 =	vor.u32 v45, v30  }
0x173: {  	s12 =	smov.u32 s0;
	v22 =	vor.u32 v54, v40;
	v13 =	vmovc v39;
	v30 =	vor.u32 v28, v44;
	v26 =	vmul.f32 v38, v11  }
0x174: {  	_ =	sdelay $0x3  }
0x175: {  	v27 =	vld.idx.msk [tilespmem:v25+s10+$0x0], $0xffff;
	[tilespmem:v21+s10+$0x0] =	vst.idx.msk $0xffff, v35  }
0x176: {  	v47 =	vld.idx.msk [tilespmem:v30+s10+$0x0], $0xffff;
	[tilespmem:v12+s10+$0x0] =	vst.idx.msk $0xffff, v24  }
0x177: {  	v46 =	vmul.f32 v37, v11;
	v28 =	vadd.s32 v7, v32;
	v48 =	vld.idx.msk [tilespmem:v23+s10+$0x0], $0xffff;
	[tilespmem:v19+s10+$0x0] =	vst.idx.msk $0xffff, v34  }
0x178: {  	v49 =	vmul.f32 v36, v11;
	v50 =	vld.idx.msk [tilespmem:v22+s10+$0x0], $0xffff;
	v28 =	vor.u32 v33, v28;
	[tilespmem:v31+s10+$0x0] =	vst.idx.msk $0xffff, v26  }
0x179: {  	v52 =	vld.idx.msk [tilespmem:v17+s10+$0x0], $0xffff;
	[tilespmem:v18+s10+$0x0] =	vst.idx.msk $0xffff, v46;
	v56 =	vmul.f32 v29, v11  }
0x17a: {  	v53 =	vld.idx.msk [tilespmem:v15+s10+$0x0], $0xffff;
	[tilespmem:v20+s10+$0x0] =	vst.idx.msk $0xffff, v49;
	v51 =	vmul.f32 v27, v11  }
0x17b: {  	v57 =	vld.idx.msk [tilespmem:v13+s10+$0x0], $0xffff;
	v54 =	vmul.f32 v47, v11;
	[tilespmem:v16+s10+$0x0] =	vst.idx.msk $0xffff, v56  }
0x17c: {  	v58 =	vld.idx.msk [tilespmem:v14+s10+$0x0], $0xffff;
	v26 =	vmul.f32 v48, v11;
	[tilespmem:v25+s10+$0x0] =	vst.idx.msk $0xffff, v51  }
0x17d: {  	v12 =	vmul.f32 v50, v11;
	v55 =	vld.idx.msk [tilespmem:v28+s10+$0x0], $0xffff;
	[tilespmem:v30+s10+$0x0] =	vst.idx.msk $0xffff, v54  }
0x17e: {  	v59 =	vmul.f32 v52, v11;
	[tilespmem:v23+s10+$0x0] =	vst.idx.msk $0xffff, v26  }
0x17f: {  	v60 =	vmul.f32 v53, v11;
	[tilespmem:v22+s10+$0x0] =	vst.idx.msk $0xffff, v12  }
0x180: {  	v62 =	vmul.f32 v57, v11;
	[tilespmem:v17+s10+$0x0] =	vst.idx.msk $0xffff, v59  }
0x181: {  	v63 =	vmul.f32 v58, v11;
	[tilespmem:v15+s10+$0x0] =	vst.idx.msk $0xffff, v60  }
0x182: {  	[tilespmem:v13+s10+$0x0] =	vst.idx.msk $0xffff, v62;
	v61 =	vmul.f32 v55, v11  }
0x183: {  	[tilespmem:v14+s10+$0x0] =	vst.idx.msk $0xffff, v63  }
0x184: {  	v10 =	vmul.f32 v11, v10;
	s19 =	simm.s32 $0x40;
	[tilespmem:v28+s10+$0x0] =	vst.idx.msk $0xffff, v61  }
.LBB2_22:
0x185: {  	s0 =	sadd.s32 $0x1, s19;
	s28 =	sadd.s32 $0x2, s19  }
0x186: {  	v14 =	vadd.s32 s19, v8;
	s29 =	sadd.s32 $0x3, s19;
	s30 =	sadd.s32 $0x4, s19;
	s31 =	sadd.s32 $0x5, s19;
	v11 =	vxor.u32 s0, v1;
	v13 =	vxor.u32 s28, v1  }
0x187: {  	s3 =	sadd.s32 $0x6, s19;
	s12 =	sadd.s32 $0x7, s19;
	s21 =	sadd.s32 $0x9, s19;
	v15 =	vxor.u32 s29, v1;
	v16 =	vxor.u32 s30, v1;
	v21 =	vxor.u32 s31, v1  }
0x188: {  	s23 =	sadd.s32 $0x8, s19;
	s25 =	sadd.s32 $0xA, s19;
	s26 =	sadd.s32 $0xB, s19;
	v23 =	vxor.u32 s3, v1;
	v25 =	vxor.u32 s12, v1;
	v38 =	vxor.u32 s21, v1  }
0x189: {  	v39 =	vxor.u32 s23, v5;
	v27 =	vxor.u32 s25, v1;
	v28 =	vxor.u32 s26, v1  }
0x18a: {  	v12 =	vand.u32 $0x78, v11;
	v11 =	vand.u32 $0x7, v11;
	v29 =	vand.u32 $0x78, v13  }
0x18b: {  	v13 =	vand.u32 $0x7, v13;
	v30 =	vand.u32 $0x78, v15;
	v15 =	vand.u32 $0x7, v15  }
0x18c: {  	v17 =	vand.u32 $0x78, v16;
	v31 =	vand.u32 $0x7, v16;
	v22 =	vand.u32 $0x78, v21  }
0x18d: {  	v21 =	vand.u32 $0x7, v21;
	v24 =	vand.u32 $0x78, v23;
	v23 =	vand.u32 $0x7, v23  }
0x18e: {  	v36 =	vand.u32 $0x78, v25;
	v37 =	vand.u32 $0x7, v25;
	v26 =	vand.u32 $0x78, v38  }
0x18f: {  	v25 =	vand.u32 $0x7, v38;
	v40 =	vand.u32 $0x78, v27;
	v27 =	vand.u32 $0x7, v27  }
0x190: {  	s30 =	sadd.s32 $0xE, s19;
	v41 =	vand.u32 $0x78, v28;
	v28 =	vand.u32 $0x7, v28;
	v12 =	vadd.s32 v7, v12  }
0x191: {  	s31 =	sadd.s32 $0xF, s19;
	v46 =	vxor.u32 s30, v1;
	v22 =	vadd.s32 v7, v22;
	v11 =	vor.u32 v11, v12  }
0x192: {  	v48 =	vxor.u32 s31, v1;
	v24 =	vadd.s32 v7, v24;
	v21 =	vor.u32 v21, v22  }
0x193: {  	v32 =	vadd.s32 v7, v17;
	v26 =	vadd.s32 v7, v26;
	v35 =	vor.u32 v23, v24  }
0x194: {  	v47 =	vand.u32 $0x78, v46;
	v12 =	vadd.s32 v7, v29;
	v25 =	vor.u32 v25, v26  }
0x195: {  	v50 =	vand.u32 $0x7, v46;
	v26 =	vadd.s32 v7, v40;
	v12 =	vor.u32 v13, v12;
	v33 =	vld.idx.msk [tilespmem:v14+s10+$0x0], $0xffff  }
0x196: {  	v51 =	vand.u32 $0x78, v48;
	v13 =	vadd.s32 v7, v30;
	v26 =	vor.u32 v27, v26;
	v34 =	vld.idx.msk [tilespmem:v11+s10+$0x0], $0xffff  }
0x197: {  	s28 =	sadd.s32 $0xC, s19;
	v23 =	vadd.s32 v7, v36;
	v24 =	vadd.s32 v9, v39;
	v13 =	vor.u32 v15, v13;
	v42 =	vld.idx.msk [tilespmem:v21+s10+$0x0], $0xffff  }
0x198: {  	v29 =	vxor.u32 s28, v1;
	v23 =	vor.u32 v37, v23;
	v27 =	vadd.s32 v7, v41;
	v44 =	vld.idx.msk [tilespmem:v35+s10+$0x0], $0xffff  }
0x199: {  	s29 =	sadd.s32 $0xD, s19;
	v30 =	vand.u32 $0x78, v29;
	v29 =	vand.u32 $0x7, v29;
	v15 =	vor.u32 v31, v32;
	v52 =	vld.idx.msk [tilespmem:v25+s10+$0x0], $0xffff  }
0x19a: {  	v30 =	vadd.s32 v7, v30;
	v31 =	vxor.u32 s29, v1;
	v18 =	vld.idx.msk [tilespmem:v12+s10+$0x0], $0xffff;
	v16 =	vmul.f32 v33, v10  }
0x19b: {  	v27 =	vor.u32 v28, v27;
	v29 =	vor.u32 v29, v30;
	v55 =	vld.idx.msk [tilespmem:v26+s10+$0x0], $0xffff;
	v17 =	vmul.f32 v34, v10  }
0x19c: {  	v43 =	vand.u32 $0x78, v31;
	v45 =	vand.u32 $0x7, v31;
	v31 =	vadd.s32 v7, v51;
	v19 =	vld.idx.msk [tilespmem:v13+s10+$0x0], $0xffff;
	[tilespmem:v14+s10+$0x0] =	vst.idx.msk $0xffff, v16  }
0x19d: {  	v30 =	vadd.s32 v7, v43;
	v53 =	vmul.f32 v42, v10;
	[tilespmem:v11+s10+$0x0] =	vst.idx.msk $0xffff, v17;
	v11 =	vld.idx.msk [tilespmem:v23+s10+$0x0], $0xffff  }
0x19e: {  	v20 =	vld.idx.msk [tilespmem:v15+s10+$0x0], $0xffff;
	v16 =	vor.u32 v45, v30;
	v14 =	vmul.f32 v44, v10;
	v17 =	vadd.s32 v7, v47  }
0x19f: {  	v30 =	vand.u32 $0x7, v48;
	v18 =	vmul.f32 v18, v10;
	[tilespmem:v21+s10+$0x0] =	vst.idx.msk $0xffff, v53;
	v17 =	vor.u32 v50, v17  }
0x1a0: {  	v49 =	vld.idx.msk [tilespmem:v24+s10+$0x0], $0xffff;
	v54 =	vor.u32 v30, v31;
	v60 =	vmul.f32 v55, v10;
	[tilespmem:v35+s10+$0x0] =	vst.idx.msk $0xffff, v14  }
0x1a1: {  	v56 =	vld.idx.msk [tilespmem:v27+s10+$0x0], $0xffff;
	v19 =	vmul.f32 v19, v10;
	[tilespmem:v12+s10+$0x0] =	vst.idx.msk $0xffff, v18  }
0x1a2: {  	v57 =	vld.idx.msk [tilespmem:v29+s10+$0x0], $0xffff;
	[tilespmem:v26+s10+$0x0] =	vst.idx.msk $0xffff, v60;
	v11 =	vmul.f32 v11, v10  }
0x1a3: {  	v20 =	vmul.f32 v20, v10;
	v58 =	vld.idx.msk [tilespmem:v16+s10+$0x0], $0xffff;
	[tilespmem:v13+s10+$0x0] =	vst.idx.msk $0xffff, v19  }
0x1a4: {  	v59 =	vld.idx.msk [tilespmem:v17+s10+$0x0], $0xffff;
	[tilespmem:v23+s10+$0x0] =	vst.idx.msk $0xffff, v11;
	v11 =	vmul.f32 v52, v10  }
0x1a5: {  	v12 =	vmul.f32 v49, v10;
	[tilespmem:v15+s10+$0x0] =	vst.idx.msk $0xffff, v20;
	v61 =	vld.idx.msk [tilespmem:v54+s10+$0x0], $0xffff  }
0x1a6: {  	[tilespmem:v25+s10+$0x0] =	vst.idx.msk $0xffff, v11;
	v11 =	vmul.f32 v56, v10  }
0x1a7: {  	p1 =	slt.u32 s19, $0x50;
	v62 =	vmul.f32 v57, v10;
	[tilespmem:v24+s10+$0x0] =	vst.idx.msk $0xffff, v12  }
.Ltmp13:
0x1a8: {  	[tilespmem:v27+s10+$0x0] =	vst.idx.msk $0xffff, v11;
	v11 =	vmul.f32 v58, v10;
	(pc) =	sbr.rel @p1 .LBB2_22-.Ltmp13, $4  }
0x1a9: {  	[tilespmem:v29+s10+$0x0] =	vst.idx.msk $0xffff, v62;
	v63 =	vmul.f32 v59, v10  }
0x1aa: {  	[tilespmem:v16+s10+$0x0] =	vst.idx.msk $0xffff, v11;
	v11 =	vmul.f32 v61, v10  }
0x1ab: {  	[tilespmem:v17+s10+$0x0] =	vst.idx.msk $0xffff, v63  }
0x1ac: {  	s19 =	sadd.s32 $0x10, s19;
	[tilespmem:v54+s10+$0x0] =	vst.idx.msk $0xffff, v11  }
0x1ad: {  	s24 =	sadd.s32 $0x1, s24  }
0x1ae: {  	p1 =	sne.s32 s24, $0x5  }
.Ltmp14:
0x1af: {  	_ = 	snop;
	(pc) =	sbr.rel @p1 .LBB2_19-.Ltmp14, $1  }
0x1b0: {  	_ =	sdelay $0x3  }
0x1b1: {  	p1 =	slt.u32 s17, $0x2  }
0x1b2: {  	s0 =	sand.u32 @!p1 $0x1, s17  }
0x1b3: {  	p2 =	seq.s32 @!p1 s0, $0x1  }
0x1b4: {  	s0 =	simm.s32 @!p1 $0x5;
	p2 =	por !p2, p1  }
0x1b5: {  	s0 =	simm.s32 @p2 $0x4  }
0x1b6: {  	_ =	swait.ge @!p1 [sflag:s0], $0x1E00  }
0x1b7: {  	[sflag:s0] =	ssyncset.done @!p1 $0x0  }
0x1b8: {  	s3 =	smul.u32 $0x7800, s18;
	[sflag:s0] =	ssyncadd.s32 @!p1 $0xFFFFE200;
	p1 =	sne.s32 s16, $0xFA  }
.Ltmp15:
0x1b9: {  	_ = 	snop;
	(pc) =	sbr.rel @p1 .LBB2_15-.Ltmp15, $4  }
0x1ba: {  	_ = 	snop  }
0x1bb: {  	s3 =	sshrl.u32 s3, $0x2  }
0x1bc: {  	s31 =	sadd.s32 $0x50, s14;
	s17 =	smov.u32 s16;
	s30 =	sadd.s32 $0x4B0, s3  }
0x1bd: {  	[spmem:s2] =	stream.indirect.scatter.add.f32 [tilespmem:s30], [sflag:s13], $0x60, s31, s5, $0xb8;
	[tilespmem:$0x16CB0] =	vst v63  }
0x1be: {  	s0 =	rddreg [dreg:$0x5]  }
.LBB2_26:
0x1bf: {  	s3 =	simm.s32 $0x4  }
0x1c0: {  	_ =	swait.ge [sflag:s3], $0x1E00  }
0x1c1: {  	[sflag:s3] =	ssyncset.done $0x0  }
0x1c2: {  	s12 =	simm.s32 $0x5;
	[sflag:s3] =	ssyncadd.s32 $0xFFFFE200  }
0x1c3: {  	_ =	swait.ge [sflag:s12], $0x1E00  }
0x1c4: {  	[sflag:s12] =	ssyncset.done $0x0  }
0x1c5: {  	[sflag:s12] =	ssyncadd.s32 $0xFFFFE200  }
0x1c6: {  	s25 =	stileid.u32;
	s24 =	rddreg [dreg:$0xb];
	[bflag:$0x0] =	sbarrier.arrive $0xFFFF  }
0x1c7: {  	s12 =	sshll.u32 s25, $0x6;
	s26 =	rddreg [dreg:$0x7]  }
0x1c8: {  	s16 =	sor.u32 $0x1C06, s12;
	s12 =	sshrl.u32 s26, $0x3  }
0x1c9: {  	s3 =	sadd.s32 s0, s24;
	[dreg:$0x1a] =	wrdreg s12  }
0x1ca: {  	[hbm:s3], [sflag:s16] =	dma.local [spmem:s12], $0x3C0  }
0x1cb: {  	_ =	swait.ge [sflag:s11], $0x3C0  }
0x1cc: {  	s30 =	rddreg [dreg:$0x8]  }
0x1cd: {  	[sflag:s11] =	ssyncset.done $0x0;
	s28 =	rddreg [dreg:$0xc];
	s12 =	sshrl.u32 s30, $0x3  }
0x1ce: {  	s3 =	sadd.s32 s0, s28;
	[sflag:s11] =	ssyncadd.s32 $0xFFFFFC40;
	[dreg:$0x1b] =	wrdreg s12  }
0x1cf: {  	[hbm:s3], [sflag:s16] =	dma.local [spmem:s12], $0x3C0  }
0x1d0: {  	_ =	swait.ge [sflag:s11], $0x3C0  }
0x1d1: {  	s14 =	rddreg [dreg:$0xd]  }
0x1d2: {  	[sflag:s11] =	ssyncset.done $0x0;
	s13 =	rddreg [dreg:$0xe];
	s12 =	sshrl.u32 s14, $0x3  }
0x1d3: {  	s3 =	sadd.s32 s0, s13;
	[sflag:s11] =	ssyncadd.s32 $0xFFFFFC40;
	[dreg:$0x1c] =	wrdreg s12  }
0x1d4: {  	[hbm:s3], [sflag:s16] =	dma.local [spmem:s12], $0x3C0  }
0x1d5: {  	_ =	swait.ge [sflag:s11], $0x3C0  }
0x1d6: {  	s18 =	rddreg [dreg:$0xf]  }
0x1d7: {  	[sflag:s11] =	ssyncset.done $0x0;
	s17 =	rddreg [dreg:$0x10];
	s12 =	sshrl.u32 s18, $0x3  }
0x1d8: {  	s3 =	sadd.s32 s0, s17;
	[sflag:s11] =	ssyncadd.s32 $0xFFFFFC40;
	[dreg:$0x1d] =	wrdreg s12  }
0x1d9: {  	[hbm:s3], [sflag:s16] =	dma.local [spmem:s12], $0x3C0  }
0x1da: {  	_ =	swait.ge [sflag:s11], $0x3C0  }
0x1db: {  	s20 =	rddreg [dreg:$0x11]  }
0x1dc: {  	[sflag:s11] =	ssyncset.done $0x0;
	s19 =	rddreg [dreg:$0x12];
	s12 =	sshrl.u32 s20, $0x3  }
0x1dd: {  	s3 =	sadd.s32 s0, s19;
	[sflag:s11] =	ssyncadd.s32 $0xFFFFFC40;
	[dreg:$0x1e] =	wrdreg s12  }
0x1de: {  	[hbm:s3], [sflag:s16] =	dma.local [spmem:s12], $0x3C0  }
0x1df: {  	_ =	swait.ge [sflag:s11], $0x3C0  }
0x1e0: {  	s21 =	rddreg [dreg:$0x14]  }
0x1e1: {  	[sflag:s11] =	ssyncset.done $0x0;
	s22 =	rddreg [dreg:$0x13]  }
0x1e2: {  	s3 =	sadd.s32 s0, s21;
	[sflag:s11] =	ssyncadd.s32 $0xFFFFFC40;
	s26 =	sshrl.u32 s22, $0x3  }
0x1e3: {  	[hbm:s3], [sflag:s16] =	dma.local [spmem:s26], $0x3C0  }
0x1e4: {  	_ =	swait.ge [sflag:s11], $0x3C0  }
0x1e5: {  	s23 =	rddreg [dreg:$0x16]  }
0x1e6: {  	[sflag:s11] =	ssyncset.done $0x0;
	s24 =	rddreg [dreg:$0x15]  }
0x1e7: {  	s3 =	sadd.s32 s0, s23;
	[sflag:s11] =	ssyncadd.s32 $0xFFFFFC40;
	s29 =	sshrl.u32 s24, $0x3  }
0x1e8: {  	[hbm:s3], [sflag:s16] =	dma.local [spmem:s29], $0x3C0  }
0x1e9: {  	_ =	swait.ge [sflag:s11], $0x3C0  }
0x1ea: {  	s25 =	rddreg [dreg:$0x18]  }
0x1eb: {  	[sflag:s11] =	ssyncset.done $0x0;
	s30 =	rddreg [dreg:$0x17]  }
0x1ec: {  	s28 =	sadd.s32 s0, s25;
	[sflag:s11] =	ssyncadd.s32 $0xFFFFFC40;
	s31 =	sshrl.u32 s30, $0x3  }
0x1ed: {  	[hbm:s28], [sflag:s16] =	dma.local [spmem:s31], $0x3C0  }
0x1ee: {  	_ =	swait.ge [sflag:s11], $0x3C0  }
0x1ef: {  	[sflag:s11] =	ssyncset.done $0x0  }
0x1f0: {  	s0 =	simm.s32 $0x0;
	[sflag:s11] =	ssyncadd.s32 $0xFFFFFC40  }
0x1f1: {  	[tilespmem:s0+$0x500] =	vst v0  }
0x1f2: {  	[tilespmem:s0+$0x4B0] =	vst v0  }
0x1f3: {  	[tilespmem:s0+$0x4C0] =	vst v0  }
0x1f4: {  	[tilespmem:s0+$0x4D0] =	vst v0  }
0x1f5: {  	s3 =	simm.s32 $0x180;
	[tilespmem:s0+$0x4E0] =	vst v0  }
.LBB2_27:
0x1f6: {  	p1 =	sne.s32 s3, $0x7680;
	[tilespmem:s0+$0x4F0] =	vst v0;
	s0 =	sshra.s32 s3, $0x2;
	s3 =	sadd.s32 $0x180, s3  }
.Ltmp16:
0x1f7: {  	[tilespmem:s0+$0x500] =	vst v0;
	(pc) =	sbr.rel @p1 .LBB2_27-.Ltmp16, $4  }
0x1f8: {  	[tilespmem:s0+$0x4B0] =	vst v0  }
0x1f9: {  	[tilespmem:s0+$0x4C0] =	vst v0  }
0x1fa: {  	[tilespmem:s0+$0x4D0] =	vst v0  }
0x1fb: {  	[tilespmem:s0+$0x4E0] =	vst v0  }
0x1fc: {  	[tilespmem:s0+$0x4F0] =	vst v0;
	s17 =	rddreg [dreg:$0x7]  }
0x1fd: {  	[spmem:s17] =	stream.linear.scatter [tilespmem:s10], [sflag:$0x6], $0x1E00, $0x38;
	[tilespmem:$0x16CB0] =	vst v63  }
0x1fe: {  	_ =	swait.ge [sflag:s11], $0x1E00  }
0x1ff: {  	[sflag:s11] =	ssyncset.done $0x0  }
0x200: {  	s18 =	rddreg [dreg:$0x8];
	[sflag:s11] =	ssyncadd.s32 $0xFFFFE200  }
0x201: {  	[spmem:s18] =	stream.linear.scatter [tilespmem:s10], [sflag:$0x6], $0x1E00, $0x38;
	[tilespmem:$0x16CB0] =	vst v63  }
0x202: {  	_ =	swait.ge [sflag:s11], $0x1E00  }
0x203: {  	[sflag:s11] =	ssyncset.done $0x0  }
0x204: {  	s19 =	rddreg [dreg:$0xd];
	[sflag:s11] =	ssyncadd.s32 $0xFFFFE200  }
0x205: {  	[spmem:s19] =	stream.linear.scatter [tilespmem:s10], [sflag:$0x6], $0x1E00, $0x38;
	[tilespmem:$0x16CB0] =	vst v63  }
0x206: {  	_ =	swait.ge [sflag:s11], $0x1E00  }
0x207: {  	[sflag:s11] =	ssyncset.done $0x0  }
0x208: {  	s20 =	rddreg [dreg:$0xf];
	[sflag:s11] =	ssyncadd.s32 $0xFFFFE200  }
0x209: {  	[spmem:s20] =	stream.linear.scatter [tilespmem:s10], [sflag:$0x6], $0x1E00, $0x38;
	[tilespmem:$0x16CB0] =	vst v63  }
0x20a: {  	_ =	swait.ge [sflag:s11], $0x1E00  }
0x20b: {  	[sflag:s11] =	ssyncset.done $0x0  }
0x20c: {  	s21 =	rddreg [dreg:$0x11];
	[sflag:s11] =	ssyncadd.s32 $0xFFFFE200  }
0x20d: {  	[spmem:s21] =	stream.linear.scatter [tilespmem:s10], [sflag:$0x6], $0x1E00, $0x38;
	[tilespmem:$0x16CB0] =	vst v63  }
0x20e: {  	_ =	swait.ge [sflag:s11], $0x1E00  }
0x20f: {  	[sflag:s11] =	ssyncset.done $0x0  }
0x210: {  	s22 =	rddreg [dreg:$0x13];
	[sflag:s11] =	ssyncadd.s32 $0xFFFFE200  }
0x211: {  	[spmem:s22] =	stream.linear.scatter [tilespmem:s10], [sflag:$0x6], $0x1E00, $0x38;
	[tilespmem:$0x16CB0] =	vst v63  }
0x212: {  	_ =	swait.ge [sflag:s11], $0x1E00  }
0x213: {  	[sflag:s11] =	ssyncset.done $0x0  }
0x214: {  	s23 =	rddreg [dreg:$0x15];
	[sflag:s11] =	ssyncadd.s32 $0xFFFFE200  }
0x215: {  	[spmem:s23] =	stream.linear.scatter [tilespmem:s10], [sflag:$0x6], $0x1E00, $0x38;
	[tilespmem:$0x16CB0] =	vst v63  }
0x216: {  	_ =	swait.ge [sflag:s11], $0x1E00  }
0x217: {  	[sflag:s11] =	ssyncset.done $0x0  }
0x218: {  	s24 =	rddreg [dreg:$0x17];
	[sflag:s11] =	ssyncadd.s32 $0xFFFFE200  }
0x219: {  	[spmem:s24] =	stream.linear.scatter [tilespmem:s10], [sflag:$0x6], $0x1E00, $0x38;
	[tilespmem:$0x16CB0] =	vst v63  }
0x21a: {  	_ =	swait.ge [sflag:s11], $0x1E00  }
0x21b: {  	[sflag:s11] =	ssyncset.done $0x0  }
0x21c: {  	[sflag:s11] =	ssyncadd.s32 $0xFFFFE200  }
0x21d: {  	[bflag:$0x0] =	sbarrier.arrive $0xFFFF  }
0x21e: {  	s25 =	simm.s32 $0x0;
	s3 =	rddreg [dreg:$0x9]  }
0x21f: {  	[tilespmem:s25], [sflag:$0x1] =	stream.linear.gather [hbm4b:s3+s25], $0xF0, $0x38;
	[tilespmem:$0x16CB0] =	vst v63  }
.Ltmp17:
0x220: {  	s28 =	simm.s32 $0x1;
	(pc) =	sbr.rel @p0 .LBB2_41-.Ltmp17, $4  }
0x221: {  	_ =	swait.ge [sflag:s28], $0xF0  }
0x222: {  	[sflag:s28] =	ssyncset.done $0x0  }
0x223: {  	s12 =	simm.s32 $0xF0;
	s30 =	rddreg [dreg:$0xa];
	[sflag:s28] =	ssyncadd.s32 $0xFFFFFF10  }
0x224: {  	[tilespmem:s12], [sflag:$0x1] =	stream.linear.gather [hbm4b:s30+s25], $0xF0, $0x38;
	[tilespmem:$0x16CB0] =	vst v63  }
0x225: {  	s13 =	simm.s32 $0x0  }
0x226: {  	[tilespmem:s10], [sflag:$0x2] =	stream.indirect.gather [hbm4b:s6+s5], $0x60, s13, s5, $0xb8;
	[tilespmem:$0x16CB0] =	vst v63  }
.LBB2_30:
0x227: {  	s14 =	sadd.s32 $0x1, s13;
	p1 =	seq.s32 s13, $0xF9  }
0x228: {  	s0 =	sand.u32 @!p1 $0xFF, s14  }
0x229: {  	s0 =	smul.u32 @!p1 $0xCD, s0  }
0x22a: {  	s3 =	simm.s32 @!p1 $0x1  }
0x22b: {  	s12 =	sand.u32 @!p1 $0x3, s14;
	s17 =	sand.u32 @!p1 $0x1, s14;
	s0 =	sshrl.u32 @!p1 s0, $0xA  }
0x22c: {  	_ =	swait.ge @!p1 [sflag:s3], $0xF0;
	p2 =	seq.s32 @!p1 s17, $0x1;
	s0 =	smul.u32 @!p1 $0x5, s0  }
0x22d: {  	s12 =	smul.u32 @!p1 $0x7800, s12;
	s17 =	simm.s32 @!p1 $0x3;
	[sflag:s3] =	ssyncset.done @!p1 $0x0  }
0x22e: {  	p3 =	por !p2, p1;
	p2 =	sgt.u32 @!p1 s13, $0xF7;
	s0 =	ssub.s32 @!p1 s14, s0  }
0x22f: {  	s17 =	simm.s32 @p3 $0x2;
	p3 =	por p2, p1;
	s0 =	sand.u32 @!p1 $0xFF, s0  }
0x230: {  	s12 =	sshrl.u32 @!p1 s12, $0x2;
	s18 =	sadd.s32 @!p3 $0x2, s13;
	s0 =	smul.u32 @!p1 $0x3C0, s0  }
0x231: {  	[sflag:s3] =	ssyncadd.s32 @!p1 $0xFFFFFF10;
	s3 =	sadd.s32 @!p1 $0x4B0, s12;
	s12 =	sand.u32 @!p3 $0xFF, s18  }
0x232: {  	s19 =	simm.s32 @!p1 $0x50;
	s12 =	smul.u32 @!p3 $0xCD, s12;
	s0 =	sshrl.u32 @!p1 s0, $0x2  }
0x233: {  	[tilespmem:s3], [sflag:s17] =	stream.indirect.gather @!p1 [hbm4b:s6+s19], $0x60, s0, s19, $0xb8;
	[tilespmem:$0x16CB0] =	vst v63  }
0x234: {  	s0 =	sshrl.u32 @!p3 s12, $0xA  }
0x235: {  	s0 =	smul.u32 @!p3 $0x5, s0  }
0x236: {  	s3 =	sadd.s32 @!p3 s1, s13  }
0x237: {  	s3 =	smul.u32 @!p3 $0xF0, s3;
	s0 =	ssub.s32 @!p3 s18, s0  }
0x238: {  	s0 =	sand.u32 @!p3 $0xFF, s0  }
0x239: {  	s3 =	sshrl.u32 @!p3 s3, $0x3;
	s0 =	smul.u32 @!p3 $0x3C0, s0  }
0x23a: {  	s3 =	sadd.s32 @!p3 s9, s3  }
0x23b: {  	s12 =	simm.s32 @!p3 $0x0;
	s3 =	sadd.s32 @!p3 $0x3C, s3;
	s0 =	sshrl.u32 @!p3 s0, $0x2  }
0x23c: {  	[tilespmem:s0], [sflag:$0x1] =	stream.linear.gather @!p3 [hbm4b:s3+s12], $0xF0, $0x38;
	[tilespmem:$0x16CB0] =	vst v63  }
0x23d: {  	s0 =	sand.u32 @!p3 $0x1, s13  }
0x23e: {  	p3 =	seq.s32 @!p3 s0, $0x0  }
0x23f: {  	p3 =	por @!p1 p2, p3  }
0x240: {  	p3 =	por p1, !p3  }
.Ltmp18:
0x241: {  	_ = 	snop;
	(pc) =	sbr.rel @p3 .LBB2_32-.Ltmp18, $1  }
0x242: {  	_ =	sdelay $0x3  }
.Ltmp19:
0x243: {  	(pc) =	sbr.rel .LBB2_33-.Ltmp19, $3  }
0x244: {  	_ =	sdelay $0x1  }
0x245: {  	s19 =	simm.s32 @!p1 $0x4;
	s0 =	simm.s32 @!p1 $0x2;
	p1 =	por !p2, p1  }
0x246: {  	s0 =	simm.s32 @p1 $0x2;
	s19 =	simm.s32 @p1 $0x4  }
.LBB2_32:
0x247: {  	s19 =	simm.s32 $0x5;
	s0 =	simm.s32 $0x3  }
.LBB2_33:
0x248: {  	s3 =	smul.u32 $0xCD, s13;
	_ =	sdelay $0x1  }
0x249: {  	s3 =	sshrl.u32 s3, $0xA  }
0x24a: {  	s3 =	sand.u32 $0x3F, s3  }
0x24b: {  	s3 =	smul.u32 $0x5, s3;
	_ =	sdelay $0x1  }
0x24c: {  	s3 =	ssub.s32 s13, s3  }
0x24d: {  	s3 =	sand.u32 $0xFF, s3  }
0x24e: {  	s3 =	smul.u32 $0x3C0, s3;
	_ =	sdelay $0x1  }
0x24f: {  	_ =	swait.ge [sflag:s0], $0x1E00;
	s21 =	sshrl.u32 s3, $0x2  }
0x250: {  	s23 =	sand.u32 $0x3, s13;
	[sflag:s0] =	ssyncset.done $0x0;
	s3 =	sadd.s32 $0xA0, s21  }
0x251: {  	s28 =	simm.s32 $0x0;
	s25 =	smul.u32 $0x50, s23;
	[sflag:s0] =	ssyncadd.s32 $0xFFFFE200;
	v6 =	vmov s3  }
.LBB2_34:
0x252: {  	s0 =	sshll.u32 s28, $0x4  }
0x253: {  	s3 =	sadd.s32 s25, s0  }
0x254: {  	v7 =	vmov s3  }
0x255: {  	v7 =	vmul.u32 $0x60, v7;
	_ =	sdelay $0x1  }
0x256: {  	v9 =	vbroadcast v7, $0x0;
	_ =	sdelay $0x1  }
0x257: {  	p1 =	por $0x1, $0x1;
	v10 =	vld.idx.msk [tilespmem:v6+s0+$0x0 ss:$0x1], $0xffff;
	s0 =	simm.s32 $0x0;
	v7 =	vadd.s32 v2, v9;
	v8 =	vadd.s32 v4, v9;
	v9 =	vadd.s32 v3, v9  }
.LBB2_35:
0x258: {  	v11 =	vor.u32 s0, v8;
	_ =	sdelay $0x2  }
0x259: {  	s3 =	sor.u32 $0x1, s0  }
0x25a: {  	s12 =	sor.u32 $0x2, s0;
	v12 =	vxor.u32 s3, v1  }
0x25b: {  	s17 =	sor.u32 $0x3, s0;
	v13 =	vxor.u32 s12, v1;
	v12 =	vor.u32 v7, v12;
	v14 =	vld.idx.msk [tilespmem:v11+s10+$0x0], $0xffff  }
0x25c: {  	s18 =	sor.u32 $0x4, s0;
	v15 =	vxor.u32 s17, v1;
	v13 =	vor.u32 v7, v13  }
0x25d: {  	s20 =	sor.u32 $0x5, s0;
	v16 =	vxor.u32 s18, v1;
	v15 =	vor.u32 v7, v15  }
0x25e: {  	s30 =	sor.u32 $0x8, s0;
	v18 =	vxor.u32 s20, v1;
	v16 =	vor.u32 v7, v16  }
0x25f: {  	s24 =	sor.u32 $0x7, s0;
	v22 =	vxor.u32 s30, v5;
	v18 =	vor.u32 v7, v18  }
0x260: {  	v21 =	vxor.u32 s24, v1;
	s17 =	sor.u32 $0xA, s0;
	v45 =	vor.u32 v22, v9;
	v17 =	vld.idx.msk [tilespmem:v12+s10+$0x0], $0xffff;
	v14 =	vmul.f32 v14, v10  }
0x261: {  	s12 =	sor.u32 $0x9, s0;
	v21 =	vor.u32 v7, v21;
	v24 =	vxor.u32 s17, v1;
	v19 =	vld.idx.msk [tilespmem:v13+s10+$0x0], $0xffff  }
0x262: {  	s22 =	sor.u32 $0x6, s0;
	s20 =	sor.u32 $0xC, s0;
	v46 =	vxor.u32 s12, v1;
	v24 =	vor.u32 v7, v24;
	[tilespmem:v11+s10+$0x0] =	vst.idx.msk $0xffff, v14;
	v11 =	vld.idx.msk [tilespmem:v15+s10+$0x0], $0xffff  }
0x263: {  	v20 =	vxor.u32 s22, v1;
	s18 =	sor.u32 $0xB, s0;
	v49 =	vxor.u32 s20, v1;
	v22 =	vor.u32 v7, v46;
	v23 =	vld.idx.msk [tilespmem:v16+s10+$0x0], $0xffff  }
0x264: {  	s24 =	sor.u32 $0xE, s0;
	v20 =	vor.u32 v7, v20;
	v26 =	vxor.u32 s18, v1;
	v51 =	vor.u32 v7, v49;
	v25 =	vld.idx.msk [tilespmem:v18+s10+$0x0], $0xffff  }
0x265: {  	s22 =	sor.u32 $0xD, s0;
	v28 =	vxor.u32 s24, v1;
	v48 =	vor.u32 v7, v26;
	v27 =	vld.idx.msk [tilespmem:v45+s10+$0x0], $0xffff;
	v17 =	vmul.f32 v17, v10  }
0x266: {  	v52 =	vxor.u32 s22, v1;
	v28 =	vor.u32 v7, v28;
	v50 =	vld.idx.msk [tilespmem:v21+s10+$0x0], $0xffff;
	v19 =	vmul.f32 v19, v10  }
0x267: {  	s30 =	sor.u32 $0xF, s0;
	v26 =	vor.u32 v7, v52;
	v53 =	vld.idx.msk [tilespmem:v24+s10+$0x0], $0xffff;
	[tilespmem:v12+s10+$0x0] =	vst.idx.msk $0xffff, v17;
	v11 =	vmul.f32 v11, v10  }
0x268: {  	v30 =	vxor.u32 s30, v1;
	v29 =	vld.idx.msk [tilespmem:v22+s10+$0x0], $0xffff;
	v23 =	vmul.f32 v23, v10;
	[tilespmem:v13+s10+$0x0] =	vst.idx.msk $0xffff, v19  }
0x269: {  	v54 =	vor.u32 v7, v30;
	v56 =	vld.idx.msk [tilespmem:v51+s10+$0x0], $0xffff;
	[tilespmem:v15+s10+$0x0] =	vst.idx.msk $0xffff, v11;
	v11 =	vmul.f32 v25, v10  }
0x26a: {  	v55 =	vld.idx.msk [tilespmem:v48+s10+$0x0], $0xffff;
	v57 =	vmul.f32 v27, v10;
	[tilespmem:v16+s10+$0x0] =	vst.idx.msk $0xffff, v23  }
0x26b: {  	v59 =	vld.idx.msk [tilespmem:v28+s10+$0x0], $0xffff;
	[tilespmem:v18+s10+$0x0] =	vst.idx.msk $0xffff, v11;
	v11 =	vmul.f32 v50, v10  }
0x26c: {  	v58 =	vld.idx.msk [tilespmem:v26+s10+$0x0], $0xffff;
	v60 =	vmul.f32 v53, v10;
	[tilespmem:v45+s10+$0x0] =	vst.idx.msk $0xffff, v57  }
0x26d: {  	v47 =	vld.idx.msk [tilespmem:v20+s10+$0x0], $0xffff;
	[tilespmem:v21+s10+$0x0] =	vst.idx.msk $0xffff, v11;
	v11 =	vmul.f32 v29, v10  }
0x26e: {  	v61 =	vld.idx.msk [tilespmem:v54+s10+$0x0], $0xffff;
	v62 =	vmul.f32 v56, v10;
	[tilespmem:v24+s10+$0x0] =	vst.idx.msk $0xffff, v60  }
0x26f: {  	[tilespmem:v22+s10+$0x0] =	vst.idx.msk $0xffff, v11;
	v11 =	vmul.f32 v55, v10  }
0x270: {  	p2 =	por p1, p1;
	v63 =	vmul.f32 v59, v10;
	[tilespmem:v51+s10+$0x0] =	vst.idx.msk $0xffff, v62  }
.Ltmp20:
0x271: {  	[tilespmem:v48+s10+$0x0] =	vst.idx.msk $0xffff, v11;
	v11 =	vmul.f32 v58, v10;
	(pc) =	sbr.rel @p2 .LBB2_35-.Ltmp20, $4  }
0x272: {  	v12 =	vmul.f32 v47, v10;
	[tilespmem:v28+s10+$0x0] =	vst.idx.msk $0xffff, v63  }
0x273: {  	[tilespmem:v26+s10+$0x0] =	vst.idx.msk $0xffff, v11;
	v11 =	vmul.f32 v61, v10  }
0x274: {  	[tilespmem:v20+s10+$0x0] =	vst.idx.msk $0xffff, v12  }
0x275: {  	p1 =	por $0x0, $0x0;
	s0 =	simm.s32 $0x10;
	[tilespmem:v54+s10+$0x0] =	vst.idx.msk $0xffff, v11  }
0x276: {  	v10 =	vmul.f32 v10, v10;
	s0 =	simm.s32 $0x20;
	s3 =	simm.s32 $0x21;
	s12 =	simm.s32 $0x22  }
0x277: {  	s17 =	simm.s32 $0x25;
	s20 =	simm.s32 $0x27;
	s22 =	simm.s32 $0x29;
	v11 =	vadd.s32 s0, v8;
	v12 =	vxor.u32 s3, v1;
	v13 =	vxor.u32 s12, v1  }
0x278: {  	s18 =	simm.s32 $0x26;
	s24 =	simm.s32 $0x2B;
	s30 =	simm.s32 $0x2C;
	v16 =	vxor.u32 s17, v1;
	v15 =	vxor.u32 s20, v1;
	v22 =	vxor.u32 s22, v1  }
0x279: {  	s12 =	simm.s32 $0x24;
	s17 =	simm.s32 $0x23;
	v19 =	vxor.u32 s18, v1;
	v18 =	vxor.u32 s24, v1;
	v23 =	vxor.u32 s30, v1  }
0x27a: {  	s18 =	simm.s32 $0x2E;
	s20 =	simm.s32 $0x2F;
	v14 =	vxor.u32 s12, v1;
	v21 =	vand.u32 $0x7, v13;
	v24 =	vxor.u32 s17, v1  }
0x27b: {  	s22 =	simm.s32 $0x2D;
	s24 =	simm.s32 $0x28;
	v17 =	vxor.u32 s18, v1;
	v25 =	vxor.u32 s20, v1;
	v20 =	vand.u32 $0x78, v15  }
0x27c: {  	v26 =	vxor.u32 s24, v5;
	v27 =	vxor.u32 s22, v1;
	v33 =	vand.u32 $0x7, v23  }
0x27d: {  	v35 =	vand.u32 $0x7, v19;
	v15 =	vand.u32 $0x7, v15;
	v31 =	vand.u32 $0x78, v18  }
0x27e: {  	v34 =	vand.u32 $0x78, v23;
	v29 =	vadd.s32 v7, v20;
	v20 =	vand.u32 $0x78, v17  }
0x27f: {  	v37 =	vand.u32 $0x7, v12;
	v17 =	vand.u32 $0x7, v17;
	v20 =	vadd.s32 v7, v20  }
0x280: {  	v38 =	vand.u32 $0x78, v12;
	v30 =	vand.u32 $0x78, v25;
	v20 =	vor.u32 v17, v20  }
0x281: {  	v40 =	vand.u32 $0x78, v19;
	v23 =	vand.u32 $0x7, v25;
	v30 =	vadd.s32 v7, v30  }
0x282: {  	v13 =	vand.u32 $0x78, v13;
	v25 =	vand.u32 $0x7, v18;
	v18 =	vor.u32 v23, v30  }
0x283: {  	v28 =	vand.u32 $0x78, v24;
	v31 =	vadd.s32 v7, v31;
	v36 =	vand.u32 $0x78, v27  }
0x284: {  	v61 =	vand.u32 $0x78, v14;
	v27 =	vand.u32 $0x7, v27;
	v14 =	vand.u32 $0x7, v14;
	v32 =	vld.idx.msk [tilespmem:v11+s10+$0x0], $0xffff  }
0x285: {  	v13 =	vadd.s32 v7, v13;
	v24 =	vand.u32 $0x7, v24;
	v30 =	vor.u32 v25, v31;
	v12 =	vld.idx.msk [tilespmem:v20+s10+$0x0], $0xffff  }
0x286: {  	s30 =	simm.s32 $0x2A;
	v39 =	vadd.s32 v7, v36;
	v19 =	vor.u32 v15, v29;
	v15 =	vadd.s32 v7, v61  }
0x287: {  	v17 =	vadd.s32 v9, v26;
	v26 =	vand.u32 $0x78, v22;
	v25 =	vxor.u32 s30, v1;
	v29 =	vld.idx.msk [tilespmem:v18+s10+$0x0], $0xffff  }
0x288: {  	v15 =	vor.u32 v14, v15;
	v14 =	vadd.s32 v7, v34;
	v26 =	vadd.s32 v7, v26  }
0x289: {  	v31 =	vand.u32 $0x78, v25;
	v23 =	vmul.f32 v32, v10;
	v32 =	vand.u32 $0x7, v25  }
0x28a: {  	v62 =	vld.idx.msk [tilespmem:v30+s10+$0x0], $0xffff;
	v25 =	vadd.s32 v7, v40;
	v34 =	vmul.f32 v12, v10;
	v12 =	vand.u32 $0x78, v16  }
0x28b: {  	v16 =	vand.u32 $0x7, v16;
	v63 =	vadd.s32 v7, v12;
	v12 =	vor.u32 v33, v14  }
0x28c: {  	v36 =	vld.idx.msk [tilespmem:v17+s10+$0x0], $0xffff;
	v14 =	vor.u32 v35, v25;
	v25 =	vadd.s32 v7, v28;
	v33 =	vmul.f32 v29, v10  }
0x28d: {  	v29 =	vadd.s32 v7, v38;
	v16 =	vor.u32 v16, v63;
	v24 =	vor.u32 v24, v25  }
0x28e: {  	v35 =	vld.idx.msk [tilespmem:v19+s10+$0x0], $0xffff;
	v25 =	vand.u32 $0x7, v22;
	v22 =	vor.u32 v21, v13;
	v13 =	vor.u32 v27, v39  }
0x28f: {  	s12 =	simm.s32 $0x30;
	v28 =	vld.idx.msk [tilespmem:v15+s10+$0x0], $0xffff;
	v21 =	vor.u32 v37, v29;
	v29 =	vor.u32 v25, v26;
	v25 =	vmul.f32 v62, v10  }
.LBB2_37:
0x290: {  	s0 =	sadd.s32 $0x1, s12  }
0x291: {  	v37 =	vadd.s32 s12, v8;
	s3 =	sadd.s32 $0x2, s12;
	s17 =	sadd.s32 $0x3, s12;
	v27 =	vmul.f32 v36, v10;
	v26 =	vadd.s32 v7, v31;
	[tilespmem:v20+s10+$0x0] =	vst.idx.msk $0xffff, v34;
	s18 =	smov.u32 s12  }
0x292: {  	s30 =	sadd.s32 $0x6, s12;
	v31 =	vxor.u32 s0, v1;
	v34 =	vxor.u32 s3, v1;
	s0 =	sadd.s32 $0x4, s12;
	s3 =	sadd.s32 $0x5, s12;
	v26 =	vor.u32 v32, v26;
	[tilespmem:v30+s10+$0x0] =	vst.idx.msk $0xffff, v25  }
0x293: {  	s20 =	sadd.s32 $0x9, s12;
	v20 =	vmul.f32 v35, v10;
	v30 =	vxor.u32 s0, v1;
	v38 =	vxor.u32 s3, v1;
	s0 =	sadd.s32 $0x7, s12;
	s3 =	sadd.s32 $0xA, s12;
	v32 =	vld.idx.msk [tilespmem:v24+s10+$0x0], $0xffff;
	[tilespmem:v17+s10+$0x0] =	vst.idx.msk $0xffff, v27  }
0x294: {  	s22 =	sadd.s32 $0xD, s12;
	v25 =	vand.u32 $0x7, v34;
	v27 =	vxor.u32 s20, v1;
	s20 =	sadd.s32 $0xC, s12;
	v17 =	vxor.u32 s0, v1;
	s0 =	sadd.s32 $0xB, s12;
	[tilespmem:v11+s10+$0x0] =	vst.idx.msk $0xffff, v23;
	v23 =	vld.idx.msk [tilespmem:v22+s10+$0x0], $0xffff;
	v11 =	vmovc v37  }
0x295: {  	v35 =	vxor.u32 s30, v1;
	s30 =	sadd.s32 $0xF, s18;
	v39 =	vxor.u32 s20, v1;
	s20 =	sadd.s32 $0xE, s18;
	v36 =	vxor.u32 s0, v1;
	s0 =	sadd.s32 $0x10, s12;
	v40 =	vld.idx.msk [tilespmem:v29+s10+$0x0], $0xffff;
	[tilespmem:v18+s10+$0x0] =	vst.idx.msk $0xffff, v33  }
0x296: {  	p1 =	slt.u32 s12, $0x50;
	v41 =	vxor.u32 s30, v1;
	v18 =	vxor.u32 s20, v1;
	v33 =	vld.idx.msk [tilespmem:v37+s10+$0x0], $0xffff;
	v37 =	vxor.u32 s17, v1;
	s17 =	sadd.s32 $0x8, s18  }
0x297: {  	v44 =	vxor.u32 s22, v1;
	v42 =	vand.u32 $0x78, v17;
	v43 =	vxor.u32 s17, v5;
	v45 =	vld.idx.msk [tilespmem:v14+s10+$0x0], $0xffff;
	[tilespmem:v19+s10+$0x0] =	vst.idx.msk $0xffff, v20  }
0x298: {  	v46 =	vand.u32 $0x78, v37;
	v19 =	vadd.s32 v7, v42;
	v42 =	vand.u32 $0x7, v39;
	v47 =	vld.idx.msk [tilespmem:v26+s10+$0x0], $0xffff  }
0x299: {  	v48 =	vand.u32 $0x7, v35;
	v20 =	vand.u32 $0x78, v18;
	v18 =	vand.u32 $0x7, v18;
	v49 =	vld.idx.msk [tilespmem:v21+s10+$0x0], $0xffff  }
0x29a: {  	v51 =	vand.u32 $0x78, v41;
	v50 =	vand.u32 $0x7, v17;
	v23 =	vmul.f32 v23, v10  }
0x29b: {  	v17 =	vadd.s32 v9, v43;
	v43 =	vand.u32 $0x78, v27;
	v20 =	vadd.s32 v7, v20  }
0x29c: {  	v32 =	vmul.f32 v32, v10;
	v20 =	vor.u32 v18, v20;
	v18 =	vadd.s32 v7, v51;
	v51 =	vld.idx.msk [tilespmem:v16+s10+$0x0], $0xffff  }
0x29d: {  	v52 =	vand.u32 $0x78, v36;
	v43 =	vadd.s32 v7, v43;
	v40 =	vmul.f32 v40, v10  }
0x29e: {  	v52 =	vadd.s32 v7, v52;
	v39 =	vand.u32 $0x78, v39;
	[tilespmem:v24+s10+$0x0] =	vst.idx.msk $0xffff, v32;
	v24 =	vmul.f32 v28, v10  }
0x29f: {  	v53 =	vand.u32 $0x7, v31;
	v28 =	vand.u32 $0x7, v36;
	v32 =	vand.u32 $0x7, v41;
	[tilespmem:v29+s10+$0x0] =	vst.idx.msk $0xffff, v40  }
0x2a0: {  	v29 =	vand.u32 $0x78, v44;
	v18 =	vor.u32 v32, v18;
	v40 =	vmul.f32 v47, v10;
	v41 =	vld.idx.msk [tilespmem:v13+s10+$0x0], $0xffff  }
0x2a1: {  	v47 =	vand.u32 $0x78, v31;
	v31 =	vmul.f32 v49, v10;
	v29 =	vadd.s32 v7, v29;
	v54 =	vld.idx.msk [tilespmem:v20+s10+$0x0], $0xffff  }
0x2a2: {  	v35 =	vand.u32 $0x78, v35;
	v32 =	vand.u32 $0x78, v30;
	v44 =	vand.u32 $0x7, v44;
	[tilespmem:v22+s10+$0x0] =	vst.idx.msk $0xffff, v23  }
0x2a3: {  	v19 =	vor.u32 v50, v19;
	v22 =	vand.u32 $0x7, v30;
	v30 =	vor.u32 v28, v52;
	[tilespmem:v15+s10+$0x0] =	vst.idx.msk $0xffff, v24  }
0x2a4: {  	v23 =	vmul.f32 v33, v10;
	v15 =	vand.u32 $0x78, v34;
	v24 =	vxor.u32 s3, v1;
	[tilespmem:v21+s10+$0x0] =	vst.idx.msk $0xffff, v31;
	v21 =	vld.idx.msk [tilespmem:v12+s10+$0x0], $0xffff  }
0x2a5: {  	v49 =	vmul.f32 v51, v10;
	v28 =	vadd.s32 v7, v32;
	v31 =	vand.u32 $0x78, v24;
	v33 =	vld.idx.msk [tilespmem:v18+s10+$0x0], $0xffff  }
0x2a6: {  	v50 =	vadd.s32 v7, v15;
	v15 =	vor.u32 v22, v28;
	v22 =	vmul.f32 v45, v10;
	v36 =	vld.idx.msk [tilespmem:v17+s10+$0x0], $0xffff  }
0x2a7: {  	v32 =	vand.u32 $0x7, v24;
	v24 =	vadd.s32 v7, v39;
	v34 =	vmul.f32 v54, v10;
	[tilespmem:v16+s10+$0x0] =	vst.idx.msk $0xffff, v49  }
0x2a8: {  	v35 =	vadd.s32 v7, v35;
	v28 =	vand.u32 $0x7, v37;
	v16 =	vand.u32 $0x78, v38;
	v37 =	vld.idx.msk [tilespmem:v30+s10+$0x0], $0xffff;
	[tilespmem:v14+s10+$0x0] =	vst.idx.msk $0xffff, v22  }
0x2a9: {  	v14 =	vand.u32 $0x7, v38;
	v16 =	vadd.s32 v7, v16;
	v38 =	vor.u32 v42, v24;
	[tilespmem:v26+s10+$0x0] =	vst.idx.msk $0xffff, v40  }
.Ltmp21:
0x2aa: {  	v16 =	vor.u32 v14, v16;
	v14 =	vor.u32 v48, v35;
	v21 =	vmul.f32 v21, v10;
	v35 =	vld.idx.msk [tilespmem:v19+s10+$0x0], $0xffff;
	(pc) =	sbr.rel @p1 .LBB2_37-.Ltmp21, $4  }
0x2ab: {  	v22 =	vadd.s32 v7, v46;
	v26 =	vmul.f32 v41, v10;
	v33 =	vmul.f32 v33, v10  }
0x2ac: {  	v27 =	vand.u32 $0x7, v27;
	v39 =	vadd.s32 v7, v47;
	v24 =	vor.u32 v28, v22;
	[tilespmem:v12+s10+$0x0] =	vst.idx.msk $0xffff, v21  }
0x2ad: {  	v22 =	vor.u32 v25, v50;
	v28 =	vld.idx.msk [tilespmem:v15+s10+$0x0], $0xffff;
	[tilespmem:v13+s10+$0x0] =	vst.idx.msk $0xffff, v26;
	v13 =	vor.u32 v44, v29  }
0x2ae: {  	s12 =	smov.u32 s0;
	v21 =	vor.u32 v53, v39;
	v12 =	vmovc v38;
	v29 =	vor.u32 v27, v43;
	v25 =	vmul.f32 v37, v10  }
0x2af: {  	_ =	sdelay $0x3  }
0x2b0: {  	v8 =	vld.idx.msk [tilespmem:v24+s10+$0x0], $0xffff  }
0x2b1: {  	v7 =	vadd.s32 v7, v31;
	[tilespmem:v20+s10+$0x0] =	vst.idx.msk $0xffff, v34;
	v51 =	vld.idx.msk [tilespmem:v29+s10+$0x0], $0xffff  }
0x2b2: {  	v52 =	vld.idx.msk [tilespmem:v22+s10+$0x0], $0xffff;
	[tilespmem:v11+s10+$0x0] =	vst.idx.msk $0xffff, v23;
	v7 =	vor.u32 v32, v7  }
0x2b3: {  	v9 =	vmul.f32 v36, v10;
	v54 =	vld.idx.msk [tilespmem:v21+s10+$0x0], $0xffff;
	[tilespmem:v18+s10+$0x0] =	vst.idx.msk $0xffff, v33  }
0x2b4: {  	v53 =	vmul.f32 v35, v10;
	[tilespmem:v30+s10+$0x0] =	vst.idx.msk $0xffff, v25  }
0x2b5: {  	v56 =	vld.idx.msk [tilespmem:v14+s10+$0x0], $0xffff;
	[tilespmem:v17+s10+$0x0] =	vst.idx.msk $0xffff, v9;
	v8 =	vmul.f32 v8, v10  }
0x2b6: {  	v55 =	vld.idx.msk [tilespmem:v16+s10+$0x0], $0xffff;
	[tilespmem:v19+s10+$0x0] =	vst.idx.msk $0xffff, v53;
	v57 =	vmul.f32 v51, v10  }
0x2b7: {  	v59 =	vmul.f32 v52, v10;
	v58 =	vld.idx.msk [tilespmem:v7+s10+$0x0], $0xffff;
	[tilespmem:v24+s10+$0x0] =	vst.idx.msk $0xffff, v8  }
0x2b8: {  	v60 =	vld.idx.msk [tilespmem:v12+s10+$0x0], $0xffff;
	v11 =	vmul.f32 v54, v10;
	[tilespmem:v29+s10+$0x0] =	vst.idx.msk $0xffff, v57  }
0x2b9: {  	v61 =	vld.idx.msk [tilespmem:v13+s10+$0x0], $0xffff;
	v8 =	vmul.f32 v28, v10;
	[tilespmem:v22+s10+$0x0] =	vst.idx.msk $0xffff, v59  }
0x2ba: {  	s28 =	sadd.s32 $0x1, s28;
	v62 =	vmul.f32 v56, v10;
	[tilespmem:v21+s10+$0x0] =	vst.idx.msk $0xffff, v11  }
0x2bb: {  	p1 =	sne.s32 s28, $0x5;
	[tilespmem:v15+s10+$0x0] =	vst.idx.msk $0xffff, v8;
	v8 =	vmul.f32 v55, v10  }
.Ltmp22:
0x2bc: {  	[tilespmem:v14+s10+$0x0] =	vst.idx.msk $0xffff, v62;
	v63 =	vmul.f32 v58, v10;
	(pc) =	sbr.rel @p1 .LBB2_34-.Ltmp22, $4  }
0x2bd: {  	[tilespmem:v16+s10+$0x0] =	vst.idx.msk $0xffff, v8;
	v8 =	vmul.f32 v60, v10  }
0x2be: {  	[tilespmem:v7+s10+$0x0] =	vst.idx.msk $0xffff, v63;
	v7 =	vmul.f32 v61, v10  }
0x2bf: {  	[tilespmem:v12+s10+$0x0] =	vst.idx.msk $0xffff, v8  }
0x2c0: {  	[tilespmem:v13+s10+$0x0] =	vst.idx.msk $0xffff, v7  }
0x2c1: {  	p1 =	slt.u32 s13, $0x2  }
0x2c2: {  	s0 =	sand.u32 @!p1 $0x1, s13  }
0x2c3: {  	p2 =	seq.s32 @!p1 s0, $0x1  }
0x2c4: {  	s0 =	simm.s32 @!p1 $0x5;
	p2 =	por !p2, p1  }
0x2c5: {  	s0 =	simm.s32 @p2 $0x4  }
0x2c6: {  	_ =	swait.ge @!p1 [sflag:s0], $0x1E00  }
0x2c7: {  	[sflag:s0] =	ssyncset.done @!p1 $0x0  }
0x2c8: {  	s3 =	smul.u32 $0x7800, s23;
	[sflag:s0] =	ssyncadd.s32 @!p1 $0xFFFFE200;
	p1 =	seq.s32 s14, $0xFA  }
.Ltmp23:
0x2c9: {  	_ = 	snop;
	(pc) =	sbr.rel @!p1 .LBB2_30-.Ltmp23, $4  }
0x2ca: {  	_ = 	snop  }
0x2cb: {  	s3 =	sshrl.u32 s3, $0x2  }
0x2cc: {  	s30 =	sadd.s32 $0x50, s21;
	s13 =	smov.u32 s14;
	s28 =	sadd.s32 $0x4B0, s3  }
0x2cd: {  	[spmem:s2] =	stream.indirect.scatter.add.f32 [tilespmem:s28], [sflag:s19], $0x60, s30, s5, $0xb8;
	[tilespmem:$0x16CB0] =	vst v63  }
.Ltmp24:
0x2ce: {  	(pc) =	sbr.rel .LBB2_51-.Ltmp24, $2  }
0x2cf: {  	_ =	sdelay $0x2  }
0x2d0: {  	s0 =	rddreg [dreg:$0x4]  }
.LBB2_41:
0x2d1: {  	s14 =	simm.s32 $0x0  }
0x2d2: {  	[tilespmem:s10], [sflag:$0x2] =	stream.indirect.gather [hbm4b:s8+s5], $0x60, s14, s5, $0xb8;
	[tilespmem:$0x16CB0] =	vst v63  }
.LBB2_42:
0x2d3: {  	s13 =	sadd.s32 $0x1, s14;
	p1 =	seq.s32 s14, $0xF9  }
0x2d4: {  	s0 =	sand.u32 @!p1 $0xFF, s13  }
0x2d5: {  	s0 =	smul.u32 @!p1 $0xCD, s0  }
0x2d6: {  	s3 =	simm.s32 @!p1 $0x1  }
0x2d7: {  	s12 =	sand.u32 @!p1 $0x3, s13;
	s17 =	sand.u32 @!p1 $0x1, s13;
	s0 =	sshrl.u32 @!p1 s0, $0xA  }
0x2d8: {  	_ =	swait.ge @!p1 [sflag:s3], $0xF0;
	p2 =	seq.s32 @!p1 s17, $0x1;
	s0 =	smul.u32 @!p1 $0x5, s0  }
0x2d9: {  	s12 =	smul.u32 @!p1 $0x7800, s12;
	s17 =	simm.s32 @!p1 $0x3;
	[sflag:s3] =	ssyncset.done @!p1 $0x0  }
0x2da: {  	p3 =	por !p2, p1;
	p2 =	sgt.u32 @!p1 s14, $0xF7;
	s0 =	ssub.s32 @!p1 s13, s0  }
0x2db: {  	s17 =	simm.s32 @p3 $0x2;
	p3 =	por p2, p1;
	s0 =	sand.u32 @!p1 $0xFF, s0  }
0x2dc: {  	s12 =	sshrl.u32 @!p1 s12, $0x2;
	s18 =	sadd.s32 @!p3 $0x2, s14;
	s0 =	smul.u32 @!p1 $0x3C0, s0  }
0x2dd: {  	[sflag:s3] =	ssyncadd.s32 @!p1 $0xFFFFFF10;
	s3 =	sadd.s32 @!p1 $0x4B0, s12;
	s12 =	sand.u32 @!p3 $0xFF, s18  }
0x2de: {  	s19 =	simm.s32 @!p1 $0x50;
	s12 =	smul.u32 @!p3 $0xCD, s12;
	s0 =	sshrl.u32 @!p1 s0, $0x2  }
0x2df: {  	[tilespmem:s3], [sflag:s17] =	stream.indirect.gather @!p1 [hbm4b:s8+s19], $0x60, s0, s19, $0xb8;
	[tilespmem:$0x16CB0] =	vst v63  }
0x2e0: {  	s0 =	sshrl.u32 @!p3 s12, $0xA  }
0x2e1: {  	s0 =	smul.u32 @!p3 $0x5, s0  }
0x2e2: {  	s3 =	sadd.s32 @!p3 s1, s14  }
0x2e3: {  	s3 =	smul.u32 @!p3 $0xF0, s3;
	s0 =	ssub.s32 @!p3 s18, s0  }
0x2e4: {  	s0 =	sand.u32 @!p3 $0xFF, s0  }
0x2e5: {  	s3 =	sshrl.u32 @!p3 s3, $0x3;
	s0 =	smul.u32 @!p3 $0x3C0, s0  }
0x2e6: {  	s3 =	sadd.s32 @!p3 s9, s3  }
0x2e7: {  	s12 =	simm.s32 @!p3 $0x0;
	s3 =	sadd.s32 @!p3 $0x3C, s3;
	s0 =	sshrl.u32 @!p3 s0, $0x2  }
0x2e8: {  	[tilespmem:s0], [sflag:$0x1] =	stream.linear.gather @!p3 [hbm4b:s3+s12], $0xF0, $0x38;
	[tilespmem:$0x16CB0] =	vst v63  }
0x2e9: {  	s0 =	sand.u32 @!p3 $0x1, s14  }
0x2ea: {  	p3 =	seq.s32 @!p3 s0, $0x0  }
0x2eb: {  	p3 =	por @!p1 p2, p3  }
0x2ec: {  	p3 =	por p1, !p3  }
.Ltmp25:
0x2ed: {  	_ = 	snop;
	(pc) =	sbr.rel @p3 .LBB2_44-.Ltmp25, $1  }
0x2ee: {  	_ =	sdelay $0x3  }
.Ltmp26:
0x2ef: {  	(pc) =	sbr.rel .LBB2_45-.Ltmp26, $3  }
0x2f0: {  	_ =	sdelay $0x1  }
0x2f1: {  	s19 =	simm.s32 @!p1 $0x4;
	s0 =	simm.s32 @!p1 $0x2;
	p1 =	por !p2, p1  }
0x2f2: {  	s0 =	simm.s32 @p1 $0x2;
	s19 =	simm.s32 @p1 $0x4  }
.LBB2_44:
0x2f3: {  	s19 =	simm.s32 $0x5;
	s0 =	simm.s32 $0x3  }
.LBB2_45:
0x2f4: {  	s3 =	smul.u32 $0xCD, s14;
	_ =	sdelay $0x1  }
0x2f5: {  	s3 =	sshrl.u32 s3, $0xA  }
0x2f6: {  	s3 =	sand.u32 $0x3F, s3  }
0x2f7: {  	s3 =	smul.u32 $0x5, s3;
	_ =	sdelay $0x1  }
0x2f8: {  	s3 =	ssub.s32 s14, s3  }
0x2f9: {  	s3 =	sand.u32 $0xFF, s3  }
0x2fa: {  	s3 =	smul.u32 $0x3C0, s3;
	_ =	sdelay $0x1  }
0x2fb: {  	_ =	swait.ge [sflag:s0], $0x1E00;
	s23 =	sand.u32 $0x3, s14;
	s21 =	sshrl.u32 s3, $0x2  }
0x2fc: {  	s28 =	simm.s32 $0x0;
	[sflag:s0] =	ssyncset.done $0x0;
	s24 =	sadd.s32 $0xA0, s21  }
0x2fd: {  	s30 =	simm.s32 $0x0;
	s25 =	smul.u32 $0x50, s23;
	[sflag:s0] =	ssyncadd.s32 $0xFFFFE200;
	v6 =	vmov s24  }
.LBB2_46:
0x2fe: {  	_ = 	snop  }
0x2ff: {  	s0 =	sshll.u32 s30, $0x4  }
0x300: {  	s24 =	simm.s32 $0x1;
	s3 =	simm.s32 $0x2;
	s12 =	simm.s32 $0x5  }
0x301: {  	s17 =	simm.s32 $0x7;
	s18 =	simm.s32 $0x9;
	s20 =	simm.s32 $0xB;
	v11 =	vxor.u32 s24, v1;
	v13 =	vxor.u32 s3, v1;
	v15 =	vxor.u32 s12, v1  }
0x302: {  	s22 =	simm.s32 $0xC;
	v7 =	vld.idx.msk [tilespmem:v6+s0+$0x0 ss:$0x1], $0xffff;
	s0 =	sadd.s32 s25, s0;
	v17 =	vxor.u32 s17, v1;
	v16 =	vxor.u32 s18, v1;
	v18 =	vxor.u32 s20, v1  }
0x303: {  	s3 =	simm.s32 $0x4;
	v20 =	vxor.u32 s22, v1;
	v8 =	vmov s0;
	v14 =	vand.u32 $0x78, v11  }
0x304: {  	s24 =	simm.s32 $0xE;
	v12 =	vxor.u32 s3, v1;
	v26 =	vand.u32 $0x7, v11;
	v11 =	vand.u32 $0x78, v15  }
0x305: {  	s12 =	simm.s32 $0x8;
	s17 =	simm.s32 $0xD;
	v19 =	vand.u32 $0x78, v16;
	v22 =	vxor.u32 s24, v1;
	v27 =	vand.u32 $0x78, v17  }
0x306: {  	s18 =	simm.s32 $0xA;
	v24 =	vxor.u32 s12, v5;
	v25 =	vxor.u32 s17, v1;
	v8 =	vmul.u32 $0x60, v8  }
0x307: {  	v33 =	vand.u32 $0x7, v16;
	v28 =	vxor.u32 s18, v1;
	v30 =	vand.u32 $0x78, v20  }
0x308: {  	v20 =	vand.u32 $0x7, v20;
	v10 =	vbroadcast v8, $0x0;
	v9 =	vmul.f32 v7, v7  }
0x309: {  	v63 =	vand.u32 $0x7, v13;
	v21 =	vand.u32 $0x7, v12;
	v23 =	vand.u32 $0x78, v22  }
0x30a: {  	v22 =	vand.u32 $0x7, v22;
	v7 =	vmul.f32 v9, v7;
	v9 =	vadd.s32 v2, v10  }
0x30b: {  	v16 =	vand.u32 $0x78, v25;
	v25 =	vand.u32 $0x7, v25;
	v23 =	vadd.s32 v9, v23  }
0x30c: {  	v32 =	vand.u32 $0x78, v12;
	v31 =	vadd.s32 v9, v16;
	v29 =	vor.u32 v22, v23  }
0x30d: {  	v10 =	vadd.s32 v3, v10;
	v16 =	vadd.s32 v9, v30;
	v30 =	vor.u32 v25, v31  }
0x30e: {  	v24 =	vadd.s32 v10, v24;
	v34 =	vadd.s32 v9, v19;
	v25 =	vadd.s32 s28, v8  }
0x30f: {  	v36 =	vadd.s32 v9, v14;
	v14 =	vand.u32 $0x7, v28;
	v12 =	vbroadcast v25, $0x0  }
0x310: {  	v22 =	vand.u32 $0x7, v18;
	v23 =	vand.u32 $0x78, v28;
	v18 =	vand.u32 $0x78, v18  }
0x311: {  	s20 =	simm.s32 $0x6;
	v31 =	vadd.s32 v9, v23;
	v23 =	vadd.s32 v9, v11;
	v12 =	vadd.s32 v4, v12;
	v11 =	vld.idx.msk [tilespmem:v29+s10+$0x0], $0xffff  }
0x312: {  	s22 =	simm.s32 $0x3;
	v25 =	vand.u32 $0x7, v15;
	v15 =	vand.u32 $0x7, v17;
	v17 =	vxor.u32 s20, v1;
	v35 =	vld.idx.msk [tilespmem:v30+s10+$0x0], $0xffff  }
0x313: {  	v28 =	vxor.u32 s22, v1;
	v18 =	vadd.s32 v9, v18;
	v19 =	vand.u32 $0x7, v17  }
0x314: {  	v17 =	vand.u32 $0x78, v17;
	v18 =	vor.u32 v22, v18;
	v22 =	vadd.s32 v9, v32  }
0x315: {  	v14 =	vor.u32 v14, v31;
	v31 =	vand.u32 $0x78, v28;
	v17 =	vadd.s32 v9, v17  }
0x316: {  	s24 =	simm.s32 $0xF;
	v19 =	vor.u32 v19, v17;
	v17 =	vadd.s32 v9, v27;
	v27 =	vld.idx.msk [tilespmem:v12+s10+$0x0], $0xffff;
	v11 =	vmul.f32 v11, v7  }
0x317: {  	v22 =	vor.u32 v21, v22;
	v21 =	vxor.u32 s24, v1;
	v37 =	vld.idx.msk [tilespmem:v24+s10+$0x0], $0xffff;
	v61 =	vmul.f32 v35, v7  }
0x318: {  	v28 =	vand.u32 $0x7, v28;
	v31 =	vadd.s32 v9, v31;
	v62 =	vand.u32 $0x78, v21;
	[tilespmem:v29+s10+$0x0] =	vst.idx.msk $0xffff, v11  }
0x319: {  	v21 =	vand.u32 $0x7, v21;
	v32 =	vld.idx.msk [tilespmem:v18+s10+$0x0], $0xffff;
	v11 =	vand.u32 $0x78, v13;
	v29 =	vadd.s32 v9, v62;
	[tilespmem:v30+s10+$0x0] =	vst.idx.msk $0xffff, v61  }
0x31a: {  	v13 =	vor.u32 v21, v29;
	v11 =	vadd.s32 v9, v11;
	v21 =	vor.u32 v15, v17  }
0x31b: {  	v30 =	vld.idx.msk [tilespmem:v14+s10+$0x0], $0xffff;
	v29 =	vmul.f32 v27, v7;
	v27 =	vor.u32 v26, v36;
	v15 =	vor.u32 v33, v34  }
0x31c: {  	s12 =	simm.s32 $0x10;
	v17 =	vor.u32 v63, v11;
	v11 =	vor.u32 v28, v31;
	v31 =	vld.idx.msk [tilespmem:v22+s10+$0x0], $0xffff;
	v28 =	vmul.f32 v37, v7  }
.LBB2_47:
0x31d: {  	s3 =	sadd.s32 $0x1, s12  }
0x31e: {  	s18 =	sadd.s32 $0x2, s12;
	s0 =	sadd.s32 $0x3, s12;
	v33 =	vld.idx.msk [tilespmem:v19+s10+$0x0], $0xffff;
	v32 =	vmul.f32 v32, v7;
	v34 =	vor.u32 v20, v16;
	s17 =	smov.u32 s12  }
0x31f: {  	s20 =	sadd.s32 $0x8, s12;
	v35 =	vor.u32 v25, v23;
	v16 =	vxor.u32 s3, v1;
	v26 =	vxor.u32 s18, v1;
	s3 =	sadd.s32 $0x4, s12;
	s18 =	sadd.s32 $0x5, s12;
	[tilespmem:v24+s10+$0x0] =	vst.idx.msk $0xffff, v28;
	v36 =	vld.idx.msk [tilespmem:v13+s10+$0x0], $0xffff  }
0x320: {  	s22 =	sadd.s32 $0x9, s12;
	v37 =	vand.u32 $0x78, v16;
	v23 =	vxor.u32 s3, v1;
	v24 =	vxor.u32 s18, v1;
	s18 =	sadd.s32 $0x7, s12;
	s3 =	sadd.s32 $0xF, s12;
	v25 =	vld.idx.msk [tilespmem:v21+s10+$0x0], $0xffff  }
0x321: {  	v20 =	vxor.u32 s22, v1;
	s22 =	sadd.s32 $0xA, s17;
	s24 =	sadd.s32 $0xB, s17;
	v30 =	vmul.f32 v30, v7;
	v38 =	vxor.u32 s18, v1;
	s18 =	sadd.s32 $0x10, s12;
	v39 =	vld.idx.msk [tilespmem:v17+s10+$0x0], $0xffff  }
0x322: {  	p1 =	slt.u32 s12, $0x50;
	v28 =	vand.u32 $0x7, v16;
	v16 =	vxor.u32 s24, v1;
	s24 =	sadd.s32 $0xC, s17;
	v40 =	vand.u32 $0x78, v24;
	v41 =	vld.idx.msk [tilespmem:v27+s10+$0x0], $0xffff  }
0x323: {  	v43 =	vand.u32 $0x78, v20;
	v42 =	vand.u32 $0x7, v23;
	v44 =	vxor.u32 s24, v1;
	s12 =	sadd.s32 $0xD, s17;
	s24 =	sadd.s32 $0xE, s17;
	v45 =	vld.idx.msk [tilespmem:v34+s10+$0x0], $0xffff  }
0x324: {  	v46 =	vand.u32 $0x78, v38;
	v47 =	vxor.u32 s24, v1;
	v31 =	vmul.f32 v31, v7;
	v48 =	vld.idx.msk [tilespmem:v35+s10+$0x0], $0xffff  }
0x325: {  	v49 =	vxor.u32 s20, v5;
	v50 =	vxor.u32 s12, v1;
	v51 =	vand.u32 $0x78, v47  }
0x326: {  	v52 =	vand.u32 $0x7, v20;
	v53 =	vand.u32 $0x7, v16;
	v20 =	vmul.f32 v33, v7;
	[tilespmem:v18+s10+$0x0] =	vst.idx.msk $0xffff, v32  }
0x327: {  	v33 =	vadd.s32 v9, v51;
	v32 =	vxor.u32 s22, v1;
	v18 =	vand.u32 $0x7, v47;
	[tilespmem:v12+s10+$0x0] =	vst.idx.msk $0xffff, v29;
	v29 =	vld.idx.msk [tilespmem:v15+s10+$0x0], $0xffff  }
0x328: {  	v47 =	vand.u32 $0x78, v44;
	v12 =	vand.u32 $0x78, v32;
	v33 =	vor.u32 v18, v33;
	[tilespmem:v19+s10+$0x0] =	vst.idx.msk $0xffff, v20  }
0x329: {  	v18 =	vand.u32 $0x78, v16;
	v16 =	vadd.s32 v9, v47;
	v19 =	vmul.f32 v45, v7;
	[tilespmem:v22+s10+$0x0] =	vst.idx.msk $0xffff, v31  }
0x32a: {  	v20 =	vand.u32 $0x7, v44;
	v22 =	vand.u32 $0x78, v50;
	v31 =	vmul.f32 v41, v7  }
0x32b: {  	v41 =	vadd.s32 v9, v12;
	v12 =	vand.u32 $0x7, v50;
	v22 =	vadd.s32 v9, v22;
	[tilespmem:v34+s10+$0x0] =	vst.idx.msk $0xffff, v19  }
0x32c: {  	v19 =	vand.u32 $0x78, v23;
	v34 =	vor.u32 v12, v22;
	v12 =	vmul.f32 v25, v7;
	[tilespmem:v14+s10+$0x0] =	vst.idx.msk $0xffff, v30  }
0x32d: {  	v23 =	vadd.s32 v9, v40;
	v14 =	vadd.s32 s17, v8;
	v30 =	vmul.f32 v48, v7;
	v22 =	vld.idx.msk [tilespmem:v33+s10+$0x0], $0xffff  }
0x32e: {  	v25 =	vand.u32 $0x7, v24;
	v24 =	vadd.s32 v10, v49;
	v14 =	vbroadcast v14, $0x0;
	[tilespmem:v27+s10+$0x0] =	vst.idx.msk $0xffff, v31;
	v27 =	vld.idx.msk [tilespmem:v11+s10+$0x0], $0xffff  }
0x32f: {  	s12 =	sadd.s32 $0x6, s17;
	v39 =	vmul.f32 v39, v7;
	v31 =	vand.u32 $0x7, v38;
	v38 =	vadd.s32 v9, v43;
	[tilespmem:v21+s10+$0x0] =	vst.idx.msk $0xffff, v12  }
0x330: {  	v12 =	vadd.s32 v4, v14;
	v14 =	vxor.u32 s12, v1;
	v21 =	vmul.f32 v36, v7;
	[tilespmem:v35+s10+$0x0] =	vst.idx.msk $0xffff, v30  }
0x331: {  	v18 =	vadd.s32 v9, v18;
	v30 =	vand.u32 $0x7, v14;
	v35 =	vld.idx.msk [tilespmem:v34+s10+$0x0], $0xffff;
	[tilespmem:v17+s10+$0x0] =	vst.idx.msk $0xffff, v39  }
0x332: {  	v18 =	vor.u32 v53, v18;
	v14 =	vand.u32 $0x78, v14;
	v17 =	vmul.f32 v29, v7;
	[tilespmem:v13+s10+$0x0] =	vst.idx.msk $0xffff, v21  }
0x333: {  	v14 =	vadd.s32 v9, v14;
	v13 =	vadd.s32 v9, v19;
	v21 =	vmul.f32 v22, v7  }
0x334: {  	v36 =	vadd.s32 v9, v37;
	v19 =	vor.u32 v30, v14;
	v14 =	vand.u32 $0x7, v32;
	[tilespmem:v15+s10+$0x0] =	vst.idx.msk $0xffff, v17  }
0x335: {  	v14 =	vor.u32 v14, v41;
	v27 =	vmul.f32 v27, v7;
	v17 =	vadd.s32 v9, v46;
	v15 =	vld.idx.msk [tilespmem:v12+s10+$0x0], $0xffff  }
0x336: {  	v29 =	vxor.u32 s0, v1;
	v22 =	vor.u32 v42, v13;
	v13 =	vxor.u32 s3, v1;
	v37 =	vld.idx.msk [tilespmem:v24+s10+$0x0], $0xffff;
	[tilespmem:v33+s10+$0x0] =	vst.idx.msk $0xffff, v21  }
0x337: {  	v21 =	vand.u32 $0x78, v29;
	v30 =	vmul.f32 v35, v7;
	v33 =	vand.u32 $0x78, v13;
	v32 =	vld.idx.msk [tilespmem:v18+s10+$0x0], $0xffff;
	[tilespmem:v11+s10+$0x0] =	vst.idx.msk $0xffff, v27  }
.Ltmp27:
0x338: {  	v13 =	vand.u32 $0x7, v13;
	v11 =	vand.u32 $0x78, v26;
	v27 =	vadd.s32 v9, v33;
	(pc) =	sbr.rel @p1 .LBB2_47-.Ltmp27, $4  }
0x339: {  	v26 =	vand.u32 $0x7, v26;
	v33 =	vand.u32 $0x7, v29;
	v13 =	vor.u32 v13, v27;
	[tilespmem:v34+s10+$0x0] =	vst.idx.msk $0xffff, v30  }
0x33a: {  	v11 =	vadd.s32 v9, v11;
	v27 =	vadd.s32 v9, v21;
	v21 =	vor.u32 v31, v17;
	v30 =	vld.idx.msk [tilespmem:v14+s10+$0x0], $0xffff  }
0x33b: {  	v17 =	vor.u32 v26, v11;
	v11 =	vor.u32 v33, v27;
	v29 =	vmul.f32 v15, v7  }
0x33c: {  	s12 =	smov.u32 s18;
	v27 =	vor.u32 v28, v36;
	v15 =	vor.u32 v52, v38;
	v28 =	vmul.f32 v37, v7;
	v31 =	vld.idx.msk [tilespmem:v22+s10+$0x0], $0xffff  }
0x33d: {  	_ =	sdelay $0x1  }
0x33e: {  	v8 =	vor.u32 v20, v16;
	_ =	sdelay $0x1  }
0x33f: {  	v9 =	vld.idx.msk [tilespmem:v19+s10+$0x0], $0xffff  }
0x340: {  	v10 =	vor.u32 v25, v23;
	v51 =	vld.idx.msk [tilespmem:v27+s10+$0x0], $0xffff  }
0x341: {  	v50 =	vmul.f32 v32, v7;
	[tilespmem:v12+s10+$0x0] =	vst.idx.msk $0xffff, v29;
	v55 =	vld.idx.msk [tilespmem:v17+s10+$0x0], $0xffff  }
0x342: {  	[tilespmem:v24+s10+$0x0] =	vst.idx.msk $0xffff, v28;
	v58 =	vmul.f32 v30, v7;
	v16 =	vld.idx.msk [tilespmem:v8+s10+$0x0], $0xffff  }
0x343: {  	v59 =	vld.idx.msk [tilespmem:v15+s10+$0x0], $0xffff;
	[tilespmem:v18+s10+$0x0] =	vst.idx.msk $0xffff, v50;
	v53 =	vmul.f32 v31, v7  }
0x344: {  	v52 =	vld.idx.msk [tilespmem:v21+s10+$0x0], $0xffff;
	[tilespmem:v14+s10+$0x0] =	vst.idx.msk $0xffff, v58;
	v9 =	vmul.f32 v9, v7  }
0x345: {  	v54 =	vld.idx.msk [tilespmem:v10+s10+$0x0], $0xffff;
	v60 =	vmul.f32 v51, v7;
	[tilespmem:v22+s10+$0x0] =	vst.idx.msk $0xffff, v53  }
0x346: {  	v57 =	vld.idx.msk [tilespmem:v13+s10+$0x0], $0xffff;
	v12 =	vmul.f32 v55, v7;
	[tilespmem:v19+s10+$0x0] =	vst.idx.msk $0xffff, v9  }
0x347: {  	v61 =	vld.idx.msk [tilespmem:v11+s10+$0x0], $0xffff;
	[tilespmem:v27+s10+$0x0] =	vst.idx.msk $0xffff, v60;
	v56 =	vmul.f32 v16, v7  }
0x348: {  	s30 =	sadd.s32 $0x1, s30;
	v63 =	vmul.f32 v59, v7;
	[tilespmem:v17+s10+$0x0] =	vst.idx.msk $0xffff, v12  }
0x349: {  	p1 =	sne.s32 s30, $0x5;
	[tilespmem:v8+s10+$0x0] =	vst.idx.msk $0xffff, v56;
	v8 =	vmul.f32 v52, v7  }
.Ltmp28:
0x34a: {  	[tilespmem:v15+s10+$0x0] =	vst.idx.msk $0xffff, v63;
	v62 =	vmul.f32 v54, v7;
	(pc) =	sbr.rel @p1 .LBB2_46-.Ltmp28, $4  }
0x34b: {  	[tilespmem:v21+s10+$0x0] =	vst.idx.msk $0xffff, v8;
	v8 =	vmul.f32 v57, v7  }
0x34c: {  	[tilespmem:v10+s10+$0x0] =	vst.idx.msk $0xffff, v62;
	v7 =	vmul.f32 v61, v7  }
0x34d: {  	[tilespmem:v13+s10+$0x0] =	vst.idx.msk $0xffff, v8  }
0x34e: {  	[tilespmem:v11+s10+$0x0] =	vst.idx.msk $0xffff, v7  }
0x34f: {  	p1 =	slt.u32 s14, $0x2  }
0x350: {  	s0 =	sand.u32 @!p1 $0x1, s14  }
0x351: {  	p2 =	seq.s32 @!p1 s0, $0x1  }
0x352: {  	s0 =	simm.s32 @!p1 $0x5;
	p2 =	por !p2, p1  }
0x353: {  	s0 =	simm.s32 @p2 $0x4  }
0x354: {  	_ =	swait.ge @!p1 [sflag:s0], $0x1E00  }
0x355: {  	[sflag:s0] =	ssyncset.done @!p1 $0x0  }
0x356: {  	s3 =	smul.u32 $0x7800, s23;
	[sflag:s0] =	ssyncadd.s32 @!p1 $0xFFFFE200;
	p1 =	sne.s32 s13, $0xFA  }
.Ltmp29:
0x357: {  	_ = 	snop;
	(pc) =	sbr.rel @p1 .LBB2_42-.Ltmp29, $4  }
0x358: {  	_ = 	snop  }
0x359: {  	s3 =	sshrl.u32 s3, $0x2  }
0x35a: {  	s30 =	sadd.s32 $0x50, s21;
	s14 =	smov.u32 s13;
	s28 =	sadd.s32 $0x4B0, s3  }
0x35b: {  	[spmem:s2] =	stream.indirect.scatter.add.f32 [tilespmem:s28], [sflag:s19], $0x60, s30, s5, $0xb8;
	[tilespmem:$0x16CB0] =	vst v63  }
.Ltmp30:
0x35c: {  	(pc) =	sbr.rel .LBB2_51-.Ltmp30, $2  }
0x35d: {  	_ =	sdelay $0x2  }
0x35e: {  	s0 =	rddreg [dreg:$0x6]  }
.LBB2_52:
0x35f: {  	_ =	sfence.sel $0x180000  }
0x360: {  	[bflag:$0x0] =	sbarrier.arrive $0xFFFF  }
0x361: {  	_ =	strace $0x90000047  }
0x362: {  	s0 =	stileid.u32;
	[bflag:$0x2] =	sbarrier.arrive $0xFFFF  }
0x363: {  	p0 =	sne.s32 s0, $0x0;
	s0 =	rddreg [dreg:$0x3]  }
0x364: {  	s0 =	sadd.s32 @!p0 $0x100000, s0  }
0x365: {  	[sflag:s0] =	ssyncadd.tile.s32 @!p0 $0x1;
	_ =	shalt  }
.Lfunc_end2:
_tile_overlayer_lowered:
.L_overlay_start_2:
0x366: {  	(tag) =	ssettag $0x2  }
0x367: {  	s0 =	rddreg [dreg:$0x0];
	s2 =	stileid.u32  }
0x368: {  	s1 =	rddreg [dreg:$0x1];
	p0 =	sne.s32 s2, $0x0  }
0x369: {  	s3 =	rddreg [dreg:$0x2];
	[bflag:$0x3] =	sbarrier.arrive $0xFFFF;
	s2 =	simm.s32 @!p0 $0x1C06  }
0x36a: {  	[timem:s3], [sflag:s2] =	dma.local @!p0 [hbm:s0], s1  }
0x36b: {  	s0 =	simm.s32 @!p0 $0x6  }
0x36c: {  	_ =	swait.ge @!p0 [sflag:s0], s1  }
0x36d: {  	s1 =	ssub.s32 @!p0 $0x0, s1;
	[sflag:s0] =	ssyncset.done @!p0 $0x0  }
0x36e: {  	[sflag:s0] =	ssyncadd.s32 @!p0 s1  }
0x36f: {  	[bflag:$0x3] =	sbarrier.arrive $0xFFFF  }
0x370: {  	_ =	shalt  }

</sc_bundles>
